<compile_context>
chip_gen: v7x
topology: tpu7x:2x2x1
jax: 0.10.2.dev20260603
libtpu: 0.0.44.dev20260713+nightly
codegen_flags: <defaults>
</compile_context>

<pallas_src>
import functools

import jax
import jax.numpy as jnp
from jax import lax
from jax.experimental import pallas as pl
from jax.experimental.pallas import tpu as pltpu
from jax.experimental.pallas import tpu_sc as plsc

_EPS = 1e-5
_K = 16
_G = 8
_R = 512
_C = 512
_SB = 64
_RP = 512
_NEG = -1e30
_NW = 32
_CN = 8


def _knn_body(npad, lob_ref, hib_ref, bcol_ref, sqcol_ref, brow_ref, sqrow_ref,
              xfull_ref, xrow_ref, wut_ref, wvt_ref, b0_ref,
              idx_ref, u_ref, v_ref):
    pid = pl.program_id(0)
    xr = xrow_ref[...]
    u_ref[...] = lax.dot_general(xr, wut_ref[...], (((1,), (0,)), ((), ())),
                                 preferred_element_type=jnp.float32) + b0_ref[...]
    vv = lax.dot_general(xr, wvt_ref[...], (((1,), (0,)), ((), ())),
                         preferred_element_type=jnp.float32)
    v_ref[...] = jnp.concatenate(
        [vv, jnp.zeros((vv.shape[0], v_ref.shape[1] - vv.shape[1]), jnp.float32)],
        axis=1)

    lo = lob_ref[pid]
    hi = hib_ref[pid]
    ct0 = lo // _C
    ct1 = (hi + _C - 1) // _C
    extra = jnp.where(ct0 > 0, 1, 0)
    nloops = (ct1 - ct0) + extra

    brow = brow_ref[...]
    sqrow = sqrow_ref[...]
    minf = jnp.float32(-jnp.inf)
    big_i = jnp.int32(npad)

    big_f = jnp.float32(npad)

    def top16(cur, iof):
        nv, ni = [], []
        for _ in range(_K):
            m = jnp.max(cur, axis=1, keepdims=True)
            am = jnp.min(jnp.where(cur == m, iof, big_f), axis=1, keepdims=True)
            nv.append(m)
            ni.append(am)
            cur = jnp.where(iof == am, minf, cur)
        return jnp.concatenate(nv, axis=1), jnp.concatenate(ni, axis=1)

    nq = _C // 128

    def tile_step(jj, carry):
        val16, idx16 = carry
        j = jnp.where(jj == 0, 0, ct0 + jj - extra)
        colbase = j * _C
        xc = xfull_ref[pl.ds(colbase, _C), :]
        dot = lax.dot_general(xr, xc, (((1,), (1,)), ((), ())),
                              preferred_element_type=jnp.float32)
        sqc = sqcol_ref[0:1, pl.ds(colbase, _C)]
        bc = bcol_ref[0:1, pl.ds(colbase, _C)]
        negd2 = 2.0 * dot - sqrow - sqc
        cur = jnp.where(brow == bc, negd2, _NEG)
        iof = (lax.broadcasted_iota(jnp.int32, (_R, _C), 1)
               + colbase).astype(jnp.float32)
        nv, ni = [], []
        for sb in range(_R // _SB):
            r0 = sb * _SB
            cur_all = jnp.concatenate(
                [cur[r0:r0 + _SB], val16[r0:r0 + _SB]], axis=1)
            idx_all = jnp.concatenate(
                [iof[r0:r0 + _SB], idx16[r0:r0 + _SB]], axis=1)
            v, i_ = top16(cur_all, idx_all)
            nv.append(v)
            ni.append(i_)
        return jnp.concatenate(nv, axis=0), jnp.concatenate(ni, axis=0)

    val0 = jnp.full((_R, _K), minf, jnp.float32)
    idx0 = jnp.full((_R, _K), big_f, jnp.float32)
    _, idx16 = lax.fori_loop(0, nloops, tile_step, (val0, idx0))
    idx_ref[...] = idx16.astype(jnp.int32)


def _sc_body(npad, gdim, v_hbm, idxf_hbm, mx_hbm, mn_hbm,
             idx_v, rows_v, omx_v, omn_v, sem):
    c = lax.axis_index("c")
    s = lax.axis_index("s")
    wid = s * 2 + c
    rows_per_w = npad // _NW
    nchunks = rows_per_w // _CN
    nvec = gdim // 16

    def chunk(ci, carry):
        nodebase = wid * rows_per_w + ci * _CN
        pltpu.sync_copy(idxf_hbm.at[pl.ds(nodebase * _K, _CN * _K)], idx_v)
        pltpu.async_copy(v_hbm.at[idx_v], rows_v, sem).wait()

        def node(n, carry2):
            for cv in range(nvec):
                sl = pl.ds(cv * 16, 16)
                mx = rows_v[n * _K, sl]
                mn = mx
                for k in range(1, _K):
                    w = rows_v[n * _K + k, sl]
                    mx = jnp.maximum(mx, w)
                    mn = jnp.minimum(mn, w)
                omx_v[n, sl] = mx
                omn_v[n, sl] = mn
            return carry2

        lax.fori_loop(0, _CN, node, 0)
        pltpu.sync_copy(omx_v, mx_hbm.at[pl.ds(nodebase, _CN)])
        pltpu.sync_copy(omn_v, mn_hbm.at[pl.ds(nodebase, _CN)])
        return carry

    lax.fori_loop(0, nchunks, chunk, 0)


def _pool_body(u_ref, mx_ref, mn_ref, x_ref, brow_ref, sc_ref, bs_ref,
               hp_ref, xp_ref):
    i = pl.program_id(0)
    minf = jnp.float32(-jnp.inf)
    sc = sc_ref[...]
    h = jnp.maximum(u_ref[...] + jnp.where(sc >= 0.0, mx_ref[...], mn_ref[...]),
                    0.0) * sc + bs_ref[...]
    xb = x_ref[...]
    b = brow_ref[...]

    @pl.when(i == 0)
    def _():
        hp_ref[...] = jnp.full(hp_ref.shape, minf, jnp.float32)
        xp_ref[...] = jnp.full(xp_ref.shape, minf, jnp.float32)

    for g in range(_G):
        m = b == g
        hg = jnp.max(jnp.where(m, h, minf), axis=0, keepdims=True)
        xg = jnp.max(jnp.where(m, xb, minf), axis=0, keepdims=True)
        hp_ref[g:g + 1, :] = jnp.maximum(hp_ref[g:g + 1, :], hg)
        xp_ref[g:g + 1, :] = jnp.maximum(xp_ref[g:g + 1, :], xg)


def kernel(x, batch, W0, b0, gamma0, beta0, rm0, rv0,
           W1, b1, gamma1, beta1, rm1, rv1):
    n, d = x.shape
    g = W0.shape[0]
    npad = -(-n // 2560) * 2560
    pad = npad - n

    xpd = jnp.pad(x, ((0, pad), (0, 0)))
    b32 = batch.astype(jnp.int32)
    bp = jnp.concatenate([b32, jnp.full((pad,), _G, jnp.int32)])
    sq = jnp.sum(xpd * xpd, axis=1)

    nblocks = npad // _R
    rb = jnp.arange(nblocks) * _R
    lob = jnp.searchsorted(bp, bp[rb], side="left").astype(jnp.int32)
    hib = jnp.searchsorted(bp, bp[rb + _R - 1], side="right").astype(jnp.int32)

    wut = (W0[:, :d] - W0[:, d:]).T
    wvt = W0[:, d:].T
    b0r = b0.reshape(1, g)
    scale = (gamma0 / jnp.sqrt(rv0 + _EPS)).reshape(1, g)
    bias = beta0.reshape(1, g) - rm0.reshape(1, g) * scale

    full = lambda *shape: pl.BlockSpec(shape, lambda i: (0,) * len(shape))
    rowblk = lambda blk, w: pl.BlockSpec((blk, w), lambda i: (i, 0))

    idx, u, v = pl.pallas_call(
        functools.partial(_knn_body, npad),
        grid=(nblocks,),
        in_specs=[
            pl.BlockSpec(memory_space=pltpu.SMEM),
            pl.BlockSpec(memory_space=pltpu.SMEM),
            full(1, npad),
            full(1, npad),
            rowblk(_R, 1),
            rowblk(_R, 1),
            full(npad, d),
            rowblk(_R, d),
            full(d, g),
            full(d, g),
            full(1, g),
        ],
        out_specs=[rowblk(_R, _K), rowblk(_R, g), rowblk(_R, 128)],
        out_shape=[
            jax.ShapeDtypeStruct((npad, _K), jnp.int32),
            jax.ShapeDtypeStruct((npad, g), jnp.float32),
            jax.ShapeDtypeStruct((npad, 128), jnp.float32),
        ],
    )(lob, hib, bp.reshape(1, npad), sq.reshape(1, npad),
      bp.reshape(npad, 1), sq.reshape(npad, 1), xpd, xpd, wut, wvt, b0r)

    mesh = plsc.VectorSubcoreMesh(core_axis_name="c", subcore_axis_name="s")
    mx, mn = pl.kernel(
        functools.partial(_sc_body, npad, g),
        out_type=(jax.ShapeDtypeStruct((npad, g), jnp.float32),
                  jax.ShapeDtypeStruct((npad, g), jnp.float32)),
        mesh=mesh,
        scratch_types=[
            pltpu.VMEM((_CN * _K,), jnp.int32),
            pltpu.VMEM((_CN * _K, 128), jnp.float32),
            pltpu.VMEM((_CN, g), jnp.float32),
            pltpu.VMEM((_CN, g), jnp.float32),
            pltpu.SemaphoreType.DMA,
        ],
    )(v, idx.reshape(npad * _K))

    hp, xp = pl.pallas_call(
        _pool_body,
        grid=(npad // _RP,),
        in_specs=[
            rowblk(_RP, g),
            rowblk(_RP, g),
            rowblk(_RP, g),
            rowblk(_RP, d),
            rowblk(_RP, 1),
            full(1, g),
            full(1, g),
        ],
        out_specs=[full(_G, g), full(_G, d)],
        out_shape=[
            jax.ShapeDtypeStruct((_G, g), jnp.float32),
            jax.ShapeDtypeStruct((_G, d), jnp.float32),
        ],
    )(u, mx, mn, xpd, bp.reshape(npad, 1), scale, bias)

    return jnp.concatenate([hp, xp], axis=1)

# --- scband reference (transcript-rebuilt; emitter-appended) ---
"""Pipeline reference for scband-dense-dynamic-edge-conv-63153199120461 (READ-ONLY COPY).

The authoritative reference and input builder live on the scoring server;
editing this copy changes nothing except your own understanding.
"""

import jax, jax.numpy as jnp
import numpy as np

EPS = 1e-5
K = 16
NUM_GRAPHS = 8


def mlp_block(h, W, b, gamma, beta, rm, rv):
    # Linear -> ReLU -> BatchNorm1d (eval mode, running stats)
    h = h @ W.T + b
    h = jnp.maximum(h, 0.0)
    return (h - rm) / jnp.sqrt(rv + EPS) * gamma + beta


def global_max_pool(x, batch, num_graphs):
    mask = batch[None, :] == jnp.arange(num_graphs)[:, None]  # [B, N]
    masked = jnp.where(mask[:, :, None], x[None, :, :], -jnp.inf)
    return jnp.max(masked, axis=1)


def setup_inputs(seed: int = 0):
    key = jax.random.key(seed)
    ks = jax.random.split(key, 6)
    N, d, g = 10000, 128, 64
    x = jax.random.normal(ks[0], (N, d), dtype=jnp.float32)
    batch = jnp.sort(jax.random.randint(ks[1], (N,), 0, NUM_GRAPHS))
    # Layer 0: DynamicEdgeConv MLP([2*d, g])
    W0 = (jax.random.normal(ks[2], (g, 2 * d), dtype=jnp.float32) / np.sqrt(2 * d)).astype(jnp.float32)
    b0 = jnp.zeros((g,), jnp.float32)
    gamma0 = jnp.ones((g,), jnp.float32)
    beta0 = jnp.zeros((g,), jnp.float32)
    rm0 = jnp.zeros((g,), jnp.float32)
    rv0 = jnp.ones((g,), jnp.float32)
    # Layer 1: MLP([d + g, g]) (computed in forward but its output is discarded, as in the original code)
    W1 = (jax.random.normal(ks[3], (g, d + g), dtype=jnp.float32) / np.sqrt(d + g)).astype(jnp.float32)
    b1 = jnp.zeros((g,), jnp.float32)
    gamma1 = jnp.ones((g,), jnp.float32)
    beta1 = jnp.zeros((g,), jnp.float32)
    rm1 = jnp.zeros((g,), jnp.float32)
    rv1 = jnp.ones((g,), jnp.float32)
    return {"x": x, "batch": batch,
            "W0": W0, "b0": b0, "gamma0": gamma0, "beta0": beta0, "rm0": rm0, "rv0": rv0,
            "W1": W1, "b1": b1, "gamma1": gamma1, "beta1": beta1, "rm1": rm1, "rv1": rv1}


def reference(x, batch, W0, b0, gamma0, beta0, rm0, rv0, W1, b1, gamma1, beta1, rm1, rv1):
    N = x.shape[0]
    # batch-aware kNN graph (distances masked across graphs); self-loop included like torch_cluster.knn
    same = batch[:, None] == batch[None, :]
    sq = jnp.sum(x * x, axis=1)
    d2 = sq[:, None] + sq[None, :] - 2.0 * (x @ x.T)
    d2 = jnp.where(same, d2, jnp.inf)
    _, idx = jax.lax.top_k(-d2, K)  # [N, K] neighbor indices
    # DGCNN edge features: [x_i, x_j - x_i]
    xj = x[idx]
    xi = jnp.broadcast_to(x[:, None, :], xj.shape)
    e = jnp.concatenate([xi, xj - xi], axis=-1)
    h = mlp_block(e.reshape(N * K, -1), W0, b0, gamma0, beta0, rm0, rv0).reshape(N, K, -1)
    h = jnp.max(h, axis=1)  # max aggregation over neighbors
    x1 = jnp.concatenate([h, x], axis=1)  # [N, g + d]
    # layer 1 result is assigned to z and never used (faithful to the original forward)
    z = jnp.concatenate([mlp_block(x1, W1, b1, gamma1, beta1, rm1, rv1), x1], axis=1)
    return global_max_pool(x1, batch, NUM_GRAPHS)

if __name__ == "__main__":
    import jax
    _d = setup_inputs()
    print(jax.jit(kernel)(*tuple(_d.values())))

</pallas_src>

<mosaic_0001>
#map = affine_map<(d0, d1) -> (0, 0)>
#map1 = affine_map<(d0, d1) -> (0)>
module attributes {stable_mosaic.version = 14 : i64} {
  func.func @_sc_body(%arg0: i32, %arg1: i32, %arg2: memref<10240x128xf32, #tpu.memory_space<hbm>>, %arg3: memref<163840xi32, #tpu.memory_space<hbm>>, %arg4: memref<10240x64xf32, #tpu.memory_space<hbm>>, %arg5: memref<10240x64xf32, #tpu.memory_space<hbm>>, %arg6: memref<128xi32, #tpu.memory_space<vmem>>, %arg7: memref<128x128xf32, #tpu.memory_space<vmem>>, %arg8: memref<8x64xf32, #tpu.memory_space<vmem>>, %arg9: memref<8x64xf32, #tpu.memory_space<vmem>>, %arg10: memref<!tpu.dma_semaphore, #tpu.memory_space<semaphore_mem>>) attributes {dimension_semantics = [#tpu.dimension_semantics<core_parallel>, #tpu.dimension_semantics<subcore_parallel>], iteration_bounds = array<i64: 2, 16>, scalar_prefetch = 0 : i64, scratch_operands = 5 : i64, tpu.core_type = #tpu.core_type<sc_vector_subcore>, window_params = [{transform_indices = #map}, {transform_indices = #map1}, {transform_indices = #map}, {transform_indices = #map}]} {
    %mul3A = arith.constant 2 : i32
    %mul3A_0 = arith.muli %arg1, %mul3A : i32
    %add3A = arith.addi %mul3A_0, %arg0 : i32
    %scan3A = arith.constant 0 : i32
    %scan3A_1 = arith.constant 0 : i32
    %scan3A_2 = arith.constant 40 : i32
    %scan3A_3 = arith.addi %scan3A_1, %scan3A_2 : i32
    %scan3A_4 = arith.constant 1 : i32
    scf.for %scan3A_6 = %scan3A_1 to %scan3A_3 step %scan3A_4  : i32 {
      %mul3A_7 = arith.constant 320 : i32
      %mul3A_8 = arith.muli %add3A, %mul3A_7 : i32
      %mul3A_9 = arith.constant 8 : i32
      %mul3A_10 = arith.muli %scan3A_6, %mul3A_9 : i32
      %add3A_11 = arith.addi %mul3A_8, %mul3A_10 : i32
      %mul3A_12 = arith.constant 16 : i32
      %mul3A_13 = arith.muli %add3A_11, %mul3A_12 : i32
      "tpu.region"() ({
        %run_scoped3A = tpu.sem_alloc : memref<!tpu.dma_semaphore, #tpu.memory_space<semaphore_mem>>
        %dma_start3A_24 = tpu.memref_slice %arg3[%mul3A_13] : memref<163840xi32, #tpu.memory_space<hbm>> -> memref<128xi32, #tpu.memory_space<hbm>>
        %dma_start3A_25 = tpu.memref_slice %arg3[%mul3A_13] : memref<163840xi32, #tpu.memory_space<hbm>> -> memref<128xi32, #tpu.memory_space<hbm>>
        tpu.enqueue_dma source(%dma_start3A_25 : memref<128xi32, #tpu.memory_space<hbm>>) target(%arg6 : memref<128xi32, #tpu.memory_space<vmem>>) target_semaphore(%run_scoped3A : memref<!tpu.dma_semaphore, #tpu.memory_space<semaphore_mem>>)
        %dma_wait3A_26 = tpu.memref_slice %arg3[%mul3A_13] : memref<163840xi32, #tpu.memory_space<hbm>> -> memref<128xi32, #tpu.memory_space<hbm>>
        %dma_wait3A_27 = tpu.memref_slice %arg3[%mul3A_13] : memref<163840xi32, #tpu.memory_space<hbm>> -> memref<128xi32, #tpu.memory_space<hbm>>
        tpu.wait_dma2 semaphore(%run_scoped3A : memref<!tpu.dma_semaphore, #tpu.memory_space<semaphore_mem>>) src(%dma_wait3A_27 : memref<128xi32, #tpu.memory_space<hbm>>) dst(%arg6 : memref<128xi32, #tpu.memory_space<vmem>>)
        tpu.yield
      }) : () -> ()
      %dma_start3A = arith.constant 0 : i32
      %dma_start3A_14 = arith.constant 0 : i32
      %dma_start3A_15 = tpu.memref_slice %arg2[%dma_start3A, %dma_start3A_14] : memref<10240x128xf32, #tpu.memory_space<hbm>> -> memref<10240x128xf32, #tpu.memory_space<hbm>>
      tpu.enqueue_indirect_dma source(%dma_start3A_15 : memref<10240x128xf32, #tpu.memory_space<hbm>>) target(%arg7 : memref<128x128xf32, #tpu.memory_space<vmem>>) offsets(%arg6 : memref<128xi32, #tpu.memory_space<vmem>>) semaphore(%arg10 : memref<!tpu.dma_semaphore, #tpu.memory_space<semaphore_mem>>)
      %dma_wait3A = arith.constant 0 : i32
      %dma_wait3A_16 = arith.constant 0 : i32
      %dma_wait3A_17 = tpu.memref_slice %arg2[%dma_wait3A, %dma_wait3A_16] : memref<10240x128xf32, #tpu.memory_space<hbm>> -> memref<10240x128xf32, #tpu.memory_space<hbm>>
      tpu.wait_indirect_dma semaphore(%arg10 : memref<!tpu.dma_semaphore, #tpu.memory_space<semaphore_mem>>) src(%dma_wait3A_17 : memref<10240x128xf32, #tpu.memory_space<hbm>>) dst(%arg7 : memref<128x128xf32, #tpu.memory_space<vmem>>)
      %scan3A_18 = arith.constant 0 : i32
      %scan3A_19 = arith.constant 0 : i32
      %scan3A_20 = arith.constant 8 : i32
      %scan3A_21 = arith.addi %scan3A_19, %scan3A_20 : i32
      %scan3A_22 = arith.constant 1 : i32
      scf.for %scan3A_24 = %scan3A_19 to %scan3A_21 step %scan3A_22  : i32 {
        %mul3A_25 = arith.constant 16 : i32
        %mul3A_26 = arith.muli %scan3A_24, %mul3A_25 : i32
        %get3A = arith.index_cast %mul3A_26 : i32 to index
        %get3A_27 = arith.constant 0 : index
        %get3A_28 = tpu.vector_load %arg7[%get3A, %get3A_27] {strides = array<i32>} : memref<128x128xf32, #tpu.memory_space<vmem>>, vector<1x16xf32>,
        %get3A_29 = vector.shape_cast %get3A_28 : vector<1x16xf32> to vector<16xf32>
        %mul3A_30 = arith.constant 16 : i32
        %mul3A_31 = arith.muli %scan3A_24, %mul3A_30 : i32
        %add3A_32 = arith.constant 1 : i32
        %add3A_33 = arith.addi %mul3A_31, %add3A_32 : i32
        %get3A_34 = arith.index_cast %add3A_33 : i32 to index
        %get3A_35 = arith.constant 0 : index
        %get3A_36 = tpu.vector_load %arg7[%get3A_34, %get3A_35] {strides = array<i32>} : memref<128x128xf32, #tpu.memory_space<vmem>>, vector<1x16xf32>,
        %get3A_37 = vector.shape_cast %get3A_36 : vector<1x16xf32> to vector<16xf32>
        %max3A = arith.maximumf %get3A_29, %get3A_37 : vector<16xf32>
        %min3A = arith.minimumf %get3A_29, %get3A_37 : vector<16xf32>
        %mul3A_38 = arith.constant 16 : i32
        %mul3A_39 = arith.muli %scan3A_24, %mul3A_38 : i32
        %add3A_40 = arith.constant 2 : i32
        %add3A_41 = arith.addi %mul3A_39, %add3A_40 : i32
        %get3A_42 = arith.index_cast %add3A_41 : i32 to index
        %get3A_43 = arith.constant 0 : index
        %get3A_44 = tpu.vector_load %arg7[%get3A_42, %get3A_43] {strides = array<i32>} : memref<128x128xf32, #tpu.memory_space<vmem>>, vector<1x16xf32>,
        %get3A_45 = vector.shape_cast %get3A_44 : vector<1x16xf32> to vector<16xf32>
        %max3A_46 = arith.maximumf %max3A, %get3A_45 : vector<16xf32>
        %min3A_47 = arith.minimumf %min3A, %get3A_45 : vector<16xf32>
        %mul3A_48 = arith.constant 16 : i32
        %mul3A_49 = arith.muli %scan3A_24, %mul3A_48 : i32
        %add3A_50 = arith.constant 3 : i32
        %add3A_51 = arith.addi %mul3A_49, %add3A_50 : i32
        %get3A_52 = arith.index_cast %add3A_51 : i32 to index
        %get3A_53 = arith.constant 0 : index
        %get3A_54 = tpu.vector_load %arg7[%get3A_52, %get3A_53] {strides = array<i32>} : memref<128x128xf32, #tpu.memory_space<vmem>>, vector<1x16xf32>,
        %get3A_55 = vector.shape_cast %get3A_54 : vector<1x16xf32> to vector<16xf32>
        %max3A_56 = arith.maximumf %max3A_46, %get3A_55 : vector<16xf32>
        %min3A_57 = arith.minimumf %min3A_47, %get3A_55 : vector<16xf32>
        %mul3A_58 = arith.constant 16 : i32
        %mul3A_59 = arith.muli %scan3A_24, %mul3A_58 : i32
        %add3A_60 = arith.constant 4 : i32
        %add3A_61 = arith.addi %mul3A_59, %add3A_60 : i32
        %get3A_62 = arith.index_cast %add3A_61 : i32 to index
        %get3A_63 = arith.constant 0 : index
        %get3A_64 = tpu.vector_load %arg7[%get3A_62, %get3A_63] {strides = array<i32>} : memref<128x128xf32, #tpu.memory_space<vmem>>, vector<1x16xf32>,
        %get3A_65 = vector.shape_cast %get3A_64 : vector<1x16xf32> to vector<16xf32>
        %max3A_66 = arith.maximumf %max3A_56, %get3A_65 : vector<16xf32>
        %min3A_67 = arith.minimumf %min3A_57, %get3A_65 : vector<16xf32>
        %mul3A_68 = arith.constant 16 : i32
        %mul3A_69 = arith.muli %scan3A_24, %mul3A_68 : i32
        %add3A_70 = arith.constant 5 : i32
        %add3A_71 = arith.addi %mul3A_69, %add3A_70 : i32
        %get3A_72 = arith.index_cast %add3A_71 : i32 to index
        %get3A_73 = arith.constant 0 : index
        %get3A_74 = tpu.vector_load %arg7[%get3A_72, %get3A_73] {strides = array<i32>} : memref<128x128xf32, #tpu.memory_space<vmem>>, vector<1x16xf32>,
        %get3A_75 = vector.shape_cast %get3A_74 : vector<1x16xf32> to vector<16xf32>
        %max3A_76 = arith.maximumf %max3A_66, %get3A_75 : vector<16xf32>
        %min3A_77 = arith.minimumf %min3A_67, %get3A_75 : vector<16xf32>
        %mul3A_78 = arith.constant 16 : i32
        %mul3A_79 = arith.muli %scan3A_24, %mul3A_78 : i32
        %add3A_80 = arith.constant 6 : i32
        %add3A_81 = arith.addi %mul3A_79, %add3A_80 : i32
        %get3A_82 = arith.index_cast %add3A_81 : i32 to index
        %get3A_83 = arith.constant 0 : index
        %get3A_84 = tpu.vector_load %arg7[%get3A_82, %get3A_83] {strides = array<i32>} : memref<128x128xf32, #tpu.memory_space<vmem>>, vector<1x16xf32>,
        %get3A_85 = vector.shape_cast %get3A_84 : vector<1x16xf32> to vector<16xf32>
        %max3A_86 = arith.maximumf %max3A_76, %get3A_85 : vector<16xf32>
        %min3A_87 = arith.minimumf %min3A_77, %get3A_85 : vector<16xf32>
        %mul3A_88 = arith.constant 16 : i32
        %mul3A_89 = arith.muli %scan3A_24, %mul3A_88 : i32
        %add3A_90 = arith.constant 7 : i32
        %add3A_91 = arith.addi %mul3A_89, %add3A_90 : i32
        %get3A_92 = arith.index_cast %add3A_91 : i32 to index
        %get3A_93 = arith.constant 0 : index
        %get3A_94 = tpu.vector_load %arg7[%get3A_92, %get3A_93] {strides = array<i32>} : memref<128x128xf32, #tpu.memory_space<vmem>>, vector<1x16xf32>,
        %get3A_95 = vector.shape_cast %get3A_94 : vector<1x16xf32> to vector<16xf32>
        %max3A_96 = arith.maximumf %max3A_86, %get3A_95 : vector<16xf32>
        %min3A_97 = arith.minimumf %min3A_87, %get3A_95 : vector<16xf32>
        %mul3A_98 = arith.constant 16 : i32
        %mul3A_99 = arith.muli %scan3A_24, %mul3A_98 : i32
        %add3A_100 = arith.constant 8 : i32
        %add3A_101 = arith.addi %mul3A_99, %add3A_100 : i32
        %get3A_102 = arith.index_cast %add3A_101 : i32 to index
        %get3A_103 = arith.constant 0 : index
        %get3A_104 = tpu.vector_load %arg7[%get3A_102, %get3A_103] {strides = array<i32>} : memref<128x128xf32, #tpu.memory_space<vmem>>, vector<1x16xf32>,
        %get3A_105 = vector.shape_cast %get3A_104 : vector<1x16xf32> to vector<16xf32>
        %max3A_106 = arith.maximumf %max3A_96, %get3A_105 : vector<16xf32>
        %min3A_107 = arith.minimumf %min3A_97, %get3A_105 : vector<16xf32>
        %mul3A_108 = arith.constant 16 : i32
        %mul3A_109 = arith.muli %scan3A_24, %mul3A_108 : i32
        %add3A_110 = arith.constant 9 : i32
        %add3A_111 = arith.addi %mul3A_109, %add3A_110 : i32
        %get3A_112 = arith.index_cast %add3A_111 : i32 to index
        %get3A_113 = arith.constant 0 : index
        %get3A_114 = tpu.vector_load %arg7[%get3A_112, %get3A_113] {strides = array<i32>} : memref<128x128xf32, #tpu.memory_space<vmem>>, vector<1x16xf32>,
        %get3A_115 = vector.shape_cast %get3A_114 : vector<1x16xf32> to vector<16xf32>
        %max3A_116 = arith.maximumf %max3A_106, %get3A_115 : vector<16xf32>
        %min3A_117 = arith.minimumf %min3A_107, %get3A_115 : vector<16xf32>
        %mul3A_118 = arith.constant 16 : i32
        %mul3A_119 = arith.muli %scan3A_24, %mul3A_118 : i32
        %add3A_120 = arith.constant 10 : i32
        %add3A_121 = arith.addi %mul3A_119, %add3A_120 : i32
        %get3A_122 = arith.index_cast %add3A_121 : i32 to index
        %get3A_123 = arith.constant 0 : index
        %get3A_124 = tpu.vector_load %arg7[%get3A_122, %get3A_123] {strides = array<i32>} : memref<128x128xf32, #tpu.memory_space<vmem>>, vector<1x16xf32>,
        %get3A_125 = vector.shape_cast %get3A_124 : vector<1x16xf32> to vector<16xf32>
        %max3A_126 = arith.maximumf %max3A_116, %get3A_125 : vector<16xf32>
        %min3A_127 = arith.minimumf %min3A_117, %get3A_125 : vector<16xf32>
        %mul3A_128 = arith.constant 16 : i32
        %mul3A_129 = arith.muli %scan3A_24, %mul3A_128 : i32
        %add3A_130 = arith.constant 11 : i32
        %add3A_131 = arith.addi %mul3A_129, %add3A_130 : i32
        %get3A_132 = arith.index_cast %add3A_131 : i32 to index
        %get3A_133 = arith.constant 0 : index
        %get3A_134 = tpu.vector_load %arg7[%get3A_132, %get3A_133] {strides = array<i32>} : memref<128x128xf32, #tpu.memory_space<vmem>>, vector<1x16xf32>,
        %get3A_135 = vector.shape_cast %get3A_134 : vector<1x16xf32> to vector<16xf32>
        %max3A_136 = arith.maximumf %max3A_126, %get3A_135 : vector<16xf32>
        %min3A_137 = arith.minimumf %min3A_127, %get3A_135 : vector<16xf32>
        %mul3A_138 = arith.constant 16 : i32
        %mul3A_139 = arith.muli %scan3A_24, %mul3A_138 : i32
        %add3A_140 = arith.constant 12 : i32
        %add3A_141 = arith.addi %mul3A_139, %add3A_140 : i32
        %get3A_142 = arith.index_cast %add3A_141 : i32 to index
        %get3A_143 = arith.constant 0 : index
        %get3A_144 = tpu.vector_load %arg7[%get3A_142, %get3A_143] {strides = array<i32>} : memref<128x128xf32, #tpu.memory_space<vmem>>, vector<1x16xf32>,
        %get3A_145 = vector.shape_cast %get3A_144 : vector<1x16xf32> to vector<16xf32>
        %max3A_146 = arith.maximumf %max3A_136, %get3A_145 : vector<16xf32>
        %min3A_147 = arith.minimumf %min3A_137, %get3A_145 : vector<16xf32>
        %mul3A_148 = arith.constant 16 : i32
        %mul3A_149 = arith.muli %scan3A_24, %mul3A_148 : i32
        %add3A_150 = arith.constant 13 : i32
        %add3A_151 = arith.addi %mul3A_149, %add3A_150 : i32
        %get3A_152 = arith.index_cast %add3A_151 : i32 to index
        %get3A_153 = arith.constant 0 : index
        %get3A_154 = tpu.vector_load %arg7[%get3A_152, %get3A_153] {strides = array<i32>} : memref<128x128xf32, #tpu.memory_space<vmem>>, vector<1x16xf32>,
        %get3A_155 = vector.shape_cast %get3A_154 : vector<1x16xf32> to vector<16xf32>
        %max3A_156 = arith.maximumf %max3A_146, %get3A_155 : vector<16xf32>
        %min3A_157 = arith.minimumf %min3A_147, %get3A_155 : vector<16xf32>
        %mul3A_158 = arith.constant 16 : i32
        %mul3A_159 = arith.muli %scan3A_24, %mul3A_158 : i32
        %add3A_160 = arith.constant 14 : i32
        %add3A_161 = arith.addi %mul3A_159, %add3A_160 : i32
        %get3A_162 = arith.index_cast %add3A_161 : i32 to index
        %get3A_163 = arith.constant 0 : index
        %get3A_164 = tpu.vector_load %arg7[%get3A_162, %get3A_163] {strides = array<i32>} : memref<128x128xf32, #tpu.memory_space<vmem>>, vector<1x16xf32>,
        %get3A_165 = vector.shape_cast %get3A_164 : vector<1x16xf32> to vector<16xf32>
        %max3A_166 = arith.maximumf %max3A_156, %get3A_165 : vector<16xf32>
        %min3A_167 = arith.minimumf %min3A_157, %get3A_165 : vector<16xf32>
        %mul3A_168 = arith.constant 16 : i32
        %mul3A_169 = arith.muli %scan3A_24, %mul3A_168 : i32
        %add3A_170 = arith.constant 15 : i32
        %add3A_171 = arith.addi %mul3A_169, %add3A_170 : i32
        %get3A_172 = arith.index_cast %add3A_171 : i32 to index
        %get3A_173 = arith.constant 0 : index
        %get3A_174 = tpu.vector_load %arg7[%get3A_172, %get3A_173] {strides = array<i32>} : memref<128x128xf32, #tpu.memory_space<vmem>>, vector<1x16xf32>,
        %get3A_175 = vector.shape_cast %get3A_174 : vector<1x16xf32> to vector<16xf32>
        %max3A_176 = arith.maximumf %max3A_166, %get3A_175 : vector<16xf32>
        %min3A_177 = arith.minimumf %min3A_167, %get3A_175 : vector<16xf32>
        %swap3A = arith.index_cast %scan3A_24 : i32 to index
        %swap3A_178 = arith.constant 0 : index
        %swap3A_179 = tpu.vector_load %arg8[%swap3A, %swap3A_178] {strides = array<i32>} : memref<8x64xf32, #tpu.memory_space<vmem>>, vector<1x16xf32>,
        %swap3A_180 = vector.shape_cast %swap3A_179 : vector<1x16xf32> to vector<16xf32>
        %swap3A_181 = vector.shape_cast %max3A_176 : vector<16xf32> to vector<1x16xf32>
        tpu.vector_store %arg8[%swap3A, %swap3A_178], %swap3A_181 {strides = array<i32>} : memref<8x64xf32, #tpu.memory_space<vmem>>, vector<1x16xf32>,
        %swap3A_182 = arith.index_cast %scan3A_24 : i32 to index
        %swap3A_183 = arith.constant 0 : index
        %swap3A_184 = tpu.vector_load %arg9[%swap3A_182, %swap3A_183] {strides = array<i32>} : memref<8x64xf32, #tpu.memory_space<vmem>>, vector<1x16xf32>,
        %swap3A_185 = vector.shape_cast %swap3A_184 : vector<1x16xf32> to vector<16xf32>
        %swap3A_186 = vector.shape_cast %min3A_177 : vector<16xf32> to vector<1x16xf32>
        tpu.vector_store %arg9[%swap3A_182, %swap3A_183], %swap3A_186 {strides = array<i32>} : memref<8x64xf32, #tpu.memory_space<vmem>>, vector<1x16xf32>,
        %mul3A_187 = arith.constant 16 : i32
        %mul3A_188 = arith.muli %scan3A_24, %mul3A_187 : i32
        %get3A_189 = arith.index_cast %mul3A_188 : i32 to index
        %get3A_190 = arith.constant 16 : index
        %get3A_191 = tpu.vector_load %arg7[%get3A_189, %get3A_190] {strides = array<i32>} : memref<128x128xf32, #tpu.memory_space<vmem>>, vector<1x16xf32>,
        %get3A_192 = vector.shape_cast %get3A_191 : vector<1x16xf32> to vector<16xf32>
        %mul3A_193 = arith.constant 16 : i32
        %mul3A_194 = arith.muli %scan3A_24, %mul3A_193 : i32
        %add3A_195 = arith.constant 1 : i32
        %add3A_196 = arith.addi %mul3A_194, %add3A_195 : i32
        %get3A_197 = arith.index_cast %add3A_196 : i32 to index
        %get3A_198 = arith.constant 16 : index
        %get3A_199 = tpu.vector_load %arg7[%get3A_197, %get3A_198] {strides = array<i32>} : memref<128x128xf32, #tpu.memory_space<vmem>>, vector<1x16xf32>,
        %get3A_200 = vector.shape_cast %get3A_199 : vector<1x16xf32> to vector<16xf32>
        %max3A_201 = arith.maximumf %get3A_192, %get3A_200 : vector<16xf32>
        %min3A_202 = arith.minimumf %get3A_192, %get3A_200 : vector<16xf32>
        %mul3A_203 = arith.constant 16 : i32
        %mul3A_204 = arith.muli %scan3A_24, %mul3A_203 : i32
        %add3A_205 = arith.constant 2 : i32
        %add3A_206 = arith.addi %mul3A_204, %add3A_205 : i32
        %get3A_207 = arith.index_cast %add3A_206 : i32 to index
        %get3A_208 = arith.constant 16 : index
        %get3A_209 = tpu.vector_load %arg7[%get3A_207, %get3A_208] {strides = array<i32>} : memref<128x128xf32, #tpu.memory_space<vmem>>, vector<1x16xf32>,
        %get3A_210 = vector.shape_cast %get3A_209 : vector<1x16xf32> to vector<16xf32>
        %max3A_211 = arith.maximumf %max3A_201, %get3A_210 : vector<16xf32>
        %min3A_212 = arith.minimumf %min3A_202, %get3A_210 : vector<16xf32>
        %mul3A_213 = arith.constant 16 : i32
        %mul3A_214 = arith.muli %scan3A_24, %mul3A_213 : i32
        %add3A_215 = arith.constant 3 : i32
        %add3A_216 = arith.addi %mul3A_214, %add3A_215 : i32
        %get3A_217 = arith.index_cast %add3A_216 : i32 to index
        %get3A_218 = arith.constant 16 : index
        %get3A_219 = tpu.vector_load %arg7[%get3A_217, %get3A_218] {strides = array<i32>} : memref<128x128xf32, #tpu.memory_space<vmem>>, vector<1x16xf32>,
        %get3A_220 = vector.shape_cast %get3A_219 : vector<1x16xf32> to vector<16xf32>
        %max3A_221 = arith.maximumf %max3A_211, %get3A_220 : vector<16xf32>
        %min3A_222 = arith.minimumf %min3A_212, %get3A_220 : vector<16xf32>
        %mul3A_223 = arith.constant 16 : i32
        %mul3A_224 = arith.muli %scan3A_24, %mul3A_223 : i32
        %add3A_225 = arith.constant 4 : i32
        %add3A_226 = arith.addi %mul3A_224, %add3A_225 : i32
        %get3A_227 = arith.index_cast %add3A_226 : i32 to index
        %get3A_228 = arith.constant 16 : index
        %get3A_229 = tpu.vector_load %arg7[%get3A_227, %get3A_228] {strides = array<i32>} : memref<128x128xf32, #tpu.memory_space<vmem>>, vector<1x16xf32>,
        %get3A_230 = vector.shape_cast %get3A_229 : vector<1x16xf32> to vector<16xf32>
        %max3A_231 = arith.maximumf %max3A_221, %get3A_230 : vector<16xf32>
        %min3A_232 = arith.minimumf %min3A_222, %get3A_230 : vector<16xf32>
        %mul3A_233 = arith.constant 16 : i32
        %mul3A_234 = arith.muli %scan3A_24, %mul3A_233 : i32
        %add3A_235 = arith.constant 5 : i32
        %add3A_236 = arith.addi %mul3A_234, %add3A_235 : i32
        %get3A_237 = arith.index_cast %add3A_236 : i32 to index
        %get3A_238 = arith.constant 16 : index
        %get3A_239 = tpu.vector_load %arg7[%get3A_237, %get3A_238] {strides = array<i32>} : memref<128x128xf32, #tpu.memory_space<vmem>>, vector<1x16xf32>,
        %get3A_240 = vector.shape_cast %get3A_239 : vector<1x16xf32> to vector<16xf32>
        %max3A_241 = arith.maximumf %max3A_231, %get3A_240 : vector<16xf32>
        %min3A_242 = arith.minimumf %min3A_232, %get3A_240 : vector<16xf32>
        %mul3A_243 = arith.constant 16 : i32
        %mul3A_244 = arith.muli %scan3A_24, %mul3A_243 : i32
        %add3A_245 = arith.constant 6 : i32
        %add3A_246 = arith.addi %mul3A_244, %add3A_245 : i32
        %get3A_247 = arith.index_cast %add3A_246 : i32 to index
        %get3A_248 = arith.constant 16 : index
        %get3A_249 = tpu.vector_load %arg7[%get3A_247, %get3A_248] {strides = array<i32>} : memref<128x128xf32, #tpu.memory_space<vmem>>, vector<1x16xf32>,
        %get3A_250 = vector.shape_cast %get3A_249 : vector<1x16xf32> to vector<16xf32>
        %max3A_251 = arith.maximumf %max3A_241, %get3A_250 : vector<16xf32>
        %min3A_252 = arith.minimumf %min3A_242, %get3A_250 : vector<16xf32>
        %mul3A_253 = arith.constant 16 : i32
        %mul3A_254 = arith.muli %scan3A_24, %mul3A_253 : i32
        %add3A_255 = arith.constant 7 : i32
        %add3A_256 = arith.addi %mul3A_254, %add3A_255 : i32
        %get3A_257 = arith.index_cast %add3A_256 : i32 to index
        %get3A_258 = arith.constant 16 : index
        %get3A_259 = tpu.vector_load %arg7[%get3A_257, %get3A_258] {strides = array<i32>} : memref<128x128xf32, #tpu.memory_space<vmem>>, vector<1x16xf32>,
        %get3A_260 = vector.shape_cast %get3A_259 : vector<1x16xf32> to vector<16xf32>
        %max3A_261 = arith.maximumf %max3A_251, %get3A_260 : vector<16xf32>
        %min3A_262 = arith.minimumf %min3A_252, %get3A_260 : vector<16xf32>
        %mul3A_263 = arith.constant 16 : i32
        %mul3A_264 = arith.muli %scan3A_24, %mul3A_263 : i32
        %add3A_265 = arith.constant 8 : i32
        %add3A_266 = arith.addi %mul3A_264, %add3A_265 : i32
        %get3A_267 = arith.index_cast %add3A_266 : i32 to index
        %get3A_268 = arith.constant 16 : index
        %get3A_269 = tpu.vector_load %arg7[%get3A_267, %get3A_268] {strides = array<i32>} : memref<128x128xf32, #tpu.memory_space<vmem>>, vector<1x16xf32>,
        %get3A_270 = vector.shape_cast %get3A_269 : vector<1x16xf32> to vector<16xf32>
        %max3A_271 = arith.maximumf %max3A_261, %get3A_270 : vector<16xf32>
        %min3A_272 = arith.minimumf %min3A_262, %get3A_270 : vector<16xf32>
        %mul3A_273 = arith.constant 16 : i32
        %mul3A_274 = arith.muli %scan3A_24, %mul3A_273 : i32
        %add3A_275 = arith.constant 9 : i32
        %add3A_276 = arith.addi %mul3A_274, %add3A_275 : i32
        %get3A_277 = arith.index_cast %add3A_276 : i32 to index
        %get3A_278 = arith.constant 16 : index
        %get3A_279 = tpu.vector_load %arg7[%get3A_277, %get3A_278] {strides = array<i32>} : memref<128x128xf32, #tpu.memory_space<vmem>>, vector<1x16xf32>,
        %get3A_280 = vector.shape_cast %get3A_279 : vector<1x16xf32> to vector<16xf32>
        %max3A_281 = arith.maximumf %max3A_271, %get3A_280 : vector<16xf32>
        %min3A_282 = arith.minimumf %min3A_272, %get3A_280 : vector<16xf32>
        %mul3A_283 = arith.constant 16 : i32
        %mul3A_284 = arith.muli %scan3A_24, %mul3A_283 : i32
        %add3A_285 = arith.constant 10 : i32
        %add3A_286 = arith.addi %mul3A_284, %add3A_285 : i32
        %get3A_287 = arith.index_cast %add3A_286 : i32 to index
        %get3A_288 = arith.constant 16 : index
        %get3A_289 = tpu.vector_load %arg7[%get3A_287, %get3A_288] {strides = array<i32>} : memref<128x128xf32, #tpu.memory_space<vmem>>, vector<1x16xf32>,
        %get3A_290 = vector.shape_cast %get3A_289 : vector<1x16xf32> to vector<16xf32>
        %max3A_291 = arith.maximumf %max3A_281, %get3A_290 : vector<16xf32>
        %min3A_292 = arith.minimumf %min3A_282, %get3A_290 : vector<16xf32>
        %mul3A_293 = arith.constant 16 : i32
        %mul3A_294 = arith.muli %scan3A_24, %mul3A_293 : i32
        %add3A_295 = arith.constant 11 : i32
        %add3A_296 = arith.addi %mul3A_294, %add3A_295 : i32
        %get3A_297 = arith.index_cast %add3A_296 : i32 to index
        %get3A_298 = arith.constant 16 : index
        %get3A_299 = tpu.vector_load %arg7[%get3A_297, %get3A_298] {strides = array<i32>} : memref<128x128xf32, #tpu.memory_space<vmem>>, vector<1x16xf32>,
        %get3A_300 = vector.shape_cast %get3A_299 : vector<1x16xf32> to vector<16xf32>
        %max3A_301 = arith.maximumf %max3A_291, %get3A_300 : vector<16xf32>
        %min3A_302 = arith.minimumf %min3A_292, %get3A_300 : vector<16xf32>
        %mul3A_303 = arith.constant 16 : i32
        %mul3A_304 = arith.muli %scan3A_24, %mul3A_303 : i32
        %add3A_305 = arith.constant 12 : i32
        %add3A_306 = arith.addi %mul3A_304, %add3A_305 : i32
        %get3A_307 = arith.index_cast %add3A_306 : i32 to index
        %get3A_308 = arith.constant 16 : index
        %get3A_309 = tpu.vector_load %arg7[%get3A_307, %get3A_308] {strides = array<i32>} : memref<128x128xf32, #tpu.memory_space<vmem>>, vector<1x16xf32>,
        %get3A_310 = vector.shape_cast %get3A_309 : vector<1x16xf32> to vector<16xf32>
        %max3A_311 = arith.maximumf %max3A_301, %get3A_310 : vector<16xf32>
        %min3A_312 = arith.minimumf %min3A_302, %get3A_310 : vector<16xf32>
        %mul3A_313 = arith.constant 16 : i32
        %mul3A_314 = arith.muli %scan3A_24, %mul3A_313 : i32
        %add3A_315 = arith.constant 13 : i32
        %add3A_316 = arith.addi %mul3A_314, %add3A_315 : i32
        %get3A_317 = arith.index_cast %add3A_316 : i32 to index
        %get3A_318 = arith.constant 16 : index
        %get3A_319 = tpu.vector_load %arg7[%get3A_317, %get3A_318] {strides = array<i32>} : memref<128x128xf32, #tpu.memory_space<vmem>>, vector<1x16xf32>,
        %get3A_320 = vector.shape_cast %get3A_319 : vector<1x16xf32> to vector<16xf32>
        %max3A_321 = arith.maximumf %max3A_311, %get3A_320 : vector<16xf32>
        %min3A_322 = arith.minimumf %min3A_312, %get3A_320 : vector<16xf32>
        %mul3A_323 = arith.constant 16 : i32
        %mul3A_324 = arith.muli %scan3A_24, %mul3A_323 : i32
        %add3A_325 = arith.constant 14 : i32
        %add3A_326 = arith.addi %mul3A_324, %add3A_325 : i32
        %get3A_327 = arith.index_cast %add3A_326 : i32 to index
        %get3A_328 = arith.constant 16 : index
        %get3A_329 = tpu.vector_load %arg7[%get3A_327, %get3A_328] {strides = array<i32>} : memref<128x128xf32, #tpu.memory_space<vmem>>, vector<1x16xf32>,
        %get3A_330 = vector.shape_cast %get3A_329 : vector<1x16xf32> to vector<16xf32>
        %max3A_331 = arith.maximumf %max3A_321, %get3A_330 : vector<16xf32>
        %min3A_332 = arith.minimumf %min3A_322, %get3A_330 : vector<16xf32>
        %mul3A_333 = arith.constant 16 : i32
        %mul3A_334 = arith.muli %scan3A_24, %mul3A_333 : i32
        %add3A_335 = arith.constant 15 : i32
        %add3A_336 = arith.addi %mul3A_334, %add3A_335 : i32
        %get3A_337 = arith.index_cast %add3A_336 : i32 to index
        %get3A_338 = arith.constant 16 : index
        %get3A_339 = tpu.vector_load %arg7[%get3A_337, %get3A_338] {strides = array<i32>} : memref<128x128xf32, #tpu.memory_space<vmem>>, vector<1x16xf32>,
        %get3A_340 = vector.shape_cast %get3A_339 : vector<1x16xf32> to vector<16xf32>
        %max3A_341 = arith.maximumf %max3A_331, %get3A_340 : vector<16xf32>
        %min3A_342 = arith.minimumf %min3A_332, %get3A_340 : vector<16xf32>
        %swap3A_343 = arith.index_cast %scan3A_24 : i32 to index
        %swap3A_344 = arith.constant 16 : index
        %swap3A_345 = tpu.vector_load %arg8[%swap3A_343, %swap3A_344] {strides = array<i32>} : memref<8x64xf32, #tpu.memory_space<vmem>>, vector<1x16xf32>,
        %swap3A_346 = vector.shape_cast %swap3A_345 : vector<1x16xf32> to vector<16xf32>
        %swap3A_347 = vector.shape_cast %max3A_341 : vector<16xf32> to vector<1x16xf32>
        tpu.vector_store %arg8[%swap3A_343, %swap3A_344], %swap3A_347 {strides = array<i32>} : memref<8x64xf32, #tpu.memory_space<vmem>>, vector<1x16xf32>,
        %swap3A_348 = arith.index_cast %scan3A_24 : i32 to index
        %swap3A_349 = arith.constant 16 : index
        %swap3A_350 = tpu.vector_load %arg9[%swap3A_348, %swap3A_349] {strides = array<i32>} : memref<8x64xf32, #tpu.memory_space<vmem>>, vector<1x16xf32>,
        %swap3A_351 = vector.shape_cast %swap3A_350 : vector<1x16xf32> to vector<16xf32>
        %swap3A_352 = vector.shape_cast %min3A_342 : vector<16xf32> to vector<1x16xf32>
        tpu.vector_store %arg9[%swap3A_348, %swap3A_349], %swap3A_352 {strides = array<i32>} : memref<8x64xf32, #tpu.memory_space<vmem>>, vector<1x16xf32>,
        %mul3A_353 = arith.constant 16 : i32
        %mul3A_354 = arith.muli %scan3A_24, %mul3A_353 : i32
        %get3A_355 = arith.index_cast %mul3A_354 : i32 to index
        %get3A_356 = arith.constant 32 : index
        %get3A_357 = tpu.vector_load %arg7[%get3A_355, %get3A_356] {strides = array<i32>} : memref<128x128xf32, #tpu.memory_space<vmem>>, vector<1x16xf32>,
        %get3A_358 = vector.shape_cast %get3A_357 : vector<1x16xf32> to vector<16xf32>
        %mul3A_359 = arith.constant 16 : i32
        %mul3A_360 = arith.muli %scan3A_24, %mul3A_359 : i32
        %add3A_361 = arith.constant 1 : i32
        %add3A_362 = arith.addi %mul3A_360, %add3A_361 : i32
        %get3A_363 = arith.index_cast %add3A_362 : i32 to index
        %get3A_364 = arith.constant 32 : index
        %get3A_365 = tpu.vector_load %arg7[%get3A_363, %get3A_364] {strides = array<i32>} : memref<128x128xf32, #tpu.memory_space<vmem>>, vector<1x16xf32>,
        %get3A_366 = vector.shape_cast %get3A_365 : vector<1x16xf32> to vector<16xf32>
        %max3A_367 = arith.maximumf %get3A_358, %get3A_366 : vector<16xf32>
        %min3A_368 = arith.minimumf %get3A_358, %get3A_366 : vector<16xf32>
        %mul3A_369 = arith.constant 16 : i32
        %mul3A_370 = arith.muli %scan3A_24, %mul3A_369 : i32
        %add3A_371 = arith.constant 2 : i32
        %add3A_372 = arith.addi %mul3A_370, %add3A_371 : i32
        %get3A_373 = arith.index_cast %add3A_372 : i32 to index
        %get3A_374 = arith.constant 32 : index
        %get3A_375 = tpu.vector_load %arg7[%get3A_373, %get3A_374] {strides = array<i32>} : memref<128x128xf32, #tpu.memory_space<vmem>>, vector<1x16xf32>,
        %get3A_376 = vector.shape_cast %get3A_375 : vector<1x16xf32> to vector<16xf32>
        %max3A_377 = arith.maximumf %max3A_367, %get3A_376 : vector<16xf32>
        %min3A_378 = arith.minimumf %min3A_368, %get3A_376 : vector<16xf32>
        %mul3A_379 = arith.constant 16 : i32
        %mul3A_380 = arith.muli %scan3A_24, %mul3A_379 : i32
        %add3A_381 = arith.constant 3 : i32
        %add3A_382 = arith.addi %mul3A_380, %add3A_381 : i32
        %get3A_383 = arith.index_cast %add3A_382 : i32 to index
        %get3A_384 = arith.constant 32 : index
        %get3A_385 = tpu.vector_load %arg7[%get3A_383, %get3A_384] {strides = array<i32>} : memref<128x128xf32, #tpu.memory_space<vmem>>, vector<1x16xf32>,
        %get3A_386 = vector.shape_cast %get3A_385 : vector<1x16xf32> to vector<16xf32>
        %max3A_387 = arith.maximumf %max3A_377, %get3A_386 : vector<16xf32>
        %min3A_388 = arith.minimumf %min3A_378, %get3A_386 : vector<16xf32>
        %mul3A_389 = arith.constant 16 : i32
        %mul3A_390 = arith.muli %scan3A_24, %mul3A_389 : i32
        %add3A_391 = arith.constant 4 : i32
        %add3A_392 = arith.addi %mul3A_390, %add3A_391 : i32
        %get3A_393 = arith.index_cast %add3A_392 : i32 to index
        %get3A_394 = arith.constant 32 : index
        %get3A_395 = tpu.vector_load %arg7[%get3A_393, %get3A_394] {strides = array<i32>} : memref<128x128xf32, #tpu.memory_space<vmem>>, vector<1x16xf32>,
        %get3A_396 = vector.shape_cast %get3A_395 : vector<1x16xf32> to vector<16xf32>
        %max3A_397 = arith.maximumf %max3A_387, %get3A_396 : vector<16xf32>
        %min3A_398 = arith.minimumf %min3A_388, %get3A_396 : vector<16xf32>
        %mul3A_399 = arith.constant 16 : i32
        %mul3A_400 = arith.muli %scan3A_24, %mul3A_399 : i32
        %add3A_401 = arith.constant 5 : i32
        %add3A_402 = arith.addi %mul3A_400, %add3A_401 : i32
        %get3A_403 = arith.index_cast %add3A_402 : i32 to index
        %get3A_404 = arith.constant 32 : index
        %get3A_405 = tpu.vector_load %arg7[%get3A_403, %get3A_404] {strides = array<i32>} : memref<128x128xf32, #tpu.memory_space<vmem>>, vector<1x16xf32>,
        %get3A_406 = vector.shape_cast %get3A_405 : vector<1x16xf32> to vector<16xf32>
        %max3A_407 = arith.maximumf %max3A_397, %get3A_406 : vector<16xf32>
        %min3A_408 = arith.minimumf %min3A_398, %get3A_406 : vector<16xf32>
        %mul3A_409 = arith.constant 16 : i32
        %mul3A_410 = arith.muli %scan3A_24, %mul3A_409 : i32
        %add3A_411 = arith.constant 6 : i32
        %add3A_412 = arith.addi %mul3A_410, %add3A_411 : i32
        %get3A_413 = arith.index_cast %add3A_412 : i32 to index
        %get3A_414 = arith.constant 32 : index
        %get3A_415 = tpu.vector_load %arg7[%get3A_413, %get3A_414] {strides = array<i32>} : memref<128x128xf32, #tpu.memory_space<vmem>>, vector<1x16xf32>,
        %get3A_416 = vector.shape_cast %get3A_415 : vector<1x16xf32> to vector<16xf32>
        %max3A_417 = arith.maximumf %max3A_407, %get3A_416 : vector<16xf32>
        %min3A_418 = arith.minimumf %min3A_408, %get3A_416 : vector<16xf32>
        %mul3A_419 = arith.constant 16 : i32
        %mul3A_420 = arith.muli %scan3A_24, %mul3A_419 : i32
        %add3A_421 = arith.constant 7 : i32
        %add3A_422 = arith.addi %mul3A_420, %add3A_421 : i32
        %get3A_423 = arith.index_cast %add3A_422 : i32 to index
        %get3A_424 = arith.constant 32 : index
        %get3A_425 = tpu.vector_load %arg7[%get3A_423, %get3A_424] {strides = array<i32>} : memref<128x128xf32, #tpu.memory_space<vmem>>, vector<1x16xf32>,
        %get3A_426 = vector.shape_cast %get3A_425 : vector<1x16xf32> to vector<16xf32>
        %max3A_427 = arith.maximumf %max3A_417, %get3A_426 : vector<16xf32>
        %min3A_428 = arith.minimumf %min3A_418, %get3A_426 : vector<16xf32>
        %mul3A_429 = arith.constant 16 : i32
        %mul3A_430 = arith.muli %scan3A_24, %mul3A_429 : i32
        %add3A_431 = arith.constant 8 : i32
        %add3A_432 = arith.addi %mul3A_430, %add3A_431 : i32
        %get3A_433 = arith.index_cast %add3A_432 : i32 to index
        %get3A_434 = arith.constant 32 : index
        %get3A_435 = tpu.vector_load %arg7[%get3A_433, %get3A_434] {strides = array<i32>} : memref<128x128xf32, #tpu.memory_space<vmem>>, vector<1x16xf32>,
        %get3A_436 = vector.shape_cast %get3A_435 : vector<1x16xf32> to vector<16xf32>
        %max3A_437 = arith.maximumf %max3A_427, %get3A_436 : vector<16xf32>
        %min3A_438 = arith.minimumf %min3A_428, %get3A_436 : vector<16xf32>
        %mul3A_439 = arith.constant 16 : i32
        %mul3A_440 = arith.muli %scan3A_24, %mul3A_439 : i32
        %add3A_441 = arith.constant 9 : i32
        %add3A_442 = arith.addi %mul3A_440, %add3A_441 : i32
        %get3A_443 = arith.index_cast %add3A_442 : i32 to index
        %get3A_444 = arith.constant 32 : index
        %get3A_445 = tpu.vector_load %arg7[%get3A_443, %get3A_444] {strides = array<i32>} : memref<128x128xf32, #tpu.memory_space<vmem>>, vector<1x16xf32>,
        %get3A_446 = vector.shape_cast %get3A_445 : vector<1x16xf32> to vector<16xf32>
        %max3A_447 = arith.maximumf %max3A_437, %get3A_446 : vector<16xf32>
        %min3A_448 = arith.minimumf %min3A_438, %get3A_446 : vector<16xf32>
        %mul3A_449 = arith.constant 16 : i32
        %mul3A_450 = arith.muli %scan3A_24, %mul3A_449 : i32
        %add3A_451 = arith.constant 10 : i32
        %add3A_452 = arith.addi %mul3A_450, %add3A_451 : i32
        %get3A_453 = arith.index_cast %add3A_452 : i32 to index
        %get3A_454 = arith.constant 32 : index
        %get3A_455 = tpu.vector_load %arg7[%get3A_453, %get3A_454] {strides = array<i32>} : memref<128x128xf32, #tpu.memory_space<vmem>>, vector<1x16xf32>,
        %get3A_456 = vector.shape_cast %get3A_455 : vector<1x16xf32> to vector<16xf32>
        %max3A_457 = arith.maximumf %max3A_447, %get3A_456 : vector<16xf32>
        %min3A_458 = arith.minimumf %min3A_448, %get3A_456 : vector<16xf32>
        %mul3A_459 = arith.constant 16 : i32
        %mul3A_460 = arith.muli %scan3A_24, %mul3A_459 : i32
        %add3A_461 = arith.constant 11 : i32
        %add3A_462 = arith.addi %mul3A_460, %add3A_461 : i32
        %get3A_463 = arith.index_cast %add3A_462 : i32 to index
        %get3A_464 = arith.constant 32 : index
        %get3A_465 = tpu.vector_load %arg7[%get3A_463, %get3A_464] {strides = array<i32>} : memref<128x128xf32, #tpu.memory_space<vmem>>, vector<1x16xf32>,
        %get3A_466 = vector.shape_cast %get3A_465 : vector<1x16xf32> to vector<16xf32>
        %max3A_467 = arith.maximumf %max3A_457, %get3A_466 : vector<16xf32>
        %min3A_468 = arith.minimumf %min3A_458, %get3A_466 : vector<16xf32>
        %mul3A_469 = arith.constant 16 : i32
        %mul3A_470 = arith.muli %scan3A_24, %mul3A_469 : i32
        %add3A_471 = arith.constant 12 : i32
        %add3A_472 = arith.addi %mul3A_470, %add3A_471 : i32
        %get3A_473 = arith.index_cast %add3A_472 : i32 to index
        %get3A_474 = arith.constant 32 : index
        %get3A_475 = tpu.vector_load %arg7[%get3A_473, %get3A_474] {strides = array<i32>} : memref<128x128xf32, #tpu.memory_space<vmem>>, vector<1x16xf32>,
        %get3A_476 = vector.shape_cast %get3A_475 : vector<1x16xf32> to vector<16xf32>
        %max3A_477 = arith.maximumf %max3A_467, %get3A_476 : vector<16xf32>
        %min3A_478 = arith.minimumf %min3A_468, %get3A_476 : vector<16xf32>
        %mul3A_479 = arith.constant 16 : i32
        %mul3A_480 = arith.muli %scan3A_24, %mul3A_479 : i32
        %add3A_481 = arith.constant 13 : i32
        %add3A_482 = arith.addi %mul3A_480, %add3A_481 : i32
        %get3A_483 = arith.index_cast %add3A_482 : i32 to index
        %get3A_484 = arith.constant 32 : index
        %get3A_485 = tpu.vector_load %arg7[%get3A_483, %get3A_484] {strides = array<i32>} : memref<128x128xf32, #tpu.memory_space<vmem>>, vector<1x16xf32>,
        %get3A_486 = vector.shape_cast %get3A_485 : vector<1x16xf32> to vector<16xf32>
        %max3A_487 = arith.maximumf %max3A_477, %get3A_486 : vector<16xf32>
        %min3A_488 = arith.minimumf %min3A_478, %get3A_486 : vector<16xf32>
        %mul3A_489 = arith.constant 16 : i32
        %mul3A_490 = arith.muli %scan3A_24, %mul3A_489 : i32
        %add3A_491 = arith.constant 14 : i32
        %add3A_492 = arith.addi %mul3A_490, %add3A_491 : i32
        %get3A_493 = arith.index_cast %add3A_492 : i32 to index
        %get3A_494 = arith.constant 32 : index
        %get3A_495 = tpu.vector_load %arg7[%get3A_493, %get3A_494] {strides = array<i32>} : memref<128x128xf32, #tpu.memory_space<vmem>>, vector<1x16xf32>,
        %get3A_496 = vector.shape_cast %get3A_495 : vector<1x16xf32> to vector<16xf32>
        %max3A_497 = arith.maximumf %max3A_487, %get3A_496 : vector<16xf32>
        %min3A_498 = arith.minimumf %min3A_488, %get3A_496 : vector<16xf32>
        %mul3A_499 = arith.constant 16 : i32
        %mul3A_500 = arith.muli %scan3A_24, %mul3A_499 : i32
        %add3A_501 = arith.constant 15 : i32
        %add3A_502 = arith.addi %mul3A_500, %add3A_501 : i32
        %get3A_503 = arith.index_cast %add3A_502 : i32 to index
        %get3A_504 = arith.constant 32 : index
        %get3A_505 = tpu.vector_load %arg7[%get3A_503, %get3A_504] {strides = array<i32>} : memref<128x128xf32, #tpu.memory_space<vmem>>, vector<1x16xf32>,
        %get3A_506 = vector.shape_cast %get3A_505 : vector<1x16xf32> to vector<16xf32>
        %max3A_507 = arith.maximumf %max3A_497, %get3A_506 : vector<16xf32>
        %min3A_508 = arith.minimumf %min3A_498, %get3A_506 : vector<16xf32>
        %swap3A_509 = arith.index_cast %scan3A_24 : i32 to index
        %swap3A_510 = arith.constant 32 : index
        %swap3A_511 = tpu.vector_load %arg8[%swap3A_509, %swap3A_510] {strides = array<i32>} : memref<8x64xf32, #tpu.memory_space<vmem>>, vector<1x16xf32>,
        %swap3A_512 = vector.shape_cast %swap3A_511 : vector<1x16xf32> to vector<16xf32>
        %swap3A_513 = vector.shape_cast %max3A_507 : vector<16xf32> to vector<1x16xf32>
        tpu.vector_store %arg8[%swap3A_509, %swap3A_510], %swap3A_513 {strides = array<i32>} : memref<8x64xf32, #tpu.memory_space<vmem>>, vector<1x16xf32>,
        %swap3A_514 = arith.index_cast %scan3A_24 : i32 to index
        %swap3A_515 = arith.constant 32 : index
        %swap3A_516 = tpu.vector_load %arg9[%swap3A_514, %swap3A_515] {strides = array<i32>} : memref<8x64xf32, #tpu.memory_space<vmem>>, vector<1x16xf32>,
        %swap3A_517 = vector.shape_cast %swap3A_516 : vector<1x16xf32> to vector<16xf32>
        %swap3A_518 = vector.shape_cast %min3A_508 : vector<16xf32> to vector<1x16xf32>
        tpu.vector_store %arg9[%swap3A_514, %swap3A_515], %swap3A_518 {strides = array<i32>} : memref<8x64xf32, #tpu.memory_space<vmem>>, vector<1x16xf32>,
        %mul3A_519 = arith.constant 16 : i32
        %mul3A_520 = arith.muli %scan3A_24, %mul3A_519 : i32
        %get3A_521 = arith.index_cast %mul3A_520 : i32 to index
        %get3A_522 = arith.constant 48 : index
        %get3A_523 = tpu.vector_load %arg7[%get3A_521, %get3A_522] {strides = array<i32>} : memref<128x128xf32, #tpu.memory_space<vmem>>, vector<1x16xf32>,
        %get3A_524 = vector.shape_cast %get3A_523 : vector<1x16xf32> to vector<16xf32>
        %mul3A_525 = arith.constant 16 : i32
        %mul3A_526 = arith.muli %scan3A_24, %mul3A_525 : i32
        %add3A_527 = arith.constant 1 : i32
        %add3A_528 = arith.addi %mul3A_526, %add3A_527 : i32
        %get3A_529 = arith.index_cast %add3A_528 : i32 to index
        %get3A_530 = arith.constant 48 : index
        %get3A_531 = tpu.vector_load %arg7[%get3A_529, %get3A_530] {strides = array<i32>} : memref<128x128xf32, #tpu.memory_space<vmem>>, vector<1x16xf32>,
        %get3A_532 = vector.shape_cast %get3A_531 : vector<1x16xf32> to vector<16xf32>
        %max3A_533 = arith.maximumf %get3A_524, %get3A_532 : vector<16xf32>
        %min3A_534 = arith.minimumf %get3A_524, %get3A_532 : vector<16xf32>
        %mul3A_535 = arith.constant 16 : i32
        %mul3A_536 = arith.muli %scan3A_24, %mul3A_535 : i32
        %add3A_537 = arith.constant 2 : i32
        %add3A_538 = arith.addi %mul3A_536, %add3A_537 : i32
        %get3A_539 = arith.index_cast %add3A_538 : i32 to index
        %get3A_540 = arith.constant 48 : index
        %get3A_541 = tpu.vector_load %arg7[%get3A_539, %get3A_540] {strides = array<i32>} : memref<128x128xf32, #tpu.memory_space<vmem>>, vector<1x16xf32>,
        %get3A_542 = vector.shape_cast %get3A_541 : vector<1x16xf32> to vector<16xf32>
        %max3A_543 = arith.maximumf %max3A_533, %get3A_542 : vector<16xf32>
        %min3A_544 = arith.minimumf %min3A_534, %get3A_542 : vector<16xf32>
        %mul3A_545 = arith.constant 16 : i32
        %mul3A_546 = arith.muli %scan3A_24, %mul3A_545 : i32
        %add3A_547 = arith.constant 3 : i32
        %add3A_548 = arith.addi %mul3A_546, %add3A_547 : i32
        %get3A_549 = arith.index_cast %add3A_548 : i32 to index
        %get3A_550 = arith.constant 48 : index
        %get3A_551 = tpu.vector_load %arg7[%get3A_549, %get3A_550] {strides = array<i32>} : memref<128x128xf32, #tpu.memory_space<vmem>>, vector<1x16xf32>,
        %get3A_552 = vector.shape_cast %get3A_551 : vector<1x16xf32> to vector<16xf32>
        %max3A_553 = arith.maximumf %max3A_543, %get3A_552 : vector<16xf32>
        %min3A_554 = arith.minimumf %min3A_544, %get3A_552 : vector<16xf32>
        %mul3A_555 = arith.constant 16 : i32
        %mul3A_556 = arith.muli %scan3A_24, %mul3A_555 : i32
        %add3A_557 = arith.constant 4 : i32
        %add3A_558 = arith.addi %mul3A_556, %add3A_557 : i32
        %get3A_559 = arith.index_cast %add3A_558 : i32 to index
        %get3A_560 = arith.constant 48 : index
        %get3A_561 = tpu.vector_load %arg7[%get3A_559, %get3A_560] {strides = array<i32>} : memref<128x128xf32, #tpu.memory_space<vmem>>, vector<1x16xf32>,
        %get3A_562 = vector.shape_cast %get3A_561 : vector<1x16xf32> to vector<16xf32>
        %max3A_563 = arith.maximumf %max3A_553, %get3A_562 : vector<16xf32>
        %min3A_564 = arith.minimumf %min3A_554, %get3A_562 : vector<16xf32>
        %mul3A_565 = arith.constant 16 : i32
        %mul3A_566 = arith.muli %scan3A_24, %mul3A_565 : i32
        %add3A_567 = arith.constant 5 : i32
        %add3A_568 = arith.addi %mul3A_566, %add3A_567 : i32
        %get3A_569 = arith.index_cast %add3A_568 : i32 to index
        %get3A_570 = arith.constant 48 : index
        %get3A_571 = tpu.vector_load %arg7[%get3A_569, %get3A_570] {strides = array<i32>} : memref<128x128xf32, #tpu.memory_space<vmem>>, vector<1x16xf32>,
        %get3A_572 = vector.shape_cast %get3A_571 : vector<1x16xf32> to vector<16xf32>
        %max3A_573 = arith.maximumf %max3A_563, %get3A_572 : vector<16xf32>
        %min3A_574 = arith.minimumf %min3A_564, %get3A_572 : vector<16xf32>
        %mul3A_575 = arith.constant 16 : i32
        %mul3A_576 = arith.muli %scan3A_24, %mul3A_575 : i32
        %add3A_577 = arith.constant 6 : i32
        %add3A_578 = arith.addi %mul3A_576, %add3A_577 : i32
        %get3A_579 = arith.index_cast %add3A_578 : i32 to index
        %get3A_580 = arith.constant 48 : index
        %get3A_581 = tpu.vector_load %arg7[%get3A_579, %get3A_580] {strides = array<i32>} : memref<128x128xf32, #tpu.memory_space<vmem>>, vector<1x16xf32>,
        %get3A_582 = vector.shape_cast %get3A_581 : vector<1x16xf32> to vector<16xf32>
        %max3A_583 = arith.maximumf %max3A_573, %get3A_582 : vector<16xf32>
        %min3A_584 = arith.minimumf %min3A_574, %get3A_582 : vector<16xf32>
        %mul3A_585 = arith.constant 16 : i32
        %mul3A_586 = arith.muli %scan3A_24, %mul3A_585 : i32
        %add3A_587 = arith.constant 7 : i32
        %add3A_588 = arith.addi %mul3A_586, %add3A_587 : i32
        %get3A_589 = arith.index_cast %add3A_588 : i32 to index
        %get3A_590 = arith.constant 48 : index
        %get3A_591 = tpu.vector_load %arg7[%get3A_589, %get3A_590] {strides = array<i32>} : memref<128x128xf32, #tpu.memory_space<vmem>>, vector<1x16xf32>,
        %get3A_592 = vector.shape_cast %get3A_591 : vector<1x16xf32> to vector<16xf32>
        %max3A_593 = arith.maximumf %max3A_583, %get3A_592 : vector<16xf32>
        %min3A_594 = arith.minimumf %min3A_584, %get3A_592 : vector<16xf32>
        %mul3A_595 = arith.constant 16 : i32
        %mul3A_596 = arith.muli %scan3A_24, %mul3A_595 : i32
        %add3A_597 = arith.constant 8 : i32
        %add3A_598 = arith.addi %mul3A_596, %add3A_597 : i32
        %get3A_599 = arith.index_cast %add3A_598 : i32 to index
        %get3A_600 = arith.constant 48 : index
        %get3A_601 = tpu.vector_load %arg7[%get3A_599, %get3A_600] {strides = array<i32>} : memref<128x128xf32, #tpu.memory_space<vmem>>, vector<1x16xf32>,
        %get3A_602 = vector.shape_cast %get3A_601 : vector<1x16xf32> to vector<16xf32>
        %max3A_603 = arith.maximumf %max3A_593, %get3A_602 : vector<16xf32>
        %min3A_604 = arith.minimumf %min3A_594, %get3A_602 : vector<16xf32>
        %mul3A_605 = arith.constant 16 : i32
        %mul3A_606 = arith.muli %scan3A_24, %mul3A_605 : i32
        %add3A_607 = arith.constant 9 : i32
        %add3A_608 = arith.addi %mul3A_606, %add3A_607 : i32
        %get3A_609 = arith.index_cast %add3A_608 : i32 to index
        %get3A_610 = arith.constant 48 : index
        %get3A_611 = tpu.vector_load %arg7[%get3A_609, %get3A_610] {strides = array<i32>} : memref<128x128xf32, #tpu.memory_space<vmem>>, vector<1x16xf32>,
        %get3A_612 = vector.shape_cast %get3A_611 : vector<1x16xf32> to vector<16xf32>
        %max3A_613 = arith.maximumf %max3A_603, %get3A_612 : vector<16xf32>
        %min3A_614 = arith.minimumf %min3A_604, %get3A_612 : vector<16xf32>
        %mul3A_615 = arith.constant 16 : i32
        %mul3A_616 = arith.muli %scan3A_24, %mul3A_615 : i32
        %add3A_617 = arith.constant 10 : i32
        %add3A_618 = arith.addi %mul3A_616, %add3A_617 : i32
        %get3A_619 = arith.index_cast %add3A_618 : i32 to index
        %get3A_620 = arith.constant 48 : index
        %get3A_621 = tpu.vector_load %arg7[%get3A_619, %get3A_620] {strides = array<i32>} : memref<128x128xf32, #tpu.memory_space<vmem>>, vector<1x16xf32>,
        %get3A_622 = vector.shape_cast %get3A_621 : vector<1x16xf32> to vector<16xf32>
        %max3A_623 = arith.maximumf %max3A_613, %get3A_622 : vector<16xf32>
        %min3A_624 = arith.minimumf %min3A_614, %get3A_622 : vector<16xf32>
        %mul3A_625 = arith.constant 16 : i32
        %mul3A_626 = arith.muli %scan3A_24, %mul3A_625 : i32
        %add3A_627 = arith.constant 11 : i32
        %add3A_628 = arith.addi %mul3A_626, %add3A_627 : i32
        %get3A_629 = arith.index_cast %add3A_628 : i32 to index
        %get3A_630 = arith.constant 48 : index
        %get3A_631 = tpu.vector_load %arg7[%get3A_629, %get3A_630] {strides = array<i32>} : memref<128x128xf32, #tpu.memory_space<vmem>>, vector<1x16xf32>,
        %get3A_632 = vector.shape_cast %get3A_631 : vector<1x16xf32> to vector<16xf32>
        %max3A_633 = arith.maximumf %max3A_623, %get3A_632 : vector<16xf32>
        %min3A_634 = arith.minimumf %min3A_624, %get3A_632 : vector<16xf32>
        %mul3A_635 = arith.constant 16 : i32
        %mul3A_636 = arith.muli %scan3A_24, %mul3A_635 : i32
        %add3A_637 = arith.constant 12 : i32
        %add3A_638 = arith.addi %mul3A_636, %add3A_637 : i32
        %get3A_639 = arith.index_cast %add3A_638 : i32 to index
        %get3A_640 = arith.constant 48 : index
        %get3A_641 = tpu.vector_load %arg7[%get3A_639, %get3A_640] {strides = array<i32>} : memref<128x128xf32, #tpu.memory_space<vmem>>, vector<1x16xf32>,
        %get3A_642 = vector.shape_cast %get3A_641 : vector<1x16xf32> to vector<16xf32>
        %max3A_643 = arith.maximumf %max3A_633, %get3A_642 : vector<16xf32>
        %min3A_644 = arith.minimumf %min3A_634, %get3A_642 : vector<16xf32>
        %mul3A_645 = arith.constant 16 : i32
        %mul3A_646 = arith.muli %scan3A_24, %mul3A_645 : i32
        %add3A_647 = arith.constant 13 : i32
        %add3A_648 = arith.addi %mul3A_646, %add3A_647 : i32
        %get3A_649 = arith.index_cast %add3A_648 : i32 to index
        %get3A_650 = arith.constant 48 : index
        %get3A_651 = tpu.vector_load %arg7[%get3A_649, %get3A_650] {strides = array<i32>} : memref<128x128xf32, #tpu.memory_space<vmem>>, vector<1x16xf32>,
        %get3A_652 = vector.shape_cast %get3A_651 : vector<1x16xf32> to vector<16xf32>
        %max3A_653 = arith.maximumf %max3A_643, %get3A_652 : vector<16xf32>
        %min3A_654 = arith.minimumf %min3A_644, %get3A_652 : vector<16xf32>
        %mul3A_655 = arith.constant 16 : i32
        %mul3A_656 = arith.muli %scan3A_24, %mul3A_655 : i32
        %add3A_657 = arith.constant 14 : i32
        %add3A_658 = arith.addi %mul3A_656, %add3A_657 : i32
        %get3A_659 = arith.index_cast %add3A_658 : i32 to index
        %get3A_660 = arith.constant 48 : index
        %get3A_661 = tpu.vector_load %arg7[%get3A_659, %get3A_660] {strides = array<i32>} : memref<128x128xf32, #tpu.memory_space<vmem>>, vector<1x16xf32>,
        %get3A_662 = vector.shape_cast %get3A_661 : vector<1x16xf32> to vector<16xf32>
        %max3A_663 = arith.maximumf %max3A_653, %get3A_662 : vector<16xf32>
        %min3A_664 = arith.minimumf %min3A_654, %get3A_662 : vector<16xf32>
        %mul3A_665 = arith.constant 16 : i32
        %mul3A_666 = arith.muli %scan3A_24, %mul3A_665 : i32
        %add3A_667 = arith.constant 15 : i32
        %add3A_668 = arith.addi %mul3A_666, %add3A_667 : i32
        %get3A_669 = arith.index_cast %add3A_668 : i32 to index
        %get3A_670 = arith.constant 48 : index
        %get3A_671 = tpu.vector_load %arg7[%get3A_669, %get3A_670] {strides = array<i32>} : memref<128x128xf32, #tpu.memory_space<vmem>>, vector<1x16xf32>,
        %get3A_672 = vector.shape_cast %get3A_671 : vector<1x16xf32> to vector<16xf32>
        %max3A_673 = arith.maximumf %max3A_663, %get3A_672 : vector<16xf32>
        %min3A_674 = arith.minimumf %min3A_664, %get3A_672 : vector<16xf32>
        %swap3A_675 = arith.index_cast %scan3A_24 : i32 to index
        %swap3A_676 = arith.constant 48 : index
        %swap3A_677 = tpu.vector_load %arg8[%swap3A_675, %swap3A_676] {strides = array<i32>} : memref<8x64xf32, #tpu.memory_space<vmem>>, vector<1x16xf32>,
        %swap3A_678 = vector.shape_cast %swap3A_677 : vector<1x16xf32> to vector<16xf32>
        %swap3A_679 = vector.shape_cast %max3A_673 : vector<16xf32> to vector<1x16xf32>
        tpu.vector_store %arg8[%swap3A_675, %swap3A_676], %swap3A_679 {strides = array<i32>} : memref<8x64xf32, #tpu.memory_space<vmem>>, vector<1x16xf32>,
        %swap3A_680 = arith.index_cast %scan3A_24 : i32 to index
        %swap3A_681 = arith.constant 48 : index
        %swap3A_682 = tpu.vector_load %arg9[%swap3A_680, %swap3A_681] {strides = array<i32>} : memref<8x64xf32, #tpu.memory_space<vmem>>, vector<1x16xf32>,
        %swap3A_683 = vector.shape_cast %swap3A_682 : vector<1x16xf32> to vector<16xf32>
        %swap3A_684 = vector.shape_cast %min3A_674 : vector<16xf32> to vector<1x16xf32>
        tpu.vector_store %arg9[%swap3A_680, %swap3A_681], %swap3A_684 {strides = array<i32>} : memref<8x64xf32, #tpu.memory_space<vmem>>, vector<1x16xf32>,
      }
      %scan3A_23 = arith.constant 8 : i32
      "tpu.region"() ({
        %run_scoped3A = tpu.sem_alloc : memref<!tpu.dma_semaphore, #tpu.memory_space<semaphore_mem>>
        %dma_start3A_24 = arith.constant 0 : i32
        %dma_start3A_25 = tpu.memref_slice %arg4[%add3A_11, %dma_start3A_24] : memref<10240x64xf32, #tpu.memory_space<hbm>> -> memref<8x64xf32, #tpu.memory_space<hbm>>
        %dma_start3A_26 = arith.constant 0 : i32
        %dma_start3A_27 = tpu.memref_slice %arg4[%add3A_11, %dma_start3A_26] : memref<10240x64xf32, #tpu.memory_space<hbm>> -> memref<8x64xf32, #tpu.memory_space<hbm>>
        tpu.enqueue_dma source(%arg8 : memref<8x64xf32, #tpu.memory_space<vmem>>) target(%dma_start3A_27 : memref<8x64xf32, #tpu.memory_space<hbm>>) target_semaphore(%run_scoped3A : memref<!tpu.dma_semaphore, #tpu.memory_space<semaphore_mem>>)
        %dma_wait3A_28 = arith.constant 0 : i32
        %dma_wait3A_29 = tpu.memref_slice %arg4[%add3A_11, %dma_wait3A_28] : memref<10240x64xf32, #tpu.memory_space<hbm>> -> memref<8x64xf32, #tpu.memory_space<hbm>>
        %dma_wait3A_30 = arith.constant 0 : i32
        %dma_wait3A_31 = tpu.memref_slice %arg4[%add3A_11, %dma_wait3A_30] : memref<10240x64xf32, #tpu.memory_space<hbm>> -> memref<8x64xf32, #tpu.memory_space<hbm>>
        tpu.wait_dma2 semaphore(%run_scoped3A : memref<!tpu.dma_semaphore, #tpu.memory_space<semaphore_mem>>) src(%arg8 : memref<8x64xf32, #tpu.memory_space<vmem>>) dst(%dma_wait3A_31 : memref<8x64xf32, #tpu.memory_space<hbm>>)
        tpu.yield
      }) : () -> ()
      "tpu.region"() ({
        %run_scoped3A = tpu.sem_alloc : memref<!tpu.dma_semaphore, #tpu.memory_space<semaphore_mem>>
        %dma_start3A_24 = arith.constant 0 : i32
        %dma_start3A_25 = tpu.memref_slice %arg5[%add3A_11, %dma_start3A_24] : memref<10240x64xf32, #tpu.memory_space<hbm>> -> memref<8x64xf32, #tpu.memory_space<hbm>>
        %dma_start3A_26 = arith.constant 0 : i32
        %dma_start3A_27 = tpu.memref_slice %arg5[%add3A_11, %dma_start3A_26] : memref<10240x64xf32, #tpu.memory_space<hbm>> -> memref<8x64xf32, #tpu.memory_space<hbm>>
        tpu.enqueue_dma source(%arg9 : memref<8x64xf32, #tpu.memory_space<vmem>>) target(%dma_start3A_27 : memref<8x64xf32, #tpu.memory_space<hbm>>) target_semaphore(%run_scoped3A : memref<!tpu.dma_semaphore, #tpu.memory_space<semaphore_mem>>)
        %dma_wait3A_28 = arith.constant 0 : i32
        %dma_wait3A_29 = tpu.memref_slice %arg5[%add3A_11, %dma_wait3A_28] : memref<10240x64xf32, #tpu.memory_space<hbm>> -> memref<8x64xf32, #tpu.memory_space<hbm>>
        %dma_wait3A_30 = arith.constant 0 : i32
        %dma_wait3A_31 = tpu.memref_slice %arg5[%add3A_11, %dma_wait3A_30] : memref<10240x64xf32, #tpu.memory_space<hbm>> -> memref<8x64xf32, #tpu.memory_space<hbm>>
        tpu.wait_dma2 semaphore(%run_scoped3A : memref<!tpu.dma_semaphore, #tpu.memory_space<semaphore_mem>>) src(%arg9 : memref<8x64xf32, #tpu.memory_space<vmem>>) dst(%dma_wait3A_31 : memref<8x64xf32, #tpu.memory_space<hbm>>)
        tpu.yield
      }) : () -> ()
    }
    %scan3A_5 = arith.constant 40 : i32
    return
  }
}

module attributes {stable_mosaic.version = 14 : i64} {
  func.func @_knn_body(%arg0: i32, %arg1: memref<20xi32, #tpu.memory_space<smem>>, %arg2: memref<20xi32, #tpu.memory_space<smem>>, %arg3: memref<1x10240xi32, #tpu.memory_space<vmem>>, %arg4: memref<1x10240xf32, #tpu.memory_space<vmem>>, %arg5: memref<512x1xi32, #tpu.memory_space<vmem>>, %arg6: memref<512x1xf32, #tpu.memory_space<vmem>>, %arg7: memref<10240x128xf32, #tpu.memory_space<vmem>>, %arg8: memref<512x128xf32, #tpu.memory_space<vmem>>, %arg9: memref<128x64xf32, #tpu.memory_space<vmem>>, %arg10: memref<128x64xf32, #tpu.memory_space<vmem>>, %arg11: memref<1x64xf32, #tpu.memory_space<vmem>>, %arg12: memref<512x16xi32, #tpu.memory_space<vmem>>, %arg13: memref<512x64xf32, #tpu.memory_space<vmem>>, %arg14: memref<512x128xf32, #tpu.memory_space<vmem>>) attributes {dimension_semantics = [#tpu.dimension_semantics<arbitrary>], iteration_bounds = array<i64: 20>, scalar_prefetch = 0 : i64, scratch_operands = 0 : i64, tpu.core_type = #tpu.core_type<tc>, window_params = [{transform_indices = @transform_0, window_bounds = array<i64: 20>}, {transform_indices = @transform_1, window_bounds = array<i64: 20>}, {pipeline_mode = #tpu.pipeline_mode<synchronous>, transform_indices = @transform_2, window_bounds = array<i64: 1, 10240>}, {pipeline_mode = #tpu.pipeline_mode<synchronous>, transform_indices = @transform_3, window_bounds = array<i64: 1, 10240>}, {transform_indices = @transform_4, window_bounds = array<i64: 512, 1>}, {transform_indices = @transform_5, window_bounds = array<i64: 512, 1>}, {pipeline_mode = #tpu.pipeline_mode<synchronous>, transform_indices = @transform_6, window_bounds = array<i64: 10240, 128>}, {transform_indices = @transform_7, window_bounds = array<i64: 512, 128>}, {pipeline_mode = #tpu.pipeline_mode<synchronous>, transform_indices = @transform_8, window_bounds = array<i64: 128, 64>}, {pipeline_mode = #tpu.pipeline_mode<synchronous>, transform_indices = @transform_9, window_bounds = array<i64: 128, 64>}, {pipeline_mode = #tpu.pipeline_mode<synchronous>, transform_indices = @transform_10, window_bounds = array<i64: 1, 64>}, {transform_indices = @transform_11, window_bounds = array<i64: 512, 16>}, {transform_indices = @transform_12, window_bounds = array<i64: 512, 64>}, {transform_indices = @transform_13, window_bounds = array<i64: 512, 128>}]} {
    %get3A = arith.constant 0 : index
    %get3A_0 = arith.constant 0 : index
    %get3A_1 = vector.load %arg8[%get3A, %get3A_0] : memref<512x128xf32, #tpu.memory_space<vmem>>, vector<512x128xf32>
    %get3A_2 = arith.constant 0 : index
    %get3A_3 = arith.constant 0 : index
    %get3A_4 = vector.load %arg9[%get3A_2, %get3A_3] : memref<128x64xf32, #tpu.memory_space<vmem>>, vector<128x64xf32>
    %dot_general3A = arith.constant dense<0.000000e+00> : vector<512x64xf32>
    %dot_general3A_5 = tpu.matmul %get3A_1, %get3A_4, %dot_general3A {dimension_numbers = #tpu.dot_dimension_numbers<[1], [0], [0], [1], [0, 0, 1, 1], [], []>, transpose_lhs_hint = false} : vector<512x128xf32>, vector<128x64xf32>, vector<512x64xf32> -> vector<512x64xf32>
    %get3A_6 = arith.constant 0 : index
    %get3A_7 = arith.constant 0 : index
    %get3A_8 = vector.load %arg11[%get3A_6, %get3A_7] : memref<1x64xf32, #tpu.memory_space<vmem>>, vector<1x64xf32>
    %add3A = vector.broadcast %get3A_8 : vector<1x64xf32> to vector<512x64xf32>
    %add3A_9 = arith.addf %dot_general3A_5, %add3A : vector<512x64xf32>
    %swap3A = arith.constant 0 : index
    %swap3A_10 = arith.constant 0 : index
    %swap3A_11 = vector.load %arg13[%swap3A, %swap3A_10] : memref<512x64xf32, #tpu.memory_space<vmem>>, vector<512x64xf32>
    tpu.vector_store %arg13[%swap3A, %swap3A_10], %add3A_9 {strides = array<i32>} : memref<512x64xf32, #tpu.memory_space<vmem>>, vector<512x64xf32>,
    %get3A_12 = arith.constant 0 : index
    %get3A_13 = arith.constant 0 : index
    %get3A_14 = vector.load %arg10[%get3A_12, %get3A_13] : memref<128x64xf32, #tpu.memory_space<vmem>>, vector<128x64xf32>
    %dot_general3A_15 = arith.constant dense<0.000000e+00> : vector<512x64xf32>
    %dot_general3A_16 = tpu.matmul %get3A_1, %get3A_14, %dot_general3A_15 {dimension_numbers = #tpu.dot_dimension_numbers<[1], [0], [0], [1], [0, 0, 1, 1], [], []>, transpose_lhs_hint = false} : vector<512x128xf32>, vector<128x64xf32>, vector<512x64xf32> -> vector<512x64xf32>
    %broadcast_in_dim3A = arith.constant 0.000000e+00 : f32
    %broadcast_in_dim3A_17 = vector.broadcast %broadcast_in_dim3A : f32 to vector<512x64xf32>
    %concatenate3A = tpu.concatenate %dot_general3A_16, %broadcast_in_dim3A_17 in 1 : vector<512x64xf32>, vector<512x64xf32> -> vector<512x128xf32>
    %swap3A_18 = arith.constant 0 : index
    %swap3A_19 = arith.constant 0 : index
    %swap3A_20 = vector.load %arg14[%swap3A_18, %swap3A_19] : memref<512x128xf32, #tpu.memory_space<vmem>>, vector<512x128xf32>
    tpu.vector_store %arg14[%swap3A_18, %swap3A_19], %concatenate3A {strides = array<i32>} : memref<512x128xf32, #tpu.memory_space<vmem>>, vector<512x128xf32>,
    %get3A_21 = arith.index_cast %arg0 : i32 to index
    %get3A_22 = memref.load %arg1[%get3A_21] : memref<20xi32, #tpu.memory_space<smem>>
    %get3A_23 = arith.index_cast %arg0 : i32 to index
    %get3A_24 = memref.load %arg2[%get3A_23] : memref<20xi32, #tpu.memory_space<smem>>
    %jit3A = arith.constant 512 : i32
    %div3A = arith.divsi %get3A_22, %jit3A : i32
    %sign3A = arith.constant 0 : i32
    %sign3A_25 = arith.cmpi sgt, %get3A_22, %sign3A : i32
    %sign3A_26 = arith.extui %sign3A_25 : i1 to i32
    %sign3A_27 = arith.constant 0 : i32
    %sign3A_28 = arith.cmpi slt, %get3A_22, %sign3A_27 : i32
    %sign3A_29 = arith.extui %sign3A_28 : i1 to i32
    %sign3A_30 = arith.subi %sign3A_26, %sign3A_29 : i32
    %sign3A_31 = arith.constant 0 : i32
    %sign3A_32 = arith.cmpi sgt, %jit3A, %sign3A_31 : i32
    %sign3A_33 = arith.extui %sign3A_32 : i1 to i32
    %sign3A_34 = arith.constant 0 : i32
    %sign3A_35 = arith.cmpi slt, %jit3A, %sign3A_34 : i32
    %sign3A_36 = arith.extui %sign3A_35 : i1 to i32
    %sign3A_37 = arith.subi %sign3A_33, %sign3A_36 : i32
    %ne3A = arith.cmpi ne, %sign3A_30, %sign3A_37 : i32
    %rem3A = arith.remsi %get3A_22, %jit3A : i32
    %ne3A_38 = arith.constant 0 : i32
    %ne3A_39 = arith.cmpi ne, %rem3A, %ne3A_38 : i32
    %and3A = arith.andi %ne3A, %ne3A_39 : i1
    %sub3A = arith.constant 1 : i32
    %sub3A_40 = arith.subi %div3A, %sub3A : i32
    %select_n3A = arith.select %and3A, %sub3A_40, %div3A : i32
    %add3A_41 = arith.constant 512 : i32
    %add3A_42 = arith.addi %get3A_24, %add3A_41 : i32
    %sub3A_43 = arith.constant 1 : i32
    %sub3A_44 = arith.subi %add3A_42, %sub3A_43 : i32
    %jit3A_45 = arith.constant 512 : i32
    %div3A_46 = arith.divsi %sub3A_44, %jit3A_45 : i32
    %sign3A_47 = arith.constant 0 : i32
    %sign3A_48 = arith.cmpi sgt, %sub3A_44, %sign3A_47 : i32
    %sign3A_49 = arith.extui %sign3A_48 : i1 to i32
    %sign3A_50 = arith.constant 0 : i32
    %sign3A_51 = arith.cmpi slt, %sub3A_44, %sign3A_50 : i32
    %sign3A_52 = arith.extui %sign3A_51 : i1 to i32
    %sign3A_53 = arith.subi %sign3A_49, %sign3A_52 : i32
    %sign3A_54 = arith.constant 0 : i32
    %sign3A_55 = arith.cmpi sgt, %jit3A_45, %sign3A_54 : i32
    %sign3A_56 = arith.extui %sign3A_55 : i1 to i32
    %sign3A_57 = arith.constant 0 : i32
    %sign3A_58 = arith.cmpi slt, %jit3A_45, %sign3A_57 : i32
    %sign3A_59 = arith.extui %sign3A_58 : i1 to i32
    %sign3A_60 = arith.subi %sign3A_56, %sign3A_59 : i32
    %ne3A_61 = arith.cmpi ne, %sign3A_53, %sign3A_60 : i32
    %rem3A_62 = arith.remsi %sub3A_44, %jit3A_45 : i32
    %ne3A_63 = arith.constant 0 : i32
    %ne3A_64 = arith.cmpi ne, %rem3A_62, %ne3A_63 : i32
    %and3A_65 = arith.andi %ne3A_61, %ne3A_64 : i1
    %sub3A_66 = arith.constant 1 : i32
    %sub3A_67 = arith.subi %div3A_46, %sub3A_66 : i32
    %select_n3A_68 = arith.select %and3A_65, %sub3A_67, %div3A_46 : i32
    %gt3A = arith.constant 0 : i32
    %gt3A_69 = arith.cmpi sgt, %select_n3A, %gt3A : i32
    %jit3A_70 = arith.constant 1 : i32
    %jit3A_71 = arith.constant 0 : i32
    %select_n3A_72 = arith.select %gt3A_69, %jit3A_70, %jit3A_71 : i32
    %sub3A_73 = arith.subi %select_n3A_68, %select_n3A : i32
    %add3A_74 = arith.addi %sub3A_73, %select_n3A_72 : i32
    %get3A_75 = arith.constant 0 : index
    %get3A_76 = arith.constant 0 : index
    %get3A_77 = vector.load %arg5[%get3A_75, %get3A_76] : memref<512x1xi32, #tpu.memory_space<vmem>>, vector<512x1xi32>
    %get3A_78 = arith.constant 0 : index
    %get3A_79 = arith.constant 0 : index
    %get3A_80 = vector.load %arg6[%get3A_78, %get3A_79] : memref<512x1xf32, #tpu.memory_space<vmem>>, vector<512x1xf32>
    %broadcast_in_dim3A_81 = arith.constant 0xFF800000 : f32
    %broadcast_in_dim3A_82 = vector.broadcast %broadcast_in_dim3A_81 : f32 to vector<512x16xf32>
    %broadcast_in_dim3A_83 = arith.constant 1.024000e+04 : f32
    %broadcast_in_dim3A_84 = vector.broadcast %broadcast_in_dim3A_83 : f32 to vector<512x16xf32>
    %while3A = arith.constant 1.024000e+04 : f32
    %while3A_85 = arith.constant 0xFF800000 : f32
    %while3A_86 = arith.constant 0 : i32
    %while3A_87 = arith.subi %add3A_74, %while3A_86 : i32
    %while3A_88 = arith.addi %while3A_86, %while3A_87 : i32
    %while3A_89 = arith.constant 1 : i32
    %while3A_90 = arith.divsi %while3A_87, %while3A_89 : i32
    %while3A_91 = arith.muli %while3A_90, %while3A_89 : i32
    %while3A_92 = arith.addi %while3A_86, %while3A_91 : i32
    %while3A_93 = arith.constant 1 : i32
    %while3A_94:2 = scf.for %while3A_100 = %while3A_86 to %while3A_92 step %while3A_93 iter_args(%while3A_101 = %broadcast_in_dim3A_82, %while3A_102 = %broadcast_in_dim3A_84) -> (vector<512x16xf32>, vector<512x16xf32>)  : i32 {
      %eq3A = arith.constant 0 : i32
      %eq3A_103 = arith.cmpi eq, %while3A_100, %eq3A : i32
      %add3A_104 = arith.addi %select_n3A, %while3A_100 : i32
      %sub3A_105 = arith.subi %add3A_104, %select_n3A_72 : i32
      %jit3A_106 = arith.constant 0 : i32
      %select_n3A_107 = arith.select %eq3A_103, %jit3A_106, %sub3A_105 : i32
      %mul3A = arith.constant 512 : i32
      %mul3A_108 = arith.muli %select_n3A_107, %mul3A : i32
      %get3A_109 = arith.index_cast %mul3A_108 : i32 to index
      %get3A_110 = arith.constant 0 : index
      %get3A_111 = vector.load %arg7[%get3A_109, %get3A_110] : memref<10240x128xf32, #tpu.memory_space<vmem>>, vector<512x128xf32>
      %dot_general3A_112 = arith.constant dense<0.000000e+00> : vector<512x512xf32>
      %dot_general3A_113 = tpu.matmul %get3A_1, %get3A_111, %dot_general3A_112 {dimension_numbers = #tpu.dot_dimension_numbers<[1], [1], [0], [0], [0, 0, 1, 0], [], []>, transpose_lhs_hint = false} : vector<512x128xf32>, vector<512x128xf32>, vector<512x512xf32> -> vector<512x512xf32>
      %get3A_114 = arith.constant 0 : index
      %get3A_115 = arith.index_cast %mul3A_108 : i32 to index
      %get3A_116 = vector.load %arg4[%get3A_114, %get3A_115] : memref<1x10240xf32, #tpu.memory_space<vmem>>, vector<1x512xf32>
      %get3A_117 = arith.constant 0 : index
      %get3A_118 = arith.index_cast %mul3A_108 : i32 to index
      %get3A_119 = vector.load %arg3[%get3A_117, %get3A_118] : memref<1x10240xi32, #tpu.memory_space<vmem>>, vector<1x512xi32>
      %mul3A_120 = arith.constant 2.000000e+00 : f32
      %mul3A_121 = vector.broadcast %mul3A_120 : f32 to vector<512x512xf32>
      %mul3A_122 = arith.mulf %mul3A_121, %dot_general3A_113 : vector<512x512xf32>
      %sub3A_123 = vector.broadcast %get3A_80 : vector<512x1xf32> to vector<512x512xf32>
      %sub3A_124 = arith.subf %mul3A_122, %sub3A_123 : vector<512x512xf32>
      %sub3A_125 = vector.broadcast %get3A_116 : vector<1x512xf32> to vector<512x512xf32>
      %sub3A_126 = arith.subf %sub3A_124, %sub3A_125 : vector<512x512xf32>
      %eq3A_127 = vector.broadcast %get3A_77 : vector<512x1xi32> to vector<512x512xi32>
      %eq3A_128 = vector.broadcast %get3A_119 : vector<1x512xi32> to vector<512x512xi32>
      %eq3A_129 = arith.cmpi eq, %eq3A_127, %eq3A_128 : vector<512x512xi32>
      %jit3A_130 = arith.constant -1.000000e+30 : f32
      %broadcast_in_dim3A_131 = vector.broadcast %jit3A_130 : f32 to vector<512x512xf32>
      %select_n3A_132 = arith.select %eq3A_129, %sub3A_126, %broadcast_in_dim3A_131 : vector<512x512xi1>, vector<512x512xf32>
      %iota3A = tpu.iota {dimensions = array<i32: 1>} : vector<512x512xi32>
      %add3A_133 = vector.broadcast %mul3A_108 : i32 to vector<512x512xi32>
      %add3A_134 = arith.addi %iota3A, %add3A_133 : vector<512x512xi32>
      %convert_element_type3A_135 = arith.sitofp %add3A_134 : vector<512x512xi32> to vector<512x512xf32>
      %slice3A = vector.extract_strided_slice %select_n3A_132 {offsets = [0, 0], sizes = [64, 512], strides = [1, 1]} : vector<512x512xf32> to vector<64x512xf32>
      %slice3A_136 = vector.extract_strided_slice %while3A_101 {offsets = [0, 0], sizes = [64, 16], strides = [1, 1]} : vector<512x16xf32> to vector<64x16xf32>
      %concatenate3A_137 = tpu.concatenate %slice3A, %slice3A_136 in 1 : vector<64x512xf32>, vector<64x16xf32> -> vector<64x528xf32>
      %slice3A_138 = vector.extract_strided_slice %convert_element_type3A_135 {offsets = [0, 0], sizes = [64, 512], strides = [1, 1]} : vector<512x512xf32> to vector<64x512xf32>
      %slice3A_139 = vector.extract_strided_slice %while3A_102 {offsets = [0, 0], sizes = [64, 16], strides = [1, 1]} : vector<512x16xf32> to vector<64x16xf32>
      %concatenate3A_140 = tpu.concatenate %slice3A_138, %slice3A_139 in 1 : vector<64x512xf32>, vector<64x16xf32> -> vector<64x528xf32>
      %reduce_max3A = arith.constant dense<0xFF800000> : vector<64xf32>
      %reduce_max3A_141 = vector.multi_reduction <maximumf>, %concatenate3A_137, %reduce_max3A [1] : vector<64x528xf32> to vector<64xf32>
      %broadcast_in_dim3A_142 = vector.shape_cast %reduce_max3A_141 : vector<64xf32> to vector<64x1xf32>
      %eq3A_143 = vector.broadcast %broadcast_in_dim3A_142 : vector<64x1xf32> to vector<64x528xf32>
      %eq3A_144 = arith.cmpf oeq, %concatenate3A_137, %eq3A_143 : vector<64x528xf32>
      %broadcast_in_dim3A_145 = vector.broadcast %while3A : f32 to vector<64x528xf32>
      %select_n3A_146 = arith.select %eq3A_144, %concatenate3A_140, %broadcast_in_dim3A_145 : vector<64x528xi1>, vector<64x528xf32>
      %reduce_min3A = arith.constant dense<0x7F800000> : vector<64xf32>
      %reduce_min3A_147 = vector.multi_reduction <minimumf>, %select_n3A_146, %reduce_min3A [1] : vector<64x528xf32> to vector<64xf32>
      %broadcast_in_dim3A_148 = vector.shape_cast %reduce_min3A_147 : vector<64xf32> to vector<64x1xf32>
      %eq3A_149 = vector.broadcast %broadcast_in_dim3A_148 : vector<64x1xf32> to vector<64x528xf32>
      %eq3A_150 = arith.cmpf oeq, %concatenate3A_140, %eq3A_149 : vector<64x528xf32>
      %broadcast_in_dim3A_151 = vector.broadcast %while3A_85 : f32 to vector<64x528xf32>
      %select_n3A_152 = arith.select %eq3A_150, %broadcast_in_dim3A_151, %concatenate3A_137 : vector<64x528xi1>, vector<64x528xf32>
      %reduce_max3A_153 = arith.constant dense<0xFF800000> : vector<64xf32>
      %reduce_max3A_154 = vector.multi_reduction <maximumf>, %select_n3A_152, %reduce_max3A_153 [1] : vector<64x528xf32> to vector<64xf32>
      %broadcast_in_dim3A_155 = vector.shape_cast %reduce_max3A_154 : vector<64xf32> to vector<64x1xf32>
      %eq3A_156 = vector.broadcast %broadcast_in_dim3A_155 : vector<64x1xf32> to vector<64x528xf32>
      %eq3A_157 = arith.cmpf oeq, %select_n3A_152, %eq3A_156 : vector<64x528xf32>
      %broadcast_in_dim3A_158 = vector.broadcast %while3A : f32 to vector<64x528xf32>
      %select_n3A_159 = arith.select %eq3A_157, %concatenate3A_140, %broadcast_in_dim3A_158 : vector<64x528xi1>, vector<64x528xf32>
      %reduce_min3A_160 = arith.constant dense<0x7F800000> : vector<64xf32>
      %reduce_min3A_161 = vector.multi_reduction <minimumf>, %select_n3A_159, %reduce_min3A_160 [1] : vector<64x528xf32> to vector<64xf32>
      %broadcast_in_dim3A_162 = vector.shape_cast %reduce_min3A_161 : vector<64xf32> to vector<64x1xf32>
      %eq3A_163 = vector.broadcast %broadcast_in_dim3A_162 : vector<64x1xf32> to vector<64x528xf32>
      %eq3A_164 = arith.cmpf oeq, %concatenate3A_140, %eq3A_163 : vector<64x528xf32>
      %broadcast_in_dim3A_165 = vector.broadcast %while3A_85 : f32 to vector<64x528xf32>
      %select_n3A_166 = arith.select %eq3A_164, %broadcast_in_dim3A_165, %select_n3A_152 : vector<64x528xi1>, vector<64x528xf32>
      %reduce_max3A_167 = arith.constant dense<0xFF800000> : vector<64xf32>
      %reduce_max3A_168 = vector.multi_reduction <maximumf>, %select_n3A_166, %reduce_max3A_167 [1] : vector<64x528xf32> to vector<64xf32>
      %broadcast_in_dim3A_169 = vector.shape_cast %reduce_max3A_168 : vector<64xf32> to vector<64x1xf32>
      %eq3A_170 = vector.broadcast %broadcast_in_dim3A_169 : vector<64x1xf32> to vector<64x528xf32>
      %eq3A_171 = arith.cmpf oeq, %select_n3A_166, %eq3A_170 : vector<64x528xf32>
      %broadcast_in_dim3A_172 = vector.broadcast %while3A : f32 to vector<64x528xf32>
      %select_n3A_173 = arith.select %eq3A_171, %concatenate3A_140, %broadcast_in_dim3A_172 : vector<64x528xi1>, vector<64x528xf32>
      %reduce_min3A_174 = arith.constant dense<0x7F800000> : vector<64xf32>
      %reduce_min3A_175 = vector.multi_reduction <minimumf>, %select_n3A_173, %reduce_min3A_174 [1] : vector<64x528xf32> to vector<64xf32>
      %broadcast_in_dim3A_176 = vector.shape_cast %reduce_min3A_175 : vector<64xf32> to vector<64x1xf32>
      %eq3A_177 = vector.broadcast %broadcast_in_dim3A_176 : vector<64x1xf32> to vector<64x528xf32>
      %eq3A_178 = arith.cmpf oeq, %concatenate3A_140, %eq3A_177 : vector<64x528xf32>
      %broadcast_in_dim3A_179 = vector.broadcast %while3A_85 : f32 to vector<64x528xf32>
      %select_n3A_180 = arith.select %eq3A_178, %broadcast_in_dim3A_179, %select_n3A_166 : vector<64x528xi1>, vector<64x528xf32>
      %reduce_max3A_181 = arith.constant dense<0xFF800000> : vector<64xf32>
      %reduce_max3A_182 = vector.multi_reduction <maximumf>, %select_n3A_180, %reduce_max3A_181 [1] : vector<64x528xf32> to vector<64xf32>
      %broadcast_in_dim3A_183 = vector.shape_cast %reduce_max3A_182 : vector<64xf32> to vector<64x1xf32>
      %eq3A_184 = vector.broadcast %broadcast_in_dim3A_183 : vector<64x1xf32> to vector<64x528xf32>
      %eq3A_185 = arith.cmpf oeq, %select_n3A_180, %eq3A_184 : vector<64x528xf32>
      %broadcast_in_dim3A_186 = vector.broadcast %while3A : f32 to vector<64x528xf32>
      %select_n3A_187 = arith.select %eq3A_185, %concatenate3A_140, %broadcast_in_dim3A_186 : vector<64x528xi1>, vector<64x528xf32>
      %reduce_min3A_188 = arith.constant dense<0x7F800000> : vector<64xf32>
      %reduce_min3A_189 = vector.multi_reduction <minimumf>, %select_n3A_187, %reduce_min3A_188 [1] : vector<64x528xf32> to vector<64xf32>
      %broadcast_in_dim3A_190 = vector.shape_cast %reduce_min3A_189 : vector<64xf32> to vector<64x1xf32>
      %eq3A_191 = vector.broadcast %broadcast_in_dim3A_190 : vector<64x1xf32> to vector<64x528xf32>
      %eq3A_192 = arith.cmpf oeq, %concatenate3A_140, %eq3A_191 : vector<64x528xf32>
      %broadcast_in_dim3A_193 = vector.broadcast %while3A_85 : f32 to vector<64x528xf32>
      %select_n3A_194 = arith.select %eq3A_192, %broadcast_in_dim3A_193, %select_n3A_180 : vector<64x528xi1>, vector<64x528xf32>
      %reduce_max3A_195 = arith.constant dense<0xFF800000> : vector<64xf32>
      %reduce_max3A_196 = vector.multi_reduction <maximumf>, %select_n3A_194, %reduce_max3A_195 [1] : vector<64x528xf32> to vector<64xf32>
      %broadcast_in_dim3A_197 = vector.shape_cast %reduce_max3A_196 : vector<64xf32> to vector<64x1xf32>
      %eq3A_198 = vector.broadcast %broadcast_in_dim3A_197 : vector<64x1xf32> to vector<64x528xf32>
      %eq3A_199 = arith.cmpf oeq, %select_n3A_194, %eq3A_198 : vector<64x528xf32>
      %broadcast_in_dim3A_200 = vector.broadcast %while3A : f32 to vector<64x528xf32>
      %select_n3A_201 = arith.select %eq3A_199, %concatenate3A_140, %broadcast_in_dim3A_200 : vector<64x528xi1>, vector<64x528xf32>
      %reduce_min3A_202 = arith.constant dense<0x7F800000> : vector<64xf32>
      %reduce_min3A_203 = vector.multi_reduction <minimumf>, %select_n3A_201, %reduce_min3A_202 [1] : vector<64x528xf32> to vector<64xf32>
      %broadcast_in_dim3A_204 = vector.shape_cast %reduce_min3A_203 : vector<64xf32> to vector<64x1xf32>
      %eq3A_205 = vector.broadcast %broadcast_in_dim3A_204 : vector<64x1xf32> to vector<64x528xf32>
      %eq3A_206 = arith.cmpf oeq, %concatenate3A_140, %eq3A_205 : vector<64x528xf32>
      %broadcast_in_dim3A_207 = vector.broadcast %while3A_85 : f32 to vector<64x528xf32>
      %select_n3A_208 = arith.select %eq3A_206, %broadcast_in_dim3A_207, %select_n3A_194 : vector<64x528xi1>, vector<64x528xf32>
      %reduce_max3A_209 = arith.constant dense<0xFF800000> : vector<64xf32>
      %reduce_max3A_210 = vector.multi_reduction <maximumf>, %select_n3A_208, %reduce_max3A_209 [1] : vector<64x528xf32> to vector<64xf32>
      %broadcast_in_dim3A_211 = vector.shape_cast %reduce_max3A_210 : vector<64xf32> to vector<64x1xf32>
      %eq3A_212 = vector.broadcast %broadcast_in_dim3A_211 : vector<64x1xf32> to vector<64x528xf32>
      %eq3A_213 = arith.cmpf oeq, %select_n3A_208, %eq3A_212 : vector<64x528xf32>
      %broadcast_in_dim3A_214 = vector.broadcast %while3A : f32 to vector<64x528xf32>
      %select_n3A_215 = arith.select %eq3A_213, %concatenate3A_140, %broadcast_in_dim3A_214 : vector<64x528xi1>, vector<64x528xf32>
      %reduce_min3A_216 = arith.constant dense<0x7F800000> : vector<64xf32>
      %reduce_min3A_217 = vector.multi_reduction <minimumf>, %select_n3A_215, %reduce_min3A_216 [1] : vector<64x528xf32> to vector<64xf32>
      %broadcast_in_dim3A_218 = vector.shape_cast %reduce_min3A_217 : vector<64xf32> to vector<64x1xf32>
      %eq3A_219 = vector.broadcast %broadcast_in_dim3A_218 : vector<64x1xf32> to vector<64x528xf32>
      %eq3A_220 = arith.cmpf oeq, %concatenate3A_140, %eq3A_219 : vector<64x528xf32>
      %broadcast_in_dim3A_221 = vector.broadcast %while3A_85 : f32 to vector<64x528xf32>
      %select_n3A_222 = arith.select %eq3A_220, %broadcast_in_dim3A_221, %select_n3A_208 : vector<64x528xi1>, vector<64x528xf32>
      %reduce_max3A_223 = arith.constant dense<0xFF800000> : vector<64xf32>
      %reduce_max3A_224 = vector.multi_reduction <maximumf>, %select_n3A_222, %reduce_max3A_223 [1] : vector<64x528xf32> to vector<64xf32>
      %broadcast_in_dim3A_225 = vector.shape_cast %reduce_max3A_224 : vector<64xf32> to vector<64x1xf32>
      %eq3A_226 = vector.broadcast %broadcast_in_dim3A_225 : vector<64x1xf32> to vector<64x528xf32>
      %eq3A_227 = arith.cmpf oeq, %select_n3A_222, %eq3A_226 : vector<64x528xf32>
      %broadcast_in_dim3A_228 = vector.broadcast %while3A : f32 to vector<64x528xf32>
      %select_n3A_229 = arith.select %eq3A_227, %concatenate3A_140, %broadcast_in_dim3A_228 : vector<64x528xi1>, vector<64x528xf32>
      %reduce_min3A_230 = arith.constant dense<0x7F800000> : vector<64xf32>
      %reduce_min3A_231 = vector.multi_reduction <minimumf>, %select_n3A_229, %reduce_min3A_230 [1] : vector<64x528xf32> to vector<64xf32>
      %broadcast_in_dim3A_232 = vector.shape_cast %reduce_min3A_231 : vector<64xf32> to vector<64x1xf32>
      %eq3A_233 = vector.broadcast %broadcast_in_dim3A_232 : vector<64x1xf32> to vector<64x528xf32>
      %eq3A_234 = arith.cmpf oeq, %concatenate3A_140, %eq3A_233 : vector<64x528xf32>
      %broadcast_in_dim3A_235 = vector.broadcast %while3A_85 : f32 to vector<64x528xf32>
      %select_n3A_236 = arith.select %eq3A_234, %broadcast_in_dim3A_235, %select_n3A_222 : vector<64x528xi1>, vector<64x528xf32>
      %reduce_max3A_237 = arith.constant dense<0xFF800000> : vector<64xf32>
      %reduce_max3A_238 = vector.multi_reduction <maximumf>, %select_n3A_236, %reduce_max3A_237 [1] : vector<64x528xf32> to vector<64xf32>
      %broadcast_in_dim3A_239 = vector.shape_cast %reduce_max3A_238 : vector<64xf32> to vector<64x1xf32>
      %eq3A_240 = vector.broadcast %broadcast_in_dim3A_239 : vector<64x1xf32> to vector<64x528xf32>
      %eq3A_241 = arith.cmpf oeq, %select_n3A_236, %eq3A_240 : vector<64x528xf32>
      %broadcast_in_dim3A_242 = vector.broadcast %while3A : f32 to vector<64x528xf32>
      %select_n3A_243 = arith.select %eq3A_241, %concatenate3A_140, %broadcast_in_dim3A_242 : vector<64x528xi1>, vector<64x528xf32>
      %reduce_min3A_244 = arith.constant dense<0x7F800000> : vector<64xf32>
      %reduce_min3A_245 = vector.multi_reduction <minimumf>, %select_n3A_243, %reduce_min3A_244 [1] : vector<64x528xf32> to vector<64xf32>
      %broadcast_in_dim3A_246 = vector.shape_cast %reduce_min3A_245 : vector<64xf32> to vector<64x1xf32>
      %eq3A_247 = vector.broadcast %broadcast_in_dim3A_246 : vector<64x1xf32> to vector<64x528xf32>
      %eq3A_248 = arith.cmpf oeq, %concatenate3A_140, %eq3A_247 : vector<64x528xf32>
      %broadcast_in_dim3A_249 = vector.broadcast %while3A_85 : f32 to vector<64x528xf32>
      %select_n3A_250 = arith.select %eq3A_248, %broadcast_in_dim3A_249, %select_n3A_236 : vector<64x528xi1>, vector<64x528xf32>
      %reduce_max3A_251 = arith.constant dense<0xFF800000> : vector<64xf32>
      %reduce_max3A_252 = vector.multi_reduction <maximumf>, %select_n3A_250, %reduce_max3A_251 [1] : vector<64x528xf32> to vector<64xf32>
      %broadcast_in_dim3A_253 = vector.shape_cast %reduce_max3A_252 : vector<64xf32> to vector<64x1xf32>
      %eq3A_254 = vector.broadcast %broadcast_in_dim3A_253 : vector<64x1xf32> to vector<64x528xf32>
      %eq3A_255 = arith.cmpf oeq, %select_n3A_250, %eq3A_254 : vector<64x528xf32>
      %broadcast_in_dim3A_256 = vector.broadcast %while3A : f32 to vector<64x528xf32>
      %select_n3A_257 = arith.select %eq3A_255, %concatenate3A_140, %broadcast_in_dim3A_256 : vector<64x528xi1>, vector<64x528xf32>
      %reduce_min3A_258 = arith.constant dense<0x7F800000> : vector<64xf32>
      %reduce_min3A_259 = vector.multi_reduction <minimumf>, %select_n3A_257, %reduce_min3A_258 [1] : vector<64x528xf32> to vector<64xf32>
      %broadcast_in_dim3A_260 = vector.shape_cast %reduce_min3A_259 : vector<64xf32> to vector<64x1xf32>
      %eq3A_261 = vector.broadcast %broadcast_in_dim3A_260 : vector<64x1xf32> to vector<64x528xf32>
      %eq3A_262 = arith.cmpf oeq, %concatenate3A_140, %eq3A_261 : vector<64x528xf32>
      %broadcast_in_dim3A_263 = vector.broadcast %while3A_85 : f32 to vector<64x528xf32>
      %select_n3A_264 = arith.select %eq3A_262, %broadcast_in_dim3A_263, %select_n3A_250 : vector<64x528xi1>, vector<64x528xf32>
      %reduce_max3A_265 = arith.constant dense<0xFF800000> : vector<64xf32>
      %reduce_max3A_266 = vector.multi_reduction <maximumf>, %select_n3A_264, %reduce_max3A_265 [1] : vector<64x528xf32> to vector<64xf32>
      %broadcast_in_dim3A_267 = vector.shape_cast %reduce_max3A_266 : vector<64xf32> to vector<64x1xf32>
      %eq3A_268 = vector.broadcast %broadcast_in_dim3A_267 : vector<64x1xf32> to vector<64x528xf32>
      %eq3A_269 = arith.cmpf oeq, %select_n3A_264, %eq3A_268 : vector<64x528xf32>
      %broadcast_in_dim3A_270 = vector.broadcast %while3A : f32 to vector<64x528xf32>
      %select_n3A_271 = arith.select %eq3A_269, %concatenate3A_140, %broadcast_in_dim3A_270 : vector<64x528xi1>, vector<64x528xf32>
      %reduce_min3A_272 = arith.constant dense<0x7F800000> : vector<64xf32>
      %reduce_min3A_273 = vector.multi_reduction <minimumf>, %select_n3A_271, %reduce_min3A_272 [1] : vector<64x528xf32> to vector<64xf32>
      %broadcast_in_dim3A_274 = vector.shape_cast %reduce_min3A_273 : vector<64xf32> to vector<64x1xf32>
      %eq3A_275 = vector.broadcast %broadcast_in_dim3A_274 : vector<64x1xf32> to vector<64x528xf32>
      %eq3A_276 = arith.cmpf oeq, %concatenate3A_140, %eq3A_275 : vector<64x528xf32>
      %broadcast_in_dim3A_277 = vector.broadcast %while3A_85 : f32 to vector<64x528xf32>
      %select_n3A_278 = arith.select %eq3A_276, %broadcast_in_dim3A_277, %select_n3A_264 : vector<64x528xi1>, vector<64x528xf32>
      %reduce_max3A_279 = arith.constant dense<0xFF800000> : vector<64xf32>
      %reduce_max3A_280 = vector.multi_reduction <maximumf>, %select_n3A_278, %reduce_max3A_279 [1] : vector<64x528xf32> to vector<64xf32>
      %broadcast_in_dim3A_281 = vector.shape_cast %reduce_max3A_280 : vector<64xf32> to vector<64x1xf32>
      %eq3A_282 = vector.broadcast %broadcast_in_dim3A_281 : vector<64x1xf32> to vector<64x528xf32>
      %eq3A_283 = arith.cmpf oeq, %select_n3A_278, %eq3A_282 : vector<64x528xf32>
      %broadcast_in_dim3A_284 = vector.broadcast %while3A : f32 to vector<64x528xf32>
      %select_n3A_285 = arith.select %eq3A_283, %concatenate3A_140, %broadcast_in_dim3A_284 : vector<64x528xi1>, vector<64x528xf32>
      %reduce_min3A_286 = arith.constant dense<0x7F800000> : vector<64xf32>
      %reduce_min3A_287 = vector.multi_reduction <minimumf>, %select_n3A_285, %reduce_min3A_286 [1] : vector<64x528xf32> to vector<64xf32>
      %broadcast_in_dim3A_288 = vector.shape_cast %reduce_min3A_287 : vector<64xf32> to vector<64x1xf32>
      %eq3A_289 = vector.broadcast %broadcast_in_dim3A_288 : vector<64x1xf32> to vector<64x528xf32>
      %eq3A_290 = arith.cmpf oeq, %concatenate3A_140, %eq3A_289 : vector<64x528xf32>
      %broadcast_in_dim3A_291 = vector.broadcast %while3A_85 : f32 to vector<64x528xf32>
      %select_n3A_292 = arith.select %eq3A_290, %broadcast_in_dim3A_291, %select_n3A_278 : vector<64x528xi1>, vector<64x528xf32>
      %reduce_max3A_293 = arith.constant dense<0xFF800000> : vector<64xf32>
      %reduce_max3A_294 = vector.multi_reduction <maximumf>, %select_n3A_292, %reduce_max3A_293 [1] : vector<64x528xf32> to vector<64xf32>
      %broadcast_in_dim3A_295 = vector.shape_cast %reduce_max3A_294 : vector<64xf32> to vector<64x1xf32>
      %eq3A_296 = vector.broadcast %broadcast_in_dim3A_295 : vector<64x1xf32> to vector<64x528xf32>
      %eq3A_297 = arith.cmpf oeq, %select_n3A_292, %eq3A_296 : vector<64x528xf32>
      %broadcast_in_dim3A_298 = vector.broadcast %while3A : f32 to vector<64x528xf32>
      %select_n3A_299 = arith.select %eq3A_297, %concatenate3A_140, %broadcast_in_dim3A_298 : vector<64x528xi1>, vector<64x528xf32>
      %reduce_min3A_300 = arith.constant dense<0x7F800000> : vector<64xf32>
      %reduce_min3A_301 = vector.multi_reduction <minimumf>, %select_n3A_299, %reduce_min3A_300 [1] : vector<64x528xf32> to vector<64xf32>
      %broadcast_in_dim3A_302 = vector.shape_cast %reduce_min3A_301 : vector<64xf32> to vector<64x1xf32>
      %eq3A_303 = vector.broadcast %broadcast_in_dim3A_302 : vector<64x1xf32> to vector<64x528xf32>
      %eq3A_304 = arith.cmpf oeq, %concatenate3A_140, %eq3A_303 : vector<64x528xf32>
      %broadcast_in_dim3A_305 = vector.broadcast %while3A_85 : f32 to vector<64x528xf32>
      %select_n3A_306 = arith.select %eq3A_304, %broadcast_in_dim3A_305, %select_n3A_292 : vector<64x528xi1>, vector<64x528xf32>
      %reduce_max3A_307 = arith.constant dense<0xFF800000> : vector<64xf32>
      %reduce_max3A_308 = vector.multi_reduction <maximumf>, %select_n3A_306, %reduce_max3A_307 [1] : vector<64x528xf32> to vector<64xf32>
      %broadcast_in_dim3A_309 = vector.shape_cast %reduce_max3A_308 : vector<64xf32> to vector<64x1xf32>
      %eq3A_310 = vector.broadcast %broadcast_in_dim3A_309 : vector<64x1xf32> to vector<64x528xf32>
      %eq3A_311 = arith.cmpf oeq, %select_n3A_306, %eq3A_310 : vector<64x528xf32>
      %broadcast_in_dim3A_312 = vector.broadcast %while3A : f32 to vector<64x528xf32>
      %select_n3A_313 = arith.select %eq3A_311, %concatenate3A_140, %broadcast_in_dim3A_312 : vector<64x528xi1>, vector<64x528xf32>
      %reduce_min3A_314 = arith.constant dense<0x7F800000> : vector<64xf32>
      %reduce_min3A_315 = vector.multi_reduction <minimumf>, %select_n3A_313, %reduce_min3A_314 [1] : vector<64x528xf32> to vector<64xf32>
      %broadcast_in_dim3A_316 = vector.shape_cast %reduce_min3A_315 : vector<64xf32> to vector<64x1xf32>
      %eq3A_317 = vector.broadcast %broadcast_in_dim3A_316 : vector<64x1xf32> to vector<64x528xf32>
      %eq3A_318 = arith.cmpf oeq, %concatenate3A_140, %eq3A_317 : vector<64x528xf32>
      %broadcast_in_dim3A_319 = vector.broadcast %while3A_85 : f32 to vector<64x528xf32>
      %select_n3A_320 = arith.select %eq3A_318, %broadcast_in_dim3A_319, %select_n3A_306 : vector<64x528xi1>, vector<64x528xf32>
      %reduce_max3A_321 = arith.constant dense<0xFF800000> : vector<64xf32>
      %reduce_max3A_322 = vector.multi_reduction <maximumf>, %select_n3A_320, %reduce_max3A_321 [1] : vector<64x528xf32> to vector<64xf32>
      %broadcast_in_dim3A_323 = vector.shape_cast %reduce_max3A_322 : vector<64xf32> to vector<64x1xf32>
      %eq3A_324 = vector.broadcast %broadcast_in_dim3A_323 : vector<64x1xf32> to vector<64x528xf32>
      %eq3A_325 = arith.cmpf oeq, %select_n3A_320, %eq3A_324 : vector<64x528xf32>
      %broadcast_in_dim3A_326 = vector.broadcast %while3A : f32 to vector<64x528xf32>
      %select_n3A_327 = arith.select %eq3A_325, %concatenate3A_140, %broadcast_in_dim3A_326 : vector<64x528xi1>, vector<64x528xf32>
      %reduce_min3A_328 = arith.constant dense<0x7F800000> : vector<64xf32>
      %reduce_min3A_329 = vector.multi_reduction <minimumf>, %select_n3A_327, %reduce_min3A_328 [1] : vector<64x528xf32> to vector<64xf32>
      %broadcast_in_dim3A_330 = vector.shape_cast %reduce_min3A_329 : vector<64xf32> to vector<64x1xf32>
      %eq3A_331 = vector.broadcast %broadcast_in_dim3A_330 : vector<64x1xf32> to vector<64x528xf32>
      %eq3A_332 = arith.cmpf oeq, %concatenate3A_140, %eq3A_331 : vector<64x528xf32>
      %broadcast_in_dim3A_333 = vector.broadcast %while3A_85 : f32 to vector<64x528xf32>
      %select_n3A_334 = arith.select %eq3A_332, %broadcast_in_dim3A_333, %select_n3A_320 : vector<64x528xi1>, vector<64x528xf32>
      %reduce_max3A_335 = arith.constant dense<0xFF800000> : vector<64xf32>
      %reduce_max3A_336 = vector.multi_reduction <maximumf>, %select_n3A_334, %reduce_max3A_335 [1] : vector<64x528xf32> to vector<64xf32>
      %broadcast_in_dim3A_337 = vector.shape_cast %reduce_max3A_336 : vector<64xf32> to vector<64x1xf32>
      %eq3A_338 = vector.broadcast %broadcast_in_dim3A_337 : vector<64x1xf32> to vector<64x528xf32>
      %eq3A_339 = arith.cmpf oeq, %select_n3A_334, %eq3A_338 : vector<64x528xf32>
      %broadcast_in_dim3A_340 = vector.broadcast %while3A : f32 to vector<64x528xf32>
      %select_n3A_341 = arith.select %eq3A_339, %concatenate3A_140, %broadcast_in_dim3A_340 : vector<64x528xi1>, vector<64x528xf32>
      %reduce_min3A_342 = arith.constant dense<0x7F800000> : vector<64xf32>
      %reduce_min3A_343 = vector.multi_reduction <minimumf>, %select_n3A_341, %reduce_min3A_342 [1] : vector<64x528xf32> to vector<64xf32>
      %broadcast_in_dim3A_344 = vector.shape_cast %reduce_min3A_343 : vector<64xf32> to vector<64x1xf32>
      %eq3A_345 = vector.broadcast %broadcast_in_dim3A_344 : vector<64x1xf32> to vector<64x528xf32>
      %eq3A_346 = arith.cmpf oeq, %concatenate3A_140, %eq3A_345 : vector<64x528xf32>
      %broadcast_in_dim3A_347 = vector.broadcast %while3A_85 : f32 to vector<64x528xf32>
      %select_n3A_348 = arith.select %eq3A_346, %broadcast_in_dim3A_347, %select_n3A_334 : vector<64x528xi1>, vector<64x528xf32>
      %reduce_max3A_349 = arith.constant dense<0xFF800000> : vector<64xf32>
      %reduce_max3A_350 = vector.multi_reduction <maximumf>, %select_n3A_348, %reduce_max3A_349 [1] : vector<64x528xf32> to vector<64xf32>
      %broadcast_in_dim3A_351 = vector.shape_cast %reduce_max3A_350 : vector<64xf32> to vector<64x1xf32>
      %eq3A_352 = vector.broadcast %broadcast_in_dim3A_351 : vector<64x1xf32> to vector<64x528xf32>
      %eq3A_353 = arith.cmpf oeq, %select_n3A_348, %eq3A_352 : vector<64x528xf32>
      %broadcast_in_dim3A_354 = vector.broadcast %while3A : f32 to vector<64x528xf32>
      %select_n3A_355 = arith.select %eq3A_353, %concatenate3A_140, %broadcast_in_dim3A_354 : vector<64x528xi1>, vector<64x528xf32>
      %reduce_min3A_356 = arith.constant dense<0x7F800000> : vector<64xf32>
      %reduce_min3A_357 = vector.multi_reduction <minimumf>, %select_n3A_355, %reduce_min3A_356 [1] : vector<64x528xf32> to vector<64xf32>
      %broadcast_in_dim3A_358 = vector.shape_cast %reduce_min3A_357 : vector<64xf32> to vector<64x1xf32>
      %eq3A_359 = vector.broadcast %broadcast_in_dim3A_358 : vector<64x1xf32> to vector<64x528xf32>
      %eq3A_360 = arith.cmpf oeq, %concatenate3A_140, %eq3A_359 : vector<64x528xf32>
      %broadcast_in_dim3A_361 = vector.broadcast %while3A_85 : f32 to vector<64x528xf32>
      %select_n3A_362 = arith.select %eq3A_360, %broadcast_in_dim3A_361, %select_n3A_348 : vector<64x528xi1>, vector<64x528xf32>
      %concatenate3A_363 = tpu.concatenate %broadcast_in_dim3A_142, %broadcast_in_dim3A_155, %broadcast_in_dim3A_169, %broadcast_in_dim3A_183, %broadcast_in_dim3A_197, %broadcast_in_dim3A_211, %broadcast_in_dim3A_225, %broadcast_in_dim3A_239, %broadcast_in_dim3A_253, %broadcast_in_dim3A_267, %broadcast_in_dim3A_281, %broadcast_in_dim3A_295, %broadcast_in_dim3A_309, %broadcast_in_dim3A_323, %broadcast_in_dim3A_337, %broadcast_in_dim3A_351 in 1 : vector<64x1xf32>, vector<64x1xf32>, vector<64x1xf32>, vector<64x1xf32>, vector<64x1xf32>, vector<64x1xf32>, vector<64x1xf32>, vector<64x1xf32>, vector<64x1xf32>, vector<64x1xf32>, vector<64x1xf32>, vector<64x1xf32>, vector<64x1xf32>, vector<64x1xf32>, vector<64x1xf32>, vector<64x1xf32> -> vector<64x16xf32>
      %concatenate3A_364 = tpu.concatenate %broadcast_in_dim3A_148, %broadcast_in_dim3A_162, %broadcast_in_dim3A_176, %broadcast_in_dim3A_190, %broadcast_in_dim3A_204, %broadcast_in_dim3A_218, %broadcast_in_dim3A_232, %broadcast_in_dim3A_246, %broadcast_in_dim3A_260, %broadcast_in_dim3A_274, %broadcast_in_dim3A_288, %broadcast_in_dim3A_302, %broadcast_in_dim3A_316, %broadcast_in_dim3A_330, %broadcast_in_dim3A_344, %broadcast_in_dim3A_358 in 1 : vector<64x1xf32>, vector<64x1xf32>, vector<64x1xf32>, vector<64x1xf32>, vector<64x1xf32>, vector<64x1xf32>, vector<64x1xf32>, vector<64x1xf32>, vector<64x1xf32>, vector<64x1xf32>, vector<64x1xf32>, vector<64x1xf32>, vector<64x1xf32>, vector<64x1xf32>, vector<64x1xf32>, vector<64x1xf32> -> vector<64x16xf32>
      %slice3A_365 = vector.extract_strided_slice %select_n3A_132 {offsets = [64, 0], sizes = [64, 512], strides = [1, 1]} : vector<512x512xf32> to vector<64x512xf32>
      %slice3A_366 = vector.extract_strided_slice %while3A_101 {offsets = [64, 0], sizes = [64, 16], strides = [1, 1]} : vector<512x16xf32> to vector<64x16xf32>
      %concatenate3A_367 = tpu.concatenate %slice3A_365, %slice3A_366 in 1 : vector<64x512xf32>, vector<64x16xf32> -> vector<64x528xf32>
      %slice3A_368 = vector.extract_strided_slice %convert_element_type3A_135 {offsets = [64, 0], sizes = [64, 512], strides = [1, 1]} : vector<512x512xf32> to vector<64x512xf32>
      %slice3A_369 = vector.extract_strided_slice %while3A_102 {offsets = [64, 0], sizes = [64, 16], strides = [1, 1]} : vector<512x16xf32> to vector<64x16xf32>
      %concatenate3A_370 = tpu.concatenate %slice3A_368, %slice3A_369 in 1 : vector<64x512xf32>, vector<64x16xf32> -> vector<64x528xf32>
      %reduce_max3A_371 = arith.constant dense<0xFF800000> : vector<64xf32>
      %reduce_max3A_372 = vector.multi_reduction <maximumf>, %concatenate3A_367, %reduce_max3A_371 [1] : vector<64x528xf32> to vector<64xf32>
      %broadcast_in_dim3A_373 = vector.shape_cast %reduce_max3A_372 : vector<64xf32> to vector<64x1xf32>
      %eq3A_374 = vector.broadcast %broadcast_in_dim3A_373 : vector<64x1xf32> to vector<64x528xf32>
      %eq3A_375 = arith.cmpf oeq, %concatenate3A_367, %eq3A_374 : vector<64x528xf32>
      %broadcast_in_dim3A_376 = vector.broadcast %while3A : f32 to vector<64x528xf32>
      %select_n3A_377 = arith.select %eq3A_375, %concatenate3A_370, %broadcast_in_dim3A_376 : vector<64x528xi1>, vector<64x528xf32>
      %reduce_min3A_378 = arith.constant dense<0x7F800000> : vector<64xf32>
      %reduce_min3A_379 = vector.multi_reduction <minimumf>, %select_n3A_377, %reduce_min3A_378 [1] : vector<64x528xf32> to vector<64xf32>
      %broadcast_in_dim3A_380 = vector.shape_cast %reduce_min3A_379 : vector<64xf32> to vector<64x1xf32>
      %eq3A_381 = vector.broadcast %broadcast_in_dim3A_380 : vector<64x1xf32> to vector<64x528xf32>
      %eq3A_382 = arith.cmpf oeq, %concatenate3A_370, %eq3A_381 : vector<64x528xf32>
      %broadcast_in_dim3A_383 = vector.broadcast %while3A_85 : f32 to vector<64x528xf32>
      %select_n3A_384 = arith.select %eq3A_382, %broadcast_in_dim3A_383, %concatenate3A_367 : vector<64x528xi1>, vector<64x528xf32>
      %reduce_max3A_385 = arith.constant dense<0xFF800000> : vector<64xf32>
      %reduce_max3A_386 = vector.multi_reduction <maximumf>, %select_n3A_384, %reduce_max3A_385 [1] : vector<64x528xf32> to vector<64xf32>
      %broadcast_in_dim3A_387 = vector.shape_cast %reduce_max3A_386 : vector<64xf32> to vector<64x1xf32>
      %eq3A_388 = vector.broadcast %broadcast_in_dim3A_387 : vector<64x1xf32> to vector<64x528xf32>
      %eq3A_389 = arith.cmpf oeq, %select_n3A_384, %eq3A_388 : vector<64x528xf32>
      %broadcast_in_dim3A_390 = vector.broadcast %while3A : f32 to vector<64x528xf32>
      %select_n3A_391 = arith.select %eq3A_389, %concatenate3A_370, %broadcast_in_dim3A_390 : vector<64x528xi1>, vector<64x528xf32>
      %reduce_min3A_392 = arith.constant dense<0x7F800000> : vector<64xf32>
      %reduce_min3A_393 = vector.multi_reduction <minimumf>, %select_n3A_391, %reduce_min3A_392 [1] : vector<64x528xf32> to vector<64xf32>
      %broadcast_in_dim3A_394 = vector.shape_cast %reduce_min3A_393 : vector<64xf32> to vector<64x1xf32>
      %eq3A_395 = vector.broadcast %broadcast_in_dim3A_394 : vector<64x1xf32> to vector<64x528xf32>
      %eq3A_396 = arith.cmpf oeq, %concatenate3A_370, %eq3A_395 : vector<64x528xf32>
      %broadcast_in_dim3A_397 = vector.broadcast %while3A_85 : f32 to vector<64x528xf32>
      %select_n3A_398 = arith.select %eq3A_396, %broadcast_in_dim3A_397, %select_n3A_384 : vector<64x528xi1>, vector<64x528xf32>
      %reduce_max3A_399 = arith.constant dense<0xFF800000> : vector<64xf32>
      %reduce_max3A_400 = vector.multi_reduction <maximumf>, %select_n3A_398, %reduce_max3A_399 [1] : vector<64x528xf32> to vector<64xf32>
      %broadcast_in_dim3A_401 = vector.shape_cast %reduce_max3A_400 : vector<64xf32> to vector<64x1xf32>
      %eq3A_402 = vector.broadcast %broadcast_in_dim3A_401 : vector<64x1xf32> to vector<64x528xf32>
      %eq3A_403 = arith.cmpf oeq, %select_n3A_398, %eq3A_402 : vector<64x528xf32>
      %broadcast_in_dim3A_404 = vector.broadcast %while3A : f32 to vector<64x528xf32>
      %select_n3A_405 = arith.select %eq3A_403, %concatenate3A_370, %broadcast_in_dim3A_404 : vector<64x528xi1>, vector<64x528xf32>
      %reduce_min3A_406 = arith.constant dense<0x7F800000> : vector<64xf32>
      %reduce_min3A_407 = vector.multi_reduction <minimumf>, %select_n3A_405, %reduce_min3A_406 [1] : vector<64x528xf32> to vector<64xf32>
      %broadcast_in_dim3A_408 = vector.shape_cast %reduce_min3A_407 : vector<64xf32> to vector<64x1xf32>
      %eq3A_409 = vector.broadcast %broadcast_in_dim3A_408 : vector<64x1xf32> to vector<64x528xf32>
      %eq3A_410 = arith.cmpf oeq, %concatenate3A_370, %eq3A_409 : vector<64x528xf32>
      %broadcast_in_dim3A_411 = vector.broadcast %while3A_85 : f32 to vector<64x528xf32>
      %select_n3A_412 = arith.select %eq3A_410, %broadcast_in_dim3A_411, %select_n3A_398 : vector<64x528xi1>, vector<64x528xf32>
      %reduce_max3A_413 = arith.constant dense<0xFF800000> : vector<64xf32>
      %reduce_max3A_414 = vector.multi_reduction <maximumf>, %select_n3A_412, %reduce_max3A_413 [1] : vector<64x528xf32> to vector<64xf32>
      %broadcast_in_dim3A_415 = vector.shape_cast %reduce_max3A_414 : vector<64xf32> to vector<64x1xf32>
      %eq3A_416 = vector.broadcast %broadcast_in_dim3A_415 : vector<64x1xf32> to vector<64x528xf32>
      %eq3A_417 = arith.cmpf oeq, %select_n3A_412, %eq3A_416 : vector<64x528xf32>
      %broadcast_in_dim3A_418 = vector.broadcast %while3A : f32 to vector<64x528xf32>
      %select_n3A_419 = arith.select %eq3A_417, %concatenate3A_370, %broadcast_in_dim3A_418 : vector<64x528xi1>, vector<64x528xf32>
      %reduce_min3A_420 = arith.constant dense<0x7F800000> : vector<64xf32>
      %reduce_min3A_421 = vector.multi_reduction <minimumf>, %select_n3A_419, %reduce_min3A_420 [1] : vector<64x528xf32> to vector<64xf32>
      %broadcast_in_dim3A_422 = vector.shape_cast %reduce_min3A_421 : vector<64xf32> to vector<64x1xf32>
      %eq3A_423 = vector.broadcast %broadcast_in_dim3A_422 : vector<64x1xf32> to vector<64x528xf32>
      %eq3A_424 = arith.cmpf oeq, %concatenate3A_370, %eq3A_423 : vector<64x528xf32>
      %broadcast_in_dim3A_425 = vector.broadcast %while3A_85 : f32 to vector<64x528xf32>
      %select_n3A_426 = arith.select %eq3A_424, %broadcast_in_dim3A_425, %select_n3A_412 : vector<64x528xi1>, vector<64x528xf32>
      %reduce_max3A_427 = arith.constant dense<0xFF800000> : vector<64xf32>
      %reduce_max3A_428 = vector.multi_reduction <maximumf>, %select_n3A_426, %reduce_max3A_427 [1] : vector<64x528xf32> to vector<64xf32>
      %broadcast_in_dim3A_429 = vector.shape_cast %reduce_max3A_428 : vector<64xf32> to vector<64x1xf32>
      %eq3A_430 = vector.broadcast %broadcast_in_dim3A_429 : vector<64x1xf32> to vector<64x528xf32>
      %eq3A_431 = arith.cmpf oeq, %select_n3A_426, %eq3A_430 : vector<64x528xf32>
      %broadcast_in_dim3A_432 = vector.broadcast %while3A : f32 to vector<64x528xf32>
      %select_n3A_433 = arith.select %eq3A_431, %concatenate3A_370, %broadcast_in_dim3A_432 : vector<64x528xi1>, vector<64x528xf32>
      %reduce_min3A_434 = arith.constant dense<0x7F800000> : vector<64xf32>
      %reduce_min3A_435 = vector.multi_reduction <minimumf>, %select_n3A_433, %reduce_min3A_434 [1] : vector<64x528xf32> to vector<64xf32>
      %broadcast_in_dim3A_436 = vector.shape_cast %reduce_min3A_435 : vector<64xf32> to vector<64x1xf32>
      %eq3A_437 = vector.broadcast %broadcast_in_dim3A_436 : vector<64x1xf32> to vector<64x528xf32>
      %eq3A_438 = arith.cmpf oeq, %concatenate3A_370, %eq3A_437 : vector<64x528xf32>
      %broadcast_in_dim3A_439 = vector.broadcast %while3A_85 : f32 to vector<64x528xf32>
      %select_n3A_440 = arith.select %eq3A_438, %broadcast_in_dim3A_439, %select_n3A_426 : vector<64x528xi1>, vector<64x528xf32>
      %reduce_max3A_441 = arith.constant dense<0xFF800000> : vector<64xf32>
      %reduce_max3A_442 = vector.multi_reduction <maximumf>, %select_n3A_440, %reduce_max3A_441 [1] : vector<64x528xf32> to vector<64xf32>
      %broadcast_in_dim3A_443 = vector.shape_cast %reduce_max3A_442 : vector<64xf32> to vector<64x1xf32>
      %eq3A_444 = vector.broadcast %broadcast_in_dim3A_443 : vector<64x1xf32> to vector<64x528xf32>
      %eq3A_445 = arith.cmpf oeq, %select_n3A_440, %eq3A_444 : vector<64x528xf32>
      %broadcast_in_dim3A_446 = vector.broadcast %while3A : f32 to vector<64x528xf32>
      %select_n3A_447 = arith.select %eq3A_445, %concatenate3A_370, %broadcast_in_dim3A_446 : vector<64x528xi1>, vector<64x528xf32>
      %reduce_min3A_448 = arith.constant dense<0x7F800000> : vector<64xf32>
      %reduce_min3A_449 = vector.multi_reduction <minimumf>, %select_n3A_447, %reduce_min3A_448 [1] : vector<64x528xf32> to vector<64xf32>
      %broadcast_in_dim3A_450 = vector.shape_cast %reduce_min3A_449 : vector<64xf32> to vector<64x1xf32>
      %eq3A_451 = vector.broadcast %broadcast_in_dim3A_450 : vector<64x1xf32> to vector<64x528xf32>
      %eq3A_452 = arith.cmpf oeq, %concatenate3A_370, %eq3A_451 : vector<64x528xf32>
      %broadcast_in_dim3A_453 = vector.broadcast %while3A_85 : f32 to vector<64x528xf32>
      %select_n3A_454 = arith.select %eq3A_452, %broadcast_in_dim3A_453, %select_n3A_440 : vector<64x528xi1>, vector<64x528xf32>
      %reduce_max3A_455 = arith.constant dense<0xFF800000> : vector<64xf32>
      %reduce_max3A_456 = vector.multi_reduction <maximumf>, %select_n3A_454, %reduce_max3A_455 [1] : vector<64x528xf32> to vector<64xf32>
      %broadcast_in_dim3A_457 = vector.shape_cast %reduce_max3A_456 : vector<64xf32> to vector<64x1xf32>
      %eq3A_458 = vector.broadcast %broadcast_in_dim3A_457 : vector<64x1xf32> to vector<64x528xf32>
      %eq3A_459 = arith.cmpf oeq, %select_n3A_454, %eq3A_458 : vector<64x528xf32>
      %broadcast_in_dim3A_460 = vector.broadcast %while3A : f32 to vector<64x528xf32>
      %select_n3A_461 = arith.select %eq3A_459, %concatenate3A_370, %broadcast_in_dim3A_460 : vector<64x528xi1>, vector<64x528xf32>
      %reduce_min3A_462 = arith.constant dense<0x7F800000> : vector<64xf32>
      %reduce_min3A_463 = vector.multi_reduction <minimumf>, %select_n3A_461, %reduce_min3A_462 [1] : vector<64x528xf32> to vector<64xf32>
      %broadcast_in_dim3A_464 = vector.shape_cast %reduce_min3A_463 : vector<64xf32> to vector<64x1xf32>
      %eq3A_465 = vector.broadcast %broadcast_in_dim3A_464 : vector<64x1xf32> to vector<64x528xf32>
      %eq3A_466 = arith.cmpf oeq, %concatenate3A_370, %eq3A_465 : vector<64x528xf32>
      %broadcast_in_dim3A_467 = vector.broadcast %while3A_85 : f32 to vector<64x528xf32>
      %select_n3A_468 = arith.select %eq3A_466, %broadcast_in_dim3A_467, %select_n3A_454 : vector<64x528xi1>, vector<64x528xf32>
      %reduce_max3A_469 = arith.constant dense<0xFF800000> : vector<64xf32>
      %reduce_max3A_470 = vector.multi_reduction <maximumf>, %select_n3A_468, %reduce_max3A_469 [1] : vector<64x528xf32> to vector<64xf32>
      %broadcast_in_dim3A_471 = vector.shape_cast %reduce_max3A_470 : vector<64xf32> to vector<64x1xf32>
      %eq3A_472 = vector.broadcast %broadcast_in_dim3A_471 : vector<64x1xf32> to vector<64x528xf32>
      %eq3A_473 = arith.cmpf oeq, %select_n3A_468, %eq3A_472 : vector<64x528xf32>
      %broadcast_in_dim3A_474 = vector.broadcast %while3A : f32 to vector<64x528xf32>
      %select_n3A_475 = arith.select %eq3A_473, %concatenate3A_370, %broadcast_in_dim3A_474 : vector<64x528xi1>, vector<64x528xf32>
      %reduce_min3A_476 = arith.constant dense<0x7F800000> : vector<64xf32>
      %reduce_min3A_477 = vector.multi_reduction <minimumf>, %select_n3A_475, %reduce_min3A_476 [1] : vector<64x528xf32> to vector<64xf32>
      %broadcast_in_dim3A_478 = vector.shape_cast %reduce_min3A_477 : vector<64xf32> to vector<64x1xf32>
      %eq3A_479 = vector.broadcast %broadcast_in_dim3A_478 : vector<64x1xf32> to vector<64x528xf32>
      %eq3A_480 = arith.cmpf oeq, %concatenate3A_370, %eq3A_479 : vector<64x528xf32>
      %broadcast_in_dim3A_481 = vector.broadcast %while3A_85 : f32 to vector<64x528xf32>
      %select_n3A_482 = arith.select %eq3A_480, %broadcast_in_dim3A_481, %select_n3A_468 : vector<64x528xi1>, vector<64x528xf32>
      %reduce_max3A_483 = arith.constant dense<0xFF800000> : vector<64xf32>
      %reduce_max3A_484 = vector.multi_reduction <maximumf>, %select_n3A_482, %reduce_max3A_483 [1] : vector<64x528xf32> to vector<64xf32>
      %broadcast_in_dim3A_485 = vector.shape_cast %reduce_max3A_484 : vector<64xf32> to vector<64x1xf32>
      %eq3A_486 = vector.broadcast %broadcast_in_dim3A_485 : vector<64x1xf32> to vector<64x528xf32>
      %eq3A_487 = arith.cmpf oeq, %select_n3A_482, %eq3A_486 : vector<64x528xf32>
      %broadcast_in_dim3A_488 = vector.broadcast %while3A : f32 to vector<64x528xf32>
      %select_n3A_489 = arith.select %eq3A_487, %concatenate3A_370, %broadcast_in_dim3A_488 : vector<64x528xi1>, vector<64x528xf32>
      %reduce_min3A_490 = arith.constant dense<0x7F800000> : vector<64xf32>
      %reduce_min3A_491 = vector.multi_reduction <minimumf>, %select_n3A_489, %reduce_min3A_490 [1] : vector<64x528xf32> to vector<64xf32>
      %broadcast_in_dim3A_492 = vector.shape_cast %reduce_min3A_491 : vector<64xf32> to vector<64x1xf32>
      %eq3A_493 = vector.broadcast %broadcast_in_dim3A_492 : vector<64x1xf32> to vector<64x528xf32>
      %eq3A_494 = arith.cmpf oeq, %concatenate3A_370, %eq3A_493 : vector<64x528xf32>
      %broadcast_in_dim3A_495 = vector.broadcast %while3A_85 : f32 to vector<64x528xf32>
      %select_n3A_496 = arith.select %eq3A_494, %broadcast_in_dim3A_495, %select_n3A_482 : vector<64x528xi1>, vector<64x528xf32>
      %reduce_max3A_497 = arith.constant dense<0xFF800000> : vector<64xf32>
      %reduce_max3A_498 = vector.multi_reduction <maximumf>, %select_n3A_496, %reduce_max3A_497 [1] : vector<64x528xf32> to vector<64xf32>
      %broadcast_in_dim3A_499 = vector.shape_cast %reduce_max3A_498 : vector<64xf32> to vector<64x1xf32>
      %eq3A_500 = vector.broadcast %broadcast_in_dim3A_499 : vector<64x1xf32> to vector<64x528xf32>
      %eq3A_501 = arith.cmpf oeq, %select_n3A_496, %eq3A_500 : vector<64x528xf32>
      %broadcast_in_dim3A_502 = vector.broadcast %while3A : f32 to vector<64x528xf32>
      %select_n3A_503 = arith.select %eq3A_501, %concatenate3A_370, %broadcast_in_dim3A_502 : vector<64x528xi1>, vector<64x528xf32>
      %reduce_min3A_504 = arith.constant dense<0x7F800000> : vector<64xf32>
      %reduce_min3A_505 = vector.multi_reduction <minimumf>, %select_n3A_503, %reduce_min3A_504 [1] : vector<64x528xf32> to vector<64xf32>
      %broadcast_in_dim3A_506 = vector.shape_cast %reduce_min3A_505 : vector<64xf32> to vector<64x1xf32>
      %eq3A_507 = vector.broadcast %broadcast_in_dim3A_506 : vector<64x1xf32> to vector<64x528xf32>
      %eq3A_508 = arith.cmpf oeq, %concatenate3A_370, %eq3A_507 : vector<64x528xf32>
      %broadcast_in_dim3A_509 = vector.broadcast %while3A_85 : f32 to vector<64x528xf32>
      %select_n3A_510 = arith.select %eq3A_508, %broadcast_in_dim3A_509, %select_n3A_496 : vector<64x528xi1>, vector<64x528xf32>
      %reduce_max3A_511 = arith.constant dense<0xFF800000> : vector<64xf32>
      %reduce_max3A_512 = vector.multi_reduction <maximumf>, %select_n3A_510, %reduce_max3A_511 [1] : vector<64x528xf32> to vector<64xf32>
      %broadcast_in_dim3A_513 = vector.shape_cast %reduce_max3A_512 : vector<64xf32> to vector<64x1xf32>
      %eq3A_514 = vector.broadcast %broadcast_in_dim3A_513 : vector<64x1xf32> to vector<64x528xf32>
      %eq3A_515 = arith.cmpf oeq, %select_n3A_510, %eq3A_514 : vector<64x528xf32>
      %broadcast_in_dim3A_516 = vector.broadcast %while3A : f32 to vector<64x528xf32>
      %select_n3A_517 = arith.select %eq3A_515, %concatenate3A_370, %broadcast_in_dim3A_516 : vector<64x528xi1>, vector<64x528xf32>
      %reduce_min3A_518 = arith.constant dense<0x7F800000> : vector<64xf32>
      %reduce_min3A_519 = vector.multi_reduction <minimumf>, %select_n3A_517, %reduce_min3A_518 [1] : vector<64x528xf32> to vector<64xf32>
      %broadcast_in_dim3A_520 = vector.shape_cast %reduce_min3A_519 : vector<64xf32> to vector<64x1xf32>
      %eq3A_521 = vector.broadcast %broadcast_in_dim3A_520 : vector<64x1xf32> to vector<64x528xf32>
      %eq3A_522 = arith.cmpf oeq, %concatenate3A_370, %eq3A_521 : vector<64x528xf32>
      %broadcast_in_dim3A_523 = vector.broadcast %while3A_85 : f32 to vector<64x528xf32>
      %select_n3A_524 = arith.select %eq3A_522, %broadcast_in_dim3A_523, %select_n3A_510 : vector<64x528xi1>, vector<64x528xf32>
      %reduce_max3A_525 = arith.constant dense<0xFF800000> : vector<64xf32>
      %reduce_max3A_526 = vector.multi_reduction <maximumf>, %select_n3A_524, %reduce_max3A_525 [1] : vector<64x528xf32> to vector<64xf32>
      %broadcast_in_dim3A_527 = vector.shape_cast %reduce_max3A_526 : vector<64xf32> to vector<64x1xf32>
      %eq3A_528 = vector.broadcast %broadcast_in_dim3A_527 : vector<64x1xf32> to vector<64x528xf32>
      %eq3A_529 = arith.cmpf oeq, %select_n3A_524, %eq3A_528 : vector<64x528xf32>
      %broadcast_in_dim3A_530 = vector.broadcast %while3A : f32 to vector<64x528xf32>
      %select_n3A_531 = arith.select %eq3A_529, %concatenate3A_370, %broadcast_in_dim3A_530 : vector<64x528xi1>, vector<64x528xf32>
      %reduce_min3A_532 = arith.constant dense<0x7F800000> : vector<64xf32>
      %reduce_min3A_533 = vector.multi_reduction <minimumf>, %select_n3A_531, %reduce_min3A_532 [1] : vector<64x528xf32> to vector<64xf32>
      %broadcast_in_dim3A_534 = vector.shape_cast %reduce_min3A_533 : vector<64xf32> to vector<64x1xf32>
      %eq3A_535 = vector.broadcast %broadcast_in_dim3A_534 : vector<64x1xf32> to vector<64x528xf32>
      %eq3A_536 = arith.cmpf oeq, %concatenate3A_370, %eq3A_535 : vector<64x528xf32>
      %broadcast_in_dim3A_537 = vector.broadcast %while3A_85 : f32 to vector<64x528xf32>
      %select_n3A_538 = arith.select %eq3A_536, %broadcast_in_dim3A_537, %select_n3A_524 : vector<64x528xi1>, vector<64x528xf32>
      %reduce_max3A_539 = arith.constant dense<0xFF800000> : vector<64xf32>
      %reduce_max3A_540 = vector.multi_reduction <maximumf>, %select_n3A_538, %reduce_max3A_539 [1] : vector<64x528xf32> to vector<64xf32>
      %broadcast_in_dim3A_541 = vector.shape_cast %reduce_max3A_540 : vector<64xf32> to vector<64x1xf32>
      %eq3A_542 = vector.broadcast %broadcast_in_dim3A_541 : vector<64x1xf32> to vector<64x528xf32>
      %eq3A_543 = arith.cmpf oeq, %select_n3A_538, %eq3A_542 : vector<64x528xf32>
      %broadcast_in_dim3A_544 = vector.broadcast %while3A : f32 to vector<64x528xf32>
      %select_n3A_545 = arith.select %eq3A_543, %concatenate3A_370, %broadcast_in_dim3A_544 : vector<64x528xi1>, vector<64x528xf32>
      %reduce_min3A_546 = arith.constant dense<0x7F800000> : vector<64xf32>
      %reduce_min3A_547 = vector.multi_reduction <minimumf>, %select_n3A_545, %reduce_min3A_546 [1] : vector<64x528xf32> to vector<64xf32>
      %broadcast_in_dim3A_548 = vector.shape_cast %reduce_min3A_547 : vector<64xf32> to vector<64x1xf32>
      %eq3A_549 = vector.broadcast %broadcast_in_dim3A_548 : vector<64x1xf32> to vector<64x528xf32>
      %eq3A_550 = arith.cmpf oeq, %concatenate3A_370, %eq3A_549 : vector<64x528xf32>
      %broadcast_in_dim3A_551 = vector.broadcast %while3A_85 : f32 to vector<64x528xf32>
      %select_n3A_552 = arith.select %eq3A_550, %broadcast_in_dim3A_551, %select_n3A_538 : vector<64x528xi1>, vector<64x528xf32>
      %reduce_max3A_553 = arith.constant dense<0xFF800000> : vector<64xf32>
      %reduce_max3A_554 = vector.multi_reduction <maximumf>, %select_n3A_552, %reduce_max3A_553 [1] : vector<64x528xf32> to vector<64xf32>
      %broadcast_in_dim3A_555 = vector.shape_cast %reduce_max3A_554 : vector<64xf32> to vector<64x1xf32>
      %eq3A_556 = vector.broadcast %broadcast_in_dim3A_555 : vector<64x1xf32> to vector<64x528xf32>
      %eq3A_557 = arith.cmpf oeq, %select_n3A_552, %eq3A_556 : vector<64x528xf32>
      %broadcast_in_dim3A_558 = vector.broadcast %while3A : f32 to vector<64x528xf32>
      %select_n3A_559 = arith.select %eq3A_557, %concatenate3A_370, %broadcast_in_dim3A_558 : vector<64x528xi1>, vector<64x528xf32>
      %reduce_min3A_560 = arith.constant dense<0x7F800000> : vector<64xf32>
      %reduce_min3A_561 = vector.multi_reduction <minimumf>, %select_n3A_559, %reduce_min3A_560 [1] : vector<64x528xf32> to vector<64xf32>
      %broadcast_in_dim3A_562 = vector.shape_cast %reduce_min3A_561 : vector<64xf32> to vector<64x1xf32>
      %eq3A_563 = vector.broadcast %broadcast_in_dim3A_562 : vector<64x1xf32> to vector<64x528xf32>
      %eq3A_564 = arith.cmpf oeq, %concatenate3A_370, %eq3A_563 : vector<64x528xf32>
      %broadcast_in_dim3A_565 = vector.broadcast %while3A_85 : f32 to vector<64x528xf32>
      %select_n3A_566 = arith.select %eq3A_564, %broadcast_in_dim3A_565, %select_n3A_552 : vector<64x528xi1>, vector<64x528xf32>
      %reduce_max3A_567 = arith.constant dense<0xFF800000> : vector<64xf32>
      %reduce_max3A_568 = vector.multi_reduction <maximumf>, %select_n3A_566, %reduce_max3A_567 [1] : vector<64x528xf32> to vector<64xf32>
      %broadcast_in_dim3A_569 = vector.shape_cast %reduce_max3A_568 : vector<64xf32> to vector<64x1xf32>
      %eq3A_570 = vector.broadcast %broadcast_in_dim3A_569 : vector<64x1xf32> to vector<64x528xf32>
      %eq3A_571 = arith.cmpf oeq, %select_n3A_566, %eq3A_570 : vector<64x528xf32>
      %broadcast_in_dim3A_572 = vector.broadcast %while3A : f32 to vector<64x528xf32>
      %select_n3A_573 = arith.select %eq3A_571, %concatenate3A_370, %broadcast_in_dim3A_572 : vector<64x528xi1>, vector<64x528xf32>
      %reduce_min3A_574 = arith.constant dense<0x7F800000> : vector<64xf32>
      %reduce_min3A_575 = vector.multi_reduction <minimumf>, %select_n3A_573, %reduce_min3A_574 [1] : vector<64x528xf32> to vector<64xf32>
      %broadcast_in_dim3A_576 = vector.shape_cast %reduce_min3A_575 : vector<64xf32> to vector<64x1xf32>
      %eq3A_577 = vector.broadcast %broadcast_in_dim3A_576 : vector<64x1xf32> to vector<64x528xf32>
      %eq3A_578 = arith.cmpf oeq, %concatenate3A_370, %eq3A_577 : vector<64x528xf32>
      %broadcast_in_dim3A_579 = vector.broadcast %while3A_85 : f32 to vector<64x528xf32>
      %select_n3A_580 = arith.select %eq3A_578, %broadcast_in_dim3A_579, %select_n3A_566 : vector<64x528xi1>, vector<64x528xf32>
      %reduce_max3A_581 = arith.constant dense<0xFF800000> : vector<64xf32>
      %reduce_max3A_582 = vector.multi_reduction <maximumf>, %select_n3A_580, %reduce_max3A_581 [1] : vector<64x528xf32> to vector<64xf32>
      %broadcast_in_dim3A_583 = vector.shape_cast %reduce_max3A_582 : vector<64xf32> to vector<64x1xf32>
      %eq3A_584 = vector.broadcast %broadcast_in_dim3A_583 : vector<64x1xf32> to vector<64x528xf32>
      %eq3A_585 = arith.cmpf oeq, %select_n3A_580, %eq3A_584 : vector<64x528xf32>
      %broadcast_in_dim3A_586 = vector.broadcast %while3A : f32 to vector<64x528xf32>
      %select_n3A_587 = arith.select %eq3A_585, %concatenate3A_370, %broadcast_in_dim3A_586 : vector<64x528xi1>, vector<64x528xf32>
      %reduce_min3A_588 = arith.constant dense<0x7F800000> : vector<64xf32>
      %reduce_min3A_589 = vector.multi_reduction <minimumf>, %select_n3A_587, %reduce_min3A_588 [1] : vector<64x528xf32> to vector<64xf32>
      %broadcast_in_dim3A_590 = vector.shape_cast %reduce_min3A_589 : vector<64xf32> to vector<64x1xf32>
      %eq3A_591 = vector.broadcast %broadcast_in_dim3A_590 : vector<64x1xf32> to vector<64x528xf32>
      %eq3A_592 = arith.cmpf oeq, %concatenate3A_370, %eq3A_591 : vector<64x528xf32>
      %broadcast_in_dim3A_593 = vector.broadcast %while3A_85 : f32 to vector<64x528xf32>
      %select_n3A_594 = arith.select %eq3A_592, %broadcast_in_dim3A_593, %select_n3A_580 : vector<64x528xi1>, vector<64x528xf32>
      %concatenate3A_595 = tpu.concatenate %broadcast_in_dim3A_373, %broadcast_in_dim3A_387, %broadcast_in_dim3A_401, %broadcast_in_dim3A_415, %broadcast_in_dim3A_429, %broadcast_in_dim3A_443, %broadcast_in_dim3A_457, %broadcast_in_dim3A_471, %broadcast_in_dim3A_485, %broadcast_in_dim3A_499, %broadcast_in_dim3A_513, %broadcast_in_dim3A_527, %broadcast_in_dim3A_541, %broadcast_in_dim3A_555, %broadcast_in_dim3A_569, %broadcast_in_dim3A_583 in 1 : vector<64x1xf32>, vector<64x1xf32>, vector<64x1xf32>, vector<64x1xf32>, vector<64x1xf32>, vector<64x1xf32>, vector<64x1xf32>, vector<64x1xf32>, vector<64x1xf32>, vector<64x1xf32>, vector<64x1xf32>, vector<64x1xf32>, vector<64x1xf32>, vector<64x1xf32>, vector<64x1xf32>, vector<64x1xf32> -> vector<64x16xf32>
      %concatenate3A_596 = tpu.concatenate %broadcast_in_dim3A_380, %broadcast_in_dim3A_394, %broadcast_in_dim3A_408, %broadcast_in_dim3A_422, %broadcast_in_dim3A_436, %broadcast_in_dim3A_450, %broadcast_in_dim3A_464, %broadcast_in_dim3A_478, %broadcast_in_dim3A_492, %broadcast_in_dim3A_506, %broadcast_in_dim3A_520, %broadcast_in_dim3A_534, %broadcast_in_dim3A_548, %broadcast_in_dim3A_562, %broadcast_in_dim3A_576, %broadcast_in_dim3A_590 in 1 : vector<64x1xf32>, vector<64x1xf32>, vector<64x1xf32>, vector<64x1xf32>, vector<64x1xf32>, vector<64x1xf32>, vector<64x1xf32>, vector<64x1xf32>, vector<64x1xf32>, vector<64x1xf32>, vector<64x1xf32>, vector<64x1xf32>, vector<64x1xf32>, vector<64x1xf32>, vector<64x1xf32>, vector<64x1xf32> -> vector<64x16xf32>
      %slice3A_597 = vector.extract_strided_slice %select_n3A_132 {offsets = [128, 0], sizes = [64, 512], strides = [1, 1]} : vector<512x512xf32> to vector<64x512xf32>
      %slice3A_598 = vector.extract_strided_slice %while3A_101 {offsets = [128, 0], sizes = [64, 16], strides = [1, 1]} : vector<512x16xf32> to vector<64x16xf32>
      %concatenate3A_599 = tpu.concatenate %slice3A_597, %slice3A_598 in 1 : vector<64x512xf32>, vector<64x16xf32> -> vector<64x528xf32>
      %slice3A_600 = vector.extract_strided_slice %convert_element_type3A_135 {offsets = [128, 0], sizes = [64, 512], strides = [1, 1]} : vector<512x512xf32> to vector<64x512xf32>
      %slice3A_601 = vector.extract_strided_slice %while3A_102 {offsets = [128, 0], sizes = [64, 16], strides = [1, 1]} : vector<512x16xf32> to vector<64x16xf32>
      %concatenate3A_602 = tpu.concatenate %slice3A_600, %slice3A_601 in 1 : vector<64x512xf32>, vector<64x16xf32> -> vector<64x528xf32>
      %reduce_max3A_603 = arith.constant dense<0xFF800000> : vector<64xf32>
      %reduce_max3A_604 = vector.multi_reduction <maximumf>, %concatenate3A_599, %reduce_max3A_603 [1] : vector<64x528xf32> to vector<64xf32>
      %broadcast_in_dim3A_605 = vector.shape_cast %reduce_max3A_604 : vector<64xf32> to vector<64x1xf32>
      %eq3A_606 = vector.broadcast %broadcast_in_dim3A_605 : vector<64x1xf32> to vector<64x528xf32>
      %eq3A_607 = arith.cmpf oeq, %concatenate3A_599, %eq3A_606 : vector<64x528xf32>
      %broadcast_in_dim3A_608 = vector.broadcast %while3A : f32 to vector<64x528xf32>
      %select_n3A_609 = arith.select %eq3A_607, %concatenate3A_602, %broadcast_in_dim3A_608 : vector<64x528xi1>, vector<64x528xf32>
      %reduce_min3A_610 = arith.constant dense<0x7F800000> : vector<64xf32>
      %reduce_min3A_611 = vector.multi_reduction <minimumf>, %select_n3A_609, %reduce_min3A_610 [1] : vector<64x528xf32> to vector<64xf32>
      %broadcast_in_dim3A_612 = vector.shape_cast %reduce_min3A_611 : vector<64xf32> to vector<64x1xf32>
      %eq3A_613 = vector.broadcast %broadcast_in_dim3A_612 : vector<64x1xf32> to vector<64x528xf32>
      %eq3A_614 = arith.cmpf oeq, %concatenate3A_602, %eq3A_613 : vector<64x528xf32>
      %broadcast_in_dim3A_615 = vector.broadcast %while3A_85 : f32 to vector<64x528xf32>
      %select_n3A_616 = arith.select %eq3A_614, %broadcast_in_dim3A_615, %concatenate3A_599 : vector<64x528xi1>, vector<64x528xf32>
      %reduce_max3A_617 = arith.constant dense<0xFF800000> : vector<64xf32>
      %reduce_max3A_618 = vector.multi_reduction <maximumf>, %select_n3A_616, %reduce_max3A_617 [1] : vector<64x528xf32> to vector<64xf32>
      %broadcast_in_dim3A_619 = vector.shape_cast %reduce_max3A_618 : vector<64xf32> to vector<64x1xf32>
      %eq3A_620 = vector.broadcast %broadcast_in_dim3A_619 : vector<64x1xf32> to vector<64x528xf32>
      %eq3A_621 = arith.cmpf oeq, %select_n3A_616, %eq3A_620 : vector<64x528xf32>
      %broadcast_in_dim3A_622 = vector.broadcast %while3A : f32 to vector<64x528xf32>
      %select_n3A_623 = arith.select %eq3A_621, %concatenate3A_602, %broadcast_in_dim3A_622 : vector<64x528xi1>, vector<64x528xf32>
      %reduce_min3A_624 = arith.constant dense<0x7F800000> : vector<64xf32>
      %reduce_min3A_625 = vector.multi_reduction <minimumf>, %select_n3A_623, %reduce_min3A_624 [1] : vector<64x528xf32> to vector<64xf32>
      %broadcast_in_dim3A_626 = vector.shape_cast %reduce_min3A_625 : vector<64xf32> to vector<64x1xf32>
      %eq3A_627 = vector.broadcast %broadcast_in_dim3A_626 : vector<64x1xf32> to vector<64x528xf32>
      %eq3A_628 = arith.cmpf oeq, %concatenate3A_602, %eq3A_627 : vector<64x528xf32>
      %broadcast_in_dim3A_629 = vector.broadcast %while3A_85 : f32 to vector<64x528xf32>
      %select_n3A_630 = arith.select %eq3A_628, %broadcast_in_dim3A_629, %select_n3A_616 : vector<64x528xi1>, vector<64x528xf32>
      %reduce_max3A_631 = arith.constant dense<0xFF800000> : vector<64xf32>
      %reduce_max3A_632 = vector.multi_reduction <maximumf>, %select_n3A_630, %reduce_max3A_631 [1] : vector<64x528xf32> to vector<64xf32>
      %broadcast_in_dim3A_633 = vector.shape_cast %reduce_max3A_632 : vector<64xf32> to vector<64x1xf32>
      %eq3A_634 = vector.broadcast %broadcast_in_dim3A_633 : vector<64x1xf32> to vector<64x528xf32>
      %eq3A_635 = arith.cmpf oeq, %select_n3A_630, %eq3A_634 : vector<64x528xf32>
      %broadcast_in_dim3A_636 = vector.broadcast %while3A : f32 to vector<64x528xf32>
      %select_n3A_637 = arith.select %eq3A_635, %concatenate3A_602, %broadcast_in_dim3A_636 : vector<64x528xi1>, vector<64x528xf32>
      %reduce_min3A_638 = arith.constant dense<0x7F800000> : vector<64xf32>
      %reduce_min3A_639 = vector.multi_reduction <minimumf>, %select_n3A_637, %reduce_min3A_638 [1] : vector<64x528xf32> to vector<64xf32>
      %broadcast_in_dim3A_640 = vector.shape_cast %reduce_min3A_639 : vector<64xf32> to vector<64x1xf32>
      %eq3A_641 = vector.broadcast %broadcast_in_dim3A_640 : vector<64x1xf32> to vector<64x528xf32>
      %eq3A_642 = arith.cmpf oeq, %concatenate3A_602, %eq3A_641 : vector<64x528xf32>
      %broadcast_in_dim3A_643 = vector.broadcast %while3A_85 : f32 to vector<64x528xf32>
      %select_n3A_644 = arith.select %eq3A_642, %broadcast_in_dim3A_643, %select_n3A_630 : vector<64x528xi1>, vector<64x528xf32>
      %reduce_max3A_645 = arith.constant dense<0xFF800000> : vector<64xf32>
      %reduce_max3A_646 = vector.multi_reduction <maximumf>, %select_n3A_644, %reduce_max3A_645 [1] : vector<64x528xf32> to vector<64xf32>
      %broadcast_in_dim3A_647 = vector.shape_cast %reduce_max3A_646 : vector<64xf32> to vector<64x1xf32>
      %eq3A_648 = vector.broadcast %broadcast_in_dim3A_647 : vector<64x1xf32> to vector<64x528xf32>
      %eq3A_649 = arith.cmpf oeq, %select_n3A_644, %eq3A_648 : vector<64x528xf32>
      %broadcast_in_dim3A_650 = vector.broadcast %while3A : f32 to vector<64x528xf32>
      %select_n3A_651 = arith.select %eq3A_649, %concatenate3A_602, %broadcast_in_dim3A_650 : vector<64x528xi1>, vector<64x528xf32>
      %reduce_min3A_652 = arith.constant dense<0x7F800000> : vector<64xf32>
      %reduce_min3A_653 = vector.multi_reduction <minimumf>, %select_n3A_651, %reduce_min3A_652 [1] : vector<64x528xf32> to vector<64xf32>
      %broadcast_in_dim3A_654 = vector.shape_cast %reduce_min3A_653 : vector<64xf32> to vector<64x1xf32>
      %eq3A_655 = vector.broadcast %broadcast_in_dim3A_654 : vector<64x1xf32> to vector<64x528xf32>
      %eq3A_656 = arith.cmpf oeq, %concatenate3A_602, %eq3A_655 : vector<64x528xf32>
      %broadcast_in_dim3A_657 = vector.broadcast %while3A_85 : f32 to vector<64x528xf32>
      %select_n3A_658 = arith.select %eq3A_656, %broadcast_in_dim3A_657, %select_n3A_644 : vector<64x528xi1>, vector<64x528xf32>
      %reduce_max3A_659 = arith.constant dense<0xFF800000> : vector<64xf32>
      %reduce_max3A_660 = vector.multi_reduction <maximumf>, %select_n3A_658, %reduce_max3A_659 [1] : vector<64x528xf32> to vector<64xf32>
      %broadcast_in_dim3A_661 = vector.shape_cast %reduce_max3A_660 : vector<64xf32> to vector<64x1xf32>
      %eq3A_662 = vector.broadcast %broadcast_in_dim3A_661 : vector<64x1xf32> to vector<64x528xf32>
      %eq3A_663 = arith.cmpf oeq, %select_n3A_658, %eq3A_662 : vector<64x528xf32>
      %broadcast_in_dim3A_664 = vector.broadcast %while3A : f32 to vector<64x528xf32>
      %select_n3A_665 = arith.select %eq3A_663, %concatenate3A_602, %broadcast_in_dim3A_664 : vector<64x528xi1>, vector<64x528xf32>
      %reduce_min3A_666 = arith.constant dense<0x7F800000> : vector<64xf32>
      %reduce_min3A_667 = vector.multi_reduction <minimumf>, %select_n3A_665, %reduce_min3A_666 [1] : vector<64x528xf32> to vector<64xf32>
      %broadcast_in_dim3A_668 = vector.shape_cast %reduce_min3A_667 : vector<64xf32> to vector<64x1xf32>
      %eq3A_669 = vector.broadcast %broadcast_in_dim3A_668 : vector<64x1xf32> to vector<64x528xf32>
      %eq3A_670 = arith.cmpf oeq, %concatenate3A_602, %eq3A_669 : vector<64x528xf32>
      %broadcast_in_dim3A_671 = vector.broadcast %while3A_85 : f32 to vector<64x528xf32>
      %select_n3A_672 = arith.select %eq3A_670, %broadcast_in_dim3A_671, %select_n3A_658 : vector<64x528xi1>, vector<64x528xf32>
      %reduce_max3A_673 = arith.constant dense<0xFF800000> : vector<64xf32>
      %reduce_max3A_674 = vector.multi_reduction <maximumf>, %select_n3A_672, %reduce_max3A_673 [1] : vector<64x528xf32> to vector<64xf32>
      %broadcast_in_dim3A_675 = vector.shape_cast %reduce_max3A_674 : vector<64xf32> to vector<64x1xf32>
      %eq3A_676 = vector.broadcast %broadcast_in_dim3A_675 : vector<64x1xf32> to vector<64x528xf32>
      %eq3A_677 = arith.cmpf oeq, %select_n3A_672, %eq3A_676 : vector<64x528xf32>
      %broadcast_in_dim3A_678 = vector.broadcast %while3A : f32 to vector<64x528xf32>
      %select_n3A_679 = arith.select %eq3A_677, %concatenate3A_602, %broadcast_in_dim3A_678 : vector<64x528xi1>, vector<64x528xf32>
      %reduce_min3A_680 = arith.constant dense<0x7F800000> : vector<64xf32>
      %reduce_min3A_681 = vector.multi_reduction <minimumf>, %select_n3A_679, %reduce_min3A_680 [1] : vector<64x528xf32> to vector<64xf32>
      %broadcast_in_dim3A_682 = vector.shape_cast %reduce_min3A_681 : vector<64xf32> to vector<64x1xf32>
      %eq3A_683 = vector.broadcast %broadcast_in_dim3A_682 : vector<64x1xf32> to vector<64x528xf32>
      %eq3A_684 = arith.cmpf oeq, %concatenate3A_602, %eq3A_683 : vector<64x528xf32>
      %broadcast_in_dim3A_685 = vector.broadcast %while3A_85 : f32 to vector<64x528xf32>
      %select_n3A_686 = arith.select %eq3A_684, %broadcast_in_dim3A_685, %select_n3A_672 : vector<64x528xi1>, vector<64x528xf32>
      %reduce_max3A_687 = arith.constant dense<0xFF800000> : vector<64xf32>
      %reduce_max3A_688 = vector.multi_reduction <maximumf>, %select_n3A_686, %reduce_max3A_687 [1] : vector<64x528xf32> to vector<64xf32>
      %broadcast_in_dim3A_689 = vector.shape_cast %reduce_max3A_688 : vector<64xf32> to vector<64x1xf32>
      %eq3A_690 = vector.broadcast %broadcast_in_dim3A_689 : vector<64x1xf32> to vector<64x528xf32>
      %eq3A_691 = arith.cmpf oeq, %select_n3A_686, %eq3A_690 : vector<64x528xf32>
      %broadcast_in_dim3A_692 = vector.broadcast %while3A : f32 to vector<64x528xf32>
      %select_n3A_693 = arith.select %eq3A_691, %concatenate3A_602, %broadcast_in_dim3A_692 : vector<64x528xi1>, vector<64x528xf32>
      %reduce_min3A_694 = arith.constant dense<0x7F800000> : vector<64xf32>
      %reduce_min3A_695 = vector.multi_reduction <minimumf>, %select_n3A_693, %reduce_min3A_694 [1] : vector<64x528xf32> to vector<64xf32>
      %broadcast_in_dim3A_696 = vector.shape_cast %reduce_min3A_695 : vector<64xf32> to vector<64x1xf32>
      %eq3A_697 = vector.broadcast %broadcast_in_dim3A_696 : vector<64x1xf32> to vector<64x528xf32>
      %eq3A_698 = arith.cmpf oeq, %concatenate3A_602, %eq3A_697 : vector<64x528xf32>
      %broadcast_in_dim3A_699 = vector.broadcast %while3A_85 : f32 to vector<64x528xf32>
      %select_n3A_700 = arith.select %eq3A_698, %broadcast_in_dim3A_699, %select_n3A_686 : vector<64x528xi1>, vector<64x528xf32>
      %reduce_max3A_701 = arith.constant dense<0xFF800000> : vector<64xf32>
      %reduce_max3A_702 = vector.multi_reduction <maximumf>, %select_n3A_700, %reduce_max3A_701 [1] : vector<64x528xf32> to vector<64xf32>
      %broadcast_in_dim3A_703 = vector.shape_cast %reduce_max3A_702 : vector<64xf32> to vector<64x1xf32>
      %eq3A_704 = vector.broadcast %broadcast_in_dim3A_703 : vector<64x1xf32> to vector<64x528xf32>
      %eq3A_705 = arith.cmpf oeq, %select_n3A_700, %eq3A_704 : vector<64x528xf32>
      %broadcast_in_dim3A_706 = vector.broadcast %while3A : f32 to vector<64x528xf32>
      %select_n3A_707 = arith.select %eq3A_705, %concatenate3A_602, %broadcast_in_dim3A_706 : vector<64x528xi1>, vector<64x528xf32>
      %reduce_min3A_708 = arith.constant dense<0x7F800000> : vector<64xf32>
      %reduce_min3A_709 = vector.multi_reduction <minimumf>, %select_n3A_707, %reduce_min3A_708 [1] : vector<64x528xf32> to vector<64xf32>
      %broadcast_in_dim3A_710 = vector.shape_cast %reduce_min3A_709 : vector<64xf32> to vector<64x1xf32>
      %eq3A_711 = vector.broadcast %broadcast_in_dim3A_710 : vector<64x1xf32> to vector<64x528xf32>
      %eq3A_712 = arith.cmpf oeq, %concatenate3A_602, %eq3A_711 : vector<64x528xf32>
      %broadcast_in_dim3A_713 = vector.broadcast %while3A_85 : f32 to vector<64x528xf32>
      %select_n3A_714 = arith.select %eq3A_712, %broadcast_in_dim3A_713, %select_n3A_700 : vector<64x528xi1>, vector<64x528xf32>
      %reduce_max3A_715 = arith.constant dense<0xFF800000> : vector<64xf32>
      %reduce_max3A_716 = vector.multi_reduction <maximumf>, %select_n3A_714, %reduce_max3A_715 [1] : vector<64x528xf32> to vector<64xf32>
      %broadcast_in_dim3A_717 = vector.shape_cast %reduce_max3A_716 : vector<64xf32> to vector<64x1xf32>
      %eq3A_718 = vector.broadcast %broadcast_in_dim3A_717 : vector<64x1xf32> to vector<64x528xf32>
      %eq3A_719 = arith.cmpf oeq, %select_n3A_714, %eq3A_718 : vector<64x528xf32>
      %broadcast_in_dim3A_720 = vector.broadcast %while3A : f32 to vector<64x528xf32>
      %select_n3A_721 = arith.select %eq3A_719, %concatenate3A_602, %broadcast_in_dim3A_720 : vector<64x528xi1>, vector<64x528xf32>
      %reduce_min3A_722 = arith.constant dense<0x7F800000> : vector<64xf32>
      %reduce_min3A_723 = vector.multi_reduction <minimumf>, %select_n3A_721, %reduce_min3A_722 [1] : vector<64x528xf32> to vector<64xf32>
      %broadcast_in_dim3A_724 = vector.shape_cast %reduce_min3A_723 : vector<64xf32> to vector<64x1xf32>
      %eq3A_725 = vector.broadcast %broadcast_in_dim3A_724 : vector<64x1xf32> to vector<64x528xf32>
      %eq3A_726 = arith.cmpf oeq, %concatenate3A_602, %eq3A_725 : vector<64x528xf32>
      %broadcast_in_dim3A_727 = vector.broadcast %while3A_85 : f32 to vector<64x528xf32>
      %select_n3A_728 = arith.select %eq3A_726, %broadcast_in_dim3A_727, %select_n3A_714 : vector<64x528xi1>, vector<64x528xf32>
      %reduce_max3A_729 = arith.constant dense<0xFF800000> : vector<64xf32>
      %reduce_max3A_730 = vector.multi_reduction <maximumf>, %select_n3A_728, %reduce_max3A_729 [1] : vector<64x528xf32> to vector<64xf32>
      %broadcast_in_dim3A_731 = vector.shape_cast %reduce_max3A_730 : vector<64xf32> to vector<64x1xf32>
      %eq3A_732 = vector.broadcast %broadcast_in_dim3A_731 : vector<64x1xf32> to vector<64x528xf32>
      %eq3A_733 = arith.cmpf oeq, %select_n3A_728, %eq3A_732 : vector<64x528xf32>
      %broadcast_in_dim3A_734 = vector.broadcast %while3A : f32 to vector<64x528xf32>
      %select_n3A_735 = arith.select %eq3A_733, %concatenate3A_602, %broadcast_in_dim3A_734 : vector<64x528xi1>, vector<64x528xf32>
      %reduce_min3A_736 = arith.constant dense<0x7F800000> : vector<64xf32>
      %reduce_min3A_737 = vector.multi_reduction <minimumf>, %select_n3A_735, %reduce_min3A_736 [1] : vector<64x528xf32> to vector<64xf32>
      %broadcast_in_dim3A_738 = vector.shape_cast %reduce_min3A_737 : vector<64xf32> to vector<64x1xf32>
      %eq3A_739 = vector.broadcast %broadcast_in_dim3A_738 : vector<64x1xf32> to vector<64x528xf32>
      %eq3A_740 = arith.cmpf oeq, %concatenate3A_602, %eq3A_739 : vector<64x528xf32>
      %broadcast_in_dim3A_741 = vector.broadcast %while3A_85 : f32 to vector<64x528xf32>
      %select_n3A_742 = arith.select %eq3A_740, %broadcast_in_dim3A_741, %select_n3A_728 : vector<64x528xi1>, vector<64x528xf32>
      %reduce_max3A_743 = arith.constant dense<0xFF800000> : vector<64xf32>
      %reduce_max3A_744 = vector.multi_reduction <maximumf>, %select_n3A_742, %reduce_max3A_743 [1] : vector<64x528xf32> to vector<64xf32>
      %broadcast_in_dim3A_745 = vector.shape_cast %reduce_max3A_744 : vector<64xf32> to vector<64x1xf32>
      %eq3A_746 = vector.broadcast %broadcast_in_dim3A_745 : vector<64x1xf32> to vector<64x528xf32>
      %eq3A_747 = arith.cmpf oeq, %select_n3A_742, %eq3A_746 : vector<64x528xf32>
      %broadcast_in_dim3A_748 = vector.broadcast %while3A : f32 to vector<64x528xf32>
      %select_n3A_749 = arith.select %eq3A_747, %concatenate3A_602, %broadcast_in_dim3A_748 : vector<64x528xi1>, vector<64x528xf32>
      %reduce_min3A_750 = arith.constant dense<0x7F800000> : vector<64xf32>
      %reduce_min3A_751 = vector.multi_reduction <minimumf>, %select_n3A_749, %reduce_min3A_750 [1] : vector<64x528xf32> to vector<64xf32>
      %broadcast_in_dim3A_752 = vector.shape_cast %reduce_min3A_751 : vector<64xf32> to vector<64x1xf32>
      %eq3A_753 = vector.broadcast %broadcast_in_dim3A_752 : vector<64x1xf32> to vector<64x528xf32>
      %eq3A_754 = arith.cmpf oeq, %concatenate3A_602, %eq3A_753 : vector<64x528xf32>
      %broadcast_in_dim3A_755 = vector.broadcast %while3A_85 : f32 to vector<64x528xf32>
      %select_n3A_756 = arith.select %eq3A_754, %broadcast_in_dim3A_755, %select_n3A_742 : vector<64x528xi1>, vector<64x528xf32>
      %reduce_max3A_757 = arith.constant dense<0xFF800000> : vector<64xf32>
      %reduce_max3A_758 = vector.multi_reduction <maximumf>, %select_n3A_756, %reduce_max3A_757 [1] : vector<64x528xf32> to vector<64xf32>
      %broadcast_in_dim3A_759 = vector.shape_cast %reduce_max3A_758 : vector<64xf32> to vector<64x1xf32>
      %eq3A_760 = vector.broadcast %broadcast_in_dim3A_759 : vector<64x1xf32> to vector<64x528xf32>
      %eq3A_761 = arith.cmpf oeq, %select_n3A_756, %eq3A_760 : vector<64x528xf32>
      %broadcast_in_dim3A_762 = vector.broadcast %while3A : f32 to vector<64x528xf32>
      %select_n3A_763 = arith.select %eq3A_761, %concatenate3A_602, %broadcast_in_dim3A_762 : vector<64x528xi1>, vector<64x528xf32>
      %reduce_min3A_764 = arith.constant dense<0x7F800000> : vector<64xf32>
      %reduce_min3A_765 = vector.multi_reduction <minimumf>, %select_n3A_763, %reduce_min3A_764 [1] : vector<64x528xf32> to vector<64xf32>
      %broadcast_in_dim3A_766 = vector.shape_cast %reduce_min3A_765 : vector<64xf32> to vector<64x1xf32>
      %eq3A_767 = vector.broadcast %broadcast_in_dim3A_766 : vector<64x1xf32> to vector<64x528xf32>
      %eq3A_768 = arith.cmpf oeq, %concatenate3A_602, %eq3A_767 : vector<64x528xf32>
      %broadcast_in_dim3A_769 = vector.broadcast %while3A_85 : f32 to vector<64x528xf32>
      %select_n3A_770 = arith.select %eq3A_768, %broadcast_in_dim3A_769, %select_n3A_756 : vector<64x528xi1>, vector<64x528xf32>
      %reduce_max3A_771 = arith.constant dense<0xFF800000> : vector<64xf32>
      %reduce_max3A_772 = vector.multi_reduction <maximumf>, %select_n3A_770, %reduce_max3A_771 [1] : vector<64x528xf32> to vector<64xf32>
      %broadcast_in_dim3A_773 = vector.shape_cast %reduce_max3A_772 : vector<64xf32> to vector<64x1xf32>
      %eq3A_774 = vector.broadcast %broadcast_in_dim3A_773 : vector<64x1xf32> to vector<64x528xf32>
      %eq3A_775 = arith.cmpf oeq, %select_n3A_770, %eq3A_774 : vector<64x528xf32>
      %broadcast_in_dim3A_776 = vector.broadcast %while3A : f32 to vector<64x528xf32>
      %select_n3A_777 = arith.select %eq3A_775, %concatenate3A_602, %broadcast_in_dim3A_776 : vector<64x528xi1>, vector<64x528xf32>
      %reduce_min3A_778 = arith.constant dense<0x7F800000> : vector<64xf32>
      %reduce_min3A_779 = vector.multi_reduction <minimumf>, %select_n3A_777, %reduce_min3A_778 [1] : vector<64x528xf32> to vector<64xf32>
      %broadcast_in_dim3A_780 = vector.shape_cast %reduce_min3A_779 : vector<64xf32> to vector<64x1xf32>
      %eq3A_781 = vector.broadcast %broadcast_in_dim3A_780 : vector<64x1xf32> to vector<64x528xf32>
      %eq3A_782 = arith.cmpf oeq, %concatenate3A_602, %eq3A_781 : vector<64x528xf32>
      %broadcast_in_dim3A_783 = vector.broadcast %while3A_85 : f32 to vector<64x528xf32>
      %select_n3A_784 = arith.select %eq3A_782, %broadcast_in_dim3A_783, %select_n3A_770 : vector<64x528xi1>, vector<64x528xf32>
      %reduce_max3A_785 = arith.constant dense<0xFF800000> : vector<64xf32>
      %reduce_max3A_786 = vector.multi_reduction <maximumf>, %select_n3A_784, %reduce_max3A_785 [1] : vector<64x528xf32> to vector<64xf32>
      %broadcast_in_dim3A_787 = vector.shape_cast %reduce_max3A_786 : vector<64xf32> to vector<64x1xf32>
      %eq3A_788 = vector.broadcast %broadcast_in_dim3A_787 : vector<64x1xf32> to vector<64x528xf32>
      %eq3A_789 = arith.cmpf oeq, %select_n3A_784, %eq3A_788 : vector<64x528xf32>
      %broadcast_in_dim3A_790 = vector.broadcast %while3A : f32 to vector<64x528xf32>
      %select_n3A_791 = arith.select %eq3A_789, %concatenate3A_602, %broadcast_in_dim3A_790 : vector<64x528xi1>, vector<64x528xf32>
      %reduce_min3A_792 = arith.constant dense<0x7F800000> : vector<64xf32>
      %reduce_min3A_793 = vector.multi_reduction <minimumf>, %select_n3A_791, %reduce_min3A_792 [1] : vector<64x528xf32> to vector<64xf32>
      %broadcast_in_dim3A_794 = vector.shape_cast %reduce_min3A_793 : vector<64xf32> to vector<64x1xf32>
      %eq3A_795 = vector.broadcast %broadcast_in_dim3A_794 : vector<64x1xf32> to vector<64x528xf32>
      %eq3A_796 = arith.cmpf oeq, %concatenate3A_602, %eq3A_795 : vector<64x528xf32>
      %broadcast_in_dim3A_797 = vector.broadcast %while3A_85 : f32 to vector<64x528xf32>
      %select_n3A_798 = arith.select %eq3A_796, %broadcast_in_dim3A_797, %select_n3A_784 : vector<64x528xi1>, vector<64x528xf32>
      %reduce_max3A_799 = arith.constant dense<0xFF800000> : vector<64xf32>
      %reduce_max3A_800 = vector.multi_reduction <maximumf>, %select_n3A_798, %reduce_max3A_799 [1] : vector<64x528xf32> to vector<64xf32>
      %broadcast_in_dim3A_801 = vector.shape_cast %reduce_max3A_800 : vector<64xf32> to vector<64x1xf32>
      %eq3A_802 = vector.broadcast %broadcast_in_dim3A_801 : vector<64x1xf32> to vector<64x528xf32>
      %eq3A_803 = arith.cmpf oeq, %select_n3A_798, %eq3A_802 : vector<64x528xf32>
      %broadcast_in_dim3A_804 = vector.broadcast %while3A : f32 to vector<64x528xf32>
      %select_n3A_805 = arith.select %eq3A_803, %concatenate3A_602, %broadcast_in_dim3A_804 : vector<64x528xi1>, vector<64x528xf32>
      %reduce_min3A_806 = arith.constant dense<0x7F800000> : vector<64xf32>
      %reduce_min3A_807 = vector.multi_reduction <minimumf>, %select_n3A_805, %reduce_min3A_806 [1] : vector<64x528xf32> to vector<64xf32>
      %broadcast_in_dim3A_808 = vector.shape_cast %reduce_min3A_807 : vector<64xf32> to vector<64x1xf32>
      %eq3A_809 = vector.broadcast %broadcast_in_dim3A_808 : vector<64x1xf32> to vector<64x528xf32>
      %eq3A_810 = arith.cmpf oeq, %concatenate3A_602, %eq3A_809 : vector<64x528xf32>
      %broadcast_in_dim3A_811 = vector.broadcast %while3A_85 : f32 to vector<64x528xf32>
      %select_n3A_812 = arith.select %eq3A_810, %broadcast_in_dim3A_811, %select_n3A_798 : vector<64x528xi1>, vector<64x528xf32>
      %reduce_max3A_813 = arith.constant dense<0xFF800000> : vector<64xf32>
      %reduce_max3A_814 = vector.multi_reduction <maximumf>, %select_n3A_812, %reduce_max3A_813 [1] : vector<64x528xf32> to vector<64xf32>
      %broadcast_in_dim3A_815 = vector.shape_cast %reduce_max3A_814 : vector<64xf32> to vector<64x1xf32>
      %eq3A_816 = vector.broadcast %broadcast_in_dim3A_815 : vector<64x1xf32> to vector<64x528xf32>
      %eq3A_817 = arith.cmpf oeq, %select_n3A_812, %eq3A_816 : vector<64x528xf32>
      %broadcast_in_dim3A_818 = vector.broadcast %while3A : f32 to vector<64x528xf32>
      %select_n3A_819 = arith.select %eq3A_817, %concatenate3A_602, %broadcast_in_dim3A_818 : vector<64x528xi1>, vector<64x528xf32>
      %reduce_min3A_820 = arith.constant dense<0x7F800000> : vector<64xf32>
      %reduce_min3A_821 = vector.multi_reduction <minimumf>, %select_n3A_819, %reduce_min3A_820 [1] : vector<64x528xf32> to vector<64xf32>
      %broadcast_in_dim3A_822 = vector.shape_cast %reduce_min3A_821 : vector<64xf32> to vector<64x1xf32>
      %eq3A_823 = vector.broadcast %broadcast_in_dim3A_822 : vector<64x1xf32> to vector<64x528xf32>
      %eq3A_824 = arith.cmpf oeq, %concatenate3A_602, %eq3A_823 : vector<64x528xf32>
      %broadcast_in_dim3A_825 = vector.broadcast %while3A_85 : f32 to vector<64x528xf32>
      %select_n3A_826 = arith.select %eq3A_824, %broadcast_in_dim3A_825, %select_n3A_812 : vector<64x528xi1>, vector<64x528xf32>
      %concatenate3A_827 = tpu.concatenate %broadcast_in_dim3A_605, %broadcast_in_dim3A_619, %broadcast_in_dim3A_633, %broadcast_in_dim3A_647, %broadcast_in_dim3A_661, %broadcast_in_dim3A_675, %broadcast_in_dim3A_689, %broadcast_in_dim3A_703, %broadcast_in_dim3A_717, %broadcast_in_dim3A_731, %broadcast_in_dim3A_745, %broadcast_in_dim3A_759, %broadcast_in_dim3A_773, %broadcast_in_dim3A_787, %broadcast_in_dim3A_801, %broadcast_in_dim3A_815 in 1 : vector<64x1xf32>, vector<64x1xf32>, vector<64x1xf32>, vector<64x1xf32>, vector<64x1xf32>, vector<64x1xf32>, vector<64x1xf32>, vector<64x1xf32>, vector<64x1xf32>, vector<64x1xf32>, vector<64x1xf32>, vector<64x1xf32>, vector<64x1xf32>, vector<64x1xf32>, vector<64x1xf32>, vector<64x1xf32> -> vector<64x16xf32>
      %concatenate3A_828 = tpu.concatenate %broadcast_in_dim3A_612, %broadcast_in_dim3A_626, %broadcast_in_dim3A_640, %broadcast_in_dim3A_654, %broadcast_in_dim3A_668, %broadcast_in_dim3A_682, %broadcast_in_dim3A_696, %broadcast_in_dim3A_710, %broadcast_in_dim3A_724, %broadcast_in_dim3A_738, %broadcast_in_dim3A_752, %broadcast_in_dim3A_766, %broadcast_in_dim3A_780, %broadcast_in_dim3A_794, %broadcast_in_dim3A_808, %broadcast_in_dim3A_822 in 1 : vector<64x1xf32>, vector<64x1xf32>, vector<64x1xf32>, vector<64x1xf32>, vector<64x1xf32>, vector<64x1xf32>, vector<64x1xf32>, vector<64x1xf32>, vector<64x1xf32>, vector<64x1xf32>, vector<64x1xf32>, vector<64x1xf32>, vector<64x1xf32>, vector<64x1xf32>, vector<64x1xf32>, vector<64x1xf32> -> vector<64x16xf32>
      %slice3A_829 = vector.extract_strided_slice %select_n3A_132 {offsets = [192, 0], sizes = [64, 512], strides = [1, 1]} : vector<512x512xf32> to vector<64x512xf32>
      %slice3A_830 = vector.extract_strided_slice %while3A_101 {offsets = [192, 0], sizes = [64, 16], strides = [1, 1]} : vector<512x16xf32> to vector<64x16xf32>
      %concatenate3A_831 = tpu.concatenate %slice3A_829, %slice3A_830 in 1 : vector<64x512xf32>, vector<64x16xf32> -> vector<64x528xf32>
      %slice3A_832 = vector.extract_strided_slice %convert_element_type3A_135 {offsets = [192, 0], sizes = [64, 512], strides = [1, 1]} : vector<512x512xf32> to vector<64x512xf32>
      %slice3A_833 = vector.extract_strided_slice %while3A_102 {offsets = [192, 0], sizes = [64, 16], strides = [1, 1]} : vector<512x16xf32> to vector<64x16xf32>
      %concatenate3A_834 = tpu.concatenate %slice3A_832, %slice3A_833 in 1 : vector<64x512xf32>, vector<64x16xf32> -> vector<64x528xf32>
      %reduce_max3A_835 = arith.constant dense<0xFF800000> : vector<64xf32>
      %reduce_max3A_836 = vector.multi_reduction <maximumf>, %concatenate3A_831, %reduce_max3A_835 [1] : vector<64x528xf32> to vector<64xf32>
      %broadcast_in_dim3A_837 = vector.shape_cast %reduce_max3A_836 : vector<64xf32> to vector<64x1xf32>
      %eq3A_838 = vector.broadcast %broadcast_in_dim3A_837 : vector<64x1xf32> to vector<64x528xf32>
      %eq3A_839 = arith.cmpf oeq, %concatenate3A_831, %eq3A_838 : vector<64x528xf32>
      %broadcast_in_dim3A_840 = vector.broadcast %while3A : f32 to vector<64x528xf32>
      %select_n3A_841 = arith.select %eq3A_839, %concatenate3A_834, %broadcast_in_dim3A_840 : vector<64x528xi1>, vector<64x528xf32>
      %reduce_min3A_842 = arith.constant dense<0x7F800000> : vector<64xf32>
      %reduce_min3A_843 = vector.multi_reduction <minimumf>, %select_n3A_841, %reduce_min3A_842 [1] : vector<64x528xf32> to vector<64xf32>
      %broadcast_in_dim3A_844 = vector.shape_cast %reduce_min3A_843 : vector<64xf32> to vector<64x1xf32>
      %eq3A_845 = vector.broadcast %broadcast_in_dim3A_844 : vector<64x1xf32> to vector<64x528xf32>
      %eq3A_846 = arith.cmpf oeq, %concatenate3A_834, %eq3A_845 : vector<64x528xf32>
      %broadcast_in_dim3A_847 = vector.broadcast %while3A_85 : f32 to vector<64x528xf32>
      %select_n3A_848 = arith.select %eq3A_846, %broadcast_in_dim3A_847, %concatenate3A_831 : vector<64x528xi1>, vector<64x528xf32>
      %reduce_max3A_849 = arith.constant dense<0xFF800000> : vector<64xf32>
      %reduce_max3A_850 = vector.multi_reduction <maximumf>, %select_n3A_848, %reduce_max3A_849 [1] : vector<64x528xf32> to vector<64xf32>
      %broadcast_in_dim3A_851 = vector.shape_cast %reduce_max3A_850 : vector<64xf32> to vector<64x1xf32>
      %eq3A_852 = vector.broadcast %broadcast_in_dim3A_851 : vector<64x1xf32> to vector<64x528xf32>
      %eq3A_853 = arith.cmpf oeq, %select_n3A_848, %eq3A_852 : vector<64x528xf32>
      %broadcast_in_dim3A_854 = vector.broadcast %while3A : f32 to vector<64x528xf32>
      %select_n3A_855 = arith.select %eq3A_853, %concatenate3A_834, %broadcast_in_dim3A_854 : vector<64x528xi1>, vector<64x528xf32>
      %reduce_min3A_856 = arith.constant dense<0x7F800000> : vector<64xf32>
      %reduce_min3A_857 = vector.multi_reduction <minimumf>, %select_n3A_855, %reduce_min3A_856 [1] : vector<64x528xf32> to vector<64xf32>
      %broadcast_in_dim3A_858 = vector.shape_cast %reduce_min3A_857 : vector<64xf32> to vector<64x1xf32>
      %eq3A_859 = vector.broadcast %broadcast_in_dim3A_858 : vector<64x1xf32> to vector<64x528xf32>
      %eq3A_860 = arith.cmpf oeq, %concatenate3A_834, %eq3A_859 : vector<64x528xf32>
      %broadcast_in_dim3A_861 = vector.broadcast %while3A_85 : f32 to vector<64x528xf32>
      %select_n3A_862 = arith.select %eq3A_860, %broadcast_in_dim3A_861, %select_n3A_848 : vector<64x528xi1>, vector<64x528xf32>
      %reduce_max3A_863 = arith.constant dense<0xFF800000> : vector<64xf32>
      %reduce_max3A_864 = vector.multi_reduction <maximumf>, %select_n3A_862, %reduce_max3A_863 [1] : vector<64x528xf32> to vector<64xf32>
      %broadcast_in_dim3A_865 = vector.shape_cast %reduce_max3A_864 : vector<64xf32> to vector<64x1xf32>
      %eq3A_866 = vector.broadcast %broadcast_in_dim3A_865 : vector<64x1xf32> to vector<64x528xf32>
      %eq3A_867 = arith.cmpf oeq, %select_n3A_862, %eq3A_866 : vector<64x528xf32>
      %broadcast_in_dim3A_868 = vector.broadcast %while3A : f32 to vector<64x528xf32>
      %select_n3A_869 = arith.select %eq3A_867, %concatenate3A_834, %broadcast_in_dim3A_868 : vector<64x528xi1>, vector<64x528xf32>
      %reduce_min3A_870 = arith.constant dense<0x7F800000> : vector<64xf32>
      %reduce_min3A_871 = vector.multi_reduction <minimumf>, %select_n3A_869, %reduce_min3A_870 [1] : vector<64x528xf32> to vector<64xf32>
      %broadcast_in_dim3A_872 = vector.shape_cast %reduce_min3A_871 : vector<64xf32> to vector<64x1xf32>
      %eq3A_873 = vector.broadcast %broadcast_in_dim3A_872 : vector<64x1xf32> to vector<64x528xf32>
      %eq3A_874 = arith.cmpf oeq, %concatenate3A_834, %eq3A_873 : vector<64x528xf32>
      %broadcast_in_dim3A_875 = vector.broadcast %while3A_85 : f32 to vector<64x528xf32>
      %select_n3A_876 = arith.select %eq3A_874, %broadcast_in_dim3A_875, %select_n3A_862 : vector<64x528xi1>, vector<64x528xf32>
      %reduce_max3A_877 = arith.constant dense<0xFF800000> : vector<64xf32>
      %reduce_max3A_878 = vector.multi_reduction <maximumf>, %select_n3A_876, %reduce_max3A_877 [1] : vector<64x528xf32> to vector<64xf32>
      %broadcast_in_dim3A_879 = vector.shape_cast %reduce_max3A_878 : vector<64xf32> to vector<64x1xf32>
      %eq3A_880 = vector.broadcast %broadcast_in_dim3A_879 : vector<64x1xf32> to vector<64x528xf32>
      %eq3A_881 = arith.cmpf oeq, %select_n3A_876, %eq3A_880 : vector<64x528xf32>
      %broadcast_in_dim3A_882 = vector.broadcast %while3A : f32 to vector<64x528xf32>
      %select_n3A_883 = arith.select %eq3A_881, %concatenate3A_834, %broadcast_in_dim3A_882 : vector<64x528xi1>, vector<64x528xf32>
      %reduce_min3A_884 = arith.constant dense<0x7F800000> : vector<64xf32>
      %reduce_min3A_885 = vector.multi_reduction <minimumf>, %select_n3A_883, %reduce_min3A_884 [1] : vector<64x528xf32> to vector<64xf32>
      %broadcast_in_dim3A_886 = vector.shape_cast %reduce_min3A_885 : vector<64xf32> to vector<64x1xf32>
      %eq3A_887 = vector.broadcast %broadcast_in_dim3A_886 : vector<64x1xf32> to vector<64x528xf32>
      %eq3A_888 = arith.cmpf oeq, %concatenate3A_834, %eq3A_887 : vector<64x528xf32>
      %broadcast_in_dim3A_889 = vector.broadcast %while3A_85 : f32 to vector<64x528xf32>
      %select_n3A_890 = arith.select %eq3A_888, %broadcast_in_dim3A_889, %select_n3A_876 : vector<64x528xi1>, vector<64x528xf32>
      %reduce_max3A_891 = arith.constant dense<0xFF800000> : vector<64xf32>
      %reduce_max3A_892 = vector.multi_reduction <maximumf>, %select_n3A_890, %reduce_max3A_891 [1] : vector<64x528xf32> to vector<64xf32>
      %broadcast_in_dim3A_893 = vector.shape_cast %reduce_max3A_892 : vector<64xf32> to vector<64x1xf32>
      %eq3A_894 = vector.broadcast %broadcast_in_dim3A_893 : vector<64x1xf32> to vector<64x528xf32>
      %eq3A_895 = arith.cmpf oeq, %select_n3A_890, %eq3A_894 : vector<64x528xf32>
      %broadcast_in_dim3A_896 = vector.broadcast %while3A : f32 to vector<64x528xf32>
      %select_n3A_897 = arith.select %eq3A_895, %concatenate3A_834, %broadcast_in_dim3A_896 : vector<64x528xi1>, vector<64x528xf32>
      %reduce_min3A_898 = arith.constant dense<0x7F800000> : vector<64xf32>
      %reduce_min3A_899 = vector.multi_reduction <minimumf>, %select_n3A_897, %reduce_min3A_898 [1] : vector<64x528xf32> to vector<64xf32>
      %broadcast_in_dim3A_900 = vector.shape_cast %reduce_min3A_899 : vector<64xf32> to vector<64x1xf32>
      %eq3A_901 = vector.broadcast %broadcast_in_dim3A_900 : vector<64x1xf32> to vector<64x528xf32>
      %eq3A_902 = arith.cmpf oeq, %concatenate3A_834, %eq3A_901 : vector<64x528xf32>
      %broadcast_in_dim3A_903 = vector.broadcast %while3A_85 : f32 to vector<64x528xf32>
      %select_n3A_904 = arith.select %eq3A_902, %broadcast_in_dim3A_903, %select_n3A_890 : vector<64x528xi1>, vector<64x528xf32>
      %reduce_max3A_905 = arith.constant dense<0xFF800000> : vector<64xf32>
      %reduce_max3A_906 = vector.multi_reduction <maximumf>, %select_n3A_904, %reduce_max3A_905 [1] : vector<64x528xf32> to vector<64xf32>
      %broadcast_in_dim3A_907 = vector.shape_cast %reduce_max3A_906 : vector<64xf32> to vector<64x1xf32>
      %eq3A_908 = vector.broadcast %broadcast_in_dim3A_907 : vector<64x1xf32> to vector<64x528xf32>
      %eq3A_909 = arith.cmpf oeq, %select_n3A_904, %eq3A_908 : vector<64x528xf32>
      %broadcast_in_dim3A_910 = vector.broadcast %while3A : f32 to vector<64x528xf32>
      %select_n3A_911 = arith.select %eq3A_909, %concatenate3A_834, %broadcast_in_dim3A_910 : vector<64x528xi1>, vector<64x528xf32>
      %reduce_min3A_912 = arith.constant dense<0x7F800000> : vector<64xf32>
      %reduce_min3A_913 = vector.multi_reduction <minimumf>, %select_n3A_911, %reduce_min3A_912 [1] : vector<64x528xf32> to vector<64xf32>
      %broadcast_in_dim3A_914 = vector.shape_cast %reduce_min3A_913 : vector<64xf32> to vector<64x1xf32>
      %eq3A_915 = vector.broadcast %broadcast_in_dim3A_914 : vector<64x1xf32> to vector<64x528xf32>
      %eq3A_916 = arith.cmpf oeq, %concatenate3A_834, %eq3A_915 : vector<64x528xf32>
      %broadcast_in_dim3A_917 = vector.broadcast %while3A_85 : f32 to vector<64x528xf32>
      %select_n3A_918 = arith.select %eq3A_916, %broadcast_in_dim3A_917, %select_n3A_904 : vector<64x528xi1>, vector<64x528xf32>
      %reduce_max3A_919 = arith.constant dense<0xFF800000> : vector<64xf32>
      %reduce_max3A_920 = vector.multi_reduction <maximumf>, %select_n3A_918, %reduce_max3A_919 [1] : vector<64x528xf32> to vector<64xf32>
      %broadcast_in_dim3A_921 = vector.shape_cast %reduce_max3A_920 : vector<64xf32> to vector<64x1xf32>
      %eq3A_922 = vector.broadcast %broadcast_in_dim3A_921 : vector<64x1xf32> to vector<64x528xf32>
      %eq3A_923 = arith.cmpf oeq, %select_n3A_918, %eq3A_922 : vector<64x528xf32>
      %broadcast_in_dim3A_924 = vector.broadcast %while3A : f32 to vector<64x528xf32>
      %select_n3A_925 = arith.select %eq3A_923, %concatenate3A_834, %broadcast_in_dim3A_924 : vector<64x528xi1>, vector<64x528xf32>
      %reduce_min3A_926 = arith.constant dense<0x7F800000> : vector<64xf32>
      %reduce_min3A_927 = vector.multi_reduction <minimumf>, %select_n3A_925, %reduce_min3A_926 [1] : vector<64x528xf32> to vector<64xf32>
      %broadcast_in_dim3A_928 = vector.shape_cast %reduce_min3A_927 : vector<64xf32> to vector<64x1xf32>
      %eq3A_929 = vector.broadcast %broadcast_in_dim3A_928 : vector<64x1xf32> to vector<64x528xf32>
      %eq3A_930 = arith.cmpf oeq, %concatenate3A_834, %eq3A_929 : vector<64x528xf32>
      %broadcast_in_dim3A_931 = vector.broadcast %while3A_85 : f32 to vector<64x528xf32>
      %select_n3A_932 = arith.select %eq3A_930, %broadcast_in_dim3A_931, %select_n3A_918 : vector<64x528xi1>, vector<64x528xf32>
      %reduce_max3A_933 = arith.constant dense<0xFF800000> : vector<64xf32>
      %reduce_max3A_934 = vector.multi_reduction <maximumf>, %select_n3A_932, %reduce_max3A_933 [1] : vector<64x528xf32> to vector<64xf32>
      %broadcast_in_dim3A_935 = vector.shape_cast %reduce_max3A_934 : vector<64xf32> to vector<64x1xf32>
      %eq3A_936 = vector.broadcast %broadcast_in_dim3A_935 : vector<64x1xf32> to vector<64x528xf32>
      %eq3A_937 = arith.cmpf oeq, %select_n3A_932, %eq3A_936 : vector<64x528xf32>
      %broadcast_in_dim3A_938 = vector.broadcast %while3A : f32 to vector<64x528xf32>
      %select_n3A_939 = arith.select %eq3A_937, %concatenate3A_834, %broadcast_in_dim3A_938 : vector<64x528xi1>, vector<64x528xf32>
      %reduce_min3A_940 = arith.constant dense<0x7F800000> : vector<64xf32>
      %reduce_min3A_941 = vector.multi_reduction <minimumf>, %select_n3A_939, %reduce_min3A_940 [1] : vector<64x528xf32> to vector<64xf32>
      %broadcast_in_dim3A_942 = vector.shape_cast %reduce_min3A_941 : vector<64xf32> to vector<64x1xf32>
      %eq3A_943 = vector.broadcast %broadcast_in_dim3A_942 : vector<64x1xf32> to vector<64x528xf32>
      %eq3A_944 = arith.cmpf oeq, %concatenate3A_834, %eq3A_943 : vector<64x528xf32>
      %broadcast_in_dim3A_945 = vector.broadcast %while3A_85 : f32 to vector<64x528xf32>
      %select_n3A_946 = arith.select %eq3A_944, %broadcast_in_dim3A_945, %select_n3A_932 : vector<64x528xi1>, vector<64x528xf32>
      %reduce_max3A_947 = arith.constant dense<0xFF800000> : vector<64xf32>
      %reduce_max3A_948 = vector.multi_reduction <maximumf>, %select_n3A_946, %reduce_max3A_947 [1] : vector<64x528xf32> to vector<64xf32>
      %broadcast_in_dim3A_949 = vector.shape_cast %reduce_max3A_948 : vector<64xf32> to vector<64x1xf32>
      %eq3A_950 = vector.broadcast %broadcast_in_dim3A_949 : vector<64x1xf32> to vector<64x528xf32>
      %eq3A_951 = arith.cmpf oeq, %select_n3A_946, %eq3A_950 : vector<64x528xf32>
      %broadcast_in_dim3A_952 = vector.broadcast %while3A : f32 to vector<64x528xf32>
      %select_n3A_953 = arith.select %eq3A_951, %concatenate3A_834, %broadcast_in_dim3A_952 : vector<64x528xi1>, vector<64x528xf32>
      %reduce_min3A_954 = arith.constant dense<0x7F800000> : vector<64xf32>
      %reduce_min3A_955 = vector.multi_reduction <minimumf>, %select_n3A_953, %reduce_min3A_954 [1] : vector<64x528xf32> to vector<64xf32>
      %broadcast_in_dim3A_956 = vector.shape_cast %reduce_min3A_955 : vector<64xf32> to vector<64x1xf32>
      %eq3A_957 = vector.broadcast %broadcast_in_dim3A_956 : vector<64x1xf32> to vector<64x528xf32>
      %eq3A_958 = arith.cmpf oeq, %concatenate3A_834, %eq3A_957 : vector<64x528xf32>
      %broadcast_in_dim3A_959 = vector.broadcast %while3A_85 : f32 to vector<64x528xf32>
      %select_n3A_960 = arith.select %eq3A_958, %broadcast_in_dim3A_959, %select_n3A_946 : vector<64x528xi1>, vector<64x528xf32>
      %reduce_max3A_961 = arith.constant dense<0xFF800000> : vector<64xf32>
      %reduce_max3A_962 = vector.multi_reduction <maximumf>, %select_n3A_960, %reduce_max3A_961 [1] : vector<64x528xf32> to vector<64xf32>
      %broadcast_in_dim3A_963 = vector.shape_cast %reduce_max3A_962 : vector<64xf32> to vector<64x1xf32>
      %eq3A_964 = vector.broadcast %broadcast_in_dim3A_963 : vector<64x1xf32> to vector<64x528xf32>
      %eq3A_965 = arith.cmpf oeq, %select_n3A_960, %eq3A_964 : vector<64x528xf32>
      %broadcast_in_dim3A_966 = vector.broadcast %while3A : f32 to vector<64x528xf32>
      %select_n3A_967 = arith.select %eq3A_965, %concatenate3A_834, %broadcast_in_dim3A_966 : vector<64x528xi1>, vector<64x528xf32>
      %reduce_min3A_968 = arith.constant dense<0x7F800000> : vector<64xf32>
      %reduce_min3A_969 = vector.multi_reduction <minimumf>, %select_n3A_967, %reduce_min3A_968 [1] : vector<64x528xf32> to vector<64xf32>
      %broadcast_in_dim3A_970 = vector.shape_cast %reduce_min3A_969 : vector<64xf32> to vector<64x1xf32>
      %eq3A_971 = vector.broadcast %broadcast_in_dim3A_970 : vector<64x1xf32> to vector<64x528xf32>
      %eq3A_972 = arith.cmpf oeq, %concatenate3A_834, %eq3A_971 : vector<64x528xf32>
      %broadcast_in_dim3A_973 = vector.broadcast %while3A_85 : f32 to vector<64x528xf32>
      %select_n3A_974 = arith.select %eq3A_972, %broadcast_in_dim3A_973, %select_n3A_960 : vector<64x528xi1>, vector<64x528xf32>
      %reduce_max3A_975 = arith.constant dense<0xFF800000> : vector<64xf32>
      %reduce_max3A_976 = vector.multi_reduction <maximumf>, %select_n3A_974, %reduce_max3A_975 [1] : vector<64x528xf32> to vector<64xf32>
      %broadcast_in_dim3A_977 = vector.shape_cast %reduce_max3A_976 : vector<64xf32> to vector<64x1xf32>
      %eq3A_978 = vector.broadcast %broadcast_in_dim3A_977 : vector<64x1xf32> to vector<64x528xf32>
      %eq3A_979 = arith.cmpf oeq, %select_n3A_974, %eq3A_978 : vector<64x528xf32>
      %broadcast_in_dim3A_980 = vector.broadcast %while3A : f32 to vector<64x528xf32>
      %select_n3A_981 = arith.select %eq3A_979, %concatenate3A_834, %broadcast_in_dim3A_980 : vector<64x528xi1>, vector<64x528xf32>
      %reduce_min3A_982 = arith.constant dense<0x7F800000> : vector<64xf32>
      %reduce_min3A_983 = vector.multi_reduction <minimumf>, %select_n3A_981, %reduce_min3A_982 [1] : vector<64x528xf32> to vector<64xf32>
      %broadcast_in_dim3A_984 = vector.shape_cast %reduce_min3A_983 : vector<64xf32> to vector<64x1xf32>
      %eq3A_985 = vector.broadcast %broadcast_in_dim3A_984 : vector<64x1xf32> to vector<64x528xf32>
      %eq3A_986 = arith.cmpf oeq, %concatenate3A_834, %eq3A_985 : vector<64x528xf32>
      %broadcast_in_dim3A_987 = vector.broadcast %while3A_85 : f32 to vector<64x528xf32>
      %select_n3A_988 = arith.select %eq3A_986, %broadcast_in_dim3A_987, %select_n3A_974 : vector<64x528xi1>, vector<64x528xf32>
      %reduce_max3A_989 = arith.constant dense<0xFF800000> : vector<64xf32>
      %reduce_max3A_990 = vector.multi_reduction <maximumf>, %select_n3A_988, %reduce_max3A_989 [1] : vector<64x528xf32> to vector<64xf32>
      %broadcast_in_dim3A_991 = vector.shape_cast %reduce_max3A_990 : vector<64xf32> to vector<64x1xf32>
      %eq3A_992 = vector.broadcast %broadcast_in_dim3A_991 : vector<64x1xf32> to vector<64x528xf32>
      %eq3A_993 = arith.cmpf oeq, %select_n3A_988, %eq3A_992 : vector<64x528xf32>
      %broadcast_in_dim3A_994 = vector.broadcast %while3A : f32 to vector<64x528xf32>
      %select_n3A_995 = arith.select %eq3A_993, %concatenate3A_834, %broadcast_in_dim3A_994 : vector<64x528xi1>, vector<64x528xf32>
      %reduce_min3A_996 = arith.constant dense<0x7F800000> : vector<64xf32>
      %reduce_min3A_997 = vector.multi_reduction <minimumf>, %select_n3A_995, %reduce_min3A_996 [1] : vector<64x528xf32> to vector<64xf32>
      %broadcast_in_dim3A_998 = vector.shape_cast %reduce_min3A_997 : vector<64xf32> to vector<64x1xf32>
      %eq3A_999 = vector.broadcast %broadcast_in_dim3A_998 : vector<64x1xf32> to vector<64x528xf32>
      %eq3A_1000 = arith.cmpf oeq, %concatenate3A_834, %eq3A_999 : vector<64x528xf32>
      %broadcast_in_dim3A_1001 = vector.broadcast %while3A_85 : f32 to vector<64x528xf32>
      %select_n3A_1002 = arith.select %eq3A_1000, %broadcast_in_dim3A_1001, %select_n3A_988 : vector<64x528xi1>, vector<64x528xf32>
      %reduce_max3A_1003 = arith.constant dense<0xFF800000> : vector<64xf32>
      %reduce_max3A_1004 = vector.multi_reduction <maximumf>, %select_n3A_1002, %reduce_max3A_1003 [1] : vector<64x528xf32> to vector<64xf32>
      %broadcast_in_dim3A_1005 = vector.shape_cast %reduce_max3A_1004 : vector<64xf32> to vector<64x1xf32>
      %eq3A_1006 = vector.broadcast %broadcast_in_dim3A_1005 : vector<64x1xf32> to vector<64x528xf32>
      %eq3A_1007 = arith.cmpf oeq, %select_n3A_1002, %eq3A_1006 : vector<64x528xf32>
      %broadcast_in_dim3A_1008 = vector.broadcast %while3A : f32 to vector<64x528xf32>
      %select_n3A_1009 = arith.select %eq3A_1007, %concatenate3A_834, %broadcast_in_dim3A_1008 : vector<64x528xi1>, vector<64x528xf32>
      %reduce_min3A_1010 = arith.constant dense<0x7F800000> : vector<64xf32>
      %reduce_min3A_1011 = vector.multi_reduction <minimumf>, %select_n3A_1009, %reduce_min3A_1010 [1] : vector<64x528xf32> to vector<64xf32>
      %broadcast_in_dim3A_1012 = vector.shape_cast %reduce_min3A_1011 : vector<64xf32> to vector<64x1xf32>
      %eq3A_1013 = vector.broadcast %broadcast_in_dim3A_1012 : vector<64x1xf32> to vector<64x528xf32>
      %eq3A_1014 = arith.cmpf oeq, %concatenate3A_834, %eq3A_1013 : vector<64x528xf32>
      %broadcast_in_dim3A_1015 = vector.broadcast %while3A_85 : f32 to vector<64x528xf32>
      %select_n3A_1016 = arith.select %eq3A_1014, %broadcast_in_dim3A_1015, %select_n3A_1002 : vector<64x528xi1>, vector<64x528xf32>
      %reduce_max3A_1017 = arith.constant dense<0xFF800000> : vector<64xf32>
      %reduce_max3A_1018 = vector.multi_reduction <maximumf>, %select_n3A_1016, %reduce_max3A_1017 [1] : vector<64x528xf32> to vector<64xf32>
      %broadcast_in_dim3A_1019 = vector.shape_cast %reduce_max3A_1018 : vector<64xf32> to vector<64x1xf32>
      %eq3A_1020 = vector.broadcast %broadcast_in_dim3A_1019 : vector<64x1xf32> to vector<64x528xf32>
      %eq3A_1021 = arith.cmpf oeq, %select_n3A_1016, %eq3A_1020 : vector<64x528xf32>
      %broadcast_in_dim3A_1022 = vector.broadcast %while3A : f32 to vector<64x528xf32>
      %select_n3A_1023 = arith.select %eq3A_1021, %concatenate3A_834, %broadcast_in_dim3A_1022 : vector<64x528xi1>, vector<64x528xf32>
      %reduce_min3A_1024 = arith.constant dense<0x7F800000> : vector<64xf32>
      %reduce_min3A_1025 = vector.multi_reduction <minimumf>, %select_n3A_1023, %reduce_min3A_1024 [1] : vector<64x528xf32> to vector<64xf32>
      %broadcast_in_dim3A_1026 = vector.shape_cast %reduce_min3A_1025 : vector<64xf32> to vector<64x1xf32>
      %eq3A_1027 = vector.broadcast %broadcast_in_dim3A_1026 : vector<64x1xf32> to vector<64x528xf32>
      %eq3A_1028 = arith.cmpf oeq, %concatenate3A_834, %eq3A_1027 : vector<64x528xf32>
      %broadcast_in_dim3A_1029 = vector.broadcast %while3A_85 : f32 to vector<64x528xf32>
      %select_n3A_1030 = arith.select %eq3A_1028, %broadcast_in_dim3A_1029, %select_n3A_1016 : vector<64x528xi1>, vector<64x528xf32>
      %reduce_max3A_1031 = arith.constant dense<0xFF800000> : vector<64xf32>
      %reduce_max3A_1032 = vector.multi_reduction <maximumf>, %select_n3A_1030, %reduce_max3A_1031 [1] : vector<64x528xf32> to vector<64xf32>
      %broadcast_in_dim3A_1033 = vector.shape_cast %reduce_max3A_1032 : vector<64xf32> to vector<64x1xf32>
      %eq3A_1034 = vector.broadcast %broadcast_in_dim3A_1033 : vector<64x1xf32> to vector<64x528xf32>
      %eq3A_1035 = arith.cmpf oeq, %select_n3A_1030, %eq3A_1034 : vector<64x528xf32>
      %broadcast_in_dim3A_1036 = vector.broadcast %while3A : f32 to vector<64x528xf32>
      %select_n3A_1037 = arith.select %eq3A_1035, %concatenate3A_834, %broadcast_in_dim3A_1036 : vector<64x528xi1>, vector<64x528xf32>
      %reduce_min3A_1038 = arith.constant dense<0x7F800000> : vector<64xf32>
      %reduce_min3A_1039 = vector.multi_reduction <minimumf>, %select_n3A_1037, %reduce_min3A_1038 [1] : vector<64x528xf32> to vector<64xf32>
      %broadcast_in_dim3A_1040 = vector.shape_cast %reduce_min3A_1039 : vector<64xf32> to vector<64x1xf32>
      %eq3A_1041 = vector.broadcast %broadcast_in_dim3A_1040 : vector<64x1xf32> to vector<64x528xf32>
      %eq3A_1042 = arith.cmpf oeq, %concatenate3A_834, %eq3A_1041 : vector<64x528xf32>
      %broadcast_in_dim3A_1043 = vector.broadcast %while3A_85 : f32 to vector<64x528xf32>
      %select_n3A_1044 = arith.select %eq3A_1042, %broadcast_in_dim3A_1043, %select_n3A_1030 : vector<64x528xi1>, vector<64x528xf32>
      %reduce_max3A_1045 = arith.constant dense<0xFF800000> : vector<64xf32>
      %reduce_max3A_1046 = vector.multi_reduction <maximumf>, %select_n3A_1044, %reduce_max3A_1045 [1] : vector<64x528xf32> to vector<64xf32>
      %broadcast_in_dim3A_1047 = vector.shape_cast %reduce_max3A_1046 : vector<64xf32> to vector<64x1xf32>
      %eq3A_1048 = vector.broadcast %broadcast_in_dim3A_1047 : vector<64x1xf32> to vector<64x528xf32>
      %eq3A_1049 = arith.cmpf oeq, %select_n3A_1044, %eq3A_1048 : vector<64x528xf32>
      %broadcast_in_dim3A_1050 = vector.broadcast %while3A : f32 to vector<64x528xf32>
      %select_n3A_1051 = arith.select %eq3A_1049, %concatenate3A_834, %broadcast_in_dim3A_1050 : vector<64x528xi1>, vector<64x528xf32>
      %reduce_min3A_1052 = arith.constant dense<0x7F800000> : vector<64xf32>
      %reduce_min3A_1053 = vector.multi_reduction <minimumf>, %select_n3A_1051, %reduce_min3A_1052 [1] : vector<64x528xf32> to vector<64xf32>
      %broadcast_in_dim3A_1054 = vector.shape_cast %reduce_min3A_1053 : vector<64xf32> to vector<64x1xf32>
      %eq3A_1055 = vector.broadcast %broadcast_in_dim3A_1054 : vector<64x1xf32> to vector<64x528xf32>
      %eq3A_1056 = arith.cmpf oeq, %concatenate3A_834, %eq3A_1055 : vector<64x528xf32>
      %broadcast_in_dim3A_1057 = vector.broadcast %while3A_85 : f32 to vector<64x528xf32>
      %select_n3A_1058 = arith.select %eq3A_1056, %broadcast_in_dim3A_1057, %select_n3A_1044 : vector<64x528xi1>, vector<64x528xf32>
      %concatenate3A_1059 = tpu.concatenate %broadcast_in_dim3A_837, %broadcast_in_dim3A_851, %broadcast_in_dim3A_865, %broadcast_in_dim3A_879, %broadcast_in_dim3A_893, %broadcast_in_dim3A_907, %broadcast_in_dim3A_921, %broadcast_in_dim3A_935, %broadcast_in_dim3A_949, %broadcast_in_dim3A_963, %broadcast_in_dim3A_977, %broadcast_in_dim3A_991, %broadcast_in_dim3A_1005, %broadcast_in_dim3A_1019, %broadcast_in_dim3A_1033, %broadcast_in_dim3A_1047 in 1 : vector<64x1xf32>, vector<64x1xf32>, vector<64x1xf32>, vector<64x1xf32>, vector<64x1xf32>, vector<64x1xf32>, vector<64x1xf32>, vector<64x1xf32>, vector<64x1xf32>, vector<64x1xf32>, vector<64x1xf32>, vector<64x1xf32>, vector<64x1xf32>, vector<64x1xf32>, vector<64x1xf32>, vector<64x1xf32> -> vector<64x16xf32>
      %concatenate3A_1060 = tpu.concatenate %broadcast_in_dim3A_844, %broadcast_in_dim3A_858, %broadcast_in_dim3A_872, %broadcast_in_dim3A_886, %broadcast_in_dim3A_900, %broadcast_in_dim3A_914, %broadcast_in_dim3A_928, %broadcast_in_dim3A_942, %broadcast_in_dim3A_956, %broadcast_in_dim3A_970, %broadcast_in_dim3A_984, %broadcast_in_dim3A_998, %broadcast_in_dim3A_1012, %broadcast_in_dim3A_1026, %broadcast_in_dim3A_1040, %broadcast_in_dim3A_1054 in 1 : vector<64x1xf32>, vector<64x1xf32>, vector<64x1xf32>, vector<64x1xf32>, vector<64x1xf32>, vector<64x1xf32>, vector<64x1xf32>, vector<64x1xf32>, vector<64x1xf32>, vector<64x1xf32>, vector<64x1xf32>, vector<64x1xf32>, vector<64x1xf32>, vector<64x1xf32>, vector<64x1xf32>, vector<64x1xf32> -> vector<64x16xf32>
      %slice3A_1061 = vector.extract_strided_slice %select_n3A_132 {offsets = [256, 0], sizes = [64, 512], strides = [1, 1]} : vector<512x512xf32> to vector<64x512xf32>
      %slice3A_1062 = vector.extract_strided_slice %while3A_101 {offsets = [256, 0], sizes = [64, 16], strides = [1, 1]} : vector<512x16xf32> to vector<64x16xf32>
      %concatenate3A_1063 = tpu.concatenate %slice3A_1061, %slice3A_1062 in 1 : vector<64x512xf32>, vector<64x16xf32> -> vector<64x528xf32>
      %slice3A_1064 = vector.extract_strided_slice %convert_element_type3A_135 {offsets = [256, 0], sizes = [64, 512], strides = [1, 1]} : vector<512x512xf32> to vector<64x512xf32>
      %slice3A_1065 = vector.extract_strided_slice %while3A_102 {offsets = [256, 0], sizes = [64, 16], strides = [1, 1]} : vector<512x16xf32> to vector<64x16xf32>
      %concatenate3A_1066 = tpu.concatenate %slice3A_1064, %slice3A_1065 in 1 : vector<64x512xf32>, vector<64x16xf32> -> vector<64x528xf32>
      %reduce_max3A_1067 = arith.constant dense<0xFF800000> : vector<64xf32>
      %reduce_max3A_1068 = vector.multi_reduction <maximumf>, %concatenate3A_1063, %reduce_max3A_1067 [1] : vector<64x528xf32> to vector<64xf32>
      %broadcast_in_dim3A_1069 = vector.shape_cast %reduce_max3A_1068 : vector<64xf32> to vector<64x1xf32>
      %eq3A_1070 = vector.broadcast %broadcast_in_dim3A_1069 : vector<64x1xf32> to vector<64x528xf32>
      %eq3A_1071 = arith.cmpf oeq, %concatenate3A_1063, %eq3A_1070 : vector<64x528xf32>
      %broadcast_in_dim3A_1072 = vector.broadcast %while3A : f32 to vector<64x528xf32>
      %select_n3A_1073 = arith.select %eq3A_1071, %concatenate3A_1066, %broadcast_in_dim3A_1072 : vector<64x528xi1>, vector<64x528xf32>
      %reduce_min3A_1074 = arith.constant dense<0x7F800000> : vector<64xf32>
      %reduce_min3A_1075 = vector.multi_reduction <minimumf>, %select_n3A_1073, %reduce_min3A_1074 [1] : vector<64x528xf32> to vector<64xf32>
      %broadcast_in_dim3A_1076 = vector.shape_cast %reduce_min3A_1075 : vector<64xf32> to vector<64x1xf32>
      %eq3A_1077 = vector.broadcast %broadcast_in_dim3A_1076 : vector<64x1xf32> to vector<64x528xf32>
      %eq3A_1078 = arith.cmpf oeq, %concatenate3A_1066, %eq3A_1077 : vector<64x528xf32>
      %broadcast_in_dim3A_1079 = vector.broadcast %while3A_85 : f32 to vector<64x528xf32>
      %select_n3A_1080 = arith.select %eq3A_1078, %broadcast_in_dim3A_1079, %concatenate3A_1063 : vector<64x528xi1>, vector<64x528xf32>
      %reduce_max3A_1081 = arith.constant dense<0xFF800000> : vector<64xf32>
      %reduce_max3A_1082 = vector.multi_reduction <maximumf>, %select_n3A_1080, %reduce_max3A_1081 [1] : vector<64x528xf32> to vector<64xf32>
      %broadcast_in_dim3A_1083 = vector.shape_cast %reduce_max3A_1082 : vector<64xf32> to vector<64x1xf32>
      %eq3A_1084 = vector.broadcast %broadcast_in_dim3A_1083 : vector<64x1xf32> to vector<64x528xf32>
      %eq3A_1085 = arith.cmpf oeq, %select_n3A_1080, %eq3A_1084 : vector<64x528xf32>
      %broadcast_in_dim3A_1086 = vector.broadcast %while3A : f32 to vector<64x528xf32>
      %select_n3A_1087 = arith.select %eq3A_1085, %concatenate3A_1066, %broadcast_in_dim3A_1086 : vector<64x528xi1>, vector<64x528xf32>
      %reduce_min3A_1088 = arith.constant dense<0x7F800000> : vector<64xf32>
      %reduce_min3A_1089 = vector.multi_reduction <minimumf>, %select_n3A_1087, %reduce_min3A_1088 [1] : vector<64x528xf32> to vector<64xf32>
      %broadcast_in_dim3A_1090 = vector.shape_cast %reduce_min3A_1089 : vector<64xf32> to vector<64x1xf32>
      %eq3A_1091 = vector.broadcast %broadcast_in_dim3A_1090 : vector<64x1xf32> to vector<64x528xf32>
      %eq3A_1092 = arith.cmpf oeq, %concatenate3A_1066, %eq3A_1091 : vector<64x528xf32>
      %broadcast_in_dim3A_1093 = vector.broadcast %while3A_85 : f32 to vector<64x528xf32>
      %select_n3A_1094 = arith.select %eq3A_1092, %broadcast_in_dim3A_1093, %select_n3A_1080 : vector<64x528xi1>, vector<64x528xf32>
      %reduce_max3A_1095 = arith.constant dense<0xFF800000> : vector<64xf32>
      %reduce_max3A_1096 = vector.multi_reduction <maximumf>, %select_n3A_1094, %reduce_max3A_1095 [1] : vector<64x528xf32> to vector<64xf32>
      %broadcast_in_dim3A_1097 = vector.shape_cast %reduce_max3A_1096 : vector<64xf32> to vector<64x1xf32>
      %eq3A_1098 = vector.broadcast %broadcast_in_dim3A_1097 : vector<64x1xf32> to vector<64x528xf32>
      %eq3A_1099 = arith.cmpf oeq, %select_n3A_1094, %eq3A_1098 : vector<64x528xf32>
      %broadcast_in_dim3A_1100 = vector.broadcast %while3A : f32 to vector<64x528xf32>
      %select_n3A_1101 = arith.select %eq3A_1099, %concatenate3A_1066, %broadcast_in_dim3A_1100 : vector<64x528xi1>, vector<64x528xf32>
      %reduce_min3A_1102 = arith.constant dense<0x7F800000> : vector<64xf32>
      %reduce_min3A_1103 = vector.multi_reduction <minimumf>, %select_n3A_1101, %reduce_min3A_1102 [1] : vector<64x528xf32> to vector<64xf32>
      %broadcast_in_dim3A_1104 = vector.shape_cast %reduce_min3A_1103 : vector<64xf32> to vector<64x1xf32>
      %eq3A_1105 = vector.broadcast %broadcast_in_dim3A_1104 : vector<64x1xf32> to vector<64x528xf32>
      %eq3A_1106 = arith.cmpf oeq, %concatenate3A_1066, %eq3A_1105 : vector<64x528xf32>
      %broadcast_in_dim3A_1107 = vector.broadcast %while3A_85 : f32 to vector<64x528xf32>
      %select_n3A_1108 = arith.select %eq3A_1106, %broadcast_in_dim3A_1107, %select_n3A_1094 : vector<64x528xi1>, vector<64x528xf32>
      %reduce_max3A_1109 = arith.constant dense<0xFF800000> : vector<64xf32>
      %reduce_max3A_1110 = vector.multi_reduction <maximumf>, %select_n3A_1108, %reduce_max3A_1109 [1] : vector<64x528xf32> to vector<64xf32>
      %broadcast_in_dim3A_1111 = vector.shape_cast %reduce_max3A_1110 : vector<64xf32> to vector<64x1xf32>
      %eq3A_1112 = vector.broadcast %broadcast_in_dim3A_1111 : vector<64x1xf32> to vector<64x528xf32>
      %eq3A_1113 = arith.cmpf oeq, %select_n3A_1108, %eq3A_1112 : vector<64x528xf32>
      %broadcast_in_dim3A_1114 = vector.broadcast %while3A : f32 to vector<64x528xf32>
      %select_n3A_1115 = arith.select %eq3A_1113, %concatenate3A_1066, %broadcast_in_dim3A_1114 : vector<64x528xi1>, vector<64x528xf32>
      %reduce_min3A_1116 = arith.constant dense<0x7F800000> : vector<64xf32>
      %reduce_min3A_1117 = vector.multi_reduction <minimumf>, %select_n3A_1115, %reduce_min3A_1116 [1] : vector<64x528xf32> to vector<64xf32>
      %broadcast_in_dim3A_1118 = vector.shape_cast %reduce_min3A_1117 : vector<64xf32> to vector<64x1xf32>
      %eq3A_1119 = vector.broadcast %broadcast_in_dim3A_1118 : vector<64x1xf32> to vector<64x528xf32>
      %eq3A_1120 = arith.cmpf oeq, %concatenate3A_1066, %eq3A_1119 : vector<64x528xf32>
      %broadcast_in_dim3A_1121 = vector.broadcast %while3A_85 : f32 to vector<64x528xf32>
      %select_n3A_1122 = arith.select %eq3A_1120, %broadcast_in_dim3A_1121, %select_n3A_1108 : vector<64x528xi1>, vector<64x528xf32>
      %reduce_max3A_1123 = arith.constant dense<0xFF800000> : vector<64xf32>
      %reduce_max3A_1124 = vector.multi_reduction <maximumf>, %select_n3A_1122, %reduce_max3A_1123 [1] : vector<64x528xf32> to vector<64xf32>
      %broadcast_in_dim3A_1125 = vector.shape_cast %reduce_max3A_1124 : vector<64xf32> to vector<64x1xf32>
      %eq3A_1126 = vector.broadcast %broadcast_in_dim3A_1125 : vector<64x1xf32> to vector<64x528xf32>
      %eq3A_1127 = arith.cmpf oeq, %select_n3A_1122, %eq3A_1126 : vector<64x528xf32>
      %broadcast_in_dim3A_1128 = vector.broadcast %while3A : f32 to vector<64x528xf32>
      %select_n3A_1129 = arith.select %eq3A_1127, %concatenate3A_1066, %broadcast_in_dim3A_1128 : vector<64x528xi1>, vector<64x528xf32>
      %reduce_min3A_1130 = arith.constant dense<0x7F800000> : vector<64xf32>
      %reduce_min3A_1131 = vector.multi_reduction <minimumf>, %select_n3A_1129, %reduce_min3A_1130 [1] : vector<64x528xf32> to vector<64xf32>
      %broadcast_in_dim3A_1132 = vector.shape_cast %reduce_min3A_1131 : vector<64xf32> to vector<64x1xf32>
      %eq3A_1133 = vector.broadcast %broadcast_in_dim3A_1132 : vector<64x1xf32> to vector<64x528xf32>
      %eq3A_1134 = arith.cmpf oeq, %concatenate3A_1066, %eq3A_1133 : vector<64x528xf32>
      %broadcast_in_dim3A_1135 = vector.broadcast %while3A_85 : f32 to vector<64x528xf32>
      %select_n3A_1136 = arith.select %eq3A_1134, %broadcast_in_dim3A_1135, %select_n3A_1122 : vector<64x528xi1>, vector<64x528xf32>
      %reduce_max3A_1137 = arith.constant dense<0xFF800000> : vector<64xf32>
      %reduce_max3A_1138 = vector.multi_reduction <maximumf>, %select_n3A_1136, %reduce_max3A_1137 [1] : vector<64x528xf32> to vector<64xf32>
      %broadcast_in_dim3A_1139 = vector.shape_cast %reduce_max3A_1138 : vector<64xf32> to vector<64x1xf32>
      %eq3A_1140 = vector.broadcast %broadcast_in_dim3A_1139 : vector<64x1xf32> to vector<64x528xf32>
      %eq3A_1141 = arith.cmpf oeq, %select_n3A_1136, %eq3A_1140 : vector<64x528xf32>
      %broadcast_in_dim3A_1142 = vector.broadcast %while3A : f32 to vector<64x528xf32>
      %select_n3A_1143 = arith.select %eq3A_1141, %concatenate3A_1066, %broadcast_in_dim3A_1142 : vector<64x528xi1>, vector<64x528xf32>
      %reduce_min3A_1144 = arith.constant dense<0x7F800000> : vector<64xf32>
      %reduce_min3A_1145 = vector.multi_reduction <minimumf>, %select_n3A_1143, %reduce_min3A_1144 [1] : vector<64x528xf32> to vector<64xf32>
      %broadcast_in_dim3A_1146 = vector.shape_cast %reduce_min3A_1145 : vector<64xf32> to vector<64x1xf32>
      %eq3A_1147 = vector.broadcast %broadcast_in_dim3A_1146 : vector<64x1xf32> to vector<64x528xf32>
      %eq3A_1148 = arith.cmpf oeq, %concatenate3A_1066, %eq3A_1147 : vector<64x528xf32>
      %broadcast_in_dim3A_1149 = vector.broadcast %while3A_85 : f32 to vector<64x528xf32>
      %select_n3A_1150 = arith.select %eq3A_1148, %broadcast_in_dim3A_1149, %select_n3A_1136 : vector<64x528xi1>, vector<64x528xf32>
      %reduce_max3A_1151 = arith.constant dense<0xFF800000> : vector<64xf32>
      %reduce_max3A_1152 = vector.multi_reduction <maximumf>, %select_n3A_1150, %reduce_max3A_1151 [1] : vector<64x528xf32> to vector<64xf32>
      %broadcast_in_dim3A_1153 = vector.shape_cast %reduce_max3A_1152 : vector<64xf32> to vector<64x1xf32>
      %eq3A_1154 = vector.broadcast %broadcast_in_dim3A_1153 : vector<64x1xf32> to vector<64x528xf32>
      %eq3A_1155 = arith.cmpf oeq, %select_n3A_1150, %eq3A_1154 : vector<64x528xf32>
      %broadcast_in_dim3A_1156 = vector.broadcast %while3A : f32 to vector<64x528xf32>
      %select_n3A_1157 = arith.select %eq3A_1155, %concatenate3A_1066, %broadcast_in_dim3A_1156 : vector<64x528xi1>, vector<64x528xf32>
      %reduce_min3A_1158 = arith.constant dense<0x7F800000> : vector<64xf32>
      %reduce_min3A_1159 = vector.multi_reduction <minimumf>, %select_n3A_1157, %reduce_min3A_1158 [1] : vector<64x528xf32> to vector<64xf32>
      %broadcast_in_dim3A_1160 = vector.shape_cast %reduce_min3A_1159 : vector<64xf32> to vector<64x1xf32>
      %eq3A_1161 = vector.broadcast %broadcast_in_dim3A_1160 : vector<64x1xf32> to vector<64x528xf32>
      %eq3A_1162 = arith.cmpf oeq, %concatenate3A_1066, %eq3A_1161 : vector<64x528xf32>
      %broadcast_in_dim3A_1163 = vector.broadcast %while3A_85 : f32 to vector<64x528xf32>
      %select_n3A_1164 = arith.select %eq3A_1162, %broadcast_in_dim3A_1163, %select_n3A_1150 : vector<64x528xi1>, vector<64x528xf32>
      %reduce_max3A_1165 = arith.constant dense<0xFF800000> : vector<64xf32>
      %reduce_max3A_1166 = vector.multi_reduction <maximumf>, %select_n3A_1164, %reduce_max3A_1165 [1] : vector<64x528xf32> to vector<64xf32>
      %broadcast_in_dim3A_1167 = vector.shape_cast %reduce_max3A_1166 : vector<64xf32> to vector<64x1xf32>
      %eq3A_1168 = vector.broadcast %broadcast_in_dim3A_1167 : vector<64x1xf32> to vector<64x528xf32>
      %eq3A_1169 = arith.cmpf oeq, %select_n3A_1164, %eq3A_1168 : vector<64x528xf32>
      %broadcast_in_dim3A_1170 = vector.broadcast %while3A : f32 to vector<64x528xf32>
      %select_n3A_1171 = arith.select %eq3A_1169, %concatenate3A_1066, %broadcast_in_dim3A_1170 : vector<64x528xi1>, vector<64x528xf32>
      %reduce_min3A_1172 = arith.constant dense<0x7F800000> : vector<64xf32>
      %reduce_min3A_1173 = vector.multi_reduction <minimumf>, %select_n3A_1171, %reduce_min3A_1172 [1] : vector<64x528xf32> to vector<64xf32>
      %broadcast_in_dim3A_1174 = vector.shape_cast %reduce_min3A_1173 : vector<64xf32> to vector<64x1xf32>
      %eq3A_1175 = vector.broadcast %broadcast_in_dim3A_1174 : vector<64x1xf32> to vector<64x528xf32>
      %eq3A_1176 = arith.cmpf oeq, %concatenate3A_1066, %eq3A_1175 : vector<64x528xf32>
      %broadcast_in_dim3A_1177 = vector.broadcast %while3A_85 : f32 to vector<64x528xf32>
      %select_n3A_1178 = arith.select %eq3A_1176, %broadcast_in_dim3A_1177, %select_n3A_1164 : vector<64x528xi1>, vector<64x528xf32>
      %reduce_max3A_1179 = arith.constant dense<0xFF800000> : vector<64xf32>
      %reduce_max3A_1180 = vector.multi_reduction <maximumf>, %select_n3A_1178, %reduce_max3A_1179 [1] : vector<64x528xf32> to vector<64xf32>
      %broadcast_in_dim3A_1181 = vector.shape_cast %reduce_max3A_1180 : vector<64xf32> to vector<64x1xf32>
      %eq3A_1182 = vector.broadcast %broadcast_in_dim3A_1181 : vector<64x1xf32> to vector<64x528xf32>
      %eq3A_1183 = arith.cmpf oeq, %select_n3A_1178, %eq3A_1182 : vector<64x528xf32>
      %broadcast_in_dim3A_1184 = vector.broadcast %while3A : f32 to vector<64x528xf32>
      %select_n3A_1185 = arith.select %eq3A_1183, %concatenate3A_1066, %broadcast_in_dim3A_1184 : vector<64x528xi1>, vector<64x528xf32>
      %reduce_min3A_1186 = arith.constant dense<0x7F800000> : vector<64xf32>
      %reduce_min3A_1187 = vector.multi_reduction <minimumf>, %select_n3A_1185, %reduce_min3A_1186 [1] : vector<64x528xf32> to vector<64xf32>
      %broadcast_in_dim3A_1188 = vector.shape_cast %reduce_min3A_1187 : vector<64xf32> to vector<64x1xf32>
      %eq3A_1189 = vector.broadcast %broadcast_in_dim3A_1188 : vector<64x1xf32> to vector<64x528xf32>
      %eq3A_1190 = arith.cmpf oeq, %concatenate3A_1066, %eq3A_1189 : vector<64x528xf32>
      %broadcast_in_dim3A_1191 = vector.broadcast %while3A_85 : f32 to vector<64x528xf32>
      %select_n3A_1192 = arith.select %eq3A_1190, %broadcast_in_dim3A_1191, %select_n3A_1178 : vector<64x528xi1>, vector<64x528xf32>
      %reduce_max3A_1193 = arith.constant dense<0xFF800000> : vector<64xf32>
      %reduce_max3A_1194 = vector.multi_reduction <maximumf>, %select_n3A_1192, %reduce_max3A_1193 [1] : vector<64x528xf32> to vector<64xf32>
      %broadcast_in_dim3A_1195 = vector.shape_cast %reduce_max3A_1194 : vector<64xf32> to vector<64x1xf32>
      %eq3A_1196 = vector.broadcast %broadcast_in_dim3A_1195 : vector<64x1xf32> to vector<64x528xf32>
      %eq3A_1197 = arith.cmpf oeq, %select_n3A_1192, %eq3A_1196 : vector<64x528xf32>
      %broadcast_in_dim3A_1198 = vector.broadcast %while3A : f32 to vector<64x528xf32>
      %select_n3A_1199 = arith.select %eq3A_1197, %concatenate3A_1066, %broadcast_in_dim3A_1198 : vector<64x528xi1>, vector<64x528xf32>
      %reduce_min3A_1200 = arith.constant dense<0x7F800000> : vector<64xf32>
      %reduce_min3A_1201 = vector.multi_reduction <minimumf>, %select_n3A_1199, %reduce_min3A_1200 [1] : vector<64x528xf32> to vector<64xf32>
      %broadcast_in_dim3A_1202 = vector.shape_cast %reduce_min3A_1201 : vector<64xf32> to vector<64x1xf32>
      %eq3A_1203 = vector.broadcast %broadcast_in_dim3A_1202 : vector<64x1xf32> to vector<64x528xf32>
      %eq3A_1204 = arith.cmpf oeq, %concatenate3A_1066, %eq3A_1203 : vector<64x528xf32>
      %broadcast_in_dim3A_1205 = vector.broadcast %while3A_85 : f32 to vector<64x528xf32>
      %select_n3A_1206 = arith.select %eq3A_1204, %broadcast_in_dim3A_1205, %select_n3A_1192 : vector<64x528xi1>, vector<64x528xf32>
      %reduce_max3A_1207 = arith.constant dense<0xFF800000> : vector<64xf32>
      %reduce_max3A_1208 = vector.multi_reduction <maximumf>, %select_n3A_1206, %reduce_max3A_1207 [1] : vector<64x528xf32> to vector<64xf32>
      %broadcast_in_dim3A_1209 = vector.shape_cast %reduce_max3A_1208 : vector<64xf32> to vector<64x1xf32>
      %eq3A_1210 = vector.broadcast %broadcast_in_dim3A_1209 : vector<64x1xf32> to vector<64x528xf32>
      %eq3A_1211 = arith.cmpf oeq, %select_n3A_1206, %eq3A_1210 : vector<64x528xf32>
      %broadcast_in_dim3A_1212 = vector.broadcast %while3A : f32 to vector<64x528xf32>
      %select_n3A_1213 = arith.select %eq3A_1211, %concatenate3A_1066, %broadcast_in_dim3A_1212 : vector<64x528xi1>, vector<64x528xf32>
      %reduce_min3A_1214 = arith.constant dense<0x7F800000> : vector<64xf32>
      %reduce_min3A_1215 = vector.multi_reduction <minimumf>, %select_n3A_1213, %reduce_min3A_1214 [1] : vector<64x528xf32> to vector<64xf32>
      %broadcast_in_dim3A_1216 = vector.shape_cast %reduce_min3A_1215 : vector<64xf32> to vector<64x1xf32>
      %eq3A_1217 = vector.broadcast %broadcast_in_dim3A_1216 : vector<64x1xf32> to vector<64x528xf32>
      %eq3A_1218 = arith.cmpf oeq, %concatenate3A_1066, %eq3A_1217 : vector<64x528xf32>
      %broadcast_in_dim3A_1219 = vector.broadcast %while3A_85 : f32 to vector<64x528xf32>
      %select_n3A_1220 = arith.select %eq3A_1218, %broadcast_in_dim3A_1219, %select_n3A_1206 : vector<64x528xi1>, vector<64x528xf32>
      %reduce_max3A_1221 = arith.constant dense<0xFF800000> : vector<64xf32>
      %reduce_max3A_1222 = vector.multi_reduction <maximumf>, %select_n3A_1220, %reduce_max3A_1221 [1] : vector<64x528xf32> to vector<64xf32>
      %broadcast_in_dim3A_1223 = vector.shape_cast %reduce_max3A_1222 : vector<64xf32> to vector<64x1xf32>
      %eq3A_1224 = vector.broadcast %broadcast_in_dim3A_1223 : vector<64x1xf32> to vector<64x528xf32>
      %eq3A_1225 = arith.cmpf oeq, %select_n3A_1220, %eq3A_1224 : vector<64x528xf32>
      %broadcast_in_dim3A_1226 = vector.broadcast %while3A : f32 to vector<64x528xf32>
      %select_n3A_1227 = arith.select %eq3A_1225, %concatenate3A_1066, %broadcast_in_dim3A_1226 : vector<64x528xi1>, vector<64x528xf32>
      %reduce_min3A_1228 = arith.constant dense<0x7F800000> : vector<64xf32>
      %reduce_min3A_1229 = vector.multi_reduction <minimumf>, %select_n3A_1227, %reduce_min3A_1228 [1] : vector<64x528xf32> to vector<64xf32>
      %broadcast_in_dim3A_1230 = vector.shape_cast %reduce_min3A_1229 : vector<64xf32> to vector<64x1xf32>
      %eq3A_1231 = vector.broadcast %broadcast_in_dim3A_1230 : vector<64x1xf32> to vector<64x528xf32>
      %eq3A_1232 = arith.cmpf oeq, %concatenate3A_1066, %eq3A_1231 : vector<64x528xf32>
      %broadcast_in_dim3A_1233 = vector.broadcast %while3A_85 : f32 to vector<64x528xf32>
      %select_n3A_1234 = arith.select %eq3A_1232, %broadcast_in_dim3A_1233, %select_n3A_1220 : vector<64x528xi1>, vector<64x528xf32>
      %reduce_max3A_1235 = arith.constant dense<0xFF800000> : vector<64xf32>
      %reduce_max3A_1236 = vector.multi_reduction <maximumf>, %select_n3A_1234, %reduce_max3A_1235 [1] : vector<64x528xf32> to vector<64xf32>
      %broadcast_in_dim3A_1237 = vector.shape_cast %reduce_max3A_1236 : vector<64xf32> to vector<64x1xf32>
      %eq3A_1238 = vector.broadcast %broadcast_in_dim3A_1237 : vector<64x1xf32> to vector<64x528xf32>
      %eq3A_1239 = arith.cmpf oeq, %select_n3A_1234, %eq3A_1238 : vector<64x528xf32>
      %broadcast_in_dim3A_1240 = vector.broadcast %while3A : f32 to vector<64x528xf32>
      %select_n3A_1241 = arith.select %eq3A_1239, %concatenate3A_1066, %broadcast_in_dim3A_1240 : vector<64x528xi1>, vector<64x528xf32>
      %reduce_min3A_1242 = arith.constant dense<0x7F800000> : vector<64xf32>
      %reduce_min3A_1243 = vector.multi_reduction <minimumf>, %select_n3A_1241, %reduce_min3A_1242 [1] : vector<64x528xf32> to vector<64xf32>
      %broadcast_in_dim3A_1244 = vector.shape_cast %reduce_min3A_1243 : vector<64xf32> to vector<64x1xf32>
      %eq3A_1245 = vector.broadcast %broadcast_in_dim3A_1244 : vector<64x1xf32> to vector<64x528xf32>
      %eq3A_1246 = arith.cmpf oeq, %concatenate3A_1066, %eq3A_1245 : vector<64x528xf32>
      %broadcast_in_dim3A_1247 = vector.broadcast %while3A_85 : f32 to vector<64x528xf32>
      %select_n3A_1248 = arith.select %eq3A_1246, %broadcast_in_dim3A_1247, %select_n3A_1234 : vector<64x528xi1>, vector<64x528xf32>
      %reduce_max3A_1249 = arith.constant dense<0xFF800000> : vector<64xf32>
      %reduce_max3A_1250 = vector.multi_reduction <maximumf>, %select_n3A_1248, %reduce_max3A_1249 [1] : vector<64x528xf32> to vector<64xf32>
      %broadcast_in_dim3A_1251 = vector.shape_cast %reduce_max3A_1250 : vector<64xf32> to vector<64x1xf32>
      %eq3A_1252 = vector.broadcast %broadcast_in_dim3A_1251 : vector<64x1xf32> to vector<64x528xf32>
      %eq3A_1253 = arith.cmpf oeq, %select_n3A_1248, %eq3A_1252 : vector<64x528xf32>
      %broadcast_in_dim3A_1254 = vector.broadcast %while3A : f32 to vector<64x528xf32>
      %select_n3A_1255 = arith.select %eq3A_1253, %concatenate3A_1066, %broadcast_in_dim3A_1254 : vector<64x528xi1>, vector<64x528xf32>
      %reduce_min3A_1256 = arith.constant dense<0x7F800000> : vector<64xf32>
      %reduce_min3A_1257 = vector.multi_reduction <minimumf>, %select_n3A_1255, %reduce_min3A_1256 [1] : vector<64x528xf32> to vector<64xf32>
      %broadcast_in_dim3A_1258 = vector.shape_cast %reduce_min3A_1257 : vector<64xf32> to vector<64x1xf32>
      %eq3A_1259 = vector.broadcast %broadcast_in_dim3A_1258 : vector<64x1xf32> to vector<64x528xf32>
      %eq3A_1260 = arith.cmpf oeq, %concatenate3A_1066, %eq3A_1259 : vector<64x528xf32>
      %broadcast_in_dim3A_1261 = vector.broadcast %while3A_85 : f32 to vector<64x528xf32>
      %select_n3A_1262 = arith.select %eq3A_1260, %broadcast_in_dim3A_1261, %select_n3A_1248 : vector<64x528xi1>, vector<64x528xf32>
      %reduce_max3A_1263 = arith.constant dense<0xFF800000> : vector<64xf32>
      %reduce_max3A_1264 = vector.multi_reduction <maximumf>, %select_n3A_1262, %reduce_max3A_1263 [1] : vector<64x528xf32> to vector<64xf32>
      %broadcast_in_dim3A_1265 = vector.shape_cast %reduce_max3A_1264 : vector<64xf32> to vector<64x1xf32>
      %eq3A_1266 = vector.broadcast %broadcast_in_dim3A_1265 : vector<64x1xf32> to vector<64x528xf32>
      %eq3A_1267 = arith.cmpf oeq, %select_n3A_1262, %eq3A_1266 : vector<64x528xf32>
      %broadcast_in_dim3A_1268 = vector.broadcast %while3A : f32 to vector<64x528xf32>
      %select_n3A_1269 = arith.select %eq3A_1267, %concatenate3A_1066, %broadcast_in_dim3A_1268 : vector<64x528xi1>, vector<64x528xf32>
      %reduce_min3A_1270 = arith.constant dense<0x7F800000> : vector<64xf32>
      %reduce_min3A_1271 = vector.multi_reduction <minimumf>, %select_n3A_1269, %reduce_min3A_1270 [1] : vector<64x528xf32> to vector<64xf32>
      %broadcast_in_dim3A_1272 = vector.shape_cast %reduce_min3A_1271 : vector<64xf32> to vector<64x1xf32>
      %eq3A_1273 = vector.broadcast %broadcast_in_dim3A_1272 : vector<64x1xf32> to vector<64x528xf32>
      %eq3A_1274 = arith.cmpf oeq, %concatenate3A_1066, %eq3A_1273 : vector<64x528xf32>
      %broadcast_in_dim3A_1275 = vector.broadcast %while3A_85 : f32 to vector<64x528xf32>
      %select_n3A_1276 = arith.select %eq3A_1274, %broadcast_in_dim3A_1275, %select_n3A_1262 : vector<64x528xi1>, vector<64x528xf32>
      %reduce_max3A_1277 = arith.constant dense<0xFF800000> : vector<64xf32>
      %reduce_max3A_1278 = vector.multi_reduction <maximumf>, %select_n3A_1276, %reduce_max3A_1277 [1] : vector<64x528xf32> to vector<64xf32>
      %broadcast_in_dim3A_1279 = vector.shape_cast %reduce_max3A_1278 : vector<64xf32> to vector<64x1xf32>
      %eq3A_1280 = vector.broadcast %broadcast_in_dim3A_1279 : vector<64x1xf32> to vector<64x528xf32>
      %eq3A_1281 = arith.cmpf oeq, %select_n3A_1276, %eq3A_1280 : vector<64x528xf32>
      %broadcast_in_dim3A_1282 = vector.broadcast %while3A : f32 to vector<64x528xf32>
      %select_n3A_1283 = arith.select %eq3A_1281, %concatenate3A_1066, %broadcast_in_dim3A_1282 : vector<64x528xi1>, vector<64x528xf32>
      %reduce_min3A_1284 = arith.constant dense<0x7F800000> : vector<64xf32>
      %reduce_min3A_1285 = vector.multi_reduction <minimumf>, %select_n3A_1283, %reduce_min3A_1284 [1] : vector<64x528xf32> to vector<64xf32>
      %broadcast_in_dim3A_1286 = vector.shape_cast %reduce_min3A_1285 : vector<64xf32> to vector<64x1xf32>
      %eq3A_1287 = vector.broadcast %broadcast_in_dim3A_1286 : vector<64x1xf32> to vector<64x528xf32>
      %eq3A_1288 = arith.cmpf oeq, %concatenate3A_1066, %eq3A_1287 : vector<64x528xf32>
      %broadcast_in_dim3A_1289 = vector.broadcast %while3A_85 : f32 to vector<64x528xf32>
      %select_n3A_1290 = arith.select %eq3A_1288, %broadcast_in_dim3A_1289, %select_n3A_1276 : vector<64x528xi1>, vector<64x528xf32>
      %concatenate3A_1291 = tpu.concatenate %broadcast_in_dim3A_1069, %broadcast_in_dim3A_1083, %broadcast_in_dim3A_1097, %broadcast_in_dim3A_1111, %broadcast_in_dim3A_1125, %broadcast_in_dim3A_1139, %broadcast_in_dim3A_1153, %broadcast_in_dim3A_1167, %broadcast_in_dim3A_1181, %broadcast_in_dim3A_1195, %broadcast_in_dim3A_1209, %broadcast_in_dim3A_1223, %broadcast_in_dim3A_1237, %broadcast_in_dim3A_1251, %broadcast_in_dim3A_1265, %broadcast_in_dim3A_1279 in 1 : vector<64x1xf32>, vector<64x1xf32>, vector<64x1xf32>, vector<64x1xf32>, vector<64x1xf32>, vector<64x1xf32>, vector<64x1xf32>, vector<64x1xf32>, vector<64x1xf32>, vector<64x1xf32>, vector<64x1xf32>, vector<64x1xf32>, vector<64x1xf32>, vector<64x1xf32>, vector<64x1xf32>, vector<64x1xf32> -> vector<64x16xf32>
      %concatenate3A_1292 = tpu.concatenate %broadcast_in_dim3A_1076, %broadcast_in_dim3A_1090, %broadcast_in_dim3A_1104, %broadcast_in_dim3A_1118, %broadcast_in_dim3A_1132, %broadcast_in_dim3A_1146, %broadcast_in_dim3A_1160, %broadcast_in_dim3A_1174, %broadcast_in_dim3A_1188, %broadcast_in_dim3A_1202, %broadcast_in_dim3A_1216, %broadcast_in_dim3A_1230, %broadcast_in_dim3A_1244, %broadcast_in_dim3A_1258, %broadcast_in_dim3A_1272, %broadcast_in_dim3A_1286 in 1 : vector<64x1xf32>, vector<64x1xf32>, vector<64x1xf32>, vector<64x1xf32>, vector<64x1xf32>, vector<64x1xf32>, vector<64x1xf32>, vector<64x1xf32>, vector<64x1xf32>, vector<64x1xf32>, vector<64x1xf32>, vector<64x1xf32>, vector<64x1xf32>, vector<64x1xf32>, vector<64x1xf32>, vector<64x1xf32> -> vector<64x16xf32>
      %slice3A_1293 = vector.extract_strided_slice %select_n3A_132 {offsets = [320, 0], sizes = [64, 512], strides = [1, 1]} : vector<512x512xf32> to vector<64x512xf32>
      %slice3A_1294 = vector.extract_strided_slice %while3A_101 {offsets = [320, 0], sizes = [64, 16], strides = [1, 1]} : vector<512x16xf32> to vector<64x16xf32>
      %concatenate3A_1295 = tpu.concatenate %slice3A_1293, %slice3A_1294 in 1 : vector<64x512xf32>, vector<64x16xf32> -> vector<64x528xf32>
      %slice3A_1296 = vector.extract_strided_slice %convert_element_type3A_135 {offsets = [320, 0], sizes = [64, 512], strides = [1, 1]} : vector<512x512xf32> to vector<64x512xf32>
      %slice3A_1297 = vector.extract_strided_slice %while3A_102 {offsets = [320, 0], sizes = [64, 16], strides = [1, 1]} : vector<512x16xf32> to vector<64x16xf32>
      %concatenate3A_1298 = tpu.concatenate %slice3A_1296, %slice3A_1297 in 1 : vector<64x512xf32>, vector<64x16xf32> -> vector<64x528xf32>
      %reduce_max3A_1299 = arith.constant dense<0xFF800000> : vector<64xf32>
      %reduce_max3A_1300 = vector.multi_reduction <maximumf>, %concatenate3A_1295, %reduce_max3A_1299 [1] : vector<64x528xf32> to vector<64xf32>
      %broadcast_in_dim3A_1301 = vector.shape_cast %reduce_max3A_1300 : vector<64xf32> to vector<64x1xf32>
      %eq3A_1302 = vector.broadcast %broadcast_in_dim3A_1301 : vector<64x1xf32> to vector<64x528xf32>
      %eq3A_1303 = arith.cmpf oeq, %concatenate3A_1295, %eq3A_1302 : vector<64x528xf32>
      %broadcast_in_dim3A_1304 = vector.broadcast %while3A : f32 to vector<64x528xf32>
      %select_n3A_1305 = arith.select %eq3A_1303, %concatenate3A_1298, %broadcast_in_dim3A_1304 : vector<64x528xi1>, vector<64x528xf32>
      %reduce_min3A_1306 = arith.constant dense<0x7F800000> : vector<64xf32>
      %reduce_min3A_1307 = vector.multi_reduction <minimumf>, %select_n3A_1305, %reduce_min3A_1306 [1] : vector<64x528xf32> to vector<64xf32>
      %broadcast_in_dim3A_1308 = vector.shape_cast %reduce_min3A_1307 : vector<64xf32> to vector<64x1xf32>
      %eq3A_1309 = vector.broadcast %broadcast_in_dim3A_1308 : vector<64x1xf32> to vector<64x528xf32>
      %eq3A_1310 = arith.cmpf oeq, %concatenate3A_1298, %eq3A_1309 : vector<64x528xf32>
      %broadcast_in_dim3A_1311 = vector.broadcast %while3A_85 : f32 to vector<64x528xf32>
      %select_n3A_1312 = arith.select %eq3A_1310, %broadcast_in_dim3A_1311, %concatenate3A_1295 : vector<64x528xi1>, vector<64x528xf32>
      %reduce_max3A_1313 = arith.constant dense<0xFF800000> : vector<64xf32>
      %reduce_max3A_1314 = vector.multi_reduction <maximumf>, %select_n3A_1312, %reduce_max3A_1313 [1] : vector<64x528xf32> to vector<64xf32>
      %broadcast_in_dim3A_1315 = vector.shape_cast %reduce_max3A_1314 : vector<64xf32> to vector<64x1xf32>
      %eq3A_1316 = vector.broadcast %broadcast_in_dim3A_1315 : vector<64x1xf32> to vector<64x528xf32>
      %eq3A_1317 = arith.cmpf oeq, %select_n3A_1312, %eq3A_1316 : vector<64x528xf32>
      %broadcast_in_dim3A_1318 = vector.broadcast %while3A : f32 to vector<64x528xf32>
      %select_n3A_1319 = arith.select %eq3A_1317, %concatenate3A_1298, %broadcast_in_dim3A_1318 : vector<64x528xi1>, vector<64x528xf32>
      %reduce_min3A_1320 = arith.constant dense<0x7F800000> : vector<64xf32>
      %reduce_min3A_1321 = vector.multi_reduction <minimumf>, %select_n3A_1319, %reduce_min3A_1320 [1] : vector<64x528xf32> to vector<64xf32>
      %broadcast_in_dim3A_1322 = vector.shape_cast %reduce_min3A_1321 : vector<64xf32> to vector<64x1xf32>
      %eq3A_1323 = vector.broadcast %broadcast_in_dim3A_1322 : vector<64x1xf32> to vector<64x528xf32>
      %eq3A_1324 = arith.cmpf oeq, %concatenate3A_1298, %eq3A_1323 : vector<64x528xf32>
      %broadcast_in_dim3A_1325 = vector.broadcast %while3A_85 : f32 to vector<64x528xf32>
      %select_n3A_1326 = arith.select %eq3A_1324, %broadcast_in_dim3A_1325, %select_n3A_1312 : vector<64x528xi1>, vector<64x528xf32>
      %reduce_max3A_1327 = arith.constant dense<0xFF800000> : vector<64xf32>
      %reduce_max3A_1328 = vector.multi_reduction <maximumf>, %select_n3A_1326, %reduce_max3A_1327 [1] : vector<64x528xf32> to vector<64xf32>
      %broadcast_in_dim3A_1329 = vector.shape_cast %reduce_max3A_1328 : vector<64xf32> to vector<64x1xf32>
      %eq3A_1330 = vector.broadcast %broadcast_in_dim3A_1329 : vector<64x1xf32> to vector<64x528xf32>
      %eq3A_1331 = arith.cmpf oeq, %select_n3A_1326, %eq3A_1330 : vector<64x528xf32>
      %broadcast_in_dim3A_1332 = vector.broadcast %while3A : f32 to vector<64x528xf32>
      %select_n3A_1333 = arith.select %eq3A_1331, %concatenate3A_1298, %broadcast_in_dim3A_1332 : vector<64x528xi1>, vector<64x528xf32>
      %reduce_min3A_1334 = arith.constant dense<0x7F800000> : vector<64xf32>
      %reduce_min3A_1335 = vector.multi_reduction <minimumf>, %select_n3A_1333, %reduce_min3A_1334 [1] : vector<64x528xf32> to vector<64xf32>
      %broadcast_in_dim3A_1336 = vector.shape_cast %reduce_min3A_1335 : vector<64xf32> to vector<64x1xf32>
      %eq3A_1337 = vector.broadcast %broadcast_in_dim3A_1336 : vector<64x1xf32> to vector<64x528xf32>
      %eq3A_1338 = arith.cmpf oeq, %concatenate3A_1298, %eq3A_1337 : vector<64x528xf32>
      %broadcast_in_dim3A_1339 = vector.broadcast %while3A_85 : f32 to vector<64x528xf32>
      %select_n3A_1340 = arith.select %eq3A_1338, %broadcast_in_dim3A_1339, %select_n3A_1326 : vector<64x528xi1>, vector<64x528xf32>
      %reduce_max3A_1341 = arith.constant dense<0xFF800000> : vector<64xf32>
      %reduce_max3A_1342 = vector.multi_reduction <maximumf>, %select_n3A_1340, %reduce_max3A_1341 [1] : vector<64x528xf32> to vector<64xf32>
      %broadcast_in_dim3A_1343 = vector.shape_cast %reduce_max3A_1342 : vector<64xf32> to vector<64x1xf32>
      %eq3A_1344 = vector.broadcast %broadcast_in_dim3A_1343 : vector<64x1xf32> to vector<64x528xf32>
      %eq3A_1345 = arith.cmpf oeq, %select_n3A_1340, %eq3A_1344 : vector<64x528xf32>
      %broadcast_in_dim3A_1346 = vector.broadcast %while3A : f32 to vector<64x528xf32>
      %select_n3A_1347 = arith.select %eq3A_1345, %concatenate3A_1298, %broadcast_in_dim3A_1346 : vector<64x528xi1>, vector<64x528xf32>
      %reduce_min3A_1348 = arith.constant dense<0x7F800000> : vector<64xf32>
      %reduce_min3A_1349 = vector.multi_reduction <minimumf>, %select_n3A_1347, %reduce_min3A_1348 [1] : vector<64x528xf32> to vector<64xf32>
      %broadcast_in_dim3A_1350 = vector.shape_cast %reduce_min3A_1349 : vector<64xf32> to vector<64x1xf32>
      %eq3A_1351 = vector.broadcast %broadcast_in_dim3A_1350 : vector<64x1xf32> to vector<64x528xf32>
      %eq3A_1352 = arith.cmpf oeq, %concatenate3A_1298, %eq3A_1351 : vector<64x528xf32>
      %broadcast_in_dim3A_1353 = vector.broadcast %while3A_85 : f32 to vector<64x528xf32>
      %select_n3A_1354 = arith.select %eq3A_1352, %broadcast_in_dim3A_1353, %select_n3A_1340 : vector<64x528xi1>, vector<64x528xf32>
      %reduce_max3A_1355 = arith.constant dense<0xFF800000> : vector<64xf32>
      %reduce_max3A_1356 = vector.multi_reduction <maximumf>, %select_n3A_1354, %reduce_max3A_1355 [1] : vector<64x528xf32> to vector<64xf32>
      %broadcast_in_dim3A_1357 = vector.shape_cast %reduce_max3A_1356 : vector<64xf32> to vector<64x1xf32>
      %eq3A_1358 = vector.broadcast %broadcast_in_dim3A_1357 : vector<64x1xf32> to vector<64x528xf32>
      %eq3A_1359 = arith.cmpf oeq, %select_n3A_1354, %eq3A_1358 : vector<64x528xf32>
      %broadcast_in_dim3A_1360 = vector.broadcast %while3A : f32 to vector<64x528xf32>
      %select_n3A_1361 = arith.select %eq3A_1359, %concatenate3A_1298, %broadcast_in_dim3A_1360 : vector<64x528xi1>, vector<64x528xf32>
      %reduce_min3A_1362 = arith.constant dense<0x7F800000> : vector<64xf32>
      %reduce_min3A_1363 = vector.multi_reduction <minimumf>, %select_n3A_1361, %reduce_min3A_1362 [1] : vector<64x528xf32> to vector<64xf32>
      %broadcast_in_dim3A_1364 = vector.shape_cast %reduce_min3A_1363 : vector<64xf32> to vector<64x1xf32>
      %eq3A_1365 = vector.broadcast %broadcast_in_dim3A_1364 : vector<64x1xf32> to vector<64x528xf32>
      %eq3A_1366 = arith.cmpf oeq, %concatenate3A_1298, %eq3A_1365 : vector<64x528xf32>
      %broadcast_in_dim3A_1367 = vector.broadcast %while3A_85 : f32 to vector<64x528xf32>
      %select_n3A_1368 = arith.select %eq3A_1366, %broadcast_in_dim3A_1367, %select_n3A_1354 : vector<64x528xi1>, vector<64x528xf32>
      %reduce_max3A_1369 = arith.constant dense<0xFF800000> : vector<64xf32>
      %reduce_max3A_1370 = vector.multi_reduction <maximumf>, %select_n3A_1368, %reduce_max3A_1369 [1] : vector<64x528xf32> to vector<64xf32>
      %broadcast_in_dim3A_1371 = vector.shape_cast %reduce_max3A_1370 : vector<64xf32> to vector<64x1xf32>
      %eq3A_1372 = vector.broadcast %broadcast_in_dim3A_1371 : vector<64x1xf32> to vector<64x528xf32>
      %eq3A_1373 = arith.cmpf oeq, %select_n3A_1368, %eq3A_1372 : vector<64x528xf32>
      %broadcast_in_dim3A_1374 = vector.broadcast %while3A : f32 to vector<64x528xf32>
      %select_n3A_1375 = arith.select %eq3A_1373, %concatenate3A_1298, %broadcast_in_dim3A_1374 : vector<64x528xi1>, vector<64x528xf32>
      %reduce_min3A_1376 = arith.constant dense<0x7F800000> : vector<64xf32>
      %reduce_min3A_1377 = vector.multi_reduction <minimumf>, %select_n3A_1375, %reduce_min3A_1376 [1] : vector<64x528xf32> to vector<64xf32>
      %broadcast_in_dim3A_1378 = vector.shape_cast %reduce_min3A_1377 : vector<64xf32> to vector<64x1xf32>
      %eq3A_1379 = vector.broadcast %broadcast_in_dim3A_1378 : vector<64x1xf32> to vector<64x528xf32>
      %eq3A_1380 = arith.cmpf oeq, %concatenate3A_1298, %eq3A_1379 : vector<64x528xf32>
      %broadcast_in_dim3A_1381 = vector.broadcast %while3A_85 : f32 to vector<64x528xf32>
      %select_n3A_1382 = arith.select %eq3A_1380, %broadcast_in_dim3A_1381, %select_n3A_1368 : vector<64x528xi1>, vector<64x528xf32>
      %reduce_max3A_1383 = arith.constant dense<0xFF800000> : vector<64xf32>
      %reduce_max3A_1384 = vector.multi_reduction <maximumf>, %select_n3A_1382, %reduce_max3A_1383 [1] : vector<64x528xf32> to vector<64xf32>
      %broadcast_in_dim3A_1385 = vector.shape_cast %reduce_max3A_1384 : vector<64xf32> to vector<64x1xf32>
      %eq3A_1386 = vector.broadcast %broadcast_in_dim3A_1385 : vector<64x1xf32> to vector<64x528xf32>
      %eq3A_1387 = arith.cmpf oeq, %select_n3A_1382, %eq3A_1386 : vector<64x528xf32>
      %broadcast_in_dim3A_1388 = vector.broadcast %while3A : f32 to vector<64x528xf32>
      %select_n3A_1389 = arith.select %eq3A_1387, %concatenate3A_1298, %broadcast_in_dim3A_1388 : vector<64x528xi1>, vector<64x528xf32>
      %reduce_min3A_1390 = arith.constant dense<0x7F800000> : vector<64xf32>
      %reduce_min3A_1391 = vector.multi_reduction <minimumf>, %select_n3A_1389, %reduce_min3A_1390 [1] : vector<64x528xf32> to vector<64xf32>
      %broadcast_in_dim3A_1392 = vector.shape_cast %reduce_min3A_1391 : vector<64xf32> to vector<64x1xf32>
      %eq3A_1393 = vector.broadcast %broadcast_in_dim3A_1392 : vector<64x1xf32> to vector<64x528xf32>
      %eq3A_1394 = arith.cmpf oeq, %concatenate3A_1298, %eq3A_1393 : vector<64x528xf32>
      %broadcast_in_dim3A_1395 = vector.broadcast %while3A_85 : f32 to vector<64x528xf32>
      %select_n3A_1396 = arith.select %eq3A_1394, %broadcast_in_dim3A_1395, %select_n3A_1382 : vector<64x528xi1>, vector<64x528xf32>
      %reduce_max3A_1397 = arith.constant dense<0xFF800000> : vector<64xf32>
      %reduce_max3A_1398 = vector.multi_reduction <maximumf>, %select_n3A_1396, %reduce_max3A_1397 [1] : vector<64x528xf32> to vector<64xf32>
      %broadcast_in_dim3A_1399 = vector.shape_cast %reduce_max3A_1398 : vector<64xf32> to vector<64x1xf32>
      %eq3A_1400 = vector.broadcast %broadcast_in_dim3A_1399 : vector<64x1xf32> to vector<64x528xf32>
      %eq3A_1401 = arith.cmpf oeq, %select_n3A_1396, %eq3A_1400 : vector<64x528xf32>
      %broadcast_in_dim3A_1402 = vector.broadcast %while3A : f32 to vector<64x528xf32>
      %select_n3A_1403 = arith.select %eq3A_1401, %concatenate3A_1298, %broadcast_in_dim3A_1402 : vector<64x528xi1>, vector<64x528xf32>
      %reduce_min3A_1404 = arith.constant dense<0x7F800000> : vector<64xf32>
      %reduce_min3A_1405 = vector.multi_reduction <minimumf>, %select_n3A_1403, %reduce_min3A_1404 [1] : vector<64x528xf32> to vector<64xf32>
      %broadcast_in_dim3A_1406 = vector.shape_cast %reduce_min3A_1405 : vector<64xf32> to vector<64x1xf32>
      %eq3A_1407 = vector.broadcast %broadcast_in_dim3A_1406 : vector<64x1xf32> to vector<64x528xf32>
      %eq3A_1408 = arith.cmpf oeq, %concatenate3A_1298, %eq3A_1407 : vector<64x528xf32>
      %broadcast_in_dim3A_1409 = vector.broadcast %while3A_85 : f32 to vector<64x528xf32>
      %select_n3A_1410 = arith.select %eq3A_1408, %broadcast_in_dim3A_1409, %select_n3A_1396 : vector<64x528xi1>, vector<64x528xf32>
      %reduce_max3A_1411 = arith.constant dense<0xFF800000> : vector<64xf32>
      %reduce_max3A_1412 = vector.multi_reduction <maximumf>, %select_n3A_1410, %reduce_max3A_1411 [1] : vector<64x528xf32> to vector<64xf32>
      %broadcast_in_dim3A_1413 = vector.shape_cast %reduce_max3A_1412 : vector<64xf32> to vector<64x1xf32>
      %eq3A_1414 = vector.broadcast %broadcast_in_dim3A_1413 : vector<64x1xf32> to vector<64x528xf32>
      %eq3A_1415 = arith.cmpf oeq, %select_n3A_1410, %eq3A_1414 : vector<64x528xf32>
      %broadcast_in_dim3A_1416 = vector.broadcast %while3A : f32 to vector<64x528xf32>
      %select_n3A_1417 = arith.select %eq3A_1415, %concatenate3A_1298, %broadcast_in_dim3A_1416 : vector<64x528xi1>, vector<64x528xf32>
      %reduce_min3A_1418 = arith.constant dense<0x7F800000> : vector<64xf32>
      %reduce_min3A_1419 = vector.multi_reduction <minimumf>, %select_n3A_1417, %reduce_min3A_1418 [1] : vector<64x528xf32> to vector<64xf32>
      %broadcast_in_dim3A_1420 = vector.shape_cast %reduce_min3A_1419 : vector<64xf32> to vector<64x1xf32>
      %eq3A_1421 = vector.broadcast %broadcast_in_dim3A_1420 : vector<64x1xf32> to vector<64x528xf32>
      %eq3A_1422 = arith.cmpf oeq, %concatenate3A_1298, %eq3A_1421 : vector<64x528xf32>
      %broadcast_in_dim3A_1423 = vector.broadcast %while3A_85 : f32 to vector<64x528xf32>
      %select_n3A_1424 = arith.select %eq3A_1422, %broadcast_in_dim3A_1423, %select_n3A_1410 : vector<64x528xi1>, vector<64x528xf32>
      %reduce_max3A_1425 = arith.constant dense<0xFF800000> : vector<64xf32>
      %reduce_max3A_1426 = vector.multi_reduction <maximumf>, %select_n3A_1424, %reduce_max3A_1425 [1] : vector<64x528xf32> to vector<64xf32>
      %broadcast_in_dim3A_1427 = vector.shape_cast %reduce_max3A_1426 : vector<64xf32> to vector<64x1xf32>
      %eq3A_1428 = vector.broadcast %broadcast_in_dim3A_1427 : vector<64x1xf32> to vector<64x528xf32>
      %eq3A_1429 = arith.cmpf oeq, %select_n3A_1424, %eq3A_1428 : vector<64x528xf32>
      %broadcast_in_dim3A_1430 = vector.broadcast %while3A : f32 to vector<64x528xf32>
      %select_n3A_1431 = arith.select %eq3A_1429, %concatenate3A_1298, %broadcast_in_dim3A_1430 : vector<64x528xi1>, vector<64x528xf32>
      %reduce_min3A_1432 = arith.constant dense<0x7F800000> : vector<64xf32>
      %reduce_min3A_1433 = vector.multi_reduction <minimumf>, %select_n3A_1431, %reduce_min3A_1432 [1] : vector<64x528xf32> to vector<64xf32>
      %broadcast_in_dim3A_1434 = vector.shape_cast %reduce_min3A_1433 : vector<64xf32> to vector<64x1xf32>
      %eq3A_1435 = vector.broadcast %broadcast_in_dim3A_1434 : vector<64x1xf32> to vector<64x528xf32>
      %eq3A_1436 = arith.cmpf oeq, %concatenate3A_1298, %eq3A_1435 : vector<64x528xf32>
      %broadcast_in_dim3A_1437 = vector.broadcast %while3A_85 : f32 to vector<64x528xf32>
      %select_n3A_1438 = arith.select %eq3A_1436, %broadcast_in_dim3A_1437, %select_n3A_1424 : vector<64x528xi1>, vector<64x528xf32>
      %reduce_max3A_1439 = arith.constant dense<0xFF800000> : vector<64xf32>
      %reduce_max3A_1440 = vector.multi_reduction <maximumf>, %select_n3A_1438, %reduce_max3A_1439 [1] : vector<64x528xf32> to vector<64xf32>
      %broadcast_in_dim3A_1441 = vector.shape_cast %reduce_max3A_1440 : vector<64xf32> to vector<64x1xf32>
      %eq3A_1442 = vector.broadcast %broadcast_in_dim3A_1441 : vector<64x1xf32> to vector<64x528xf32>
      %eq3A_1443 = arith.cmpf oeq, %select_n3A_1438, %eq3A_1442 : vector<64x528xf32>
      %broadcast_in_dim3A_1444 = vector.broadcast %while3A : f32 to vector<64x528xf32>
      %select_n3A_1445 = arith.select %eq3A_1443, %concatenate3A_1298, %broadcast_in_dim3A_1444 : vector<64x528xi1>, vector<64x528xf32>
      %reduce_min3A_1446 = arith.constant dense<0x7F800000> : vector<64xf32>
      %reduce_min3A_1447 = vector.multi_reduction <minimumf>, %select_n3A_1445, %reduce_min3A_1446 [1] : vector<64x528xf32> to vector<64xf32>
      %broadcast_in_dim3A_1448 = vector.shape_cast %reduce_min3A_1447 : vector<64xf32> to vector<64x1xf32>
      %eq3A_1449 = vector.broadcast %broadcast_in_dim3A_1448 : vector<64x1xf32> to vector<64x528xf32>
      %eq3A_1450 = arith.cmpf oeq, %concatenate3A_1298, %eq3A_1449 : vector<64x528xf32>
      %broadcast_in_dim3A_1451 = vector.broadcast %while3A_85 : f32 to vector<64x528xf32>
      %select_n3A_1452 = arith.select %eq3A_1450, %broadcast_in_dim3A_1451, %select_n3A_1438 : vector<64x528xi1>, vector<64x528xf32>
      %reduce_max3A_1453 = arith.constant dense<0xFF800000> : vector<64xf32>
      %reduce_max3A_1454 = vector.multi_reduction <maximumf>, %select_n3A_1452, %reduce_max3A_1453 [1] : vector<64x528xf32> to vector<64xf32>
      %broadcast_in_dim3A_1455 = vector.shape_cast %reduce_max3A_1454 : vector<64xf32> to vector<64x1xf32>
      %eq3A_1456 = vector.broadcast %broadcast_in_dim3A_1455 : vector<64x1xf32> to vector<64x528xf32>
      %eq3A_1457 = arith.cmpf oeq, %select_n3A_1452, %eq3A_1456 : vector<64x528xf32>
      %broadcast_in_dim3A_1458 = vector.broadcast %while3A : f32 to vector<64x528xf32>
      %select_n3A_1459 = arith.select %eq3A_1457, %concatenate3A_1298, %broadcast_in_dim3A_1458 : vector<64x528xi1>, vector<64x528xf32>
      %reduce_min3A_1460 = arith.constant dense<0x7F800000> : vector<64xf32>
      %reduce_min3A_1461 = vector.multi_reduction <minimumf>, %select_n3A_1459, %reduce_min3A_1460 [1] : vector<64x528xf32> to vector<64xf32>
      %broadcast_in_dim3A_1462 = vector.shape_cast %reduce_min3A_1461 : vector<64xf32> to vector<64x1xf32>
      %eq3A_1463 = vector.broadcast %broadcast_in_dim3A_1462 : vector<64x1xf32> to vector<64x528xf32>
      %eq3A_1464 = arith.cmpf oeq, %concatenate3A_1298, %eq3A_1463 : vector<64x528xf32>
      %broadcast_in_dim3A_1465 = vector.broadcast %while3A_85 : f32 to vector<64x528xf32>
      %select_n3A_1466 = arith.select %eq3A_1464, %broadcast_in_dim3A_1465, %select_n3A_1452 : vector<64x528xi1>, vector<64x528xf32>
      %reduce_max3A_1467 = arith.constant dense<0xFF800000> : vector<64xf32>
      %reduce_max3A_1468 = vector.multi_reduction <maximumf>, %select_n3A_1466, %reduce_max3A_1467 [1] : vector<64x528xf32> to vector<64xf32>
      %broadcast_in_dim3A_1469 = vector.shape_cast %reduce_max3A_1468 : vector<64xf32> to vector<64x1xf32>
      %eq3A_1470 = vector.broadcast %broadcast_in_dim3A_1469 : vector<64x1xf32> to vector<64x528xf32>
      %eq3A_1471 = arith.cmpf oeq, %select_n3A_1466, %eq3A_1470 : vector<64x528xf32>
      %broadcast_in_dim3A_1472 = vector.broadcast %while3A : f32 to vector<64x528xf32>
      %select_n3A_1473 = arith.select %eq3A_1471, %concatenate3A_1298, %broadcast_in_dim3A_1472 : vector<64x528xi1>, vector<64x528xf32>
      %reduce_min3A_1474 = arith.constant dense<0x7F800000> : vector<64xf32>
      %reduce_min3A_1475 = vector.multi_reduction <minimumf>, %select_n3A_1473, %reduce_min3A_1474 [1] : vector<64x528xf32> to vector<64xf32>
      %broadcast_in_dim3A_1476 = vector.shape_cast %reduce_min3A_1475 : vector<64xf32> to vector<64x1xf32>
      %eq3A_1477 = vector.broadcast %broadcast_in_dim3A_1476 : vector<64x1xf32> to vector<64x528xf32>
      %eq3A_1478 = arith.cmpf oeq, %concatenate3A_1298, %eq3A_1477 : vector<64x528xf32>
      %broadcast_in_dim3A_1479 = vector.broadcast %while3A_85 : f32 to vector<64x528xf32>
      %select_n3A_1480 = arith.select %eq3A_1478, %broadcast_in_dim3A_1479, %select_n3A_1466 : vector<64x528xi1>, vector<64x528xf32>
      %reduce_max3A_1481 = arith.constant dense<0xFF800000> : vector<64xf32>
      %reduce_max3A_1482 = vector.multi_reduction <maximumf>, %select_n3A_1480, %reduce_max3A_1481 [1] : vector<64x528xf32> to vector<64xf32>
      %broadcast_in_dim3A_1483 = vector.shape_cast %reduce_max3A_1482 : vector<64xf32> to vector<64x1xf32>
      %eq3A_1484 = vector.broadcast %broadcast_in_dim3A_1483 : vector<64x1xf32> to vector<64x528xf32>
      %eq3A_1485 = arith.cmpf oeq, %select_n3A_1480, %eq3A_1484 : vector<64x528xf32>
      %broadcast_in_dim3A_1486 = vector.broadcast %while3A : f32 to vector<64x528xf32>
      %select_n3A_1487 = arith.select %eq3A_1485, %concatenate3A_1298, %broadcast_in_dim3A_1486 : vector<64x528xi1>, vector<64x528xf32>
      %reduce_min3A_1488 = arith.constant dense<0x7F800000> : vector<64xf32>
      %reduce_min3A_1489 = vector.multi_reduction <minimumf>, %select_n3A_1487, %reduce_min3A_1488 [1] : vector<64x528xf32> to vector<64xf32>
      %broadcast_in_dim3A_1490 = vector.shape_cast %reduce_min3A_1489 : vector<64xf32> to vector<64x1xf32>
      %eq3A_1491 = vector.broadcast %broadcast_in_dim3A_1490 : vector<64x1xf32> to vector<64x528xf32>
      %eq3A_1492 = arith.cmpf oeq, %concatenate3A_1298, %eq3A_1491 : vector<64x528xf32>
      %broadcast_in_dim3A_1493 = vector.broadcast %while3A_85 : f32 to vector<64x528xf32>
      %select_n3A_1494 = arith.select %eq3A_1492, %broadcast_in_dim3A_1493, %select_n3A_1480 : vector<64x528xi1>, vector<64x528xf32>
      %reduce_max3A_1495 = arith.constant dense<0xFF800000> : vector<64xf32>
      %reduce_max3A_1496 = vector.multi_reduction <maximumf>, %select_n3A_1494, %reduce_max3A_1495 [1] : vector<64x528xf32> to vector<64xf32>
      %broadcast_in_dim3A_1497 = vector.shape_cast %reduce_max3A_1496 : vector<64xf32> to vector<64x1xf32>
      %eq3A_1498 = vector.broadcast %broadcast_in_dim3A_1497 : vector<64x1xf32> to vector<64x528xf32>
      %eq3A_1499 = arith.cmpf oeq, %select_n3A_1494, %eq3A_1498 : vector<64x528xf32>
      %broadcast_in_dim3A_1500 = vector.broadcast %while3A : f32 to vector<64x528xf32>
      %select_n3A_1501 = arith.select %eq3A_1499, %concatenate3A_1298, %broadcast_in_dim3A_1500 : vector<64x528xi1>, vector<64x528xf32>
      %reduce_min3A_1502 = arith.constant dense<0x7F800000> : vector<64xf32>
      %reduce_min3A_1503 = vector.multi_reduction <minimumf>, %select_n3A_1501, %reduce_min3A_1502 [1] : vector<64x528xf32> to vector<64xf32>
      %broadcast_in_dim3A_1504 = vector.shape_cast %reduce_min3A_1503 : vector<64xf32> to vector<64x1xf32>
      %eq3A_1505 = vector.broadcast %broadcast_in_dim3A_1504 : vector<64x1xf32> to vector<64x528xf32>
      %eq3A_1506 = arith.cmpf oeq, %concatenate3A_1298, %eq3A_1505 : vector<64x528xf32>
      %broadcast_in_dim3A_1507 = vector.broadcast %while3A_85 : f32 to vector<64x528xf32>
      %select_n3A_1508 = arith.select %eq3A_1506, %broadcast_in_dim3A_1507, %select_n3A_1494 : vector<64x528xi1>, vector<64x528xf32>
      %reduce_max3A_1509 = arith.constant dense<0xFF800000> : vector<64xf32>
      %reduce_max3A_1510 = vector.multi_reduction <maximumf>, %select_n3A_1508, %reduce_max3A_1509 [1] : vector<64x528xf32> to vector<64xf32>
      %broadcast_in_dim3A_1511 = vector.shape_cast %reduce_max3A_1510 : vector<64xf32> to vector<64x1xf32>
      %eq3A_1512 = vector.broadcast %broadcast_in_dim3A_1511 : vector<64x1xf32> to vector<64x528xf32>
      %eq3A_1513 = arith.cmpf oeq, %select_n3A_1508, %eq3A_1512 : vector<64x528xf32>
      %broadcast_in_dim3A_1514 = vector.broadcast %while3A : f32 to vector<64x528xf32>
      %select_n3A_1515 = arith.select %eq3A_1513, %concatenate3A_1298, %broadcast_in_dim3A_1514 : vector<64x528xi1>, vector<64x528xf32>
      %reduce_min3A_1516 = arith.constant dense<0x7F800000> : vector<64xf32>
      %reduce_min3A_1517 = vector.multi_reduction <minimumf>, %select_n3A_1515, %reduce_min3A_1516 [1] : vector<64x528xf32> to vector<64xf32>
      %broadcast_in_dim3A_1518 = vector.shape_cast %reduce_min3A_1517 : vector<64xf32> to vector<64x1xf32>
      %eq3A_1519 = vector.broadcast %broadcast_in_dim3A_1518 : vector<64x1xf32> to vector<64x528xf32>
      %eq3A_1520 = arith.cmpf oeq, %concatenate3A_1298, %eq3A_1519 : vector<64x528xf32>
      %broadcast_in_dim3A_1521 = vector.broadcast %while3A_85 : f32 to vector<64x528xf32>
      %select_n3A_1522 = arith.select %eq3A_1520, %broadcast_in_dim3A_1521, %select_n3A_1508 : vector<64x528xi1>, vector<64x528xf32>
      %concatenate3A_1523 = tpu.concatenate %broadcast_in_dim3A_1301, %broadcast_in_dim3A_1315, %broadcast_in_dim3A_1329, %broadcast_in_dim3A_1343, %broadcast_in_dim3A_1357, %broadcast_in_dim3A_1371, %broadcast_in_dim3A_1385, %broadcast_in_dim3A_1399, %broadcast_in_dim3A_1413, %broadcast_in_dim3A_1427, %broadcast_in_dim3A_1441, %broadcast_in_dim3A_1455, %broadcast_in_dim3A_1469, %broadcast_in_dim3A_1483, %broadcast_in_dim3A_1497, %broadcast_in_dim3A_1511 in 1 : vector<64x1xf32>, vector<64x1xf32>, vector<64x1xf32>, vector<64x1xf32>, vector<64x1xf32>, vector<64x1xf32>, vector<64x1xf32>, vector<64x1xf32>, vector<64x1xf32>, vector<64x1xf32>, vector<64x1xf32>, vector<64x1xf32>, vector<64x1xf32>, vector<64x1xf32>, vector<64x1xf32>, vector<64x1xf32> -> vector<64x16xf32>
      %concatenate3A_1524 = tpu.concatenate %broadcast_in_dim3A_1308, %broadcast_in_dim3A_1322, %broadcast_in_dim3A_1336, %broadcast_in_dim3A_1350, %broadcast_in_dim3A_1364, %broadcast_in_dim3A_1378, %broadcast_in_dim3A_1392, %broadcast_in_dim3A_1406, %broadcast_in_dim3A_1420, %broadcast_in_dim3A_1434, %broadcast_in_dim3A_1448, %broadcast_in_dim3A_1462, %broadcast_in_dim3A_1476, %broadcast_in_dim3A_1490, %broadcast_in_dim3A_1504, %broadcast_in_dim3A_1518 in 1 : vector<64x1xf32>, vector<64x1xf32>, vector<64x1xf32>, vector<64x1xf32>, vector<64x1xf32>, vector<64x1xf32>, vector<64x1xf32>, vector<64x1xf32>, vector<64x1xf32>, vector<64x1xf32>, vector<64x1xf32>, vector<64x1xf32>, vector<64x1xf32>, vector<64x1xf32>, vector<64x1xf32>, vector<64x1xf32> -> vector<64x16xf32>
      %slice3A_1525 = vector.extract_strided_slice %select_n3A_132 {offsets = [384, 0], sizes = [64, 512], strides = [1, 1]} : vector<512x512xf32> to vector<64x512xf32>
      %slice3A_1526 = vector.extract_strided_slice %while3A_101 {offsets = [384, 0], sizes = [64, 16], strides = [1, 1]} : vector<512x16xf32> to vector<64x16xf32>
      %concatenate3A_1527 = tpu.concatenate %slice3A_1525, %slice3A_1526 in 1 : vector<64x512xf32>, vector<64x16xf32> -> vector<64x528xf32>
      %slice3A_1528 = vector.extract_strided_slice %convert_element_type3A_135 {offsets = [384, 0], sizes = [64, 512], strides = [1, 1]} : vector<512x512xf32> to vector<64x512xf32>
      %slice3A_1529 = vector.extract_strided_slice %while3A_102 {offsets = [384, 0], sizes = [64, 16], strides = [1, 1]} : vector<512x16xf32> to vector<64x16xf32>
      %concatenate3A_1530 = tpu.concatenate %slice3A_1528, %slice3A_1529 in 1 : vector<64x512xf32>, vector<64x16xf32> -> vector<64x528xf32>
      %reduce_max3A_1531 = arith.constant dense<0xFF800000> : vector<64xf32>
      %reduce_max3A_1532 = vector.multi_reduction <maximumf>, %concatenate3A_1527, %reduce_max3A_1531 [1] : vector<64x528xf32> to vector<64xf32>
      %broadcast_in_dim3A_1533 = vector.shape_cast %reduce_max3A_1532 : vector<64xf32> to vector<64x1xf32>
      %eq3A_1534 = vector.broadcast %broadcast_in_dim3A_1533 : vector<64x1xf32> to vector<64x528xf32>
      %eq3A_1535 = arith.cmpf oeq, %concatenate3A_1527, %eq3A_1534 : vector<64x528xf32>
      %broadcast_in_dim3A_1536 = vector.broadcast %while3A : f32 to vector<64x528xf32>
      %select_n3A_1537 = arith.select %eq3A_1535, %concatenate3A_1530, %broadcast_in_dim3A_1536 : vector<64x528xi1>, vector<64x528xf32>
      %reduce_min3A_1538 = arith.constant dense<0x7F800000> : vector<64xf32>
      %reduce_min3A_1539 = vector.multi_reduction <minimumf>, %select_n3A_1537, %reduce_min3A_1538 [1] : vector<64x528xf32> to vector<64xf32>
      %broadcast_in_dim3A_1540 = vector.shape_cast %reduce_min3A_1539 : vector<64xf32> to vector<64x1xf32>
      %eq3A_1541 = vector.broadcast %broadcast_in_dim3A_1540 : vector<64x1xf32> to vector<64x528xf32>
      %eq3A_1542 = arith.cmpf oeq, %concatenate3A_1530, %eq3A_1541 : vector<64x528xf32>
      %broadcast_in_dim3A_1543 = vector.broadcast %while3A_85 : f32 to vector<64x528xf32>
      %select_n3A_1544 = arith.select %eq3A_1542, %broadcast_in_dim3A_1543, %concatenate3A_1527 : vector<64x528xi1>, vector<64x528xf32>
      %reduce_max3A_1545 = arith.constant dense<0xFF800000> : vector<64xf32>
      %reduce_max3A_1546 = vector.multi_reduction <maximumf>, %select_n3A_1544, %reduce_max3A_1545 [1] : vector<64x528xf32> to vector<64xf32>
      %broadcast_in_dim3A_1547 = vector.shape_cast %reduce_max3A_1546 : vector<64xf32> to vector<64x1xf32>
      %eq3A_1548 = vector.broadcast %broadcast_in_dim3A_1547 : vector<64x1xf32> to vector<64x528xf32>
      %eq3A_1549 = arith.cmpf oeq, %select_n3A_1544, %eq3A_1548 : vector<64x528xf32>
      %broadcast_in_dim3A_1550 = vector.broadcast %while3A : f32 to vector<64x528xf32>
      %select_n3A_1551 = arith.select %eq3A_1549, %concatenate3A_1530, %broadcast_in_dim3A_1550 : vector<64x528xi1>, vector<64x528xf32>
      %reduce_min3A_1552 = arith.constant dense<0x7F800000> : vector<64xf32>
      %reduce_min3A_1553 = vector.multi_reduction <minimumf>, %select_n3A_1551, %reduce_min3A_1552 [1] : vector<64x528xf32> to vector<64xf32>
      %broadcast_in_dim3A_1554 = vector.shape_cast %reduce_min3A_1553 : vector<64xf32> to vector<64x1xf32>
      %eq3A_1555 = vector.broadcast %broadcast_in_dim3A_1554 : vector<64x1xf32> to vector<64x528xf32>
      %eq3A_1556 = arith.cmpf oeq, %concatenate3A_1530, %eq3A_1555 : vector<64x528xf32>
      %broadcast_in_dim3A_1557 = vector.broadcast %while3A_85 : f32 to vector<64x528xf32>
      %select_n3A_1558 = arith.select %eq3A_1556, %broadcast_in_dim3A_1557, %select_n3A_1544 : vector<64x528xi1>, vector<64x528xf32>
      %reduce_max3A_1559 = arith.constant dense<0xFF800000> : vector<64xf32>
      %reduce_max3A_1560 = vector.multi_reduction <maximumf>, %select_n3A_1558, %reduce_max3A_1559 [1] : vector<64x528xf32> to vector<64xf32>
      %broadcast_in_dim3A_1561 = vector.shape_cast %reduce_max3A_1560 : vector<64xf32> to vector<64x1xf32>
      %eq3A_1562 = vector.broadcast %broadcast_in_dim3A_1561 : vector<64x1xf32> to vector<64x528xf32>
      %eq3A_1563 = arith.cmpf oeq, %select_n3A_1558, %eq3A_1562 : vector<64x528xf32>
      %broadcast_in_dim3A_1564 = vector.broadcast %while3A : f32 to vector<64x528xf32>
      %select_n3A_1565 = arith.select %eq3A_1563, %concatenate3A_1530, %broadcast_in_dim3A_1564 : vector<64x528xi1>, vector<64x528xf32>
      %reduce_min3A_1566 = arith.constant dense<0x7F800000> : vector<64xf32>
      %reduce_min3A_1567 = vector.multi_reduction <minimumf>, %select_n3A_1565, %reduce_min3A_1566 [1] : vector<64x528xf32> to vector<64xf32>
      %broadcast_in_dim3A_1568 = vector.shape_cast %reduce_min3A_1567 : vector<64xf32> to vector<64x1xf32>
      %eq3A_1569 = vector.broadcast %broadcast_in_dim3A_1568 : vector<64x1xf32> to vector<64x528xf32>
      %eq3A_1570 = arith.cmpf oeq, %concatenate3A_1530, %eq3A_1569 : vector<64x528xf32>
      %broadcast_in_dim3A_1571 = vector.broadcast %while3A_85 : f32 to vector<64x528xf32>
      %select_n3A_1572 = arith.select %eq3A_1570, %broadcast_in_dim3A_1571, %select_n3A_1558 : vector<64x528xi1>, vector<64x528xf32>
      %reduce_max3A_1573 = arith.constant dense<0xFF800000> : vector<64xf32>
      %reduce_max3A_1574 = vector.multi_reduction <maximumf>, %select_n3A_1572, %reduce_max3A_1573 [1] : vector<64x528xf32> to vector<64xf32>
      %broadcast_in_dim3A_1575 = vector.shape_cast %reduce_max3A_1574 : vector<64xf32> to vector<64x1xf32>
      %eq3A_1576 = vector.broadcast %broadcast_in_dim3A_1575 : vector<64x1xf32> to vector<64x528xf32>
      %eq3A_1577 = arith.cmpf oeq, %select_n3A_1572, %eq3A_1576 : vector<64x528xf32>
      %broadcast_in_dim3A_1578 = vector.broadcast %while3A : f32 to vector<64x528xf32>
      %select_n3A_1579 = arith.select %eq3A_1577, %concatenate3A_1530, %broadcast_in_dim3A_1578 : vector<64x528xi1>, vector<64x528xf32>
      %reduce_min3A_1580 = arith.constant dense<0x7F800000> : vector<64xf32>
      %reduce_min3A_1581 = vector.multi_reduction <minimumf>, %select_n3A_1579, %reduce_min3A_1580 [1] : vector<64x528xf32> to vector<64xf32>
      %broadcast_in_dim3A_1582 = vector.shape_cast %reduce_min3A_1581 : vector<64xf32> to vector<64x1xf32>
      %eq3A_1583 = vector.broadcast %broadcast_in_dim3A_1582 : vector<64x1xf32> to vector<64x528xf32>
      %eq3A_1584 = arith.cmpf oeq, %concatenate3A_1530, %eq3A_1583 : vector<64x528xf32>
      %broadcast_in_dim3A_1585 = vector.broadcast %while3A_85 : f32 to vector<64x528xf32>
      %select_n3A_1586 = arith.select %eq3A_1584, %broadcast_in_dim3A_1585, %select_n3A_1572 : vector<64x528xi1>, vector<64x528xf32>
      %reduce_max3A_1587 = arith.constant dense<0xFF800000> : vector<64xf32>
      %reduce_max3A_1588 = vector.multi_reduction <maximumf>, %select_n3A_1586, %reduce_max3A_1587 [1] : vector<64x528xf32> to vector<64xf32>
      %broadcast_in_dim3A_1589 = vector.shape_cast %reduce_max3A_1588 : vector<64xf32> to vector<64x1xf32>
      %eq3A_1590 = vector.broadcast %broadcast_in_dim3A_1589 : vector<64x1xf32> to vector<64x528xf32>
      %eq3A_1591 = arith.cmpf oeq, %select_n3A_1586, %eq3A_1590 : vector<64x528xf32>
      %broadcast_in_dim3A_1592 = vector.broadcast %while3A : f32 to vector<64x528xf32>
      %select_n3A_1593 = arith.select %eq3A_1591, %concatenate3A_1530, %broadcast_in_dim3A_1592 : vector<64x528xi1>, vector<64x528xf32>
      %reduce_min3A_1594 = arith.constant dense<0x7F800000> : vector<64xf32>
      %reduce_min3A_1595 = vector.multi_reduction <minimumf>, %select_n3A_1593, %reduce_min3A_1594 [1] : vector<64x528xf32> to vector<64xf32>
      %broadcast_in_dim3A_1596 = vector.shape_cast %reduce_min3A_1595 : vector<64xf32> to vector<64x1xf32>
      %eq3A_1597 = vector.broadcast %broadcast_in_dim3A_1596 : vector<64x1xf32> to vector<64x528xf32>
      %eq3A_1598 = arith.cmpf oeq, %concatenate3A_1530, %eq3A_1597 : vector<64x528xf32>
      %broadcast_in_dim3A_1599 = vector.broadcast %while3A_85 : f32 to vector<64x528xf32>
      %select_n3A_1600 = arith.select %eq3A_1598, %broadcast_in_dim3A_1599, %select_n3A_1586 : vector<64x528xi1>, vector<64x528xf32>
      %reduce_max3A_1601 = arith.constant dense<0xFF800000> : vector<64xf32>
      %reduce_max3A_1602 = vector.multi_reduction <maximumf>, %select_n3A_1600, %reduce_max3A_1601 [1] : vector<64x528xf32> to vector<64xf32>
      %broadcast_in_dim3A_1603 = vector.shape_cast %reduce_max3A_1602 : vector<64xf32> to vector<64x1xf32>
      %eq3A_1604 = vector.broadcast %broadcast_in_dim3A_1603 : vector<64x1xf32> to vector<64x528xf32>
      %eq3A_1605 = arith.cmpf oeq, %select_n3A_1600, %eq3A_1604 : vector<64x528xf32>
      %broadcast_in_dim3A_1606 = vector.broadcast %while3A : f32 to vector<64x528xf32>
      %select_n3A_1607 = arith.select %eq3A_1605, %concatenate3A_1530, %broadcast_in_dim3A_1606 : vector<64x528xi1>, vector<64x528xf32>
      %reduce_min3A_1608 = arith.constant dense<0x7F800000> : vector<64xf32>
      %reduce_min3A_1609 = vector.multi_reduction <minimumf>, %select_n3A_1607, %reduce_min3A_1608 [1] : vector<64x528xf32> to vector<64xf32>
      %broadcast_in_dim3A_1610 = vector.shape_cast %reduce_min3A_1609 : vector<64xf32> to vector<64x1xf32>
      %eq3A_1611 = vector.broadcast %broadcast_in_dim3A_1610 : vector<64x1xf32> to vector<64x528xf32>
      %eq3A_1612 = arith.cmpf oeq, %concatenate3A_1530, %eq3A_1611 : vector<64x528xf32>
      %broadcast_in_dim3A_1613 = vector.broadcast %while3A_85 : f32 to vector<64x528xf32>
      %select_n3A_1614 = arith.select %eq3A_1612, %broadcast_in_dim3A_1613, %select_n3A_1600 : vector<64x528xi1>, vector<64x528xf32>
      %reduce_max3A_1615 = arith.constant dense<0xFF800000> : vector<64xf32>
      %reduce_max3A_1616 = vector.multi_reduction <maximumf>, %select_n3A_1614, %reduce_max3A_1615 [1] : vector<64x528xf32> to vector<64xf32>
      %broadcast_in_dim3A_1617 = vector.shape_cast %reduce_max3A_1616 : vector<64xf32> to vector<64x1xf32>
      %eq3A_1618 = vector.broadcast %broadcast_in_dim3A_1617 : vector<64x1xf32> to vector<64x528xf32>
      %eq3A_1619 = arith.cmpf oeq, %select_n3A_1614, %eq3A_1618 : vector<64x528xf32>
      %broadcast_in_dim3A_1620 = vector.broadcast %while3A : f32 to vector<64x528xf32>
      %select_n3A_1621 = arith.select %eq3A_1619, %concatenate3A_1530, %broadcast_in_dim3A_1620 : vector<64x528xi1>, vector<64x528xf32>
      %reduce_min3A_1622 = arith.constant dense<0x7F800000> : vector<64xf32>
      %reduce_min3A_1623 = vector.multi_reduction <minimumf>, %select_n3A_1621, %reduce_min3A_1622 [1] : vector<64x528xf32> to vector<64xf32>
      %broadcast_in_dim3A_1624 = vector.shape_cast %reduce_min3A_1623 : vector<64xf32> to vector<64x1xf32>
      %eq3A_1625 = vector.broadcast %broadcast_in_dim3A_1624 : vector<64x1xf32> to vector<64x528xf32>
      %eq3A_1626 = arith.cmpf oeq, %concatenate3A_1530, %eq3A_1625 : vector<64x528xf32>
      %broadcast_in_dim3A_1627 = vector.broadcast %while3A_85 : f32 to vector<64x528xf32>
      %select_n3A_1628 = arith.select %eq3A_1626, %broadcast_in_dim3A_1627, %select_n3A_1614 : vector<64x528xi1>, vector<64x528xf32>
      %reduce_max3A_1629 = arith.constant dense<0xFF800000> : vector<64xf32>
      %reduce_max3A_1630 = vector.multi_reduction <maximumf>, %select_n3A_1628, %reduce_max3A_1629 [1] : vector<64x528xf32> to vector<64xf32>
      %broadcast_in_dim3A_1631 = vector.shape_cast %reduce_max3A_1630 : vector<64xf32> to vector<64x1xf32>
      %eq3A_1632 = vector.broadcast %broadcast_in_dim3A_1631 : vector<64x1xf32> to vector<64x528xf32>
      %eq3A_1633 = arith.cmpf oeq, %select_n3A_1628, %eq3A_1632 : vector<64x528xf32>
      %broadcast_in_dim3A_1634 = vector.broadcast %while3A : f32 to vector<64x528xf32>
      %select_n3A_1635 = arith.select %eq3A_1633, %concatenate3A_1530, %broadcast_in_dim3A_1634 : vector<64x528xi1>, vector<64x528xf32>
      %reduce_min3A_1636 = arith.constant dense<0x7F800000> : vector<64xf32>
      %reduce_min3A_1637 = vector.multi_reduction <minimumf>, %select_n3A_1635, %reduce_min3A_1636 [1] : vector<64x528xf32> to vector<64xf32>
      %broadcast_in_dim3A_1638 = vector.shape_cast %reduce_min3A_1637 : vector<64xf32> to vector<64x1xf32>
      %eq3A_1639 = vector.broadcast %broadcast_in_dim3A_1638 : vector<64x1xf32> to vector<64x528xf32>
      %eq3A_1640 = arith.cmpf oeq, %concatenate3A_1530, %eq3A_1639 : vector<64x528xf32>
      %broadcast_in_dim3A_1641 = vector.broadcast %while3A_85 : f32 to vector<64x528xf32>
      %select_n3A_1642 = arith.select %eq3A_1640, %broadcast_in_dim3A_1641, %select_n3A_1628 : vector<64x528xi1>, vector<64x528xf32>
      %reduce_max3A_1643 = arith.constant dense<0xFF800000> : vector<64xf32>
      %reduce_max3A_1644 = vector.multi_reduction <maximumf>, %select_n3A_1642, %reduce_max3A_1643 [1] : vector<64x528xf32> to vector<64xf32>
      %broadcast_in_dim3A_1645 = vector.shape_cast %reduce_max3A_1644 : vector<64xf32> to vector<64x1xf32>
      %eq3A_1646 = vector.broadcast %broadcast_in_dim3A_1645 : vector<64x1xf32> to vector<64x528xf32>
      %eq3A_1647 = arith.cmpf oeq, %select_n3A_1642, %eq3A_1646 : vector<64x528xf32>
      %broadcast_in_dim3A_1648 = vector.broadcast %while3A : f32 to vector<64x528xf32>
      %select_n3A_1649 = arith.select %eq3A_1647, %concatenate3A_1530, %broadcast_in_dim3A_1648 : vector<64x528xi1>, vector<64x528xf32>
      %reduce_min3A_1650 = arith.constant dense<0x7F800000> : vector<64xf32>
      %reduce_min3A_1651 = vector.multi_reduction <minimumf>, %select_n3A_1649, %reduce_min3A_1650 [1] : vector<64x528xf32> to vector<64xf32>
      %broadcast_in_dim3A_1652 = vector.shape_cast %reduce_min3A_1651 : vector<64xf32> to vector<64x1xf32>
      %eq3A_1653 = vector.broadcast %broadcast_in_dim3A_1652 : vector<64x1xf32> to vector<64x528xf32>
      %eq3A_1654 = arith.cmpf oeq, %concatenate3A_1530, %eq3A_1653 : vector<64x528xf32>
      %broadcast_in_dim3A_1655 = vector.broadcast %while3A_85 : f32 to vector<64x528xf32>
      %select_n3A_1656 = arith.select %eq3A_1654, %broadcast_in_dim3A_1655, %select_n3A_1642 : vector<64x528xi1>, vector<64x528xf32>
      %reduce_max3A_1657 = arith.constant dense<0xFF800000> : vector<64xf32>
      %reduce_max3A_1658 = vector.multi_reduction <maximumf>, %select_n3A_1656, %reduce_max3A_1657 [1] : vector<64x528xf32> to vector<64xf32>
      %broadcast_in_dim3A_1659 = vector.shape_cast %reduce_max3A_1658 : vector<64xf32> to vector<64x1xf32>
      %eq3A_1660 = vector.broadcast %broadcast_in_dim3A_1659 : vector<64x1xf32> to vector<64x528xf32>
      %eq3A_1661 = arith.cmpf oeq, %select_n3A_1656, %eq3A_1660 : vector<64x528xf32>
      %broadcast_in_dim3A_1662 = vector.broadcast %while3A : f32 to vector<64x528xf32>
      %select_n3A_1663 = arith.select %eq3A_1661, %concatenate3A_1530, %broadcast_in_dim3A_1662 : vector<64x528xi1>, vector<64x528xf32>
      %reduce_min3A_1664 = arith.constant dense<0x7F800000> : vector<64xf32>
      %reduce_min3A_1665 = vector.multi_reduction <minimumf>, %select_n3A_1663, %reduce_min3A_1664 [1] : vector<64x528xf32> to vector<64xf32>
      %broadcast_in_dim3A_1666 = vector.shape_cast %reduce_min3A_1665 : vector<64xf32> to vector<64x1xf32>
      %eq3A_1667 = vector.broadcast %broadcast_in_dim3A_1666 : vector<64x1xf32> to vector<64x528xf32>
      %eq3A_1668 = arith.cmpf oeq, %concatenate3A_1530, %eq3A_1667 : vector<64x528xf32>
      %broadcast_in_dim3A_1669 = vector.broadcast %while3A_85 : f32 to vector<64x528xf32>
      %select_n3A_1670 = arith.select %eq3A_1668, %broadcast_in_dim3A_1669, %select_n3A_1656 : vector<64x528xi1>, vector<64x528xf32>
      %reduce_max3A_1671 = arith.constant dense<0xFF800000> : vector<64xf32>
      %reduce_max3A_1672 = vector.multi_reduction <maximumf>, %select_n3A_1670, %reduce_max3A_1671 [1] : vector<64x528xf32> to vector<64xf32>
      %broadcast_in_dim3A_1673 = vector.shape_cast %reduce_max3A_1672 : vector<64xf32> to vector<64x1xf32>
      %eq3A_1674 = vector.broadcast %broadcast_in_dim3A_1673 : vector<64x1xf32> to vector<64x528xf32>
      %eq3A_1675 = arith.cmpf oeq, %select_n3A_1670, %eq3A_1674 : vector<64x528xf32>
      %broadcast_in_dim3A_1676 = vector.broadcast %while3A : f32 to vector<64x528xf32>
      %select_n3A_1677 = arith.select %eq3A_1675, %concatenate3A_1530, %broadcast_in_dim3A_1676 : vector<64x528xi1>, vector<64x528xf32>
      %reduce_min3A_1678 = arith.constant dense<0x7F800000> : vector<64xf32>
      %reduce_min3A_1679 = vector.multi_reduction <minimumf>, %select_n3A_1677, %reduce_min3A_1678 [1] : vector<64x528xf32> to vector<64xf32>
      %broadcast_in_dim3A_1680 = vector.shape_cast %reduce_min3A_1679 : vector<64xf32> to vector<64x1xf32>
      %eq3A_1681 = vector.broadcast %broadcast_in_dim3A_1680 : vector<64x1xf32> to vector<64x528xf32>
      %eq3A_1682 = arith.cmpf oeq, %concatenate3A_1530, %eq3A_1681 : vector<64x528xf32>
      %broadcast_in_dim3A_1683 = vector.broadcast %while3A_85 : f32 to vector<64x528xf32>
      %select_n3A_1684 = arith.select %eq3A_1682, %broadcast_in_dim3A_1683, %select_n3A_1670 : vector<64x528xi1>, vector<64x528xf32>
      %reduce_max3A_1685 = arith.constant dense<0xFF800000> : vector<64xf32>
      %reduce_max3A_1686 = vector.multi_reduction <maximumf>, %select_n3A_1684, %reduce_max3A_1685 [1] : vector<64x528xf32> to vector<64xf32>
      %broadcast_in_dim3A_1687 = vector.shape_cast %reduce_max3A_1686 : vector<64xf32> to vector<64x1xf32>
      %eq3A_1688 = vector.broadcast %broadcast_in_dim3A_1687 : vector<64x1xf32> to vector<64x528xf32>
      %eq3A_1689 = arith.cmpf oeq, %select_n3A_1684, %eq3A_1688 : vector<64x528xf32>
      %broadcast_in_dim3A_1690 = vector.broadcast %while3A : f32 to vector<64x528xf32>
      %select_n3A_1691 = arith.select %eq3A_1689, %concatenate3A_1530, %broadcast_in_dim3A_1690 : vector<64x528xi1>, vector<64x528xf32>
      %reduce_min3A_1692 = arith.constant dense<0x7F800000> : vector<64xf32>
      %reduce_min3A_1693 = vector.multi_reduction <minimumf>, %select_n3A_1691, %reduce_min3A_1692 [1] : vector<64x528xf32> to vector<64xf32>
      %broadcast_in_dim3A_1694 = vector.shape_cast %reduce_min3A_1693 : vector<64xf32> to vector<64x1xf32>
      %eq3A_1695 = vector.broadcast %broadcast_in_dim3A_1694 : vector<64x1xf32> to vector<64x528xf32>
      %eq3A_1696 = arith.cmpf oeq, %concatenate3A_1530, %eq3A_1695 : vector<64x528xf32>
      %broadcast_in_dim3A_1697 = vector.broadcast %while3A_85 : f32 to vector<64x528xf32>
      %select_n3A_1698 = arith.select %eq3A_1696, %broadcast_in_dim3A_1697, %select_n3A_1684 : vector<64x528xi1>, vector<64x528xf32>
      %reduce_max3A_1699 = arith.constant dense<0xFF800000> : vector<64xf32>
      %reduce_max3A_1700 = vector.multi_reduction <maximumf>, %select_n3A_1698, %reduce_max3A_1699 [1] : vector<64x528xf32> to vector<64xf32>
      %broadcast_in_dim3A_1701 = vector.shape_cast %reduce_max3A_1700 : vector<64xf32> to vector<64x1xf32>
      %eq3A_1702 = vector.broadcast %broadcast_in_dim3A_1701 : vector<64x1xf32> to vector<64x528xf32>
      %eq3A_1703 = arith.cmpf oeq, %select_n3A_1698, %eq3A_1702 : vector<64x528xf32>
      %broadcast_in_dim3A_1704 = vector.broadcast %while3A : f32 to vector<64x528xf32>
      %select_n3A_1705 = arith.select %eq3A_1703, %concatenate3A_1530, %broadcast_in_dim3A_1704 : vector<64x528xi1>, vector<64x528xf32>
      %reduce_min3A_1706 = arith.constant dense<0x7F800000> : vector<64xf32>
      %reduce_min3A_1707 = vector.multi_reduction <minimumf>, %select_n3A_1705, %reduce_min3A_1706 [1] : vector<64x528xf32> to vector<64xf32>
      %broadcast_in_dim3A_1708 = vector.shape_cast %reduce_min3A_1707 : vector<64xf32> to vector<64x1xf32>
      %eq3A_1709 = vector.broadcast %broadcast_in_dim3A_1708 : vector<64x1xf32> to vector<64x528xf32>
      %eq3A_1710 = arith.cmpf oeq, %concatenate3A_1530, %eq3A_1709 : vector<64x528xf32>
      %broadcast_in_dim3A_1711 = vector.broadcast %while3A_85 : f32 to vector<64x528xf32>
      %select_n3A_1712 = arith.select %eq3A_1710, %broadcast_in_dim3A_1711, %select_n3A_1698 : vector<64x528xi1>, vector<64x528xf32>
      %reduce_max3A_1713 = arith.constant dense<0xFF800000> : vector<64xf32>
      %reduce_max3A_1714 = vector.multi_reduction <maximumf>, %select_n3A_1712, %reduce_max3A_1713 [1] : vector<64x528xf32> to vector<64xf32>
      %broadcast_in_dim3A_1715 = vector.shape_cast %reduce_max3A_1714 : vector<64xf32> to vector<64x1xf32>
      %eq3A_1716 = vector.broadcast %broadcast_in_dim3A_1715 : vector<64x1xf32> to vector<64x528xf32>
      %eq3A_1717 = arith.cmpf oeq, %select_n3A_1712, %eq3A_1716 : vector<64x528xf32>
      %broadcast_in_dim3A_1718 = vector.broadcast %while3A : f32 to vector<64x528xf32>
      %select_n3A_1719 = arith.select %eq3A_1717, %concatenate3A_1530, %broadcast_in_dim3A_1718 : vector<64x528xi1>, vector<64x528xf32>
      %reduce_min3A_1720 = arith.constant dense<0x7F800000> : vector<64xf32>
      %reduce_min3A_1721 = vector.multi_reduction <minimumf>, %select_n3A_1719, %reduce_min3A_1720 [1] : vector<64x528xf32> to vector<64xf32>
      %broadcast_in_dim3A_1722 = vector.shape_cast %reduce_min3A_1721 : vector<64xf32> to vector<64x1xf32>
      %eq3A_1723 = vector.broadcast %broadcast_in_dim3A_1722 : vector<64x1xf32> to vector<64x528xf32>
      %eq3A_1724 = arith.cmpf oeq, %concatenate3A_1530, %eq3A_1723 : vector<64x528xf32>
      %broadcast_in_dim3A_1725 = vector.broadcast %while3A_85 : f32 to vector<64x528xf32>
      %select_n3A_1726 = arith.select %eq3A_1724, %broadcast_in_dim3A_1725, %select_n3A_1712 : vector<64x528xi1>, vector<64x528xf32>
      %reduce_max3A_1727 = arith.constant dense<0xFF800000> : vector<64xf32>
      %reduce_max3A_1728 = vector.multi_reduction <maximumf>, %select_n3A_1726, %reduce_max3A_1727 [1] : vector<64x528xf32> to vector<64xf32>
      %broadcast_in_dim3A_1729 = vector.shape_cast %reduce_max3A_1728 : vector<64xf32> to vector<64x1xf32>
      %eq3A_1730 = vector.broadcast %broadcast_in_dim3A_1729 : vector<64x1xf32> to vector<64x528xf32>
      %eq3A_1731 = arith.cmpf oeq, %select_n3A_1726, %eq3A_1730 : vector<64x528xf32>
      %broadcast_in_dim3A_1732 = vector.broadcast %while3A : f32 to vector<64x528xf32>
      %select_n3A_1733 = arith.select %eq3A_1731, %concatenate3A_1530, %broadcast_in_dim3A_1732 : vector<64x528xi1>, vector<64x528xf32>
      %reduce_min3A_1734 = arith.constant dense<0x7F800000> : vector<64xf32>
      %reduce_min3A_1735 = vector.multi_reduction <minimumf>, %select_n3A_1733, %reduce_min3A_1734 [1] : vector<64x528xf32> to vector<64xf32>
      %broadcast_in_dim3A_1736 = vector.shape_cast %reduce_min3A_1735 : vector<64xf32> to vector<64x1xf32>
      %eq3A_1737 = vector.broadcast %broadcast_in_dim3A_1736 : vector<64x1xf32> to vector<64x528xf32>
      %eq3A_1738 = arith.cmpf oeq, %concatenate3A_1530, %eq3A_1737 : vector<64x528xf32>
      %broadcast_in_dim3A_1739 = vector.broadcast %while3A_85 : f32 to vector<64x528xf32>
      %select_n3A_1740 = arith.select %eq3A_1738, %broadcast_in_dim3A_1739, %select_n3A_1726 : vector<64x528xi1>, vector<64x528xf32>
      %reduce_max3A_1741 = arith.constant dense<0xFF800000> : vector<64xf32>
      %reduce_max3A_1742 = vector.multi_reduction <maximumf>, %select_n3A_1740, %reduce_max3A_1741 [1] : vector<64x528xf32> to vector<64xf32>
      %broadcast_in_dim3A_1743 = vector.shape_cast %reduce_max3A_1742 : vector<64xf32> to vector<64x1xf32>
      %eq3A_1744 = vector.broadcast %broadcast_in_dim3A_1743 : vector<64x1xf32> to vector<64x528xf32>
      %eq3A_1745 = arith.cmpf oeq, %select_n3A_1740, %eq3A_1744 : vector<64x528xf32>
      %broadcast_in_dim3A_1746 = vector.broadcast %while3A : f32 to vector<64x528xf32>
      %select_n3A_1747 = arith.select %eq3A_1745, %concatenate3A_1530, %broadcast_in_dim3A_1746 : vector<64x528xi1>, vector<64x528xf32>
      %reduce_min3A_1748 = arith.constant dense<0x7F800000> : vector<64xf32>
      %reduce_min3A_1749 = vector.multi_reduction <minimumf>, %select_n3A_1747, %reduce_min3A_1748 [1] : vector<64x528xf32> to vector<64xf32>
      %broadcast_in_dim3A_1750 = vector.shape_cast %reduce_min3A_1749 : vector<64xf32> to vector<64x1xf32>
      %eq3A_1751 = vector.broadcast %broadcast_in_dim3A_1750 : vector<64x1xf32> to vector<64x528xf32>
      %eq3A_1752 = arith.cmpf oeq, %concatenate3A_1530, %eq3A_1751 : vector<64x528xf32>
      %broadcast_in_dim3A_1753 = vector.broadcast %while3A_85 : f32 to vector<64x528xf32>
      %select_n3A_1754 = arith.select %eq3A_1752, %broadcast_in_dim3A_1753, %select_n3A_1740 : vector<64x528xi1>, vector<64x528xf32>
      %concatenate3A_1755 = tpu.concatenate %broadcast_in_dim3A_1533, %broadcast_in_dim3A_1547, %broadcast_in_dim3A_1561, %broadcast_in_dim3A_1575, %broadcast_in_dim3A_1589, %broadcast_in_dim3A_1603, %broadcast_in_dim3A_1617, %broadcast_in_dim3A_1631, %broadcast_in_dim3A_1645, %broadcast_in_dim3A_1659, %broadcast_in_dim3A_1673, %broadcast_in_dim3A_1687, %broadcast_in_dim3A_1701, %broadcast_in_dim3A_1715, %broadcast_in_dim3A_1729, %broadcast_in_dim3A_1743 in 1 : vector<64x1xf32>, vector<64x1xf32>, vector<64x1xf32>, vector<64x1xf32>, vector<64x1xf32>, vector<64x1xf32>, vector<64x1xf32>, vector<64x1xf32>, vector<64x1xf32>, vector<64x1xf32>, vector<64x1xf32>, vector<64x1xf32>, vector<64x1xf32>, vector<64x1xf32>, vector<64x1xf32>, vector<64x1xf32> -> vector<64x16xf32>
      %concatenate3A_1756 = tpu.concatenate %broadcast_in_dim3A_1540, %broadcast_in_dim3A_1554, %broadcast_in_dim3A_1568, %broadcast_in_dim3A_1582, %broadcast_in_dim3A_1596, %broadcast_in_dim3A_1610, %broadcast_in_dim3A_1624, %broadcast_in_dim3A_1638, %broadcast_in_dim3A_1652, %broadcast_in_dim3A_1666, %broadcast_in_dim3A_1680, %broadcast_in_dim3A_1694, %broadcast_in_dim3A_1708, %broadcast_in_dim3A_1722, %broadcast_in_dim3A_1736, %broadcast_in_dim3A_1750 in 1 : vector<64x1xf32>, vector<64x1xf32>, vector<64x1xf32>, vector<64x1xf32>, vector<64x1xf32>, vector<64x1xf32>, vector<64x1xf32>, vector<64x1xf32>, vector<64x1xf32>, vector<64x1xf32>, vector<64x1xf32>, vector<64x1xf32>, vector<64x1xf32>, vector<64x1xf32>, vector<64x1xf32>, vector<64x1xf32> -> vector<64x16xf32>
      %slice3A_1757 = vector.extract_strided_slice %select_n3A_132 {offsets = [448, 0], sizes = [64, 512], strides = [1, 1]} : vector<512x512xf32> to vector<64x512xf32>
      %slice3A_1758 = vector.extract_strided_slice %while3A_101 {offsets = [448, 0], sizes = [64, 16], strides = [1, 1]} : vector<512x16xf32> to vector<64x16xf32>
      %concatenate3A_1759 = tpu.concatenate %slice3A_1757, %slice3A_1758 in 1 : vector<64x512xf32>, vector<64x16xf32> -> vector<64x528xf32>
      %slice3A_1760 = vector.extract_strided_slice %convert_element_type3A_135 {offsets = [448, 0], sizes = [64, 512], strides = [1, 1]} : vector<512x512xf32> to vector<64x512xf32>
      %slice3A_1761 = vector.extract_strided_slice %while3A_102 {offsets = [448, 0], sizes = [64, 16], strides = [1, 1]} : vector<512x16xf32> to vector<64x16xf32>
      %concatenate3A_1762 = tpu.concatenate %slice3A_1760, %slice3A_1761 in 1 : vector<64x512xf32>, vector<64x16xf32> -> vector<64x528xf32>
      %reduce_max3A_1763 = arith.constant dense<0xFF800000> : vector<64xf32>
      %reduce_max3A_1764 = vector.multi_reduction <maximumf>, %concatenate3A_1759, %reduce_max3A_1763 [1] : vector<64x528xf32> to vector<64xf32>
      %broadcast_in_dim3A_1765 = vector.shape_cast %reduce_max3A_1764 : vector<64xf32> to vector<64x1xf32>
      %eq3A_1766 = vector.broadcast %broadcast_in_dim3A_1765 : vector<64x1xf32> to vector<64x528xf32>
      %eq3A_1767 = arith.cmpf oeq, %concatenate3A_1759, %eq3A_1766 : vector<64x528xf32>
      %broadcast_in_dim3A_1768 = vector.broadcast %while3A : f32 to vector<64x528xf32>
      %select_n3A_1769 = arith.select %eq3A_1767, %concatenate3A_1762, %broadcast_in_dim3A_1768 : vector<64x528xi1>, vector<64x528xf32>
      %reduce_min3A_1770 = arith.constant dense<0x7F800000> : vector<64xf32>
      %reduce_min3A_1771 = vector.multi_reduction <minimumf>, %select_n3A_1769, %reduce_min3A_1770 [1] : vector<64x528xf32> to vector<64xf32>
      %broadcast_in_dim3A_1772 = vector.shape_cast %reduce_min3A_1771 : vector<64xf32> to vector<64x1xf32>
      %eq3A_1773 = vector.broadcast %broadcast_in_dim3A_1772 : vector<64x1xf32> to vector<64x528xf32>
      %eq3A_1774 = arith.cmpf oeq, %concatenate3A_1762, %eq3A_1773 : vector<64x528xf32>
      %broadcast_in_dim3A_1775 = vector.broadcast %while3A_85 : f32 to vector<64x528xf32>
      %select_n3A_1776 = arith.select %eq3A_1774, %broadcast_in_dim3A_1775, %concatenate3A_1759 : vector<64x528xi1>, vector<64x528xf32>
      %reduce_max3A_1777 = arith.constant dense<0xFF800000> : vector<64xf32>
      %reduce_max3A_1778 = vector.multi_reduction <maximumf>, %select_n3A_1776, %reduce_max3A_1777 [1] : vector<64x528xf32> to vector<64xf32>
      %broadcast_in_dim3A_1779 = vector.shape_cast %reduce_max3A_1778 : vector<64xf32> to vector<64x1xf32>
      %eq3A_1780 = vector.broadcast %broadcast_in_dim3A_1779 : vector<64x1xf32> to vector<64x528xf32>
      %eq3A_1781 = arith.cmpf oeq, %select_n3A_1776, %eq3A_1780 : vector<64x528xf32>
      %broadcast_in_dim3A_1782 = vector.broadcast %while3A : f32 to vector<64x528xf32>
      %select_n3A_1783 = arith.select %eq3A_1781, %concatenate3A_1762, %broadcast_in_dim3A_1782 : vector<64x528xi1>, vector<64x528xf32>
      %reduce_min3A_1784 = arith.constant dense<0x7F800000> : vector<64xf32>
      %reduce_min3A_1785 = vector.multi_reduction <minimumf>, %select_n3A_1783, %reduce_min3A_1784 [1] : vector<64x528xf32> to vector<64xf32>
      %broadcast_in_dim3A_1786 = vector.shape_cast %reduce_min3A_1785 : vector<64xf32> to vector<64x1xf32>
      %eq3A_1787 = vector.broadcast %broadcast_in_dim3A_1786 : vector<64x1xf32> to vector<64x528xf32>
      %eq3A_1788 = arith.cmpf oeq, %concatenate3A_1762, %eq3A_1787 : vector<64x528xf32>
      %broadcast_in_dim3A_1789 = vector.broadcast %while3A_85 : f32 to vector<64x528xf32>
      %select_n3A_1790 = arith.select %eq3A_1788, %broadcast_in_dim3A_1789, %select_n3A_1776 : vector<64x528xi1>, vector<64x528xf32>
      %reduce_max3A_1791 = arith.constant dense<0xFF800000> : vector<64xf32>
      %reduce_max3A_1792 = vector.multi_reduction <maximumf>, %select_n3A_1790, %reduce_max3A_1791 [1] : vector<64x528xf32> to vector<64xf32>
      %broadcast_in_dim3A_1793 = vector.shape_cast %reduce_max3A_1792 : vector<64xf32> to vector<64x1xf32>
      %eq3A_1794 = vector.broadcast %broadcast_in_dim3A_1793 : vector<64x1xf32> to vector<64x528xf32>
      %eq3A_1795 = arith.cmpf oeq, %select_n3A_1790, %eq3A_1794 : vector<64x528xf32>
      %broadcast_in_dim3A_1796 = vector.broadcast %while3A : f32 to vector<64x528xf32>
      %select_n3A_1797 = arith.select %eq3A_1795, %concatenate3A_1762, %broadcast_in_dim3A_1796 : vector<64x528xi1>, vector<64x528xf32>
      %reduce_min3A_1798 = arith.constant dense<0x7F800000> : vector<64xf32>
      %reduce_min3A_1799 = vector.multi_reduction <minimumf>, %select_n3A_1797, %reduce_min3A_1798 [1] : vector<64x528xf32> to vector<64xf32>
      %broadcast_in_dim3A_1800 = vector.shape_cast %reduce_min3A_1799 : vector<64xf32> to vector<64x1xf32>
      %eq3A_1801 = vector.broadcast %broadcast_in_dim3A_1800 : vector<64x1xf32> to vector<64x528xf32>
      %eq3A_1802 = arith.cmpf oeq, %concatenate3A_1762, %eq3A_1801 : vector<64x528xf32>
      %broadcast_in_dim3A_1803 = vector.broadcast %while3A_85 : f32 to vector<64x528xf32>
      %select_n3A_1804 = arith.select %eq3A_1802, %broadcast_in_dim3A_1803, %select_n3A_1790 : vector<64x528xi1>, vector<64x528xf32>
      %reduce_max3A_1805 = arith.constant dense<0xFF800000> : vector<64xf32>
      %reduce_max3A_1806 = vector.multi_reduction <maximumf>, %select_n3A_1804, %reduce_max3A_1805 [1] : vector<64x528xf32> to vector<64xf32>
      %broadcast_in_dim3A_1807 = vector.shape_cast %reduce_max3A_1806 : vector<64xf32> to vector<64x1xf32>
      %eq3A_1808 = vector.broadcast %broadcast_in_dim3A_1807 : vector<64x1xf32> to vector<64x528xf32>
      %eq3A_1809 = arith.cmpf oeq, %select_n3A_1804, %eq3A_1808 : vector<64x528xf32>
      %broadcast_in_dim3A_1810 = vector.broadcast %while3A : f32 to vector<64x528xf32>
      %select_n3A_1811 = arith.select %eq3A_1809, %concatenate3A_1762, %broadcast_in_dim3A_1810 : vector<64x528xi1>, vector<64x528xf32>
      %reduce_min3A_1812 = arith.constant dense<0x7F800000> : vector<64xf32>
      %reduce_min3A_1813 = vector.multi_reduction <minimumf>, %select_n3A_1811, %reduce_min3A_1812 [1] : vector<64x528xf32> to vector<64xf32>
      %broadcast_in_dim3A_1814 = vector.shape_cast %reduce_min3A_1813 : vector<64xf32> to vector<64x1xf32>
      %eq3A_1815 = vector.broadcast %broadcast_in_dim3A_1814 : vector<64x1xf32> to vector<64x528xf32>
      %eq3A_1816 = arith.cmpf oeq, %concatenate3A_1762, %eq3A_1815 : vector<64x528xf32>
      %broadcast_in_dim3A_1817 = vector.broadcast %while3A_85 : f32 to vector<64x528xf32>
      %select_n3A_1818 = arith.select %eq3A_1816, %broadcast_in_dim3A_1817, %select_n3A_1804 : vector<64x528xi1>, vector<64x528xf32>
      %reduce_max3A_1819 = arith.constant dense<0xFF800000> : vector<64xf32>
      %reduce_max3A_1820 = vector.multi_reduction <maximumf>, %select_n3A_1818, %reduce_max3A_1819 [1] : vector<64x528xf32> to vector<64xf32>
      %broadcast_in_dim3A_1821 = vector.shape_cast %reduce_max3A_1820 : vector<64xf32> to vector<64x1xf32>
      %eq3A_1822 = vector.broadcast %broadcast_in_dim3A_1821 : vector<64x1xf32> to vector<64x528xf32>
      %eq3A_1823 = arith.cmpf oeq, %select_n3A_1818, %eq3A_1822 : vector<64x528xf32>
      %broadcast_in_dim3A_1824 = vector.broadcast %while3A : f32 to vector<64x528xf32>
      %select_n3A_1825 = arith.select %eq3A_1823, %concatenate3A_1762, %broadcast_in_dim3A_1824 : vector<64x528xi1>, vector<64x528xf32>
      %reduce_min3A_1826 = arith.constant dense<0x7F800000> : vector<64xf32>
      %reduce_min3A_1827 = vector.multi_reduction <minimumf>, %select_n3A_1825, %reduce_min3A_1826 [1] : vector<64x528xf32> to vector<64xf32>
      %broadcast_in_dim3A_1828 = vector.shape_cast %reduce_min3A_1827 : vector<64xf32> to vector<64x1xf32>
      %eq3A_1829 = vector.broadcast %broadcast_in_dim3A_1828 : vector<64x1xf32> to vector<64x528xf32>
      %eq3A_1830 = arith.cmpf oeq, %concatenate3A_1762, %eq3A_1829 : vector<64x528xf32>
      %broadcast_in_dim3A_1831 = vector.broadcast %while3A_85 : f32 to vector<64x528xf32>
      %select_n3A_1832 = arith.select %eq3A_1830, %broadcast_in_dim3A_1831, %select_n3A_1818 : vector<64x528xi1>, vector<64x528xf32>
      %reduce_max3A_1833 = arith.constant dense<0xFF800000> : vector<64xf32>
      %reduce_max3A_1834 = vector.multi_reduction <maximumf>, %select_n3A_1832, %reduce_max3A_1833 [1] : vector<64x528xf32> to vector<64xf32>
      %broadcast_in_dim3A_1835 = vector.shape_cast %reduce_max3A_1834 : vector<64xf32> to vector<64x1xf32>
      %eq3A_1836 = vector.broadcast %broadcast_in_dim3A_1835 : vector<64x1xf32> to vector<64x528xf32>
      %eq3A_1837 = arith.cmpf oeq, %select_n3A_1832, %eq3A_1836 : vector<64x528xf32>
      %broadcast_in_dim3A_1838 = vector.broadcast %while3A : f32 to vector<64x528xf32>
      %select_n3A_1839 = arith.select %eq3A_1837, %concatenate3A_1762, %broadcast_in_dim3A_1838 : vector<64x528xi1>, vector<64x528xf32>
      %reduce_min3A_1840 = arith.constant dense<0x7F800000> : vector<64xf32>
      %reduce_min3A_1841 = vector.multi_reduction <minimumf>, %select_n3A_1839, %reduce_min3A_1840 [1] : vector<64x528xf32> to vector<64xf32>
      %broadcast_in_dim3A_1842 = vector.shape_cast %reduce_min3A_1841 : vector<64xf32> to vector<64x1xf32>
      %eq3A_1843 = vector.broadcast %broadcast_in_dim3A_1842 : vector<64x1xf32> to vector<64x528xf32>
      %eq3A_1844 = arith.cmpf oeq, %concatenate3A_1762, %eq3A_1843 : vector<64x528xf32>
      %broadcast_in_dim3A_1845 = vector.broadcast %while3A_85 : f32 to vector<64x528xf32>
      %select_n3A_1846 = arith.select %eq3A_1844, %broadcast_in_dim3A_1845, %select_n3A_1832 : vector<64x528xi1>, vector<64x528xf32>
      %reduce_max3A_1847 = arith.constant dense<0xFF800000> : vector<64xf32>
      %reduce_max3A_1848 = vector.multi_reduction <maximumf>, %select_n3A_1846, %reduce_max3A_1847 [1] : vector<64x528xf32> to vector<64xf32>
      %broadcast_in_dim3A_1849 = vector.shape_cast %reduce_max3A_1848 : vector<64xf32> to vector<64x1xf32>
      %eq3A_1850 = vector.broadcast %broadcast_in_dim3A_1849 : vector<64x1xf32> to vector<64x528xf32>
      %eq3A_1851 = arith.cmpf oeq, %select_n3A_1846, %eq3A_1850 : vector<64x528xf32>
      %broadcast_in_dim3A_1852 = vector.broadcast %while3A : f32 to vector<64x528xf32>
      %select_n3A_1853 = arith.select %eq3A_1851, %concatenate3A_1762, %broadcast_in_dim3A_1852 : vector<64x528xi1>, vector<64x528xf32>
      %reduce_min3A_1854 = arith.constant dense<0x7F800000> : vector<64xf32>
      %reduce_min3A_1855 = vector.multi_reduction <minimumf>, %select_n3A_1853, %reduce_min3A_1854 [1] : vector<64x528xf32> to vector<64xf32>
      %broadcast_in_dim3A_1856 = vector.shape_cast %reduce_min3A_1855 : vector<64xf32> to vector<64x1xf32>
      %eq3A_1857 = vector.broadcast %broadcast_in_dim3A_1856 : vector<64x1xf32> to vector<64x528xf32>
      %eq3A_1858 = arith.cmpf oeq, %concatenate3A_1762, %eq3A_1857 : vector<64x528xf32>
      %broadcast_in_dim3A_1859 = vector.broadcast %while3A_85 : f32 to vector<64x528xf32>
      %select_n3A_1860 = arith.select %eq3A_1858, %broadcast_in_dim3A_1859, %select_n3A_1846 : vector<64x528xi1>, vector<64x528xf32>
      %reduce_max3A_1861 = arith.constant dense<0xFF800000> : vector<64xf32>
      %reduce_max3A_1862 = vector.multi_reduction <maximumf>, %select_n3A_1860, %reduce_max3A_1861 [1] : vector<64x528xf32> to vector<64xf32>
      %broadcast_in_dim3A_1863 = vector.shape_cast %reduce_max3A_1862 : vector<64xf32> to vector<64x1xf32>
      %eq3A_1864 = vector.broadcast %broadcast_in_dim3A_1863 : vector<64x1xf32> to vector<64x528xf32>
      %eq3A_1865 = arith.cmpf oeq, %select_n3A_1860, %eq3A_1864 : vector<64x528xf32>
      %broadcast_in_dim3A_1866 = vector.broadcast %while3A : f32 to vector<64x528xf32>
      %select_n3A_1867 = arith.select %eq3A_1865, %concatenate3A_1762, %broadcast_in_dim3A_1866 : vector<64x528xi1>, vector<64x528xf32>
      %reduce_min3A_1868 = arith.constant dense<0x7F800000> : vector<64xf32>
      %reduce_min3A_1869 = vector.multi_reduction <minimumf>, %select_n3A_1867, %reduce_min3A_1868 [1] : vector<64x528xf32> to vector<64xf32>
      %broadcast_in_dim3A_1870 = vector.shape_cast %reduce_min3A_1869 : vector<64xf32> to vector<64x1xf32>
      %eq3A_1871 = vector.broadcast %broadcast_in_dim3A_1870 : vector<64x1xf32> to vector<64x528xf32>
      %eq3A_1872 = arith.cmpf oeq, %concatenate3A_1762, %eq3A_1871 : vector<64x528xf32>
      %broadcast_in_dim3A_1873 = vector.broadcast %while3A_85 : f32 to vector<64x528xf32>
      %select_n3A_1874 = arith.select %eq3A_1872, %broadcast_in_dim3A_1873, %select_n3A_1860 : vector<64x528xi1>, vector<64x528xf32>
      %reduce_max3A_1875 = arith.constant dense<0xFF800000> : vector<64xf32>
      %reduce_max3A_1876 = vector.multi_reduction <maximumf>, %select_n3A_1874, %reduce_max3A_1875 [1] : vector<64x528xf32> to vector<64xf32>
      %broadcast_in_dim3A_1877 = vector.shape_cast %reduce_max3A_1876 : vector<64xf32> to vector<64x1xf32>
      %eq3A_1878 = vector.broadcast %broadcast_in_dim3A_1877 : vector<64x1xf32> to vector<64x528xf32>
      %eq3A_1879 = arith.cmpf oeq, %select_n3A_1874, %eq3A_1878 : vector<64x528xf32>
      %broadcast_in_dim3A_1880 = vector.broadcast %while3A : f32 to vector<64x528xf32>
      %select_n3A_1881 = arith.select %eq3A_1879, %concatenate3A_1762, %broadcast_in_dim3A_1880 : vector<64x528xi1>, vector<64x528xf32>
      %reduce_min3A_1882 = arith.constant dense<0x7F800000> : vector<64xf32>
      %reduce_min3A_1883 = vector.multi_reduction <minimumf>, %select_n3A_1881, %reduce_min3A_1882 [1] : vector<64x528xf32> to vector<64xf32>
      %broadcast_in_dim3A_1884 = vector.shape_cast %reduce_min3A_1883 : vector<64xf32> to vector<64x1xf32>
      %eq3A_1885 = vector.broadcast %broadcast_in_dim3A_1884 : vector<64x1xf32> to vector<64x528xf32>
      %eq3A_1886 = arith.cmpf oeq, %concatenate3A_1762, %eq3A_1885 : vector<64x528xf32>
      %broadcast_in_dim3A_1887 = vector.broadcast %while3A_85 : f32 to vector<64x528xf32>
      %select_n3A_1888 = arith.select %eq3A_1886, %broadcast_in_dim3A_1887, %select_n3A_1874 : vector<64x528xi1>, vector<64x528xf32>
      %reduce_max3A_1889 = arith.constant dense<0xFF800000> : vector<64xf32>
      %reduce_max3A_1890 = vector.multi_reduction <maximumf>, %select_n3A_1888, %reduce_max3A_1889 [1] : vector<64x528xf32> to vector<64xf32>
      %broadcast_in_dim3A_1891 = vector.shape_cast %reduce_max3A_1890 : vector<64xf32> to vector<64x1xf32>
      %eq3A_1892 = vector.broadcast %broadcast_in_dim3A_1891 : vector<64x1xf32> to vector<64x528xf32>
      %eq3A_1893 = arith.cmpf oeq, %select_n3A_1888, %eq3A_1892 : vector<64x528xf32>
      %broadcast_in_dim3A_1894 = vector.broadcast %while3A : f32 to vector<64x528xf32>
      %select_n3A_1895 = arith.select %eq3A_1893, %concatenate3A_1762, %broadcast_in_dim3A_1894 : vector<64x528xi1>, vector<64x528xf32>
      %reduce_min3A_1896 = arith.constant dense<0x7F800000> : vector<64xf32>
      %reduce_min3A_1897 = vector.multi_reduction <minimumf>, %select_n3A_1895, %reduce_min3A_1896 [1] : vector<64x528xf32> to vector<64xf32>
      %broadcast_in_dim3A_1898 = vector.shape_cast %reduce_min3A_1897 : vector<64xf32> to vector<64x1xf32>
      %eq3A_1899 = vector.broadcast %broadcast_in_dim3A_1898 : vector<64x1xf32> to vector<64x528xf32>
      %eq3A_1900 = arith.cmpf oeq, %concatenate3A_1762, %eq3A_1899 : vector<64x528xf32>
      %broadcast_in_dim3A_1901 = vector.broadcast %while3A_85 : f32 to vector<64x528xf32>
      %select_n3A_1902 = arith.select %eq3A_1900, %broadcast_in_dim3A_1901, %select_n3A_1888 : vector<64x528xi1>, vector<64x528xf32>
      %reduce_max3A_1903 = arith.constant dense<0xFF800000> : vector<64xf32>
      %reduce_max3A_1904 = vector.multi_reduction <maximumf>, %select_n3A_1902, %reduce_max3A_1903 [1] : vector<64x528xf32> to vector<64xf32>
      %broadcast_in_dim3A_1905 = vector.shape_cast %reduce_max3A_1904 : vector<64xf32> to vector<64x1xf32>
      %eq3A_1906 = vector.broadcast %broadcast_in_dim3A_1905 : vector<64x1xf32> to vector<64x528xf32>
      %eq3A_1907 = arith.cmpf oeq, %select_n3A_1902, %eq3A_1906 : vector<64x528xf32>
      %broadcast_in_dim3A_1908 = vector.broadcast %while3A : f32 to vector<64x528xf32>
      %select_n3A_1909 = arith.select %eq3A_1907, %concatenate3A_1762, %broadcast_in_dim3A_1908 : vector<64x528xi1>, vector<64x528xf32>
      %reduce_min3A_1910 = arith.constant dense<0x7F800000> : vector<64xf32>
      %reduce_min3A_1911 = vector.multi_reduction <minimumf>, %select_n3A_1909, %reduce_min3A_1910 [1] : vector<64x528xf32> to vector<64xf32>
      %broadcast_in_dim3A_1912 = vector.shape_cast %reduce_min3A_1911 : vector<64xf32> to vector<64x1xf32>
      %eq3A_1913 = vector.broadcast %broadcast_in_dim3A_1912 : vector<64x1xf32> to vector<64x528xf32>
      %eq3A_1914 = arith.cmpf oeq, %concatenate3A_1762, %eq3A_1913 : vector<64x528xf32>
      %broadcast_in_dim3A_1915 = vector.broadcast %while3A_85 : f32 to vector<64x528xf32>
      %select_n3A_1916 = arith.select %eq3A_1914, %broadcast_in_dim3A_1915, %select_n3A_1902 : vector<64x528xi1>, vector<64x528xf32>
      %reduce_max3A_1917 = arith.constant dense<0xFF800000> : vector<64xf32>
      %reduce_max3A_1918 = vector.multi_reduction <maximumf>, %select_n3A_1916, %reduce_max3A_1917 [1] : vector<64x528xf32> to vector<64xf32>
      %broadcast_in_dim3A_1919 = vector.shape_cast %reduce_max3A_1918 : vector<64xf32> to vector<64x1xf32>
      %eq3A_1920 = vector.broadcast %broadcast_in_dim3A_1919 : vector<64x1xf32> to vector<64x528xf32>
      %eq3A_1921 = arith.cmpf oeq, %select_n3A_1916, %eq3A_1920 : vector<64x528xf32>
      %broadcast_in_dim3A_1922 = vector.broadcast %while3A : f32 to vector<64x528xf32>
      %select_n3A_1923 = arith.select %eq3A_1921, %concatenate3A_1762, %broadcast_in_dim3A_1922 : vector<64x528xi1>, vector<64x528xf32>
      %reduce_min3A_1924 = arith.constant dense<0x7F800000> : vector<64xf32>
      %reduce_min3A_1925 = vector.multi_reduction <minimumf>, %select_n3A_1923, %reduce_min3A_1924 [1] : vector<64x528xf32> to vector<64xf32>
      %broadcast_in_dim3A_1926 = vector.shape_cast %reduce_min3A_1925 : vector<64xf32> to vector<64x1xf32>
      %eq3A_1927 = vector.broadcast %broadcast_in_dim3A_1926 : vector<64x1xf32> to vector<64x528xf32>
      %eq3A_1928 = arith.cmpf oeq, %concatenate3A_1762, %eq3A_1927 : vector<64x528xf32>
      %broadcast_in_dim3A_1929 = vector.broadcast %while3A_85 : f32 to vector<64x528xf32>
      %select_n3A_1930 = arith.select %eq3A_1928, %broadcast_in_dim3A_1929, %select_n3A_1916 : vector<64x528xi1>, vector<64x528xf32>
      %reduce_max3A_1931 = arith.constant dense<0xFF800000> : vector<64xf32>
      %reduce_max3A_1932 = vector.multi_reduction <maximumf>, %select_n3A_1930, %reduce_max3A_1931 [1] : vector<64x528xf32> to vector<64xf32>
      %broadcast_in_dim3A_1933 = vector.shape_cast %reduce_max3A_1932 : vector<64xf32> to vector<64x1xf32>
      %eq3A_1934 = vector.broadcast %broadcast_in_dim3A_1933 : vector<64x1xf32> to vector<64x528xf32>
      %eq3A_1935 = arith.cmpf oeq, %select_n3A_1930, %eq3A_1934 : vector<64x528xf32>
      %broadcast_in_dim3A_1936 = vector.broadcast %while3A : f32 to vector<64x528xf32>
      %select_n3A_1937 = arith.select %eq3A_1935, %concatenate3A_1762, %broadcast_in_dim3A_1936 : vector<64x528xi1>, vector<64x528xf32>
      %reduce_min3A_1938 = arith.constant dense<0x7F800000> : vector<64xf32>
      %reduce_min3A_1939 = vector.multi_reduction <minimumf>, %select_n3A_1937, %reduce_min3A_1938 [1] : vector<64x528xf32> to vector<64xf32>
      %broadcast_in_dim3A_1940 = vector.shape_cast %reduce_min3A_1939 : vector<64xf32> to vector<64x1xf32>
      %eq3A_1941 = vector.broadcast %broadcast_in_dim3A_1940 : vector<64x1xf32> to vector<64x528xf32>
      %eq3A_1942 = arith.cmpf oeq, %concatenate3A_1762, %eq3A_1941 : vector<64x528xf32>
      %broadcast_in_dim3A_1943 = vector.broadcast %while3A_85 : f32 to vector<64x528xf32>
      %select_n3A_1944 = arith.select %eq3A_1942, %broadcast_in_dim3A_1943, %select_n3A_1930 : vector<64x528xi1>, vector<64x528xf32>
      %reduce_max3A_1945 = arith.constant dense<0xFF800000> : vector<64xf32>
      %reduce_max3A_1946 = vector.multi_reduction <maximumf>, %select_n3A_1944, %reduce_max3A_1945 [1] : vector<64x528xf32> to vector<64xf32>
      %broadcast_in_dim3A_1947 = vector.shape_cast %reduce_max3A_1946 : vector<64xf32> to vector<64x1xf32>
      %eq3A_1948 = vector.broadcast %broadcast_in_dim3A_1947 : vector<64x1xf32> to vector<64x528xf32>
      %eq3A_1949 = arith.cmpf oeq, %select_n3A_1944, %eq3A_1948 : vector<64x528xf32>
      %broadcast_in_dim3A_1950 = vector.broadcast %while3A : f32 to vector<64x528xf32>
      %select_n3A_1951 = arith.select %eq3A_1949, %concatenate3A_1762, %broadcast_in_dim3A_1950 : vector<64x528xi1>, vector<64x528xf32>
      %reduce_min3A_1952 = arith.constant dense<0x7F800000> : vector<64xf32>
      %reduce_min3A_1953 = vector.multi_reduction <minimumf>, %select_n3A_1951, %reduce_min3A_1952 [1] : vector<64x528xf32> to vector<64xf32>
      %broadcast_in_dim3A_1954 = vector.shape_cast %reduce_min3A_1953 : vector<64xf32> to vector<64x1xf32>
      %eq3A_1955 = vector.broadcast %broadcast_in_dim3A_1954 : vector<64x1xf32> to vector<64x528xf32>
      %eq3A_1956 = arith.cmpf oeq, %concatenate3A_1762, %eq3A_1955 : vector<64x528xf32>
      %broadcast_in_dim3A_1957 = vector.broadcast %while3A_85 : f32 to vector<64x528xf32>
      %select_n3A_1958 = arith.select %eq3A_1956, %broadcast_in_dim3A_1957, %select_n3A_1944 : vector<64x528xi1>, vector<64x528xf32>
      %reduce_max3A_1959 = arith.constant dense<0xFF800000> : vector<64xf32>
      %reduce_max3A_1960 = vector.multi_reduction <maximumf>, %select_n3A_1958, %reduce_max3A_1959 [1] : vector<64x528xf32> to vector<64xf32>
      %broadcast_in_dim3A_1961 = vector.shape_cast %reduce_max3A_1960 : vector<64xf32> to vector<64x1xf32>
      %eq3A_1962 = vector.broadcast %broadcast_in_dim3A_1961 : vector<64x1xf32> to vector<64x528xf32>
      %eq3A_1963 = arith.cmpf oeq, %select_n3A_1958, %eq3A_1962 : vector<64x528xf32>
      %broadcast_in_dim3A_1964 = vector.broadcast %while3A : f32 to vector<64x528xf32>
      %select_n3A_1965 = arith.select %eq3A_1963, %concatenate3A_1762, %broadcast_in_dim3A_1964 : vector<64x528xi1>, vector<64x528xf32>
      %reduce_min3A_1966 = arith.constant dense<0x7F800000> : vector<64xf32>
      %reduce_min3A_1967 = vector.multi_reduction <minimumf>, %select_n3A_1965, %reduce_min3A_1966 [1] : vector<64x528xf32> to vector<64xf32>
      %broadcast_in_dim3A_1968 = vector.shape_cast %reduce_min3A_1967 : vector<64xf32> to vector<64x1xf32>
      %eq3A_1969 = vector.broadcast %broadcast_in_dim3A_1968 : vector<64x1xf32> to vector<64x528xf32>
      %eq3A_1970 = arith.cmpf oeq, %concatenate3A_1762, %eq3A_1969 : vector<64x528xf32>
      %broadcast_in_dim3A_1971 = vector.broadcast %while3A_85 : f32 to vector<64x528xf32>
      %select_n3A_1972 = arith.select %eq3A_1970, %broadcast_in_dim3A_1971, %select_n3A_1958 : vector<64x528xi1>, vector<64x528xf32>
      %reduce_max3A_1973 = arith.constant dense<0xFF800000> : vector<64xf32>
      %reduce_max3A_1974 = vector.multi_reduction <maximumf>, %select_n3A_1972, %reduce_max3A_1973 [1] : vector<64x528xf32> to vector<64xf32>
      %broadcast_in_dim3A_1975 = vector.shape_cast %reduce_max3A_1974 : vector<64xf32> to vector<64x1xf32>
      %eq3A_1976 = vector.broadcast %broadcast_in_dim3A_1975 : vector<64x1xf32> to vector<64x528xf32>
      %eq3A_1977 = arith.cmpf oeq, %select_n3A_1972, %eq3A_1976 : vector<64x528xf32>
      %broadcast_in_dim3A_1978 = vector.broadcast %while3A : f32 to vector<64x528xf32>
      %select_n3A_1979 = arith.select %eq3A_1977, %concatenate3A_1762, %broadcast_in_dim3A_1978 : vector<64x528xi1>, vector<64x528xf32>
      %reduce_min3A_1980 = arith.constant dense<0x7F800000> : vector<64xf32>
      %reduce_min3A_1981 = vector.multi_reduction <minimumf>, %select_n3A_1979, %reduce_min3A_1980 [1] : vector<64x528xf32> to vector<64xf32>
      %broadcast_in_dim3A_1982 = vector.shape_cast %reduce_min3A_1981 : vector<64xf32> to vector<64x1xf32>
      %eq3A_1983 = vector.broadcast %broadcast_in_dim3A_1982 : vector<64x1xf32> to vector<64x528xf32>
      %eq3A_1984 = arith.cmpf oeq, %concatenate3A_1762, %eq3A_1983 : vector<64x528xf32>
      %broadcast_in_dim3A_1985 = vector.broadcast %while3A_85 : f32 to vector<64x528xf32>
      %select_n3A_1986 = arith.select %eq3A_1984, %broadcast_in_dim3A_1985, %select_n3A_1972 : vector<64x528xi1>, vector<64x528xf32>
      %concatenate3A_1987 = tpu.concatenate %broadcast_in_dim3A_1765, %broadcast_in_dim3A_1779, %broadcast_in_dim3A_1793, %broadcast_in_dim3A_1807, %broadcast_in_dim3A_1821, %broadcast_in_dim3A_1835, %broadcast_in_dim3A_1849, %broadcast_in_dim3A_1863, %broadcast_in_dim3A_1877, %broadcast_in_dim3A_1891, %broadcast_in_dim3A_1905, %broadcast_in_dim3A_1919, %broadcast_in_dim3A_1933, %broadcast_in_dim3A_1947, %broadcast_in_dim3A_1961, %broadcast_in_dim3A_1975 in 1 : vector<64x1xf32>, vector<64x1xf32>, vector<64x1xf32>, vector<64x1xf32>, vector<64x1xf32>, vector<64x1xf32>, vector<64x1xf32>, vector<64x1xf32>, vector<64x1xf32>, vector<64x1xf32>, vector<64x1xf32>, vector<64x1xf32>, vector<64x1xf32>, vector<64x1xf32>, vector<64x1xf32>, vector<64x1xf32> -> vector<64x16xf32>
      %concatenate3A_1988 = tpu.concatenate %broadcast_in_dim3A_1772, %broadcast_in_dim3A_1786, %broadcast_in_dim3A_1800, %broadcast_in_dim3A_1814, %broadcast_in_dim3A_1828, %broadcast_in_dim3A_1842, %broadcast_in_dim3A_1856, %broadcast_in_dim3A_1870, %broadcast_in_dim3A_1884, %broadcast_in_dim3A_1898, %broadcast_in_dim3A_1912, %broadcast_in_dim3A_1926, %broadcast_in_dim3A_1940, %broadcast_in_dim3A_1954, %broadcast_in_dim3A_1968, %broadcast_in_dim3A_1982 in 1 : vector<64x1xf32>, vector<64x1xf32>, vector<64x1xf32>, vector<64x1xf32>, vector<64x1xf32>, vector<64x1xf32>, vector<64x1xf32>, vector<64x1xf32>, vector<64x1xf32>, vector<64x1xf32>, vector<64x1xf32>, vector<64x1xf32>, vector<64x1xf32>, vector<64x1xf32>, vector<64x1xf32>, vector<64x1xf32> -> vector<64x16xf32>
      %concatenate3A_1989 = tpu.concatenate %concatenate3A_363, %concatenate3A_595, %concatenate3A_827, %concatenate3A_1059, %concatenate3A_1291, %concatenate3A_1523, %concatenate3A_1755, %concatenate3A_1987 in 0 : vector<64x16xf32>, vector<64x16xf32>, vector<64x16xf32>, vector<64x16xf32>, vector<64x16xf32>, vector<64x16xf32>, vector<64x16xf32>, vector<64x16xf32> -> vector<512x16xf32>
      %concatenate3A_1990 = tpu.concatenate %concatenate3A_364, %concatenate3A_596, %concatenate3A_828, %concatenate3A_1060, %concatenate3A_1292, %concatenate3A_1524, %concatenate3A_1756, %concatenate3A_1988 in 0 : vector<64x16xf32>, vector<64x16xf32>, vector<64x16xf32>, vector<64x16xf32>, vector<64x16xf32>, vector<64x16xf32>, vector<64x16xf32>, vector<64x16xf32> -> vector<512x16xf32>
      scf.yield %concatenate3A_1989, %concatenate3A_1990 : vector<512x16xf32>, vector<512x16xf32>
    }
    %while3A_95 = arith.constant 1 : i32
    %while3A_96:2 = scf.for %while3A_100 = %while3A_92 to %while3A_88 step %while3A_95 iter_args(%while3A_101 = %while3A_94#0, %while3A_102 = %while3A_94#1) -> (vector<512x16xf32>, vector<512x16xf32>)  : i32 {
      %eq3A = arith.constant 0 : i32
      %eq3A_103 = arith.cmpi eq, %while3A_100, %eq3A : i32
      %add3A_104 = arith.addi %select_n3A, %while3A_100 : i32
      %sub3A_105 = arith.subi %add3A_104, %select_n3A_72 : i32
      %jit3A_106 = arith.constant 0 : i32
      %select_n3A_107 = arith.select %eq3A_103, %jit3A_106, %sub3A_105 : i32
      %mul3A = arith.constant 512 : i32
      %mul3A_108 = arith.muli %select_n3A_107, %mul3A : i32
      %get3A_109 = arith.index_cast %mul3A_108 : i32 to index
      %get3A_110 = arith.constant 0 : index
      %get3A_111 = vector.load %arg7[%get3A_109, %get3A_110] : memref<10240x128xf32, #tpu.memory_space<vmem>>, vector<512x128xf32>
      %dot_general3A_112 = arith.constant dense<0.000000e+00> : vector<512x512xf32>
      %dot_general3A_113 = tpu.matmul %get3A_1, %get3A_111, %dot_general3A_112 {dimension_numbers = #tpu.dot_dimension_numbers<[1], [1], [0], [0], [0, 0, 1, 0], [], []>, transpose_lhs_hint = false} : vector<512x128xf32>, vector<512x128xf32>, vector<512x512xf32> -> vector<512x512xf32>
      %get3A_114 = arith.constant 0 : index
      %get3A_115 = arith.index_cast %mul3A_108 : i32 to index
      %get3A_116 = vector.load %arg4[%get3A_114, %get3A_115] : memref<1x10240xf32, #tpu.memory_space<vmem>>, vector<1x512xf32>
      %get3A_117 = arith.constant 0 : index
      %get3A_118 = arith.index_cast %mul3A_108 : i32 to index
      %get3A_119 = vector.load %arg3[%get3A_117, %get3A_118] : memref<1x10240xi32, #tpu.memory_space<vmem>>, vector<1x512xi32>
      %mul3A_120 = arith.constant 2.000000e+00 : f32
      %mul3A_121 = vector.broadcast %mul3A_120 : f32 to vector<512x512xf32>
      %mul3A_122 = arith.mulf %mul3A_121, %dot_general3A_113 : vector<512x512xf32>
      %sub3A_123 = vector.broadcast %get3A_80 : vector<512x1xf32> to vector<512x512xf32>
      %sub3A_124 = arith.subf %mul3A_122, %sub3A_123 : vector<512x512xf32>
      %sub3A_125 = vector.broadcast %get3A_116 : vector<1x512xf32> to vector<512x512xf32>
      %sub3A_126 = arith.subf %sub3A_124, %sub3A_125 : vector<512x512xf32>
      %eq3A_127 = vector.broadcast %get3A_77 : vector<512x1xi32> to vector<512x512xi32>
      %eq3A_128 = vector.broadcast %get3A_119 : vector<1x512xi32> to vector<512x512xi32>
      %eq3A_129 = arith.cmpi eq, %eq3A_127, %eq3A_128 : vector<512x512xi32>
      %jit3A_130 = arith.constant -1.000000e+30 : f32
      %broadcast_in_dim3A_131 = vector.broadcast %jit3A_130 : f32 to vector<512x512xf32>
      %select_n3A_132 = arith.select %eq3A_129, %sub3A_126, %broadcast_in_dim3A_131 : vector<512x512xi1>, vector<512x512xf32>
      %iota3A = tpu.iota {dimensions = array<i32: 1>} : vector<512x512xi32>
      %add3A_133 = vector.broadcast %mul3A_108 : i32 to vector<512x512xi32>
      %add3A_134 = arith.addi %iota3A, %add3A_133 : vector<512x512xi32>
      %convert_element_type3A_135 = arith.sitofp %add3A_134 : vector<512x512xi32> to vector<512x512xf32>
      %slice3A = vector.extract_strided_slice %select_n3A_132 {offsets = [0, 0], sizes = [64, 512], strides = [1, 1]} : vector<512x512xf32> to vector<64x512xf32>
      %slice3A_136 = vector.extract_strided_slice %while3A_101 {offsets = [0, 0], sizes = [64, 16], strides = [1, 1]} : vector<512x16xf32> to vector<64x16xf32>
      %concatenate3A_137 = tpu.concatenate %slice3A, %slice3A_136 in 1 : vector<64x512xf32>, vector<64x16xf32> -> vector<64x528xf32>
      %slice3A_138 = vector.extract_strided_slice %convert_element_type3A_135 {offsets = [0, 0], sizes = [64, 512], strides = [1, 1]} : vector<512x512xf32> to vector<64x512xf32>
      %slice3A_139 = vector.extract_strided_slice %while3A_102 {offsets = [0, 0], sizes = [64, 16], strides = [1, 1]} : vector<512x16xf32> to vector<64x16xf32>
      %concatenate3A_140 = tpu.concatenate %slice3A_138, %slice3A_139 in 1 : vector<64x512xf32>, vector<64x16xf32> -> vector<64x528xf32>
      %reduce_max3A = arith.constant dense<0xFF800000> : vector<64xf32>
      %reduce_max3A_141 = vector.multi_reduction <maximumf>, %concatenate3A_137, %reduce_max3A [1] : vector<64x528xf32> to vector<64xf32>
      %broadcast_in_dim3A_142 = vector.shape_cast %reduce_max3A_141 : vector<64xf32> to vector<64x1xf32>
      %eq3A_143 = vector.broadcast %broadcast_in_dim3A_142 : vector<64x1xf32> to vector<64x528xf32>
      %eq3A_144 = arith.cmpf oeq, %concatenate3A_137, %eq3A_143 : vector<64x528xf32>
      %broadcast_in_dim3A_145 = vector.broadcast %while3A : f32 to vector<64x528xf32>
      %select_n3A_146 = arith.select %eq3A_144, %concatenate3A_140, %broadcast_in_dim3A_145 : vector<64x528xi1>, vector<64x528xf32>
      %reduce_min3A = arith.constant dense<0x7F800000> : vector<64xf32>
      %reduce_min3A_147 = vector.multi_reduction <minimumf>, %select_n3A_146, %reduce_min3A [1] : vector<64x528xf32> to vector<64xf32>
      %broadcast_in_dim3A_148 = vector.shape_cast %reduce_min3A_147 : vector<64xf32> to vector<64x1xf32>
      %eq3A_149 = vector.broadcast %broadcast_in_dim3A_148 : vector<64x1xf32> to vector<64x528xf32>
      %eq3A_150 = arith.cmpf oeq, %concatenate3A_140, %eq3A_149 : vector<64x528xf32>
      %broadcast_in_dim3A_151 = vector.broadcast %while3A_85 : f32 to vector<64x528xf32>
      %select_n3A_152 = arith.select %eq3A_150, %broadcast_in_dim3A_151, %concatenate3A_137 : vector<64x528xi1>, vector<64x528xf32>
      %reduce_max3A_153 = arith.constant dense<0xFF800000> : vector<64xf32>
      %reduce_max3A_154 = vector.multi_reduction <maximumf>, %select_n3A_152, %reduce_max3A_153 [1] : vector<64x528xf32> to vector<64xf32>
      %broadcast_in_dim3A_155 = vector.shape_cast %reduce_max3A_154 : vector<64xf32> to vector<64x1xf32>
      %eq3A_156 = vector.broadcast %broadcast_in_dim3A_155 : vector<64x1xf32> to vector<64x528xf32>
      %eq3A_157 = arith.cmpf oeq, %select_n3A_152, %eq3A_156 : vector<64x528xf32>
      %broadcast_in_dim3A_158 = vector.broadcast %while3A : f32 to vector<64x528xf32>
      %select_n3A_159 = arith.select %eq3A_157, %concatenate3A_140, %broadcast_in_dim3A_158 : vector<64x528xi1>, vector<64x528xf32>
      %reduce_min3A_160 = arith.constant dense<0x7F800000> : vector<64xf32>
      %reduce_min3A_161 = vector.multi_reduction <minimumf>, %select_n3A_159, %reduce_min3A_160 [1] : vector<64x528xf32> to vector<64xf32>
      %broadcast_in_dim3A_162 = vector.shape_cast %reduce_min3A_161 : vector<64xf32> to vector<64x1xf32>
      %eq3A_163 = vector.broadcast %broadcast_in_dim3A_162 : vector<64x1xf32> to vector<64x528xf32>
      %eq3A_164 = arith.cmpf oeq, %concatenate3A_140, %eq3A_163 : vector<64x528xf32>
      %broadcast_in_dim3A_165 = vector.broadcast %while3A_85 : f32 to vector<64x528xf32>
      %select_n3A_166 = arith.select %eq3A_164, %broadcast_in_dim3A_165, %select_n3A_152 : vector<64x528xi1>, vector<64x528xf32>
      %reduce_max3A_167 = arith.constant dense<0xFF800000> : vector<64xf32>
      %reduce_max3A_168 = vector.multi_reduction <maximumf>, %select_n3A_166, %reduce_max3A_167 [1] : vector<64x528xf32> to vector<64xf32>
      %broadcast_in_dim3A_169 = vector.shape_cast %reduce_max3A_168 : vector<64xf32> to vector<64x1xf32>
      %eq3A_170 = vector.broadcast %broadcast_in_dim3A_169 : vector<64x1xf32> to vector<64x528xf32>
      %eq3A_171 = arith.cmpf oeq, %select_n3A_166, %eq3A_170 : vector<64x528xf32>
      %broadcast_in_dim3A_172 = vector.broadcast %while3A : f32 to vector<64x528xf32>
      %select_n3A_173 = arith.select %eq3A_171, %concatenate3A_140, %broadcast_in_dim3A_172 : vector<64x528xi1>, vector<64x528xf32>
      %reduce_min3A_174 = arith.constant dense<0x7F800000> : vector<64xf32>
      %reduce_min3A_175 = vector.multi_reduction <minimumf>, %select_n3A_173, %reduce_min3A_174 [1] : vector<64x528xf32> to vector<64xf32>
      %broadcast_in_dim3A_176 = vector.shape_cast %reduce_min3A_175 : vector<64xf32> to vector<64x1xf32>
      %eq3A_177 = vector.broadcast %broadcast_in_dim3A_176 : vector<64x1xf32> to vector<64x528xf32>
      %eq3A_178 = arith.cmpf oeq, %concatenate3A_140, %eq3A_177 : vector<64x528xf32>
      %broadcast_in_dim3A_179 = vector.broadcast %while3A_85 : f32 to vector<64x528xf32>
      %select_n3A_180 = arith.select %eq3A_178, %broadcast_in_dim3A_179, %select_n3A_166 : vector<64x528xi1>, vector<64x528xf32>
      %reduce_max3A_181 = arith.constant dense<0xFF800000> : vector<64xf32>
      %reduce_max3A_182 = vector.multi_reduction <maximumf>, %select_n3A_180, %reduce_max3A_181 [1] : vector<64x528xf32> to vector<64xf32>
      %broadcast_in_dim3A_183 = vector.shape_cast %reduce_max3A_182 : vector<64xf32> to vector<64x1xf32>
      %eq3A_184 = vector.broadcast %broadcast_in_dim3A_183 : vector<64x1xf32> to vector<64x528xf32>
      %eq3A_185 = arith.cmpf oeq, %select_n3A_180, %eq3A_184 : vector<64x528xf32>
      %broadcast_in_dim3A_186 = vector.broadcast %while3A : f32 to vector<64x528xf32>
      %select_n3A_187 = arith.select %eq3A_185, %concatenate3A_140, %broadcast_in_dim3A_186 : vector<64x528xi1>, vector<64x528xf32>
      %reduce_min3A_188 = arith.constant dense<0x7F800000> : vector<64xf32>
      %reduce_min3A_189 = vector.multi_reduction <minimumf>, %select_n3A_187, %reduce_min3A_188 [1] : vector<64x528xf32> to vector<64xf32>
      %broadcast_in_dim3A_190 = vector.shape_cast %reduce_min3A_189 : vector<64xf32> to vector<64x1xf32>
      %eq3A_191 = vector.broadcast %broadcast_in_dim3A_190 : vector<64x1xf32> to vector<64x528xf32>
      %eq3A_192 = arith.cmpf oeq, %concatenate3A_140, %eq3A_191 : vector<64x528xf32>
      %broadcast_in_dim3A_193 = vector.broadcast %while3A_85 : f32 to vector<64x528xf32>
      %select_n3A_194 = arith.select %eq3A_192, %broadcast_in_dim3A_193, %select_n3A_180 : vector<64x528xi1>, vector<64x528xf32>
      %reduce_max3A_195 = arith.constant dense<0xFF800000> : vector<64xf32>
      %reduce_max3A_196 = vector.multi_reduction <maximumf>, %select_n3A_194, %reduce_max3A_195 [1] : vector<64x528xf32> to vector<64xf32>
      %broadcast_in_dim3A_197 = vector.shape_cast %reduce_max3A_196 : vector<64xf32> to vector<64x1xf32>
      %eq3A_198 = vector.broadcast %broadcast_in_dim3A_197 : vector<64x1xf32> to vector<64x528xf32>
      %eq3A_199 = arith.cmpf oeq, %select_n3A_194, %eq3A_198 : vector<64x528xf32>
      %broadcast_in_dim3A_200 = vector.broadcast %while3A : f32 to vector<64x528xf32>
      %select_n3A_201 = arith.select %eq3A_199, %concatenate3A_140, %broadcast_in_dim3A_200 : vector<64x528xi1>, vector<64x528xf32>
      %reduce_min3A_202 = arith.constant dense<0x7F800000> : vector<64xf32>
      %reduce_min3A_203 = vector.multi_reduction <minimumf>, %select_n3A_201, %reduce_min3A_202 [1] : vector<64x528xf32> to vector<64xf32>
      %broadcast_in_dim3A_204 = vector.shape_cast %reduce_min3A_203 : vector<64xf32> to vector<64x1xf32>
      %eq3A_205 = vector.broadcast %broadcast_in_dim3A_204 : vector<64x1xf32> to vector<64x528xf32>
      %eq3A_206 = arith.cmpf oeq, %concatenate3A_140, %eq3A_205 : vector<64x528xf32>
      %broadcast_in_dim3A_207 = vector.broadcast %while3A_85 : f32 to vector<64x528xf32>
      %select_n3A_208 = arith.select %eq3A_206, %broadcast_in_dim3A_207, %select_n3A_194 : vector<64x528xi1>, vector<64x528xf32>
      %reduce_max3A_209 = arith.constant dense<0xFF800000> : vector<64xf32>
      %reduce_max3A_210 = vector.multi_reduction <maximumf>, %select_n3A_208, %reduce_max3A_209 [1] : vector<64x528xf32> to vector<64xf32>
      %broadcast_in_dim3A_211 = vector.shape_cast %reduce_max3A_210 : vector<64xf32> to vector<64x1xf32>
      %eq3A_212 = vector.broadcast %broadcast_in_dim3A_211 : vector<64x1xf32> to vector<64x528xf32>
      %eq3A_213 = arith.cmpf oeq, %select_n3A_208, %eq3A_212 : vector<64x528xf32>
      %broadcast_in_dim3A_214 = vector.broadcast %while3A : f32 to vector<64x528xf32>
      %select_n3A_215 = arith.select %eq3A_213, %concatenate3A_140, %broadcast_in_dim3A_214 : vector<64x528xi1>, vector<64x528xf32>
      %reduce_min3A_216 = arith.constant dense<0x7F800000> : vector<64xf32>
      %reduce_min3A_217 = vector.multi_reduction <minimumf>, %select_n3A_215, %reduce_min3A_216 [1] : vector<64x528xf32> to vector<64xf32>
      %broadcast_in_dim3A_218 = vector.shape_cast %reduce_min3A_217 : vector<64xf32> to vector<64x1xf32>
      %eq3A_219 = vector.broadcast %broadcast_in_dim3A_218 : vector<64x1xf32> to vector<64x528xf32>
      %eq3A_220 = arith.cmpf oeq, %concatenate3A_140, %eq3A_219 : vector<64x528xf32>
      %broadcast_in_dim3A_221 = vector.broadcast %while3A_85 : f32 to vector<64x528xf32>
      %select_n3A_222 = arith.select %eq3A_220, %broadcast_in_dim3A_221, %select_n3A_208 : vector<64x528xi1>, vector<64x528xf32>
      %reduce_max3A_223 = arith.constant dense<0xFF800000> : vector<64xf32>
      %reduce_max3A_224 = vector.multi_reduction <maximumf>, %select_n3A_222, %reduce_max3A_223 [1] : vector<64x528xf32> to vector<64xf32>
      %broadcast_in_dim3A_225 = vector.shape_cast %reduce_max3A_224 : vector<64xf32> to vector<64x1xf32>
      %eq3A_226 = vector.broadcast %broadcast_in_dim3A_225 : vector<64x1xf32> to vector<64x528xf32>
      %eq3A_227 = arith.cmpf oeq, %select_n3A_222, %eq3A_226 : vector<64x528xf32>
      %broadcast_in_dim3A_228 = vector.broadcast %while3A : f32 to vector<64x528xf32>
      %select_n3A_229 = arith.select %eq3A_227, %concatenate3A_140, %broadcast_in_dim3A_228 : vector<64x528xi1>, vector<64x528xf32>
      %reduce_min3A_230 = arith.constant dense<0x7F800000> : vector<64xf32>
      %reduce_min3A_231 = vector.multi_reduction <minimumf>, %select_n3A_229, %reduce_min3A_230 [1] : vector<64x528xf32> to vector<64xf32>
      %broadcast_in_dim3A_232 = vector.shape_cast %reduce_min3A_231 : vector<64xf32> to vector<64x1xf32>
      %eq3A_233 = vector.broadcast %broadcast_in_dim3A_232 : vector<64x1xf32> to vector<64x528xf32>
      %eq3A_234 = arith.cmpf oeq, %concatenate3A_140, %eq3A_233 : vector<64x528xf32>
      %broadcast_in_dim3A_235 = vector.broadcast %while3A_85 : f32 to vector<64x528xf32>
      %select_n3A_236 = arith.select %eq3A_234, %broadcast_in_dim3A_235, %select_n3A_222 : vector<64x528xi1>, vector<64x528xf32>
      %reduce_max3A_237 = arith.constant dense<0xFF800000> : vector<64xf32>
      %reduce_max3A_238 = vector.multi_reduction <maximumf>, %select_n3A_236, %reduce_max3A_237 [1] : vector<64x528xf32> to vector<64xf32>
      %broadcast_in_dim3A_239 = vector.shape_cast %reduce_max3A_238 : vector<64xf32> to vector<64x1xf32>
      %eq3A_240 = vector.broadcast %broadcast_in_dim3A_239 : vector<64x1xf32> to vector<64x528xf32>
      %eq3A_241 = arith.cmpf oeq, %select_n3A_236, %eq3A_240 : vector<64x528xf32>
      %broadcast_in_dim3A_242 = vector.broadcast %while3A : f32 to vector<64x528xf32>
      %select_n3A_243 = arith.select %eq3A_241, %concatenate3A_140, %broadcast_in_dim3A_242 : vector<64x528xi1>, vector<64x528xf32>
      %reduce_min3A_244 = arith.constant dense<0x7F800000> : vector<64xf32>
      %reduce_min3A_245 = vector.multi_reduction <minimumf>, %select_n3A_243, %reduce_min3A_244 [1] : vector<64x528xf32> to vector<64xf32>
      %broadcast_in_dim3A_246 = vector.shape_cast %reduce_min3A_245 : vector<64xf32> to vector<64x1xf32>
      %eq3A_247 = vector.broadcast %broadcast_in_dim3A_246 : vector<64x1xf32> to vector<64x528xf32>
      %eq3A_248 = arith.cmpf oeq, %concatenate3A_140, %eq3A_247 : vector<64x528xf32>
      %broadcast_in_dim3A_249 = vector.broadcast %while3A_85 : f32 to vector<64x528xf32>
      %select_n3A_250 = arith.select %eq3A_248, %broadcast_in_dim3A_249, %select_n3A_236 : vector<64x528xi1>, vector<64x528xf32>
      %reduce_max3A_251 = arith.constant dense<0xFF800000> : vector<64xf32>
      %reduce_max3A_252 = vector.multi_reduction <maximumf>, %select_n3A_250, %reduce_max3A_251 [1] : vector<64x528xf32> to vector<64xf32>
      %broadcast_in_dim3A_253 = vector.shape_cast %reduce_max3A_252 : vector<64xf32> to vector<64x1xf32>
      %eq3A_254 = vector.broadcast %broadcast_in_dim3A_253 : vector<64x1xf32> to vector<64x528xf32>
      %eq3A_255 = arith.cmpf oeq, %select_n3A_250, %eq3A_254 : vector<64x528xf32>
      %broadcast_in_dim3A_256 = vector.broadcast %while3A : f32 to vector<64x528xf32>
      %select_n3A_257 = arith.select %eq3A_255, %concatenate3A_140, %broadcast_in_dim3A_256 : vector<64x528xi1>, vector<64x528xf32>
      %reduce_min3A_258 = arith.constant dense<0x7F800000> : vector<64xf32>
      %reduce_min3A_259 = vector.multi_reduction <minimumf>, %select_n3A_257, %reduce_min3A_258 [1] : vector<64x528xf32> to vector<64xf32>
      %broadcast_in_dim3A_260 = vector.shape_cast %reduce_min3A_259 : vector<64xf32> to vector<64x1xf32>
      %eq3A_261 = vector.broadcast %broadcast_in_dim3A_260 : vector<64x1xf32> to vector<64x528xf32>
      %eq3A_262 = arith.cmpf oeq, %concatenate3A_140, %eq3A_261 : vector<64x528xf32>
      %broadcast_in_dim3A_263 = vector.broadcast %while3A_85 : f32 to vector<64x528xf32>
      %select_n3A_264 = arith.select %eq3A_262, %broadcast_in_dim3A_263, %select_n3A_250 : vector<64x528xi1>, vector<64x528xf32>
      %reduce_max3A_265 = arith.constant dense<0xFF800000> : vector<64xf32>
      %reduce_max3A_266 = vector.multi_reduction <maximumf>, %select_n3A_264, %reduce_max3A_265 [1] : vector<64x528xf32> to vector<64xf32>
      %broadcast_in_dim3A_267 = vector.shape_cast %reduce_max3A_266 : vector<64xf32> to vector<64x1xf32>
      %eq3A_268 = vector.broadcast %broadcast_in_dim3A_267 : vector<64x1xf32> to vector<64x528xf32>
      %eq3A_269 = arith.cmpf oeq, %select_n3A_264, %eq3A_268 : vector<64x528xf32>
      %broadcast_in_dim3A_270 = vector.broadcast %while3A : f32 to vector<64x528xf32>
      %select_n3A_271 = arith.select %eq3A_269, %concatenate3A_140, %broadcast_in_dim3A_270 : vector<64x528xi1>, vector<64x528xf32>
      %reduce_min3A_272 = arith.constant dense<0x7F800000> : vector<64xf32>
      %reduce_min3A_273 = vector.multi_reduction <minimumf>, %select_n3A_271, %reduce_min3A_272 [1] : vector<64x528xf32> to vector<64xf32>
      %broadcast_in_dim3A_274 = vector.shape_cast %reduce_min3A_273 : vector<64xf32> to vector<64x1xf32>
      %eq3A_275 = vector.broadcast %broadcast_in_dim3A_274 : vector<64x1xf32> to vector<64x528xf32>
      %eq3A_276 = arith.cmpf oeq, %concatenate3A_140, %eq3A_275 : vector<64x528xf32>
      %broadcast_in_dim3A_277 = vector.broadcast %while3A_85 : f32 to vector<64x528xf32>
      %select_n3A_278 = arith.select %eq3A_276, %broadcast_in_dim3A_277, %select_n3A_264 : vector<64x528xi1>, vector<64x528xf32>
      %reduce_max3A_279 = arith.constant dense<0xFF800000> : vector<64xf32>
      %reduce_max3A_280 = vector.multi_reduction <maximumf>, %select_n3A_278, %reduce_max3A_279 [1] : vector<64x528xf32> to vector<64xf32>
      %broadcast_in_dim3A_281 = vector.shape_cast %reduce_max3A_280 : vector<64xf32> to vector<64x1xf32>
      %eq3A_282 = vector.broadcast %broadcast_in_dim3A_281 : vector<64x1xf32> to vector<64x528xf32>
      %eq3A_283 = arith.cmpf oeq, %select_n3A_278, %eq3A_282 : vector<64x528xf32>
      %broadcast_in_dim3A_284 = vector.broadcast %while3A : f32 to vector<64x528xf32>
      %select_n3A_285 = arith.select %eq3A_283, %concatenate3A_140, %broadcast_in_dim3A_284 : vector<64x528xi1>, vector<64x528xf32>
      %reduce_min3A_286 = arith.constant dense<0x7F800000> : vector<64xf32>
      %reduce_min3A_287 = vector.multi_reduction <minimumf>, %select_n3A_285, %reduce_min3A_286 [1] : vector<64x528xf32> to vector<64xf32>
      %broadcast_in_dim3A_288 = vector.shape_cast %reduce_min3A_287 : vector<64xf32> to vector<64x1xf32>
      %eq3A_289 = vector.broadcast %broadcast_in_dim3A_288 : vector<64x1xf32> to vector<64x528xf32>
      %eq3A_290 = arith.cmpf oeq, %concatenate3A_140, %eq3A_289 : vector<64x528xf32>
      %broadcast_in_dim3A_291 = vector.broadcast %while3A_85 : f32 to vector<64x528xf32>
      %select_n3A_292 = arith.select %eq3A_290, %broadcast_in_dim3A_291, %select_n3A_278 : vector<64x528xi1>, vector<64x528xf32>
      %reduce_max3A_293 = arith.constant dense<0xFF800000> : vector<64xf32>
      %reduce_max3A_294 = vector.multi_reduction <maximumf>, %select_n3A_292, %reduce_max3A_293 [1] : vector<64x528xf32> to vector<64xf32>
      %broadcast_in_dim3A_295 = vector.shape_cast %reduce_max3A_294 : vector<64xf32> to vector<64x1xf32>
      %eq3A_296 = vector.broadcast %broadcast_in_dim3A_295 : vector<64x1xf32> to vector<64x528xf32>
      %eq3A_297 = arith.cmpf oeq, %select_n3A_292, %eq3A_296 : vector<64x528xf32>
      %broadcast_in_dim3A_298 = vector.broadcast %while3A : f32 to vector<64x528xf32>
      %select_n3A_299 = arith.select %eq3A_297, %concatenate3A_140, %broadcast_in_dim3A_298 : vector<64x528xi1>, vector<64x528xf32>
      %reduce_min3A_300 = arith.constant dense<0x7F800000> : vector<64xf32>
      %reduce_min3A_301 = vector.multi_reduction <minimumf>, %select_n3A_299, %reduce_min3A_300 [1] : vector<64x528xf32> to vector<64xf32>
      %broadcast_in_dim3A_302 = vector.shape_cast %reduce_min3A_301 : vector<64xf32> to vector<64x1xf32>
      %eq3A_303 = vector.broadcast %broadcast_in_dim3A_302 : vector<64x1xf32> to vector<64x528xf32>
      %eq3A_304 = arith.cmpf oeq, %concatenate3A_140, %eq3A_303 : vector<64x528xf32>
      %broadcast_in_dim3A_305 = vector.broadcast %while3A_85 : f32 to vector<64x528xf32>
      %select_n3A_306 = arith.select %eq3A_304, %broadcast_in_dim3A_305, %select_n3A_292 : vector<64x528xi1>, vector<64x528xf32>
      %reduce_max3A_307 = arith.constant dense<0xFF800000> : vector<64xf32>
      %reduce_max3A_308 = vector.multi_reduction <maximumf>, %select_n3A_306, %reduce_max3A_307 [1] : vector<64x528xf32> to vector<64xf32>
      %broadcast_in_dim3A_309 = vector.shape_cast %reduce_max3A_308 : vector<64xf32> to vector<64x1xf32>
      %eq3A_310 = vector.broadcast %broadcast_in_dim3A_309 : vector<64x1xf32> to vector<64x528xf32>
      %eq3A_311 = arith.cmpf oeq, %select_n3A_306, %eq3A_310 : vector<64x528xf32>
      %broadcast_in_dim3A_312 = vector.broadcast %while3A : f32 to vector<64x528xf32>
      %select_n3A_313 = arith.select %eq3A_311, %concatenate3A_140, %broadcast_in_dim3A_312 : vector<64x528xi1>, vector<64x528xf32>
      %reduce_min3A_314 = arith.constant dense<0x7F800000> : vector<64xf32>
      %reduce_min3A_315 = vector.multi_reduction <minimumf>, %select_n3A_313, %reduce_min3A_314 [1] : vector<64x528xf32> to vector<64xf32>
      %broadcast_in_dim3A_316 = vector.shape_cast %reduce_min3A_315 : vector<64xf32> to vector<64x1xf32>
      %eq3A_317 = vector.broadcast %broadcast_in_dim3A_316 : vector<64x1xf32> to vector<64x528xf32>
      %eq3A_318 = arith.cmpf oeq, %concatenate3A_140, %eq3A_317 : vector<64x528xf32>
      %broadcast_in_dim3A_319 = vector.broadcast %while3A_85 : f32 to vector<64x528xf32>
      %select_n3A_320 = arith.select %eq3A_318, %broadcast_in_dim3A_319, %select_n3A_306 : vector<64x528xi1>, vector<64x528xf32>
      %reduce_max3A_321 = arith.constant dense<0xFF800000> : vector<64xf32>
      %reduce_max3A_322 = vector.multi_reduction <maximumf>, %select_n3A_320, %reduce_max3A_321 [1] : vector<64x528xf32> to vector<64xf32>
      %broadcast_in_dim3A_323 = vector.shape_cast %reduce_max3A_322 : vector<64xf32> to vector<64x1xf32>
      %eq3A_324 = vector.broadcast %broadcast_in_dim3A_323 : vector<64x1xf32> to vector<64x528xf32>
      %eq3A_325 = arith.cmpf oeq, %select_n3A_320, %eq3A_324 : vector<64x528xf32>
      %broadcast_in_dim3A_326 = vector.broadcast %while3A : f32 to vector<64x528xf32>
      %select_n3A_327 = arith.select %eq3A_325, %concatenate3A_140, %broadcast_in_dim3A_326 : vector<64x528xi1>, vector<64x528xf32>
      %reduce_min3A_328 = arith.constant dense<0x7F800000> : vector<64xf32>
      %reduce_min3A_329 = vector.multi_reduction <minimumf>, %select_n3A_327, %reduce_min3A_328 [1] : vector<64x528xf32> to vector<64xf32>
      %broadcast_in_dim3A_330 = vector.shape_cast %reduce_min3A_329 : vector<64xf32> to vector<64x1xf32>
      %eq3A_331 = vector.broadcast %broadcast_in_dim3A_330 : vector<64x1xf32> to vector<64x528xf32>
      %eq3A_332 = arith.cmpf oeq, %concatenate3A_140, %eq3A_331 : vector<64x528xf32>
      %broadcast_in_dim3A_333 = vector.broadcast %while3A_85 : f32 to vector<64x528xf32>
      %select_n3A_334 = arith.select %eq3A_332, %broadcast_in_dim3A_333, %select_n3A_320 : vector<64x528xi1>, vector<64x528xf32>
      %reduce_max3A_335 = arith.constant dense<0xFF800000> : vector<64xf32>
      %reduce_max3A_336 = vector.multi_reduction <maximumf>, %select_n3A_334, %reduce_max3A_335 [1] : vector<64x528xf32> to vector<64xf32>
      %broadcast_in_dim3A_337 = vector.shape_cast %reduce_max3A_336 : vector<64xf32> to vector<64x1xf32>
      %eq3A_338 = vector.broadcast %broadcast_in_dim3A_337 : vector<64x1xf32> to vector<64x528xf32>
      %eq3A_339 = arith.cmpf oeq, %select_n3A_334, %eq3A_338 : vector<64x528xf32>
      %broadcast_in_dim3A_340 = vector.broadcast %while3A : f32 to vector<64x528xf32>
      %select_n3A_341 = arith.select %eq3A_339, %concatenate3A_140, %broadcast_in_dim3A_340 : vector<64x528xi1>, vector<64x528xf32>
      %reduce_min3A_342 = arith.constant dense<0x7F800000> : vector<64xf32>
      %reduce_min3A_343 = vector.multi_reduction <minimumf>, %select_n3A_341, %reduce_min3A_342 [1] : vector<64x528xf32> to vector<64xf32>
      %broadcast_in_dim3A_344 = vector.shape_cast %reduce_min3A_343 : vector<64xf32> to vector<64x1xf32>
      %eq3A_345 = vector.broadcast %broadcast_in_dim3A_344 : vector<64x1xf32> to vector<64x528xf32>
      %eq3A_346 = arith.cmpf oeq, %concatenate3A_140, %eq3A_345 : vector<64x528xf32>
      %broadcast_in_dim3A_347 = vector.broadcast %while3A_85 : f32 to vector<64x528xf32>
      %select_n3A_348 = arith.select %eq3A_346, %broadcast_in_dim3A_347, %select_n3A_334 : vector<64x528xi1>, vector<64x528xf32>
      %reduce_max3A_349 = arith.constant dense<0xFF800000> : vector<64xf32>
      %reduce_max3A_350 = vector.multi_reduction <maximumf>, %select_n3A_348, %reduce_max3A_349 [1] : vector<64x528xf32> to vector<64xf32>
      %broadcast_in_dim3A_351 = vector.shape_cast %reduce_max3A_350 : vector<64xf32> to vector<64x1xf32>
      %eq3A_352 = vector.broadcast %broadcast_in_dim3A_351 : vector<64x1xf32> to vector<64x528xf32>
      %eq3A_353 = arith.cmpf oeq, %select_n3A_348, %eq3A_352 : vector<64x528xf32>
      %broadcast_in_dim3A_354 = vector.broadcast %while3A : f32 to vector<64x528xf32>
      %select_n3A_355 = arith.select %eq3A_353, %concatenate3A_140, %broadcast_in_dim3A_354 : vector<64x528xi1>, vector<64x528xf32>
      %reduce_min3A_356 = arith.constant dense<0x7F800000> : vector<64xf32>
      %reduce_min3A_357 = vector.multi_reduction <minimumf>, %select_n3A_355, %reduce_min3A_356 [1] : vector<64x528xf32> to vector<64xf32>
      %broadcast_in_dim3A_358 = vector.shape_cast %reduce_min3A_357 : vector<64xf32> to vector<64x1xf32>
      %eq3A_359 = vector.broadcast %broadcast_in_dim3A_358 : vector<64x1xf32> to vector<64x528xf32>
      %eq3A_360 = arith.cmpf oeq, %concatenate3A_140, %eq3A_359 : vector<64x528xf32>
      %broadcast_in_dim3A_361 = vector.broadcast %while3A_85 : f32 to vector<64x528xf32>
      %select_n3A_362 = arith.select %eq3A_360, %broadcast_in_dim3A_361, %select_n3A_348 : vector<64x528xi1>, vector<64x528xf32>
      %concatenate3A_363 = tpu.concatenate %broadcast_in_dim3A_142, %broadcast_in_dim3A_155, %broadcast_in_dim3A_169, %broadcast_in_dim3A_183, %broadcast_in_dim3A_197, %broadcast_in_dim3A_211, %broadcast_in_dim3A_225, %broadcast_in_dim3A_239, %broadcast_in_dim3A_253, %broadcast_in_dim3A_267, %broadcast_in_dim3A_281, %broadcast_in_dim3A_295, %broadcast_in_dim3A_309, %broadcast_in_dim3A_323, %broadcast_in_dim3A_337, %broadcast_in_dim3A_351 in 1 : vector<64x1xf32>, vector<64x1xf32>, vector<64x1xf32>, vector<64x1xf32>, vector<64x1xf32>, vector<64x1xf32>, vector<64x1xf32>, vector<64x1xf32>, vector<64x1xf32>, vector<64x1xf32>, vector<64x1xf32>, vector<64x1xf32>, vector<64x1xf32>, vector<64x1xf32>, vector<64x1xf32>, vector<64x1xf32> -> vector<64x16xf32>
      %concatenate3A_364 = tpu.concatenate %broadcast_in_dim3A_148, %broadcast_in_dim3A_162, %broadcast_in_dim3A_176, %broadcast_in_dim3A_190, %broadcast_in_dim3A_204, %broadcast_in_dim3A_218, %broadcast_in_dim3A_232, %broadcast_in_dim3A_246, %broadcast_in_dim3A_260, %broadcast_in_dim3A_274, %broadcast_in_dim3A_288, %broadcast_in_dim3A_302, %broadcast_in_dim3A_316, %broadcast_in_dim3A_330, %broadcast_in_dim3A_344, %broadcast_in_dim3A_358 in 1 : vector<64x1xf32>, vector<64x1xf32>, vector<64x1xf32>, vector<64x1xf32>, vector<64x1xf32>, vector<64x1xf32>, vector<64x1xf32>, vector<64x1xf32>, vector<64x1xf32>, vector<64x1xf32>, vector<64x1xf32>, vector<64x1xf32>, vector<64x1xf32>, vector<64x1xf32>, vector<64x1xf32>, vector<64x1xf32> -> vector<64x16xf32>
      %slice3A_365 = vector.extract_strided_slice %select_n3A_132 {offsets = [64, 0], sizes = [64, 512], strides = [1, 1]} : vector<512x512xf32> to vector<64x512xf32>
      %slice3A_366 = vector.extract_strided_slice %while3A_101 {offsets = [64, 0], sizes = [64, 16], strides = [1, 1]} : vector<512x16xf32> to vector<64x16xf32>
      %concatenate3A_367 = tpu.concatenate %slice3A_365, %slice3A_366 in 1 : vector<64x512xf32>, vector<64x16xf32> -> vector<64x528xf32>
      %slice3A_368 = vector.extract_strided_slice %convert_element_type3A_135 {offsets = [64, 0], sizes = [64, 512], strides = [1, 1]} : vector<512x512xf32> to vector<64x512xf32>
      %slice3A_369 = vector.extract_strided_slice %while3A_102 {offsets = [64, 0], sizes = [64, 16], strides = [1, 1]} : vector<512x16xf32> to vector<64x16xf32>
      %concatenate3A_370 = tpu.concatenate %slice3A_368, %slice3A_369 in 1 : vector<64x512xf32>, vector<64x16xf32> -> vector<64x528xf32>
      %reduce_max3A_371 = arith.constant dense<0xFF800000> : vector<64xf32>
      %reduce_max3A_372 = vector.multi_reduction <maximumf>, %concatenate3A_367, %reduce_max3A_371 [1] : vector<64x528xf32> to vector<64xf32>
      %broadcast_in_dim3A_373 = vector.shape_cast %reduce_max3A_372 : vector<64xf32> to vector<64x1xf32>
      %eq3A_374 = vector.broadcast %broadcast_in_dim3A_373 : vector<64x1xf32> to vector<64x528xf32>
      %eq3A_375 = arith.cmpf oeq, %concatenate3A_367, %eq3A_374 : vector<64x528xf32>
      %broadcast_in_dim3A_376 = vector.broadcast %while3A : f32 to vector<64x528xf32>
      %select_n3A_377 = arith.select %eq3A_375, %concatenate3A_370, %broadcast_in_dim3A_376 : vector<64x528xi1>, vector<64x528xf32>
      %reduce_min3A_378 = arith.constant dense<0x7F800000> : vector<64xf32>
      %reduce_min3A_379 = vector.multi_reduction <minimumf>, %select_n3A_377, %reduce_min3A_378 [1] : vector<64x528xf32> to vector<64xf32>
      %broadcast_in_dim3A_380 = vector.shape_cast %reduce_min3A_379 : vector<64xf32> to vector<64x1xf32>
      %eq3A_381 = vector.broadcast %broadcast_in_dim3A_380 : vector<64x1xf32> to vector<64x528xf32>
      %eq3A_382 = arith.cmpf oeq, %concatenate3A_370, %eq3A_381 : vector<64x528xf32>
      %broadcast_in_dim3A_383 = vector.broadcast %while3A_85 : f32 to vector<64x528xf32>
      %select_n3A_384 = arith.select %eq3A_382, %broadcast_in_dim3A_383, %concatenate3A_367 : vector<64x528xi1>, vector<64x528xf32>
      %reduce_max3A_385 = arith.constant dense<0xFF800000> : vector<64xf32>
      %reduce_max3A_386 = vector.multi_reduction <maximumf>, %select_n3A_384, %reduce_max3A_385 [1] : vector<64x528xf32> to vector<64xf32>
      %broadcast_in_dim3A_387 = vector.shape_cast %reduce_max3A_386 : vector<64xf32> to vector<64x1xf32>
      %eq3A_388 = vector.broadcast %broadcast_in_dim3A_387 : vector<64x1xf32> to vector<64x528xf32>
      %eq3A_389 = arith.cmpf oeq, %select_n3A_384, %eq3A_388 : vector<64x528xf32>
      %broadcast_in_dim3A_390 = vector.broadcast %while3A : f32 to vector<64x528xf32>
      %select_n3A_391 = arith.select %eq3A_389, %concatenate3A_370, %broadcast_in_dim3A_390 : vector<64x528xi1>, vector<64x528xf32>
      %reduce_min3A_392 = arith.constant dense<0x7F800000> : vector<64xf32>
      %reduce_min3A_393 = vector.multi_reduction <minimumf>, %select_n3A_391, %reduce_min3A_392 [1] : vector<64x528xf32> to vector<64xf32>
      %broadcast_in_dim3A_394 = vector.shape_cast %reduce_min3A_393 : vector<64xf32> to vector<64x1xf32>
      %eq3A_395 = vector.broadcast %broadcast_in_dim3A_394 : vector<64x1xf32> to vector<64x528xf32>
      %eq3A_396 = arith.cmpf oeq, %concatenate3A_370, %eq3A_395 : vector<64x528xf32>
      %broadcast_in_dim3A_397 = vector.broadcast %while3A_85 : f32 to vector<64x528xf32>
      %select_n3A_398 = arith.select %eq3A_396, %broadcast_in_dim3A_397, %select_n3A_384 : vector<64x528xi1>, vector<64x528xf32>
      %reduce_max3A_399 = arith.constant dense<0xFF800000> : vector<64xf32>
      %reduce_max3A_400 = vector.multi_reduction <maximumf>, %select_n3A_398, %reduce_max3A_399 [1] : vector<64x528xf32> to vector<64xf32>
      %broadcast_in_dim3A_401 = vector.shape_cast %reduce_max3A_400 : vector<64xf32> to vector<64x1xf32>
      %eq3A_402 = vector.broadcast %broadcast_in_dim3A_401 : vector<64x1xf32> to vector<64x528xf32>
      %eq3A_403 = arith.cmpf oeq, %select_n3A_398, %eq3A_402 : vector<64x528xf32>
      %broadcast_in_dim3A_404 = vector.broadcast %while3A : f32 to vector<64x528xf32>
      %select_n3A_405 = arith.select %eq3A_403, %concatenate3A_370, %broadcast_in_dim3A_404 : vector<64x528xi1>, vector<64x528xf32>
      %reduce_min3A_406 = arith.constant dense<0x7F800000> : vector<64xf32>
      %reduce_min3A_407 = vector.multi_reduction <minimumf>, %select_n3A_405, %reduce_min3A_406 [1] : vector<64x528xf32> to vector<64xf32>
      %broadcast_in_dim3A_408 = vector.shape_cast %reduce_min3A_407 : vector<64xf32> to vector<64x1xf32>
      %eq3A_409 = vector.broadcast %broadcast_in_dim3A_408 : vector<64x1xf32> to vector<64x528xf32>
      %eq3A_410 = arith.cmpf oeq, %concatenate3A_370, %eq3A_409 : vector<64x528xf32>
      %broadcast_in_dim3A_411 = vector.broadcast %while3A_85 : f32 to vector<64x528xf32>
      %select_n3A_412 = arith.select %eq3A_410, %broadcast_in_dim3A_411, %select_n3A_398 : vector<64x528xi1>, vector<64x528xf32>
      %reduce_max3A_413 = arith.constant dense<0xFF800000> : vector<64xf32>
      %reduce_max3A_414 = vector.multi_reduction <maximumf>, %select_n3A_412, %reduce_max3A_413 [1] : vector<64x528xf32> to vector<64xf32>
      %broadcast_in_dim3A_415 = vector.shape_cast %reduce_max3A_414 : vector<64xf32> to vector<64x1xf32>
      %eq3A_416 = vector.broadcast %broadcast_in_dim3A_415 : vector<64x1xf32> to vector<64x528xf32>
      %eq3A_417 = arith.cmpf oeq, %select_n3A_412, %eq3A_416 : vector<64x528xf32>
      %broadcast_in_dim3A_418 = vector.broadcast %while3A : f32 to vector<64x528xf32>
      %select_n3A_419 = arith.select %eq3A_417, %concatenate3A_370, %broadcast_in_dim3A_418 : vector<64x528xi1>, vector<64x528xf32>
      %reduce_min3A_420 = arith.constant dense<0x7F800000> : vector<64xf32>
      %reduce_min3A_421 = vector.multi_reduction <minimumf>, %select_n3A_419, %reduce_min3A_420 [1] : vector<64x528xf32> to vector<64xf32>
      %broadcast_in_dim3A_422 = vector.shape_cast %reduce_min3A_421 : vector<64xf32> to vector<64x1xf32>
      %eq3A_423 = vector.broadcast %broadcast_in_dim3A_422 : vector<64x1xf32> to vector<64x528xf32>
      %eq3A_424 = arith.cmpf oeq, %concatenate3A_370, %eq3A_423 : vector<64x528xf32>
      %broadcast_in_dim3A_425 = vector.broadcast %while3A_85 : f32 to vector<64x528xf32>
      %select_n3A_426 = arith.select %eq3A_424, %broadcast_in_dim3A_425, %select_n3A_412 : vector<64x528xi1>, vector<64x528xf32>
      %reduce_max3A_427 = arith.constant dense<0xFF800000> : vector<64xf32>
      %reduce_max3A_428 = vector.multi_reduction <maximumf>, %select_n3A_426, %reduce_max3A_427 [1] : vector<64x528xf32> to vector<64xf32>
      %broadcast_in_dim3A_429 = vector.shape_cast %reduce_max3A_428 : vector<64xf32> to vector<64x1xf32>
      %eq3A_430 = vector.broadcast %broadcast_in_dim3A_429 : vector<64x1xf32> to vector<64x528xf32>
      %eq3A_431 = arith.cmpf oeq, %select_n3A_426, %eq3A_430 : vector<64x528xf32>
      %broadcast_in_dim3A_432 = vector.broadcast %while3A : f32 to vector<64x528xf32>
      %select_n3A_433 = arith.select %eq3A_431, %concatenate3A_370, %broadcast_in_dim3A_432 : vector<64x528xi1>, vector<64x528xf32>
      %reduce_min3A_434 = arith.constant dense<0x7F800000> : vector<64xf32>
      %reduce_min3A_435 = vector.multi_reduction <minimumf>, %select_n3A_433, %reduce_min3A_434 [1] : vector<64x528xf32> to vector<64xf32>
      %broadcast_in_dim3A_436 = vector.shape_cast %reduce_min3A_435 : vector<64xf32> to vector<64x1xf32>
      %eq3A_437 = vector.broadcast %broadcast_in_dim3A_436 : vector<64x1xf32> to vector<64x528xf32>
      %eq3A_438 = arith.cmpf oeq, %concatenate3A_370, %eq3A_437 : vector<64x528xf32>
      %broadcast_in_dim3A_439 = vector.broadcast %while3A_85 : f32 to vector<64x528xf32>
      %select_n3A_440 = arith.select %eq3A_438, %broadcast_in_dim3A_439, %select_n3A_426 : vector<64x528xi1>, vector<64x528xf32>
      %reduce_max3A_441 = arith.constant dense<0xFF800000> : vector<64xf32>
      %reduce_max3A_442 = vector.multi_reduction <maximumf>, %select_n3A_440, %reduce_max3A_441 [1] : vector<64x528xf32> to vector<64xf32>
      %broadcast_in_dim3A_443 = vector.shape_cast %reduce_max3A_442 : vector<64xf32> to vector<64x1xf32>
      %eq3A_444 = vector.broadcast %broadcast_in_dim3A_443 : vector<64x1xf32> to vector<64x528xf32>
      %eq3A_445 = arith.cmpf oeq, %select_n3A_440, %eq3A_444 : vector<64x528xf32>
      %broadcast_in_dim3A_446 = vector.broadcast %while3A : f32 to vector<64x528xf32>
      %select_n3A_447 = arith.select %eq3A_445, %concatenate3A_370, %broadcast_in_dim3A_446 : vector<64x528xi1>, vector<64x528xf32>
      %reduce_min3A_448 = arith.constant dense<0x7F800000> : vector<64xf32>
      %reduce_min3A_449 = vector.multi_reduction <minimumf>, %select_n3A_447, %reduce_min3A_448 [1] : vector<64x528xf32> to vector<64xf32>
      %broadcast_in_dim3A_450 = vector.shape_cast %reduce_min3A_449 : vector<64xf32> to vector<64x1xf32>
      %eq3A_451 = vector.broadcast %broadcast_in_dim3A_450 : vector<64x1xf32> to vector<64x528xf32>
      %eq3A_452 = arith.cmpf oeq, %concatenate3A_370, %eq3A_451 : vector<64x528xf32>
      %broadcast_in_dim3A_453 = vector.broadcast %while3A_85 : f32 to vector<64x528xf32>
      %select_n3A_454 = arith.select %eq3A_452, %broadcast_in_dim3A_453, %select_n3A_440 : vector<64x528xi1>, vector<64x528xf32>
      %reduce_max3A_455 = arith.constant dense<0xFF800000> : vector<64xf32>
      %reduce_max3A_456 = vector.multi_reduction <maximumf>, %select_n3A_454, %reduce_max3A_455 [1] : vector<64x528xf32> to vector<64xf32>
      %broadcast_in_dim3A_457 = vector.shape_cast %reduce_max3A_456 : vector<64xf32> to vector<64x1xf32>
      %eq3A_458 = vector.broadcast %broadcast_in_dim3A_457 : vector<64x1xf32> to vector<64x528xf32>
      %eq3A_459 = arith.cmpf oeq, %select_n3A_454, %eq3A_458 : vector<64x528xf32>
      %broadcast_in_dim3A_460 = vector.broadcast %while3A : f32 to vector<64x528xf32>
      %select_n3A_461 = arith.select %eq3A_459, %concatenate3A_370, %broadcast_in_dim3A_460 : vector<64x528xi1>, vector<64x528xf32>
      %reduce_min3A_462 = arith.constant dense<0x7F800000> : vector<64xf32>
      %reduce_min3A_463 = vector.multi_reduction <minimumf>, %select_n3A_461, %reduce_min3A_462 [1] : vector<64x528xf32> to vector<64xf32>
      %broadcast_in_dim3A_464 = vector.shape_cast %reduce_min3A_463 : vector<64xf32> to vector<64x1xf32>
      %eq3A_465 = vector.broadcast %broadcast_in_dim3A_464 : vector<64x1xf32> to vector<64x528xf32>
      %eq3A_466 = arith.cmpf oeq, %concatenate3A_370, %eq3A_465 : vector<64x528xf32>
      %broadcast_in_dim3A_467 = vector.broadcast %while3A_85 : f32 to vector<64x528xf32>
      %select_n3A_468 = arith.select %eq3A_466, %broadcast_in_dim3A_467, %select_n3A_454 : vector<64x528xi1>, vector<64x528xf32>
      %reduce_max3A_469 = arith.constant dense<0xFF800000> : vector<64xf32>
      %reduce_max3A_470 = vector.multi_reduction <maximumf>, %select_n3A_468, %reduce_max3A_469 [1] : vector<64x528xf32> to vector<64xf32>
      %broadcast_in_dim3A_471 = vector.shape_cast %reduce_max3A_470 : vector<64xf32> to vector<64x1xf32>
      %eq3A_472 = vector.broadcast %broadcast_in_dim3A_471 : vector<64x1xf32> to vector<64x528xf32>
      %eq3A_473 = arith.cmpf oeq, %select_n3A_468, %eq3A_472 : vector<64x528xf32>
      %broadcast_in_dim3A_474 = vector.broadcast %while3A : f32 to vector<64x528xf32>
      %select_n3A_475 = arith.select %eq3A_473, %concatenate3A_370, %broadcast_in_dim3A_474 : vector<64x528xi1>, vector<64x528xf32>
      %reduce_min3A_476 = arith.constant dense<0x7F800000> : vector<64xf32>
      %reduce_min3A_477 = vector.multi_reduction <minimumf>, %select_n3A_475, %reduce_min3A_476 [1] : vector<64x528xf32> to vector<64xf32>
      %broadcast_in_dim3A_478 = vector.shape_cast %reduce_min3A_477 : vector<64xf32> to vector<64x1xf32>
      %eq3A_479 = vector.broadcast %broadcast_in_dim3A_478 : vector<64x1xf32> to vector<64x528xf32>
      %eq3A_480 = arith.cmpf oeq, %concatenate3A_370, %eq3A_479 : vector<64x528xf32>
      %broadcast_in_dim3A_481 = vector.broadcast %while3A_85 : f32 to vector<64x528xf32>
      %select_n3A_482 = arith.select %eq3A_480, %broadcast_in_dim3A_481, %select_n3A_468 : vector<64x528xi1>, vector<64x528xf32>
      %reduce_max3A_483 = arith.constant dense<0xFF800000> : vector<64xf32>
      %reduce_max3A_484 = vector.multi_reduction <maximumf>, %select_n3A_482, %reduce_max3A_483 [1] : vector<64x528xf32> to vector<64xf32>
      %broadcast_in_dim3A_485 = vector.shape_cast %reduce_max3A_484 : vector<64xf32> to vector<64x1xf32>
      %eq3A_486 = vector.broadcast %broadcast_in_dim3A_485 : vector<64x1xf32> to vector<64x528xf32>
      %eq3A_487 = arith.cmpf oeq, %select_n3A_482, %eq3A_486 : vector<64x528xf32>
      %broadcast_in_dim3A_488 = vector.broadcast %while3A : f32 to vector<64x528xf32>
      %select_n3A_489 = arith.select %eq3A_487, %concatenate3A_370, %broadcast_in_dim3A_488 : vector<64x528xi1>, vector<64x528xf32>
      %reduce_min3A_490 = arith.constant dense<0x7F800000> : vector<64xf32>
      %reduce_min3A_491 = vector.multi_reduction <minimumf>, %select_n3A_489, %reduce_min3A_490 [1] : vector<64x528xf32> to vector<64xf32>
      %broadcast_in_dim3A_492 = vector.shape_cast %reduce_min3A_491 : vector<64xf32> to vector<64x1xf32>
      %eq3A_493 = vector.broadcast %broadcast_in_dim3A_492 : vector<64x1xf32> to vector<64x528xf32>
      %eq3A_494 = arith.cmpf oeq, %concatenate3A_370, %eq3A_493 : vector<64x528xf32>
      %broadcast_in_dim3A_495 = vector.broadcast %while3A_85 : f32 to vector<64x528xf32>
      %select_n3A_496 = arith.select %eq3A_494, %broadcast_in_dim3A_495, %select_n3A_482 : vector<64x528xi1>, vector<64x528xf32>
      %reduce_max3A_497 = arith.constant dense<0xFF800000> : vector<64xf32>
      %reduce_max3A_498 = vector.multi_reduction <maximumf>, %select_n3A_496, %reduce_max3A_497 [1] : vector<64x528xf32> to vector<64xf32>
      %broadcast_in_dim3A_499 = vector.shape_cast %reduce_max3A_498 : vector<64xf32> to vector<64x1xf32>
      %eq3A_500 = vector.broadcast %broadcast_in_dim3A_499 : vector<64x1xf32> to vector<64x528xf32>
      %eq3A_501 = arith.cmpf oeq, %select_n3A_496, %eq3A_500 : vector<64x528xf32>
      %broadcast_in_dim3A_502 = vector.broadcast %while3A : f32 to vector<64x528xf32>
      %select_n3A_503 = arith.select %eq3A_501, %concatenate3A_370, %broadcast_in_dim3A_502 : vector<64x528xi1>, vector<64x528xf32>
      %reduce_min3A_504 = arith.constant dense<0x7F800000> : vector<64xf32>
      %reduce_min3A_505 = vector.multi_reduction <minimumf>, %select_n3A_503, %reduce_min3A_504 [1] : vector<64x528xf32> to vector<64xf32>
      %broadcast_in_dim3A_506 = vector.shape_cast %reduce_min3A_505 : vector<64xf32> to vector<64x1xf32>
      %eq3A_507 = vector.broadcast %broadcast_in_dim3A_506 : vector<64x1xf32> to vector<64x528xf32>
      %eq3A_508 = arith.cmpf oeq, %concatenate3A_370, %eq3A_507 : vector<64x528xf32>
      %broadcast_in_dim3A_509 = vector.broadcast %while3A_85 : f32 to vector<64x528xf32>
      %select_n3A_510 = arith.select %eq3A_508, %broadcast_in_dim3A_509, %select_n3A_496 : vector<64x528xi1>, vector<64x528xf32>
      %reduce_max3A_511 = arith.constant dense<0xFF800000> : vector<64xf32>
      %reduce_max3A_512 = vector.multi_reduction <maximumf>, %select_n3A_510, %reduce_max3A_511 [1] : vector<64x528xf32> to vector<64xf32>
      %broadcast_in_dim3A_513 = vector.shape_cast %reduce_max3A_512 : vector<64xf32> to vector<64x1xf32>
      %eq3A_514 = vector.broadcast %broadcast_in_dim3A_513 : vector<64x1xf32> to vector<64x528xf32>
      %eq3A_515 = arith.cmpf oeq, %select_n3A_510, %eq3A_514 : vector<64x528xf32>
      %broadcast_in_dim3A_516 = vector.broadcast %while3A : f32 to vector<64x528xf32>
      %select_n3A_517 = arith.select %eq3A_515, %concatenate3A_370, %broadcast_in_dim3A_516 : vector<64x528xi1>, vector<64x528xf32>
      %reduce_min3A_518 = arith.constant dense<0x7F800000> : vector<64xf32>
      %reduce_min3A_519 = vector.multi_reduction <minimumf>, %select_n3A_517, %reduce_min3A_518 [1] : vector<64x528xf32> to vector<64xf32>
      %broadcast_in_dim3A_520 = vector.shape_cast %reduce_min3A_519 : vector<64xf32> to vector<64x1xf32>
      %eq3A_521 = vector.broadcast %broadcast_in_dim3A_520 : vector<64x1xf32> to vector<64x528xf32>
      %eq3A_522 = arith.cmpf oeq, %concatenate3A_370, %eq3A_521 : vector<64x528xf32>
      %broadcast_in_dim3A_523 = vector.broadcast %while3A_85 : f32 to vector<64x528xf32>
      %select_n3A_524 = arith.select %eq3A_522, %broadcast_in_dim3A_523, %select_n3A_510 : vector<64x528xi1>, vector<64x528xf32>
      %reduce_max3A_525 = arith.constant dense<0xFF800000> : vector<64xf32>
      %reduce_max3A_526 = vector.multi_reduction <maximumf>, %select_n3A_524, %reduce_max3A_525 [1] : vector<64x528xf32> to vector<64xf32>
      %broadcast_in_dim3A_527 = vector.shape_cast %reduce_max3A_526 : vector<64xf32> to vector<64x1xf32>
      %eq3A_528 = vector.broadcast %broadcast_in_dim3A_527 : vector<64x1xf32> to vector<64x528xf32>
      %eq3A_529 = arith.cmpf oeq, %select_n3A_524, %eq3A_528 : vector<64x528xf32>
      %broadcast_in_dim3A_530 = vector.broadcast %while3A : f32 to vector<64x528xf32>
      %select_n3A_531 = arith.select %eq3A_529, %concatenate3A_370, %broadcast_in_dim3A_530 : vector<64x528xi1>, vector<64x528xf32>
      %reduce_min3A_532 = arith.constant dense<0x7F800000> : vector<64xf32>
      %reduce_min3A_533 = vector.multi_reduction <minimumf>, %select_n3A_531, %reduce_min3A_532 [1] : vector<64x528xf32> to vector<64xf32>
      %broadcast_in_dim3A_534 = vector.shape_cast %reduce_min3A_533 : vector<64xf32> to vector<64x1xf32>
      %eq3A_535 = vector.broadcast %broadcast_in_dim3A_534 : vector<64x1xf32> to vector<64x528xf32>
      %eq3A_536 = arith.cmpf oeq, %concatenate3A_370, %eq3A_535 : vector<64x528xf32>
      %broadcast_in_dim3A_537 = vector.broadcast %while3A_85 : f32 to vector<64x528xf32>
      %select_n3A_538 = arith.select %eq3A_536, %broadcast_in_dim3A_537, %select_n3A_524 : vector<64x528xi1>, vector<64x528xf32>
      %reduce_max3A_539 = arith.constant dense<0xFF800000> : vector<64xf32>
      %reduce_max3A_540 = vector.multi_reduction <maximumf>, %select_n3A_538, %reduce_max3A_539 [1] : vector<64x528xf32> to vector<64xf32>
      %broadcast_in_dim3A_541 = vector.shape_cast %reduce_max3A_540 : vector<64xf32> to vector<64x1xf32>
      %eq3A_542 = vector.broadcast %broadcast_in_dim3A_541 : vector<64x1xf32> to vector<64x528xf32>
      %eq3A_543 = arith.cmpf oeq, %select_n3A_538, %eq3A_542 : vector<64x528xf32>
      %broadcast_in_dim3A_544 = vector.broadcast %while3A : f32 to vector<64x528xf32>
      %select_n3A_545 = arith.select %eq3A_543, %concatenate3A_370, %broadcast_in_dim3A_544 : vector<64x528xi1>, vector<64x528xf32>
      %reduce_min3A_546 = arith.constant dense<0x7F800000> : vector<64xf32>
      %reduce_min3A_547 = vector.multi_reduction <minimumf>, %select_n3A_545, %reduce_min3A_546 [1] : vector<64x528xf32> to vector<64xf32>
      %broadcast_in_dim3A_548 = vector.shape_cast %reduce_min3A_547 : vector<64xf32> to vector<64x1xf32>
      %eq3A_549 = vector.broadcast %broadcast_in_dim3A_548 : vector<64x1xf32> to vector<64x528xf32>
      %eq3A_550 = arith.cmpf oeq, %concatenate3A_370, %eq3A_549 : vector<64x528xf32>
      %broadcast_in_dim3A_551 = vector.broadcast %while3A_85 : f32 to vector<64x528xf32>
      %select_n3A_552 = arith.select %eq3A_550, %broadcast_in_dim3A_551, %select_n3A_538 : vector<64x528xi1>, vector<64x528xf32>
      %reduce_max3A_553 = arith.constant dense<0xFF800000> : vector<64xf32>
      %reduce_max3A_554 = vector.multi_reduction <maximumf>, %select_n3A_552, %reduce_max3A_553 [1] : vector<64x528xf32> to vector<64xf32>
      %broadcast_in_dim3A_555 = vector.shape_cast %reduce_max3A_554 : vector<64xf32> to vector<64x1xf32>
      %eq3A_556 = vector.broadcast %broadcast_in_dim3A_555 : vector<64x1xf32> to vector<64x528xf32>
      %eq3A_557 = arith.cmpf oeq, %select_n3A_552, %eq3A_556 : vector<64x528xf32>
      %broadcast_in_dim3A_558 = vector.broadcast %while3A : f32 to vector<64x528xf32>
      %select_n3A_559 = arith.select %eq3A_557, %concatenate3A_370, %broadcast_in_dim3A_558 : vector<64x528xi1>, vector<64x528xf32>
      %reduce_min3A_560 = arith.constant dense<0x7F800000> : vector<64xf32>
      %reduce_min3A_561 = vector.multi_reduction <minimumf>, %select_n3A_559, %reduce_min3A_560 [1] : vector<64x528xf32> to vector<64xf32>
      %broadcast_in_dim3A_562 = vector.shape_cast %reduce_min3A_561 : vector<64xf32> to vector<64x1xf32>
      %eq3A_563 = vector.broadcast %broadcast_in_dim3A_562 : vector<64x1xf32> to vector<64x528xf32>
      %eq3A_564 = arith.cmpf oeq, %concatenate3A_370, %eq3A_563 : vector<64x528xf32>
      %broadcast_in_dim3A_565 = vector.broadcast %while3A_85 : f32 to vector<64x528xf32>
      %select_n3A_566 = arith.select %eq3A_564, %broadcast_in_dim3A_565, %select_n3A_552 : vector<64x528xi1>, vector<64x528xf32>
      %reduce_max3A_567 = arith.constant dense<0xFF800000> : vector<64xf32>
      %reduce_max3A_568 = vector.multi_reduction <maximumf>, %select_n3A_566, %reduce_max3A_567 [1] : vector<64x528xf32> to vector<64xf32>
      %broadcast_in_dim3A_569 = vector.shape_cast %reduce_max3A_568 : vector<64xf32> to vector<64x1xf32>
      %eq3A_570 = vector.broadcast %broadcast_in_dim3A_569 : vector<64x1xf32> to vector<64x528xf32>
      %eq3A_571 = arith.cmpf oeq, %select_n3A_566, %eq3A_570 : vector<64x528xf32>
      %broadcast_in_dim3A_572 = vector.broadcast %while3A : f32 to vector<64x528xf32>
      %select_n3A_573 = arith.select %eq3A_571, %concatenate3A_370, %broadcast_in_dim3A_572 : vector<64x528xi1>, vector<64x528xf32>
      %reduce_min3A_574 = arith.constant dense<0x7F800000> : vector<64xf32>
      %reduce_min3A_575 = vector.multi_reduction <minimumf>, %select_n3A_573, %reduce_min3A_574 [1] : vector<64x528xf32> to vector<64xf32>
      %broadcast_in_dim3A_576 = vector.shape_cast %reduce_min3A_575 : vector<64xf32> to vector<64x1xf32>
      %eq3A_577 = vector.broadcast %broadcast_in_dim3A_576 : vector<64x1xf32> to vector<64x528xf32>
      %eq3A_578 = arith.cmpf oeq, %concatenate3A_370, %eq3A_577 : vector<64x528xf32>
      %broadcast_in_dim3A_579 = vector.broadcast %while3A_85 : f32 to vector<64x528xf32>
      %select_n3A_580 = arith.select %eq3A_578, %broadcast_in_dim3A_579, %select_n3A_566 : vector<64x528xi1>, vector<64x528xf32>
      %reduce_max3A_581 = arith.constant dense<0xFF800000> : vector<64xf32>
      %reduce_max3A_582 = vector.multi_reduction <maximumf>, %select_n3A_580, %reduce_max3A_581 [1] : vector<64x528xf32> to vector<64xf32>
      %broadcast_in_dim3A_583 = vector.shape_cast %reduce_max3A_582 : vector<64xf32> to vector<64x1xf32>
      %eq3A_584 = vector.broadcast %broadcast_in_dim3A_583 : vector<64x1xf32> to vector<64x528xf32>
      %eq3A_585 = arith.cmpf oeq, %select_n3A_580, %eq3A_584 : vector<64x528xf32>
      %broadcast_in_dim3A_586 = vector.broadcast %while3A : f32 to vector<64x528xf32>
      %select_n3A_587 = arith.select %eq3A_585, %concatenate3A_370, %broadcast_in_dim3A_586 : vector<64x528xi1>, vector<64x528xf32>
      %reduce_min3A_588 = arith.constant dense<0x7F800000> : vector<64xf32>
      %reduce_min3A_589 = vector.multi_reduction <minimumf>, %select_n3A_587, %reduce_min3A_588 [1] : vector<64x528xf32> to vector<64xf32>
      %broadcast_in_dim3A_590 = vector.shape_cast %reduce_min3A_589 : vector<64xf32> to vector<64x1xf32>
      %eq3A_591 = vector.broadcast %broadcast_in_dim3A_590 : vector<64x1xf32> to vector<64x528xf32>
      %eq3A_592 = arith.cmpf oeq, %concatenate3A_370, %eq3A_591 : vector<64x528xf32>
      %broadcast_in_dim3A_593 = vector.broadcast %while3A_85 : f32 to vector<64x528xf32>
      %select_n3A_594 = arith.select %eq3A_592, %broadcast_in_dim3A_593, %select_n3A_580 : vector<64x528xi1>, vector<64x528xf32>
      %concatenate3A_595 = tpu.concatenate %broadcast_in_dim3A_373, %broadcast_in_dim3A_387, %broadcast_in_dim3A_401, %broadcast_in_dim3A_415, %broadcast_in_dim3A_429, %broadcast_in_dim3A_443, %broadcast_in_dim3A_457, %broadcast_in_dim3A_471, %broadcast_in_dim3A_485, %broadcast_in_dim3A_499, %broadcast_in_dim3A_513, %broadcast_in_dim3A_527, %broadcast_in_dim3A_541, %broadcast_in_dim3A_555, %broadcast_in_dim3A_569, %broadcast_in_dim3A_583 in 1 : vector<64x1xf32>, vector<64x1xf32>, vector<64x1xf32>, vector<64x1xf32>, vector<64x1xf32>, vector<64x1xf32>, vector<64x1xf32>, vector<64x1xf32>, vector<64x1xf32>, vector<64x1xf32>, vector<64x1xf32>, vector<64x1xf32>, vector<64x1xf32>, vector<64x1xf32>, vector<64x1xf32>, vector<64x1xf32> -> vector<64x16xf32>
      %concatenate3A_596 = tpu.concatenate %broadcast_in_dim3A_380, %broadcast_in_dim3A_394, %broadcast_in_dim3A_408, %broadcast_in_dim3A_422, %broadcast_in_dim3A_436, %broadcast_in_dim3A_450, %broadcast_in_dim3A_464, %broadcast_in_dim3A_478, %broadcast_in_dim3A_492, %broadcast_in_dim3A_506, %broadcast_in_dim3A_520, %broadcast_in_dim3A_534, %broadcast_in_dim3A_548, %broadcast_in_dim3A_562, %broadcast_in_dim3A_576, %broadcast_in_dim3A_590 in 1 : vector<64x1xf32>, vector<64x1xf32>, vector<64x1xf32>, vector<64x1xf32>, vector<64x1xf32>, vector<64x1xf32>, vector<64x1xf32>, vector<64x1xf32>, vector<64x1xf32>, vector<64x1xf32>, vector<64x1xf32>, vector<64x1xf32>, vector<64x1xf32>, vector<64x1xf32>, vector<64x1xf32>, vector<64x1xf32> -> vector<64x16xf32>
      %slice3A_597 = vector.extract_strided_slice %select_n3A_132 {offsets = [128, 0], sizes = [64, 512], strides = [1, 1]} : vector<512x512xf32> to vector<64x512xf32>
      %slice3A_598 = vector.extract_strided_slice %while3A_101 {offsets = [128, 0], sizes = [64, 16], strides = [1, 1]} : vector<512x16xf32> to vector<64x16xf32>
      %concatenate3A_599 = tpu.concatenate %slice3A_597, %slice3A_598 in 1 : vector<64x512xf32>, vector<64x16xf32> -> vector<64x528xf32>
      %slice3A_600 = vector.extract_strided_slice %convert_element_type3A_135 {offsets = [128, 0], sizes = [64, 512], strides = [1, 1]} : vector<512x512xf32> to vector<64x512xf32>
      %slice3A_601 = vector.extract_strided_slice %while3A_102 {offsets = [128, 0], sizes = [64, 16], strides = [1, 1]} : vector<512x16xf32> to vector<64x16xf32>
      %concatenate3A_602 = tpu.concatenate %slice3A_600, %slice3A_601 in 1 : vector<64x512xf32>, vector<64x16xf32> -> vector<64x528xf32>
      %reduce_max3A_603 = arith.constant dense<0xFF800000> : vector<64xf32>
      %reduce_max3A_604 = vector.multi_reduction <maximumf>, %concatenate3A_599, %reduce_max3A_603 [1] : vector<64x528xf32> to vector<64xf32>
      %broadcast_in_dim3A_605 = vector.shape_cast %reduce_max3A_604 : vector<64xf32> to vector<64x1xf32>
      %eq3A_606 = vector.broadcast %broadcast_in_dim3A_605 : vector<64x1xf32> to vector<64x528xf32>
      %eq3A_607 = arith.cmpf oeq, %concatenate3A_599, %eq3A_606 : vector<64x528xf32>
      %broadcast_in_dim3A_608 = vector.broadcast %while3A : f32 to vector<64x528xf32>
      %select_n3A_609 = arith.select %eq3A_607, %concatenate3A_602, %broadcast_in_dim3A_608 : vector<64x528xi1>, vector<64x528xf32>
      %reduce_min3A_610 = arith.constant dense<0x7F800000> : vector<64xf32>
      %reduce_min3A_611 = vector.multi_reduction <minimumf>, %select_n3A_609, %reduce_min3A_610 [1] : vector<64x528xf32> to vector<64xf32>
      %broadcast_in_dim3A_612 = vector.shape_cast %reduce_min3A_611 : vector<64xf32> to vector<64x1xf32>
      %eq3A_613 = vector.broadcast %broadcast_in_dim3A_612 : vector<64x1xf32> to vector<64x528xf32>
      %eq3A_614 = arith.cmpf oeq, %concatenate3A_602, %eq3A_613 : vector<64x528xf32>
      %broadcast_in_dim3A_615 = vector.broadcast %while3A_85 : f32 to vector<64x528xf32>
      %select_n3A_616 = arith.select %eq3A_614, %broadcast_in_dim3A_615, %concatenate3A_599 : vector<64x528xi1>, vector<64x528xf32>
      %reduce_max3A_617 = arith.constant dense<0xFF800000> : vector<64xf32>
      %reduce_max3A_618 = vector.multi_reduction <maximumf>, %select_n3A_616, %reduce_max3A_617 [1] : vector<64x528xf32> to vector<64xf32>
      %broadcast_in_dim3A_619 = vector.shape_cast %reduce_max3A_618 : vector<64xf32> to vector<64x1xf32>
      %eq3A_620 = vector.broadcast %broadcast_in_dim3A_619 : vector<64x1xf32> to vector<64x528xf32>
      %eq3A_621 = arith.cmpf oeq, %select_n3A_616, %eq3A_620 : vector<64x528xf32>
      %broadcast_in_dim3A_622 = vector.broadcast %while3A : f32 to vector<64x528xf32>
      %select_n3A_623 = arith.select %eq3A_621, %concatenate3A_602, %broadcast_in_dim3A_622 : vector<64x528xi1>, vector<64x528xf32>
      %reduce_min3A_624 = arith.constant dense<0x7F800000> : vector<64xf32>
      %reduce_min3A_625 = vector.multi_reduction <minimumf>, %select_n3A_623, %reduce_min3A_624 [1] : vector<64x528xf32> to vector<64xf32>
      %broadcast_in_dim3A_626 = vector.shape_cast %reduce_min3A_625 : vector<64xf32> to vector<64x1xf32>
      %eq3A_627 = vector.broadcast %broadcast_in_dim3A_626 : vector<64x1xf32> to vector<64x528xf32>
      %eq3A_628 = arith.cmpf oeq, %concatenate3A_602, %eq3A_627 : vector<64x528xf32>
      %broadcast_in_dim3A_629 = vector.broadcast %while3A_85 : f32 to vector<64x528xf32>
      %select_n3A_630 = arith.select %eq3A_628, %broadcast_in_dim3A_629, %select_n3A_616 : vector<64x528xi1>, vector<64x528xf32>
      %reduce_max3A_631 = arith.constant dense<0xFF800000> : vector<64xf32>
      %reduce_max3A_632 = vector.multi_reduction <maximumf>, %select_n3A_630, %reduce_max3A_631 [1] : vector<64x528xf32> to vector<64xf32>
      %broadcast_in_dim3A_633 = vector.shape_cast %reduce_max3A_632 : vector<64xf32> to vector<64x1xf32>
      %eq3A_634 = vector.broadcast %broadcast_in_dim3A_633 : vector<64x1xf32> to vector<64x528xf32>
      %eq3A_635 = arith.cmpf oeq, %select_n3A_630, %eq3A_634 : vector<64x528xf32>
      %broadcast_in_dim3A_636 = vector.broadcast %while3A : f32 to vector<64x528xf32>
      %select_n3A_637 = arith.select %eq3A_635, %concatenate3A_602, %broadcast_in_dim3A_636 : vector<64x528xi1>, vector<64x528xf32>
      %reduce_min3A_638 = arith.constant dense<0x7F800000> : vector<64xf32>
      %reduce_min3A_639 = vector.multi_reduction <minimumf>, %select_n3A_637, %reduce_min3A_638 [1] : vector<64x528xf32> to vector<64xf32>
      %broadcast_in_dim3A_640 = vector.shape_cast %reduce_min3A_639 : vector<64xf32> to vector<64x1xf32>
      %eq3A_641 = vector.broadcast %broadcast_in_dim3A_640 : vector<64x1xf32> to vector<64x528xf32>
      %eq3A_642 = arith.cmpf oeq, %concatenate3A_602, %eq3A_641 : vector<64x528xf32>
      %broadcast_in_dim3A_643 = vector.broadcast %while3A_85 : f32 to vector<64x528xf32>
      %select_n3A_644 = arith.select %eq3A_642, %broadcast_in_dim3A_643, %select_n3A_630 : vector<64x528xi1>, vector<64x528xf32>
      %reduce_max3A_645 = arith.constant dense<0xFF800000> : vector<64xf32>
      %reduce_max3A_646 = vector.multi_reduction <maximumf>, %select_n3A_644, %reduce_max3A_645 [1] : vector<64x528xf32> to vector<64xf32>
      %broadcast_in_dim3A_647 = vector.shape_cast %reduce_max3A_646 : vector<64xf32> to vector<64x1xf32>
      %eq3A_648 = vector.broadcast %broadcast_in_dim3A_647 : vector<64x1xf32> to vector<64x528xf32>
      %eq3A_649 = arith.cmpf oeq, %select_n3A_644, %eq3A_648 : vector<64x528xf32>
      %broadcast_in_dim3A_650 = vector.broadcast %while3A : f32 to vector<64x528xf32>
      %select_n3A_651 = arith.select %eq3A_649, %concatenate3A_602, %broadcast_in_dim3A_650 : vector<64x528xi1>, vector<64x528xf32>
      %reduce_min3A_652 = arith.constant dense<0x7F800000> : vector<64xf32>
      %reduce_min3A_653 = vector.multi_reduction <minimumf>, %select_n3A_651, %reduce_min3A_652 [1] : vector<64x528xf32> to vector<64xf32>
      %broadcast_in_dim3A_654 = vector.shape_cast %reduce_min3A_653 : vector<64xf32> to vector<64x1xf32>
      %eq3A_655 = vector.broadcast %broadcast_in_dim3A_654 : vector<64x1xf32> to vector<64x528xf32>
      %eq3A_656 = arith.cmpf oeq, %concatenate3A_602, %eq3A_655 : vector<64x528xf32>
      %broadcast_in_dim3A_657 = vector.broadcast %while3A_85 : f32 to vector<64x528xf32>
      %select_n3A_658 = arith.select %eq3A_656, %broadcast_in_dim3A_657, %select_n3A_644 : vector<64x528xi1>, vector<64x528xf32>
      %reduce_max3A_659 = arith.constant dense<0xFF800000> : vector<64xf32>
      %reduce_max3A_660 = vector.multi_reduction <maximumf>, %select_n3A_658, %reduce_max3A_659 [1] : vector<64x528xf32> to vector<64xf32>
      %broadcast_in_dim3A_661 = vector.shape_cast %reduce_max3A_660 : vector<64xf32> to vector<64x1xf32>
      %eq3A_662 = vector.broadcast %broadcast_in_dim3A_661 : vector<64x1xf32> to vector<64x528xf32>
      %eq3A_663 = arith.cmpf oeq, %select_n3A_658, %eq3A_662 : vector<64x528xf32>
      %broadcast_in_dim3A_664 = vector.broadcast %while3A : f32 to vector<64x528xf32>
      %select_n3A_665 = arith.select %eq3A_663, %concatenate3A_602, %broadcast_in_dim3A_664 : vector<64x528xi1>, vector<64x528xf32>
      %reduce_min3A_666 = arith.constant dense<0x7F800000> : vector<64xf32>
      %reduce_min3A_667 = vector.multi_reduction <minimumf>, %select_n3A_665, %reduce_min3A_666 [1] : vector<64x528xf32> to vector<64xf32>
      %broadcast_in_dim3A_668 = vector.shape_cast %reduce_min3A_667 : vector<64xf32> to vector<64x1xf32>
      %eq3A_669 = vector.broadcast %broadcast_in_dim3A_668 : vector<64x1xf32> to vector<64x528xf32>
      %eq3A_670 = arith.cmpf oeq, %concatenate3A_602, %eq3A_669 : vector<64x528xf32>
      %broadcast_in_dim3A_671 = vector.broadcast %while3A_85 : f32 to vector<64x528xf32>
      %select_n3A_672 = arith.select %eq3A_670, %broadcast_in_dim3A_671, %select_n3A_658 : vector<64x528xi1>, vector<64x528xf32>
      %reduce_max3A_673 = arith.constant dense<0xFF800000> : vector<64xf32>
      %reduce_max3A_674 = vector.multi_reduction <maximumf>, %select_n3A_672, %reduce_max3A_673 [1] : vector<64x528xf32> to vector<64xf32>
      %broadcast_in_dim3A_675 = vector.shape_cast %reduce_max3A_674 : vector<64xf32> to vector<64x1xf32>
      %eq3A_676 = vector.broadcast %broadcast_in_dim3A_675 : vector<64x1xf32> to vector<64x528xf32>
      %eq3A_677 = arith.cmpf oeq, %select_n3A_672, %eq3A_676 : vector<64x528xf32>
      %broadcast_in_dim3A_678 = vector.broadcast %while3A : f32 to vector<64x528xf32>
      %select_n3A_679 = arith.select %eq3A_677, %concatenate3A_602, %broadcast_in_dim3A_678 : vector<64x528xi1>, vector<64x528xf32>
      %reduce_min3A_680 = arith.constant dense<0x7F800000> : vector<64xf32>
      %reduce_min3A_681 = vector.multi_reduction <minimumf>, %select_n3A_679, %reduce_min3A_680 [1] : vector<64x528xf32> to vector<64xf32>
      %broadcast_in_dim3A_682 = vector.shape_cast %reduce_min3A_681 : vector<64xf32> to vector<64x1xf32>
      %eq3A_683 = vector.broadcast %broadcast_in_dim3A_682 : vector<64x1xf32> to vector<64x528xf32>
      %eq3A_684 = arith.cmpf oeq, %concatenate3A_602, %eq3A_683 : vector<64x528xf32>
      %broadcast_in_dim3A_685 = vector.broadcast %while3A_85 : f32 to vector<64x528xf32>
      %select_n3A_686 = arith.select %eq3A_684, %broadcast_in_dim3A_685, %select_n3A_672 : vector<64x528xi1>, vector<64x528xf32>
      %reduce_max3A_687 = arith.constant dense<0xFF800000> : vector<64xf32>
      %reduce_max3A_688 = vector.multi_reduction <maximumf>, %select_n3A_686, %reduce_max3A_687 [1] : vector<64x528xf32> to vector<64xf32>
      %broadcast_in_dim3A_689 = vector.shape_cast %reduce_max3A_688 : vector<64xf32> to vector<64x1xf32>
      %eq3A_690 = vector.broadcast %broadcast_in_dim3A_689 : vector<64x1xf32> to vector<64x528xf32>
      %eq3A_691 = arith.cmpf oeq, %select_n3A_686, %eq3A_690 : vector<64x528xf32>
      %broadcast_in_dim3A_692 = vector.broadcast %while3A : f32 to vector<64x528xf32>
      %select_n3A_693 = arith.select %eq3A_691, %concatenate3A_602, %broadcast_in_dim3A_692 : vector<64x528xi1>, vector<64x528xf32>
      %reduce_min3A_694 = arith.constant dense<0x7F800000> : vector<64xf32>
      %reduce_min3A_695 = vector.multi_reduction <minimumf>, %select_n3A_693, %reduce_min3A_694 [1] : vector<64x528xf32> to vector<64xf32>
      %broadcast_in_dim3A_696 = vector.shape_cast %reduce_min3A_695 : vector<64xf32> to vector<64x1xf32>
      %eq3A_697 = vector.broadcast %broadcast_in_dim3A_696 : vector<64x1xf32> to vector<64x528xf32>
      %eq3A_698 = arith.cmpf oeq, %concatenate3A_602, %eq3A_697 : vector<64x528xf32>
      %broadcast_in_dim3A_699 = vector.broadcast %while3A_85 : f32 to vector<64x528xf32>
      %select_n3A_700 = arith.select %eq3A_698, %broadcast_in_dim3A_699, %select_n3A_686 : vector<64x528xi1>, vector<64x528xf32>
      %reduce_max3A_701 = arith.constant dense<0xFF800000> : vector<64xf32>
      %reduce_max3A_702 = vector.multi_reduction <maximumf>, %select_n3A_700, %reduce_max3A_701 [1] : vector<64x528xf32> to vector<64xf32>
      %broadcast_in_dim3A_703 = vector.shape_cast %reduce_max3A_702 : vector<64xf32> to vector<64x1xf32>
      %eq3A_704 = vector.broadcast %broadcast_in_dim3A_703 : vector<64x1xf32> to vector<64x528xf32>
      %eq3A_705 = arith.cmpf oeq, %select_n3A_700, %eq3A_704 : vector<64x528xf32>
      %broadcast_in_dim3A_706 = vector.broadcast %while3A : f32 to vector<64x528xf32>
      %select_n3A_707 = arith.select %eq3A_705, %concatenate3A_602, %broadcast_in_dim3A_706 : vector<64x528xi1>, vector<64x528xf32>
      %reduce_min3A_708 = arith.constant dense<0x7F800000> : vector<64xf32>
      %reduce_min3A_709 = vector.multi_reduction <minimumf>, %select_n3A_707, %reduce_min3A_708 [1] : vector<64x528xf32> to vector<64xf32>
      %broadcast_in_dim3A_710 = vector.shape_cast %reduce_min3A_709 : vector<64xf32> to vector<64x1xf32>
      %eq3A_711 = vector.broadcast %broadcast_in_dim3A_710 : vector<64x1xf32> to vector<64x528xf32>
      %eq3A_712 = arith.cmpf oeq, %concatenate3A_602, %eq3A_711 : vector<64x528xf32>
      %broadcast_in_dim3A_713 = vector.broadcast %while3A_85 : f32 to vector<64x528xf32>
      %select_n3A_714 = arith.select %eq3A_712, %broadcast_in_dim3A_713, %select_n3A_700 : vector<64x528xi1>, vector<64x528xf32>
      %reduce_max3A_715 = arith.constant dense<0xFF800000> : vector<64xf32>
      %reduce_max3A_716 = vector.multi_reduction <maximumf>, %select_n3A_714, %reduce_max3A_715 [1] : vector<64x528xf32> to vector<64xf32>
      %broadcast_in_dim3A_717 = vector.shape_cast %reduce_max3A_716 : vector<64xf32> to vector<64x1xf32>
      %eq3A_718 = vector.broadcast %broadcast_in_dim3A_717 : vector<64x1xf32> to vector<64x528xf32>
      %eq3A_719 = arith.cmpf oeq, %select_n3A_714, %eq3A_718 : vector<64x528xf32>
      %broadcast_in_dim3A_720 = vector.broadcast %while3A : f32 to vector<64x528xf32>
      %select_n3A_721 = arith.select %eq3A_719, %concatenate3A_602, %broadcast_in_dim3A_720 : vector<64x528xi1>, vector<64x528xf32>
      %reduce_min3A_722 = arith.constant dense<0x7F800000> : vector<64xf32>
      %reduce_min3A_723 = vector.multi_reduction <minimumf>, %select_n3A_721, %reduce_min3A_722 [1] : vector<64x528xf32> to vector<64xf32>
      %broadcast_in_dim3A_724 = vector.shape_cast %reduce_min3A_723 : vector<64xf32> to vector<64x1xf32>
      %eq3A_725 = vector.broadcast %broadcast_in_dim3A_724 : vector<64x1xf32> to vector<64x528xf32>
      %eq3A_726 = arith.cmpf oeq, %concatenate3A_602, %eq3A_725 : vector<64x528xf32>
      %broadcast_in_dim3A_727 = vector.broadcast %while3A_85 : f32 to vector<64x528xf32>
      %select_n3A_728 = arith.select %eq3A_726, %broadcast_in_dim3A_727, %select_n3A_714 : vector<64x528xi1>, vector<64x528xf32>
      %reduce_max3A_729 = arith.constant dense<0xFF800000> : vector<64xf32>
      %reduce_max3A_730 = vector.multi_reduction <maximumf>, %select_n3A_728, %reduce_max3A_729 [1] : vector<64x528xf32> to vector<64xf32>
      %broadcast_in_dim3A_731 = vector.shape_cast %reduce_max3A_730 : vector<64xf32> to vector<64x1xf32>
      %eq3A_732 = vector.broadcast %broadcast_in_dim3A_731 : vector<64x1xf32> to vector<64x528xf32>
      %eq3A_733 = arith.cmpf oeq, %select_n3A_728, %eq3A_732 : vector<64x528xf32>
      %broadcast_in_dim3A_734 = vector.broadcast %while3A : f32 to vector<64x528xf32>
      %select_n3A_735 = arith.select %eq3A_733, %concatenate3A_602, %broadcast_in_dim3A_734 : vector<64x528xi1>, vector<64x528xf32>
      %reduce_min3A_736 = arith.constant dense<0x7F800000> : vector<64xf32>
      %reduce_min3A_737 = vector.multi_reduction <minimumf>, %select_n3A_735, %reduce_min3A_736 [1] : vector<64x528xf32> to vector<64xf32>
      %broadcast_in_dim3A_738 = vector.shape_cast %reduce_min3A_737 : vector<64xf32> to vector<64x1xf32>
      %eq3A_739 = vector.broadcast %broadcast_in_dim3A_738 : vector<64x1xf32> to vector<64x528xf32>
      %eq3A_740 = arith.cmpf oeq, %concatenate3A_602, %eq3A_739 : vector<64x528xf32>
      %broadcast_in_dim3A_741 = vector.broadcast %while3A_85 : f32 to vector<64x528xf32>
      %select_n3A_742 = arith.select %eq3A_740, %broadcast_in_dim3A_741, %select_n3A_728 : vector<64x528xi1>, vector<64x528xf32>
      %reduce_max3A_743 = arith.constant dense<0xFF800000> : vector<64xf32>
      %reduce_max3A_744 = vector.multi_reduction <maximumf>, %select_n3A_742, %reduce_max3A_743 [1] : vector<64x528xf32> to vector<64xf32>
      %broadcast_in_dim3A_745 = vector.shape_cast %reduce_max3A_744 : vector<64xf32> to vector<64x1xf32>
      %eq3A_746 = vector.broadcast %broadcast_in_dim3A_745 : vector<64x1xf32> to vector<64x528xf32>
      %eq3A_747 = arith.cmpf oeq, %select_n3A_742, %eq3A_746 : vector<64x528xf32>
      %broadcast_in_dim3A_748 = vector.broadcast %while3A : f32 to vector<64x528xf32>
      %select_n3A_749 = arith.select %eq3A_747, %concatenate3A_602, %broadcast_in_dim3A_748 : vector<64x528xi1>, vector<64x528xf32>
      %reduce_min3A_750 = arith.constant dense<0x7F800000> : vector<64xf32>
      %reduce_min3A_751 = vector.multi_reduction <minimumf>, %select_n3A_749, %reduce_min3A_750 [1] : vector<64x528xf32> to vector<64xf32>
      %broadcast_in_dim3A_752 = vector.shape_cast %reduce_min3A_751 : vector<64xf32> to vector<64x1xf32>
      %eq3A_753 = vector.broadcast %broadcast_in_dim3A_752 : vector<64x1xf32> to vector<64x528xf32>
      %eq3A_754 = arith.cmpf oeq, %concatenate3A_602, %eq3A_753 : vector<64x528xf32>
      %broadcast_in_dim3A_755 = vector.broadcast %while3A_85 : f32 to vector<64x528xf32>
      %select_n3A_756 = arith.select %eq3A_754, %broadcast_in_dim3A_755, %select_n3A_742 : vector<64x528xi1>, vector<64x528xf32>
      %reduce_max3A_757 = arith.constant dense<0xFF800000> : vector<64xf32>
      %reduce_max3A_758 = vector.multi_reduction <maximumf>, %select_n3A_756, %reduce_max3A_757 [1] : vector<64x528xf32> to vector<64xf32>
      %broadcast_in_dim3A_759 = vector.shape_cast %reduce_max3A_758 : vector<64xf32> to vector<64x1xf32>
      %eq3A_760 = vector.broadcast %broadcast_in_dim3A_759 : vector<64x1xf32> to vector<64x528xf32>
      %eq3A_761 = arith.cmpf oeq, %select_n3A_756, %eq3A_760 : vector<64x528xf32>
      %broadcast_in_dim3A_762 = vector.broadcast %while3A : f32 to vector<64x528xf32>
      %select_n3A_763 = arith.select %eq3A_761, %concatenate3A_602, %broadcast_in_dim3A_762 : vector<64x528xi1>, vector<64x528xf32>
      %reduce_min3A_764 = arith.constant dense<0x7F800000> : vector<64xf32>
      %reduce_min3A_765 = vector.multi_reduction <minimumf>, %select_n3A_763, %reduce_min3A_764 [1] : vector<64x528xf32> to vector<64xf32>
      %broadcast_in_dim3A_766 = vector.shape_cast %reduce_min3A_765 : vector<64xf32> to vector<64x1xf32>
      %eq3A_767 = vector.broadcast %broadcast_in_dim3A_766 : vector<64x1xf32> to vector<64x528xf32>
      %eq3A_768 = arith.cmpf oeq, %concatenate3A_602, %eq3A_767 : vector<64x528xf32>
      %broadcast_in_dim3A_769 = vector.broadcast %while3A_85 : f32 to vector<64x528xf32>
      %select_n3A_770 = arith.select %eq3A_768, %broadcast_in_dim3A_769, %select_n3A_756 : vector<64x528xi1>, vector<64x528xf32>
      %reduce_max3A_771 = arith.constant dense<0xFF800000> : vector<64xf32>
      %reduce_max3A_772 = vector.multi_reduction <maximumf>, %select_n3A_770, %reduce_max3A_771 [1] : vector<64x528xf32> to vector<64xf32>
      %broadcast_in_dim3A_773 = vector.shape_cast %reduce_max3A_772 : vector<64xf32> to vector<64x1xf32>
      %eq3A_774 = vector.broadcast %broadcast_in_dim3A_773 : vector<64x1xf32> to vector<64x528xf32>
      %eq3A_775 = arith.cmpf oeq, %select_n3A_770, %eq3A_774 : vector<64x528xf32>
      %broadcast_in_dim3A_776 = vector.broadcast %while3A : f32 to vector<64x528xf32>
      %select_n3A_777 = arith.select %eq3A_775, %concatenate3A_602, %broadcast_in_dim3A_776 : vector<64x528xi1>, vector<64x528xf32>
      %reduce_min3A_778 = arith.constant dense<0x7F800000> : vector<64xf32>
      %reduce_min3A_779 = vector.multi_reduction <minimumf>, %select_n3A_777, %reduce_min3A_778 [1] : vector<64x528xf32> to vector<64xf32>
      %broadcast_in_dim3A_780 = vector.shape_cast %reduce_min3A_779 : vector<64xf32> to vector<64x1xf32>
      %eq3A_781 = vector.broadcast %broadcast_in_dim3A_780 : vector<64x1xf32> to vector<64x528xf32>
      %eq3A_782 = arith.cmpf oeq, %concatenate3A_602, %eq3A_781 : vector<64x528xf32>
      %broadcast_in_dim3A_783 = vector.broadcast %while3A_85 : f32 to vector<64x528xf32>
      %select_n3A_784 = arith.select %eq3A_782, %broadcast_in_dim3A_783, %select_n3A_770 : vector<64x528xi1>, vector<64x528xf32>
      %reduce_max3A_785 = arith.constant dense<0xFF800000> : vector<64xf32>
      %reduce_max3A_786 = vector.multi_reduction <maximumf>, %select_n3A_784, %reduce_max3A_785 [1] : vector<64x528xf32> to vector<64xf32>
      %broadcast_in_dim3A_787 = vector.shape_cast %reduce_max3A_786 : vector<64xf32> to vector<64x1xf32>
      %eq3A_788 = vector.broadcast %broadcast_in_dim3A_787 : vector<64x1xf32> to vector<64x528xf32>
      %eq3A_789 = arith.cmpf oeq, %select_n3A_784, %eq3A_788 : vector<64x528xf32>
      %broadcast_in_dim3A_790 = vector.broadcast %while3A : f32 to vector<64x528xf32>
      %select_n3A_791 = arith.select %eq3A_789, %concatenate3A_602, %broadcast_in_dim3A_790 : vector<64x528xi1>, vector<64x528xf32>
      %reduce_min3A_792 = arith.constant dense<0x7F800000> : vector<64xf32>
      %reduce_min3A_793 = vector.multi_reduction <minimumf>, %select_n3A_791, %reduce_min3A_792 [1] : vector<64x528xf32> to vector<64xf32>
      %broadcast_in_dim3A_794 = vector.shape_cast %reduce_min3A_793 : vector<64xf32> to vector<64x1xf32>
      %eq3A_795 = vector.broadcast %broadcast_in_dim3A_794 : vector<64x1xf32> to vector<64x528xf32>
      %eq3A_796 = arith.cmpf oeq, %concatenate3A_602, %eq3A_795 : vector<64x528xf32>
      %broadcast_in_dim3A_797 = vector.broadcast %while3A_85 : f32 to vector<64x528xf32>
      %select_n3A_798 = arith.select %eq3A_796, %broadcast_in_dim3A_797, %select_n3A_784 : vector<64x528xi1>, vector<64x528xf32>
      %reduce_max3A_799 = arith.constant dense<0xFF800000> : vector<64xf32>
      %reduce_max3A_800 = vector.multi_reduction <maximumf>, %select_n3A_798, %reduce_max3A_799 [1] : vector<64x528xf32> to vector<64xf32>
      %broadcast_in_dim3A_801 = vector.shape_cast %reduce_max3A_800 : vector<64xf32> to vector<64x1xf32>
      %eq3A_802 = vector.broadcast %broadcast_in_dim3A_801 : vector<64x1xf32> to vector<64x528xf32>
      %eq3A_803 = arith.cmpf oeq, %select_n3A_798, %eq3A_802 : vector<64x528xf32>
      %broadcast_in_dim3A_804 = vector.broadcast %while3A : f32 to vector<64x528xf32>
      %select_n3A_805 = arith.select %eq3A_803, %concatenate3A_602, %broadcast_in_dim3A_804 : vector<64x528xi1>, vector<64x528xf32>
      %reduce_min3A_806 = arith.constant dense<0x7F800000> : vector<64xf32>
      %reduce_min3A_807 = vector.multi_reduction <minimumf>, %select_n3A_805, %reduce_min3A_806 [1] : vector<64x528xf32> to vector<64xf32>
      %broadcast_in_dim3A_808 = vector.shape_cast %reduce_min3A_807 : vector<64xf32> to vector<64x1xf32>
      %eq3A_809 = vector.broadcast %broadcast_in_dim3A_808 : vector<64x1xf32> to vector<64x528xf32>
      %eq3A_810 = arith.cmpf oeq, %concatenate3A_602, %eq3A_809 : vector<64x528xf32>
      %broadcast_in_dim3A_811 = vector.broadcast %while3A_85 : f32 to vector<64x528xf32>
      %select_n3A_812 = arith.select %eq3A_810, %broadcast_in_dim3A_811, %select_n3A_798 : vector<64x528xi1>, vector<64x528xf32>
      %reduce_max3A_813 = arith.constant dense<0xFF800000> : vector<64xf32>
      %reduce_max3A_814 = vector.multi_reduction <maximumf>, %select_n3A_812, %reduce_max3A_813 [1] : vector<64x528xf32> to vector<64xf32>
      %broadcast_in_dim3A_815 = vector.shape_cast %reduce_max3A_814 : vector<64xf32> to vector<64x1xf32>
      %eq3A_816 = vector.broadcast %broadcast_in_dim3A_815 : vector<64x1xf32> to vector<64x528xf32>
      %eq3A_817 = arith.cmpf oeq, %select_n3A_812, %eq3A_816 : vector<64x528xf32>
      %broadcast_in_dim3A_818 = vector.broadcast %while3A : f32 to vector<64x528xf32>
      %select_n3A_819 = arith.select %eq3A_817, %concatenate3A_602, %broadcast_in_dim3A_818 : vector<64x528xi1>, vector<64x528xf32>
      %reduce_min3A_820 = arith.constant dense<0x7F800000> : vector<64xf32>
      %reduce_min3A_821 = vector.multi_reduction <minimumf>, %select_n3A_819, %reduce_min3A_820 [1] : vector<64x528xf32> to vector<64xf32>
      %broadcast_in_dim3A_822 = vector.shape_cast %reduce_min3A_821 : vector<64xf32> to vector<64x1xf32>
      %eq3A_823 = vector.broadcast %broadcast_in_dim3A_822 : vector<64x1xf32> to vector<64x528xf32>
      %eq3A_824 = arith.cmpf oeq, %concatenate3A_602, %eq3A_823 : vector<64x528xf32>
      %broadcast_in_dim3A_825 = vector.broadcast %while3A_85 : f32 to vector<64x528xf32>
      %select_n3A_826 = arith.select %eq3A_824, %broadcast_in_dim3A_825, %select_n3A_812 : vector<64x528xi1>, vector<64x528xf32>
      %concatenate3A_827 = tpu.concatenate %broadcast_in_dim3A_605, %broadcast_in_dim3A_619, %broadcast_in_dim3A_633, %broadcast_in_dim3A_647, %broadcast_in_dim3A_661, %broadcast_in_dim3A_675, %broadcast_in_dim3A_689, %broadcast_in_dim3A_703, %broadcast_in_dim3A_717, %broadcast_in_dim3A_731, %broadcast_in_dim3A_745, %broadcast_in_dim3A_759, %broadcast_in_dim3A_773, %broadcast_in_dim3A_787, %broadcast_in_dim3A_801, %broadcast_in_dim3A_815 in 1 : vector<64x1xf32>, vector<64x1xf32>, vector<64x1xf32>, vector<64x1xf32>, vector<64x1xf32>, vector<64x1xf32>, vector<64x1xf32>, vector<64x1xf32>, vector<64x1xf32>, vector<64x1xf32>, vector<64x1xf32>, vector<64x1xf32>, vector<64x1xf32>, vector<64x1xf32>, vector<64x1xf32>, vector<64x1xf32> -> vector<64x16xf32>
      %concatenate3A_828 = tpu.concatenate %broadcast_in_dim3A_612, %broadcast_in_dim3A_626, %broadcast_in_dim3A_640, %broadcast_in_dim3A_654, %broadcast_in_dim3A_668, %broadcast_in_dim3A_682, %broadcast_in_dim3A_696, %broadcast_in_dim3A_710, %broadcast_in_dim3A_724, %broadcast_in_dim3A_738, %broadcast_in_dim3A_752, %broadcast_in_dim3A_766, %broadcast_in_dim3A_780, %broadcast_in_dim3A_794, %broadcast_in_dim3A_808, %broadcast_in_dim3A_822 in 1 : vector<64x1xf32>, vector<64x1xf32>, vector<64x1xf32>, vector<64x1xf32>, vector<64x1xf32>, vector<64x1xf32>, vector<64x1xf32>, vector<64x1xf32>, vector<64x1xf32>, vector<64x1xf32>, vector<64x1xf32>, vector<64x1xf32>, vector<64x1xf32>, vector<64x1xf32>, vector<64x1xf32>, vector<64x1xf32> -> vector<64x16xf32>
      %slice3A_829 = vector.extract_strided_slice %select_n3A_132 {offsets = [192, 0], sizes = [64, 512], strides = [1, 1]} : vector<512x512xf32> to vector<64x512xf32>
      %slice3A_830 = vector.extract_strided_slice %while3A_101 {offsets = [192, 0], sizes = [64, 16], strides = [1, 1]} : vector<512x16xf32> to vector<64x16xf32>
      %concatenate3A_831 = tpu.concatenate %slice3A_829, %slice3A_830 in 1 : vector<64x512xf32>, vector<64x16xf32> -> vector<64x528xf32>
      %slice3A_832 = vector.extract_strided_slice %convert_element_type3A_135 {offsets = [192, 0], sizes = [64, 512], strides = [1, 1]} : vector<512x512xf32> to vector<64x512xf32>
      %slice3A_833 = vector.extract_strided_slice %while3A_102 {offsets = [192, 0], sizes = [64, 16], strides = [1, 1]} : vector<512x16xf32> to vector<64x16xf32>
      %concatenate3A_834 = tpu.concatenate %slice3A_832, %slice3A_833 in 1 : vector<64x512xf32>, vector<64x16xf32> -> vector<64x528xf32>
      %reduce_max3A_835 = arith.constant dense<0xFF800000> : vector<64xf32>
      %reduce_max3A_836 = vector.multi_reduction <maximumf>, %concatenate3A_831, %reduce_max3A_835 [1] : vector<64x528xf32> to vector<64xf32>
      %broadcast_in_dim3A_837 = vector.shape_cast %reduce_max3A_836 : vector<64xf32> to vector<64x1xf32>
      %eq3A_838 = vector.broadcast %broadcast_in_dim3A_837 : vector<64x1xf32> to vector<64x528xf32>
      %eq3A_839 = arith.cmpf oeq, %concatenate3A_831, %eq3A_838 : vector<64x528xf32>
      %broadcast_in_dim3A_840 = vector.broadcast %while3A : f32 to vector<64x528xf32>
      %select_n3A_841 = arith.select %eq3A_839, %concatenate3A_834, %broadcast_in_dim3A_840 : vector<64x528xi1>, vector<64x528xf32>
      %reduce_min3A_842 = arith.constant dense<0x7F800000> : vector<64xf32>
      %reduce_min3A_843 = vector.multi_reduction <minimumf>, %select_n3A_841, %reduce_min3A_842 [1] : vector<64x528xf32> to vector<64xf32>
      %broadcast_in_dim3A_844 = vector.shape_cast %reduce_min3A_843 : vector<64xf32> to vector<64x1xf32>
      %eq3A_845 = vector.broadcast %broadcast_in_dim3A_844 : vector<64x1xf32> to vector<64x528xf32>
      %eq3A_846 = arith.cmpf oeq, %concatenate3A_834, %eq3A_845 : vector<64x528xf32>
      %broadcast_in_dim3A_847 = vector.broadcast %while3A_85 : f32 to vector<64x528xf32>
      %select_n3A_848 = arith.select %eq3A_846, %broadcast_in_dim3A_847, %concatenate3A_831 : vector<64x528xi1>, vector<64x528xf32>
      %reduce_max3A_849 = arith.constant dense<0xFF800000> : vector<64xf32>
      %reduce_max3A_850 = vector.multi_reduction <maximumf>, %select_n3A_848, %reduce_max3A_849 [1] : vector<64x528xf32> to vector<64xf32>
      %broadcast_in_dim3A_851 = vector.shape_cast %reduce_max3A_850 : vector<64xf32> to vector<64x1xf32>
      %eq3A_852 = vector.broadcast %broadcast_in_dim3A_851 : vector<64x1xf32> to vector<64x528xf32>
      %eq3A_853 = arith.cmpf oeq, %select_n3A_848, %eq3A_852 : vector<64x528xf32>
      %broadcast_in_dim3A_854 = vector.broadcast %while3A : f32 to vector<64x528xf32>
      %select_n3A_855 = arith.select %eq3A_853, %concatenate3A_834, %broadcast_in_dim3A_854 : vector<64x528xi1>, vector<64x528xf32>
      %reduce_min3A_856 = arith.constant dense<0x7F800000> : vector<64xf32>
      %reduce_min3A_857 = vector.multi_reduction <minimumf>, %select_n3A_855, %reduce_min3A_856 [1] : vector<64x528xf32> to vector<64xf32>
      %broadcast_in_dim3A_858 = vector.shape_cast %reduce_min3A_857 : vector<64xf32> to vector<64x1xf32>
      %eq3A_859 = vector.broadcast %broadcast_in_dim3A_858 : vector<64x1xf32> to vector<64x528xf32>
      %eq3A_860 = arith.cmpf oeq, %concatenate3A_834, %eq3A_859 : vector<64x528xf32>
      %broadcast_in_dim3A_861 = vector.broadcast %while3A_85 : f32 to vector<64x528xf32>
      %select_n3A_862 = arith.select %eq3A_860, %broadcast_in_dim3A_861, %select_n3A_848 : vector<64x528xi1>, vector<64x528xf32>
      %reduce_max3A_863 = arith.constant dense<0xFF800000> : vector<64xf32>
      %reduce_max3A_864 = vector.multi_reduction <maximumf>, %select_n3A_862, %reduce_max3A_863 [1] : vector<64x528xf32> to vector<64xf32>
      %broadcast_in_dim3A_865 = vector.shape_cast %reduce_max3A_864 : vector<64xf32> to vector<64x1xf32>
      %eq3A_866 = vector.broadcast %broadcast_in_dim3A_865 : vector<64x1xf32> to vector<64x528xf32>
      %eq3A_867 = arith.cmpf oeq, %select_n3A_862, %eq3A_866 : vector<64x528xf32>
      %broadcast_in_dim3A_868 = vector.broadcast %while3A : f32 to vector<64x528xf32>
      %select_n3A_869 = arith.select %eq3A_867, %concatenate3A_834, %broadcast_in_dim3A_868 : vector<64x528xi1>, vector<64x528xf32>
      %reduce_min3A_870 = arith.constant dense<0x7F800000> : vector<64xf32>
      %reduce_min3A_871 = vector.multi_reduction <minimumf>, %select_n3A_869, %reduce_min3A_870 [1] : vector<64x528xf32> to vector<64xf32>
      %broadcast_in_dim3A_872 = vector.shape_cast %reduce_min3A_871 : vector<64xf32> to vector<64x1xf32>
      %eq3A_873 = vector.broadcast %broadcast_in_dim3A_872 : vector<64x1xf32> to vector<64x528xf32>
      %eq3A_874 = arith.cmpf oeq, %concatenate3A_834, %eq3A_873 : vector<64x528xf32>
      %broadcast_in_dim3A_875 = vector.broadcast %while3A_85 : f32 to vector<64x528xf32>
      %select_n3A_876 = arith.select %eq3A_874, %broadcast_in_dim3A_875, %select_n3A_862 : vector<64x528xi1>, vector<64x528xf32>
      %reduce_max3A_877 = arith.constant dense<0xFF800000> : vector<64xf32>
      %reduce_max3A_878 = vector.multi_reduction <maximumf>, %select_n3A_876, %reduce_max3A_877 [1] : vector<64x528xf32> to vector<64xf32>
      %broadcast_in_dim3A_879 = vector.shape_cast %reduce_max3A_878 : vector<64xf32> to vector<64x1xf32>
      %eq3A_880 = vector.broadcast %broadcast_in_dim3A_879 : vector<64x1xf32> to vector<64x528xf32>
      %eq3A_881 = arith.cmpf oeq, %select_n3A_876, %eq3A_880 : vector<64x528xf32>
      %broadcast_in_dim3A_882 = vector.broadcast %while3A : f32 to vector<64x528xf32>
      %select_n3A_883 = arith.select %eq3A_881, %concatenate3A_834, %broadcast_in_dim3A_882 : vector<64x528xi1>, vector<64x528xf32>
      %reduce_min3A_884 = arith.constant dense<0x7F800000> : vector<64xf32>
      %reduce_min3A_885 = vector.multi_reduction <minimumf>, %select_n3A_883, %reduce_min3A_884 [1] : vector<64x528xf32> to vector<64xf32>
      %broadcast_in_dim3A_886 = vector.shape_cast %reduce_min3A_885 : vector<64xf32> to vector<64x1xf32>
      %eq3A_887 = vector.broadcast %broadcast_in_dim3A_886 : vector<64x1xf32> to vector<64x528xf32>
      %eq3A_888 = arith.cmpf oeq, %concatenate3A_834, %eq3A_887 : vector<64x528xf32>
      %broadcast_in_dim3A_889 = vector.broadcast %while3A_85 : f32 to vector<64x528xf32>
      %select_n3A_890 = arith.select %eq3A_888, %broadcast_in_dim3A_889, %select_n3A_876 : vector<64x528xi1>, vector<64x528xf32>
      %reduce_max3A_891 = arith.constant dense<0xFF800000> : vector<64xf32>
      %reduce_max3A_892 = vector.multi_reduction <maximumf>, %select_n3A_890, %reduce_max3A_891 [1] : vector<64x528xf32> to vector<64xf32>
      %broadcast_in_dim3A_893 = vector.shape_cast %reduce_max3A_892 : vector<64xf32> to vector<64x1xf32>
      %eq3A_894 = vector.broadcast %broadcast_in_dim3A_893 : vector<64x1xf32> to vector<64x528xf32>
      %eq3A_895 = arith.cmpf oeq, %select_n3A_890, %eq3A_894 : vector<64x528xf32>
      %broadcast_in_dim3A_896 = vector.broadcast %while3A : f32 to vector<64x528xf32>
      %select_n3A_897 = arith.select %eq3A_895, %concatenate3A_834, %broadcast_in_dim3A_896 : vector<64x528xi1>, vector<64x528xf32>
      %reduce_min3A_898 = arith.constant dense<0x7F800000> : vector<64xf32>
      %reduce_min3A_899 = vector.multi_reduction <minimumf>, %select_n3A_897, %reduce_min3A_898 [1] : vector<64x528xf32> to vector<64xf32>
      %broadcast_in_dim3A_900 = vector.shape_cast %reduce_min3A_899 : vector<64xf32> to vector<64x1xf32>
      %eq3A_901 = vector.broadcast %broadcast_in_dim3A_900 : vector<64x1xf32> to vector<64x528xf32>
      %eq3A_902 = arith.cmpf oeq, %concatenate3A_834, %eq3A_901 : vector<64x528xf32>
      %broadcast_in_dim3A_903 = vector.broadcast %while3A_85 : f32 to vector<64x528xf32>
      %select_n3A_904 = arith.select %eq3A_902, %broadcast_in_dim3A_903, %select_n3A_890 : vector<64x528xi1>, vector<64x528xf32>
      %reduce_max3A_905 = arith.constant dense<0xFF800000> : vector<64xf32>
      %reduce_max3A_906 = vector.multi_reduction <maximumf>, %select_n3A_904, %reduce_max3A_905 [1] : vector<64x528xf32> to vector<64xf32>
      %broadcast_in_dim3A_907 = vector.shape_cast %reduce_max3A_906 : vector<64xf32> to vector<64x1xf32>
      %eq3A_908 = vector.broadcast %broadcast_in_dim3A_907 : vector<64x1xf32> to vector<64x528xf32>
      %eq3A_909 = arith.cmpf oeq, %select_n3A_904, %eq3A_908 : vector<64x528xf32>
      %broadcast_in_dim3A_910 = vector.broadcast %while3A : f32 to vector<64x528xf32>
      %select_n3A_911 = arith.select %eq3A_909, %concatenate3A_834, %broadcast_in_dim3A_910 : vector<64x528xi1>, vector<64x528xf32>
      %reduce_min3A_912 = arith.constant dense<0x7F800000> : vector<64xf32>
      %reduce_min3A_913 = vector.multi_reduction <minimumf>, %select_n3A_911, %reduce_min3A_912 [1] : vector<64x528xf32> to vector<64xf32>
      %broadcast_in_dim3A_914 = vector.shape_cast %reduce_min3A_913 : vector<64xf32> to vector<64x1xf32>
      %eq3A_915 = vector.broadcast %broadcast_in_dim3A_914 : vector<64x1xf32> to vector<64x528xf32>
      %eq3A_916 = arith.cmpf oeq, %concatenate3A_834, %eq3A_915 : vector<64x528xf32>
      %broadcast_in_dim3A_917 = vector.broadcast %while3A_85 : f32 to vector<64x528xf32>
      %select_n3A_918 = arith.select %eq3A_916, %broadcast_in_dim3A_917, %select_n3A_904 : vector<64x528xi1>, vector<64x528xf32>
      %reduce_max3A_919 = arith.constant dense<0xFF800000> : vector<64xf32>
      %reduce_max3A_920 = vector.multi_reduction <maximumf>, %select_n3A_918, %reduce_max3A_919 [1] : vector<64x528xf32> to vector<64xf32>
      %broadcast_in_dim3A_921 = vector.shape_cast %reduce_max3A_920 : vector<64xf32> to vector<64x1xf32>
      %eq3A_922 = vector.broadcast %broadcast_in_dim3A_921 : vector<64x1xf32> to vector<64x528xf32>
      %eq3A_923 = arith.cmpf oeq, %select_n3A_918, %eq3A_922 : vector<64x528xf32>
      %broadcast_in_dim3A_924 = vector.broadcast %while3A : f32 to vector<64x528xf32>
      %select_n3A_925 = arith.select %eq3A_923, %concatenate3A_834, %broadcast_in_dim3A_924 : vector<64x528xi1>, vector<64x528xf32>
      %reduce_min3A_926 = arith.constant dense<0x7F800000> : vector<64xf32>
      %reduce_min3A_927 = vector.multi_reduction <minimumf>, %select_n3A_925, %reduce_min3A_926 [1] : vector<64x528xf32> to vector<64xf32>
      %broadcast_in_dim3A_928 = vector.shape_cast %reduce_min3A_927 : vector<64xf32> to vector<64x1xf32>
      %eq3A_929 = vector.broadcast %broadcast_in_dim3A_928 : vector<64x1xf32> to vector<64x528xf32>
      %eq3A_930 = arith.cmpf oeq, %concatenate3A_834, %eq3A_929 : vector<64x528xf32>
      %broadcast_in_dim3A_931 = vector.broadcast %while3A_85 : f32 to vector<64x528xf32>
      %select_n3A_932 = arith.select %eq3A_930, %broadcast_in_dim3A_931, %select_n3A_918 : vector<64x528xi1>, vector<64x528xf32>
      %reduce_max3A_933 = arith.constant dense<0xFF800000> : vector<64xf32>
      %reduce_max3A_934 = vector.multi_reduction <maximumf>, %select_n3A_932, %reduce_max3A_933 [1] : vector<64x528xf32> to vector<64xf32>
      %broadcast_in_dim3A_935 = vector.shape_cast %reduce_max3A_934 : vector<64xf32> to vector<64x1xf32>
      %eq3A_936 = vector.broadcast %broadcast_in_dim3A_935 : vector<64x1xf32> to vector<64x528xf32>
      %eq3A_937 = arith.cmpf oeq, %select_n3A_932, %eq3A_936 : vector<64x528xf32>
      %broadcast_in_dim3A_938 = vector.broadcast %while3A : f32 to vector<64x528xf32>
      %select_n3A_939 = arith.select %eq3A_937, %concatenate3A_834, %broadcast_in_dim3A_938 : vector<64x528xi1>, vector<64x528xf32>
      %reduce_min3A_940 = arith.constant dense<0x7F800000> : vector<64xf32>
      %reduce_min3A_941 = vector.multi_reduction <minimumf>, %select_n3A_939, %reduce_min3A_940 [1] : vector<64x528xf32> to vector<64xf32>
      %broadcast_in_dim3A_942 = vector.shape_cast %reduce_min3A_941 : vector<64xf32> to vector<64x1xf32>
      %eq3A_943 = vector.broadcast %broadcast_in_dim3A_942 : vector<64x1xf32> to vector<64x528xf32>
      %eq3A_944 = arith.cmpf oeq, %concatenate3A_834, %eq3A_943 : vector<64x528xf32>
      %broadcast_in_dim3A_945 = vector.broadcast %while3A_85 : f32 to vector<64x528xf32>
      %select_n3A_946 = arith.select %eq3A_944, %broadcast_in_dim3A_945, %select_n3A_932 : vector<64x528xi1>, vector<64x528xf32>
      %reduce_max3A_947 = arith.constant dense<0xFF800000> : vector<64xf32>
      %reduce_max3A_948 = vector.multi_reduction <maximumf>, %select_n3A_946, %reduce_max3A_947 [1] : vector<64x528xf32> to vector<64xf32>
      %broadcast_in_dim3A_949 = vector.shape_cast %reduce_max3A_948 : vector<64xf32> to vector<64x1xf32>
      %eq3A_950 = vector.broadcast %broadcast_in_dim3A_949 : vector<64x1xf32> to vector<64x528xf32>
      %eq3A_951 = arith.cmpf oeq, %select_n3A_946, %eq3A_950 : vector<64x528xf32>
      %broadcast_in_dim3A_952 = vector.broadcast %while3A : f32 to vector<64x528xf32>
      %select_n3A_953 = arith.select %eq3A_951, %concatenate3A_834, %broadcast_in_dim3A_952 : vector<64x528xi1>, vector<64x528xf32>
      %reduce_min3A_954 = arith.constant dense<0x7F800000> : vector<64xf32>
      %reduce_min3A_955 = vector.multi_reduction <minimumf>, %select_n3A_953, %reduce_min3A_954 [1] : vector<64x528xf32> to vector<64xf32>
      %broadcast_in_dim3A_956 = vector.shape_cast %reduce_min3A_955 : vector<64xf32> to vector<64x1xf32>
      %eq3A_957 = vector.broadcast %broadcast_in_dim3A_956 : vector<64x1xf32> to vector<64x528xf32>
      %eq3A_958 = arith.cmpf oeq, %concatenate3A_834, %eq3A_957 : vector<64x528xf32>
      %broadcast_in_dim3A_959 = vector.broadcast %while3A_85 : f32 to vector<64x528xf32>
      %select_n3A_960 = arith.select %eq3A_958, %broadcast_in_dim3A_959, %select_n3A_946 : vector<64x528xi1>, vector<64x528xf32>
      %reduce_max3A_961 = arith.constant dense<0xFF800000> : vector<64xf32>
      %reduce_max3A_962 = vector.multi_reduction <maximumf>, %select_n3A_960, %reduce_max3A_961 [1] : vector<64x528xf32> to vector<64xf32>
      %broadcast_in_dim3A_963 = vector.shape_cast %reduce_max3A_962 : vector<64xf32> to vector<64x1xf32>
      %eq3A_964 = vector.broadcast %broadcast_in_dim3A_963 : vector<64x1xf32> to vector<64x528xf32>
      %eq3A_965 = arith.cmpf oeq, %select_n3A_960, %eq3A_964 : vector<64x528xf32>
      %broadcast_in_dim3A_966 = vector.broadcast %while3A : f32 to vector<64x528xf32>
      %select_n3A_967 = arith.select %eq3A_965, %concatenate3A_834, %broadcast_in_dim3A_966 : vector<64x528xi1>, vector<64x528xf32>
      %reduce_min3A_968 = arith.constant dense<0x7F800000> : vector<64xf32>
      %reduce_min3A_969 = vector.multi_reduction <minimumf>, %select_n3A_967, %reduce_min3A_968 [1] : vector<64x528xf32> to vector<64xf32>
      %broadcast_in_dim3A_970 = vector.shape_cast %reduce_min3A_969 : vector<64xf32> to vector<64x1xf32>
      %eq3A_971 = vector.broadcast %broadcast_in_dim3A_970 : vector<64x1xf32> to vector<64x528xf32>
      %eq3A_972 = arith.cmpf oeq, %concatenate3A_834, %eq3A_971 : vector<64x528xf32>
      %broadcast_in_dim3A_973 = vector.broadcast %while3A_85 : f32 to vector<64x528xf32>
      %select_n3A_974 = arith.select %eq3A_972, %broadcast_in_dim3A_973, %select_n3A_960 : vector<64x528xi1>, vector<64x528xf32>
      %reduce_max3A_975 = arith.constant dense<0xFF800000> : vector<64xf32>
      %reduce_max3A_976 = vector.multi_reduction <maximumf>, %select_n3A_974, %reduce_max3A_975 [1] : vector<64x528xf32> to vector<64xf32>
      %broadcast_in_dim3A_977 = vector.shape_cast %reduce_max3A_976 : vector<64xf32> to vector<64x1xf32>
      %eq3A_978 = vector.broadcast %broadcast_in_dim3A_977 : vector<64x1xf32> to vector<64x528xf32>
      %eq3A_979 = arith.cmpf oeq, %select_n3A_974, %eq3A_978 : vector<64x528xf32>
      %broadcast_in_dim3A_980 = vector.broadcast %while3A : f32 to vector<64x528xf32>
      %select_n3A_981 = arith.select %eq3A_979, %concatenate3A_834, %broadcast_in_dim3A_980 : vector<64x528xi1>, vector<64x528xf32>
      %reduce_min3A_982 = arith.constant dense<0x7F800000> : vector<64xf32>
      %reduce_min3A_983 = vector.multi_reduction <minimumf>, %select_n3A_981, %reduce_min3A_982 [1] : vector<64x528xf32> to vector<64xf32>
      %broadcast_in_dim3A_984 = vector.shape_cast %reduce_min3A_983 : vector<64xf32> to vector<64x1xf32>
      %eq3A_985 = vector.broadcast %broadcast_in_dim3A_984 : vector<64x1xf32> to vector<64x528xf32>
      %eq3A_986 = arith.cmpf oeq, %concatenate3A_834, %eq3A_985 : vector<64x528xf32>
      %broadcast_in_dim3A_987 = vector.broadcast %while3A_85 : f32 to vector<64x528xf32>
      %select_n3A_988 = arith.select %eq3A_986, %broadcast_in_dim3A_987, %select_n3A_974 : vector<64x528xi1>, vector<64x528xf32>
      %reduce_max3A_989 = arith.constant dense<0xFF800000> : vector<64xf32>
      %reduce_max3A_990 = vector.multi_reduction <maximumf>, %select_n3A_988, %reduce_max3A_989 [1] : vector<64x528xf32> to vector<64xf32>
      %broadcast_in_dim3A_991 = vector.shape_cast %reduce_max3A_990 : vector<64xf32> to vector<64x1xf32>
      %eq3A_992 = vector.broadcast %broadcast_in_dim3A_991 : vector<64x1xf32> to vector<64x528xf32>
      %eq3A_993 = arith.cmpf oeq, %select_n3A_988, %eq3A_992 : vector<64x528xf32>
      %broadcast_in_dim3A_994 = vector.broadcast %while3A : f32 to vector<64x528xf32>
      %select_n3A_995 = arith.select %eq3A_993, %concatenate3A_834, %broadcast_in_dim3A_994 : vector<64x528xi1>, vector<64x528xf32>
      %reduce_min3A_996 = arith.constant dense<0x7F800000> : vector<64xf32>
      %reduce_min3A_997 = vector.multi_reduction <minimumf>, %select_n3A_995, %reduce_min3A_996 [1] : vector<64x528xf32> to vector<64xf32>
      %broadcast_in_dim3A_998 = vector.shape_cast %reduce_min3A_997 : vector<64xf32> to vector<64x1xf32>
      %eq3A_999 = vector.broadcast %broadcast_in_dim3A_998 : vector<64x1xf32> to vector<64x528xf32>
      %eq3A_1000 = arith.cmpf oeq, %concatenate3A_834, %eq3A_999 : vector<64x528xf32>
      %broadcast_in_dim3A_1001 = vector.broadcast %while3A_85 : f32 to vector<64x528xf32>
      %select_n3A_1002 = arith.select %eq3A_1000, %broadcast_in_dim3A_1001, %select_n3A_988 : vector<64x528xi1>, vector<64x528xf32>
      %reduce_max3A_1003 = arith.constant dense<0xFF800000> : vector<64xf32>
      %reduce_max3A_1004 = vector.multi_reduction <maximumf>, %select_n3A_1002, %reduce_max3A_1003 [1] : vector<64x528xf32> to vector<64xf32>
      %broadcast_in_dim3A_1005 = vector.shape_cast %reduce_max3A_1004 : vector<64xf32> to vector<64x1xf32>
      %eq3A_1006 = vector.broadcast %broadcast_in_dim3A_1005 : vector<64x1xf32> to vector<64x528xf32>
      %eq3A_1007 = arith.cmpf oeq, %select_n3A_1002, %eq3A_1006 : vector<64x528xf32>
      %broadcast_in_dim3A_1008 = vector.broadcast %while3A : f32 to vector<64x528xf32>
      %select_n3A_1009 = arith.select %eq3A_1007, %concatenate3A_834, %broadcast_in_dim3A_1008 : vector<64x528xi1>, vector<64x528xf32>
      %reduce_min3A_1010 = arith.constant dense<0x7F800000> : vector<64xf32>
      %reduce_min3A_1011 = vector.multi_reduction <minimumf>, %select_n3A_1009, %reduce_min3A_1010 [1] : vector<64x528xf32> to vector<64xf32>
      %broadcast_in_dim3A_1012 = vector.shape_cast %reduce_min3A_1011 : vector<64xf32> to vector<64x1xf32>
      %eq3A_1013 = vector.broadcast %broadcast_in_dim3A_1012 : vector<64x1xf32> to vector<64x528xf32>
      %eq3A_1014 = arith.cmpf oeq, %concatenate3A_834, %eq3A_1013 : vector<64x528xf32>
      %broadcast_in_dim3A_1015 = vector.broadcast %while3A_85 : f32 to vector<64x528xf32>
      %select_n3A_1016 = arith.select %eq3A_1014, %broadcast_in_dim3A_1015, %select_n3A_1002 : vector<64x528xi1>, vector<64x528xf32>
      %reduce_max3A_1017 = arith.constant dense<0xFF800000> : vector<64xf32>
      %reduce_max3A_1018 = vector.multi_reduction <maximumf>, %select_n3A_1016, %reduce_max3A_1017 [1] : vector<64x528xf32> to vector<64xf32>
      %broadcast_in_dim3A_1019 = vector.shape_cast %reduce_max3A_1018 : vector<64xf32> to vector<64x1xf32>
      %eq3A_1020 = vector.broadcast %broadcast_in_dim3A_1019 : vector<64x1xf32> to vector<64x528xf32>
      %eq3A_1021 = arith.cmpf oeq, %select_n3A_1016, %eq3A_1020 : vector<64x528xf32>
      %broadcast_in_dim3A_1022 = vector.broadcast %while3A : f32 to vector<64x528xf32>
      %select_n3A_1023 = arith.select %eq3A_1021, %concatenate3A_834, %broadcast_in_dim3A_1022 : vector<64x528xi1>, vector<64x528xf32>
      %reduce_min3A_1024 = arith.constant dense<0x7F800000> : vector<64xf32>
      %reduce_min3A_1025 = vector.multi_reduction <minimumf>, %select_n3A_1023, %reduce_min3A_1024 [1] : vector<64x528xf32> to vector<64xf32>
      %broadcast_in_dim3A_1026 = vector.shape_cast %reduce_min3A_1025 : vector<64xf32> to vector<64x1xf32>
      %eq3A_1027 = vector.broadcast %broadcast_in_dim3A_1026 : vector<64x1xf32> to vector<64x528xf32>
      %eq3A_1028 = arith.cmpf oeq, %concatenate3A_834, %eq3A_1027 : vector<64x528xf32>
      %broadcast_in_dim3A_1029 = vector.broadcast %while3A_85 : f32 to vector<64x528xf32>
      %select_n3A_1030 = arith.select %eq3A_1028, %broadcast_in_dim3A_1029, %select_n3A_1016 : vector<64x528xi1>, vector<64x528xf32>
      %reduce_max3A_1031 = arith.constant dense<0xFF800000> : vector<64xf32>
      %reduce_max3A_1032 = vector.multi_reduction <maximumf>, %select_n3A_1030, %reduce_max3A_1031 [1] : vector<64x528xf32> to vector<64xf32>
      %broadcast_in_dim3A_1033 = vector.shape_cast %reduce_max3A_1032 : vector<64xf32> to vector<64x1xf32>
      %eq3A_1034 = vector.broadcast %broadcast_in_dim3A_1033 : vector<64x1xf32> to vector<64x528xf32>
      %eq3A_1035 = arith.cmpf oeq, %select_n3A_1030, %eq3A_1034 : vector<64x528xf32>
      %broadcast_in_dim3A_1036 = vector.broadcast %while3A : f32 to vector<64x528xf32>
      %select_n3A_1037 = arith.select %eq3A_1035, %concatenate3A_834, %broadcast_in_dim3A_1036 : vector<64x528xi1>, vector<64x528xf32>
      %reduce_min3A_1038 = arith.constant dense<0x7F800000> : vector<64xf32>
      %reduce_min3A_1039 = vector.multi_reduction <minimumf>, %select_n3A_1037, %reduce_min3A_1038 [1] : vector<64x528xf32> to vector<64xf32>
      %broadcast_in_dim3A_1040 = vector.shape_cast %reduce_min3A_1039 : vector<64xf32> to vector<64x1xf32>
      %eq3A_1041 = vector.broadcast %broadcast_in_dim3A_1040 : vector<64x1xf32> to vector<64x528xf32>
      %eq3A_1042 = arith.cmpf oeq, %concatenate3A_834, %eq3A_1041 : vector<64x528xf32>
      %broadcast_in_dim3A_1043 = vector.broadcast %while3A_85 : f32 to vector<64x528xf32>
      %select_n3A_1044 = arith.select %eq3A_1042, %broadcast_in_dim3A_1043, %select_n3A_1030 : vector<64x528xi1>, vector<64x528xf32>
      %reduce_max3A_1045 = arith.constant dense<0xFF800000> : vector<64xf32>
      %reduce_max3A_1046 = vector.multi_reduction <maximumf>, %select_n3A_1044, %reduce_max3A_1045 [1] : vector<64x528xf32> to vector<64xf32>
      %broadcast_in_dim3A_1047 = vector.shape_cast %reduce_max3A_1046 : vector<64xf32> to vector<64x1xf32>
      %eq3A_1048 = vector.broadcast %broadcast_in_dim3A_1047 : vector<64x1xf32> to vector<64x528xf32>
      %eq3A_1049 = arith.cmpf oeq, %select_n3A_1044, %eq3A_1048 : vector<64x528xf32>
      %broadcast_in_dim3A_1050 = vector.broadcast %while3A : f32 to vector<64x528xf32>
      %select_n3A_1051 = arith.select %eq3A_1049, %concatenate3A_834, %broadcast_in_dim3A_1050 : vector<64x528xi1>, vector<64x528xf32>
      %reduce_min3A_1052 = arith.constant dense<0x7F800000> : vector<64xf32>
      %reduce_min3A_1053 = vector.multi_reduction <minimumf>, %select_n3A_1051, %reduce_min3A_1052 [1] : vector<64x528xf32> to vector<64xf32>
      %broadcast_in_dim3A_1054 = vector.shape_cast %reduce_min3A_1053 : vector<64xf32> to vector<64x1xf32>
      %eq3A_1055 = vector.broadcast %broadcast_in_dim3A_1054 : vector<64x1xf32> to vector<64x528xf32>
      %eq3A_1056 = arith.cmpf oeq, %concatenate3A_834, %eq3A_1055 : vector<64x528xf32>
      %broadcast_in_dim3A_1057 = vector.broadcast %while3A_85 : f32 to vector<64x528xf32>
      %select_n3A_1058 = arith.select %eq3A_1056, %broadcast_in_dim3A_1057, %select_n3A_1044 : vector<64x528xi1>, vector<64x528xf32>
      %concatenate3A_1059 = tpu.concatenate %broadcast_in_dim3A_837, %broadcast_in_dim3A_851, %broadcast_in_dim3A_865, %broadcast_in_dim3A_879, %broadcast_in_dim3A_893, %broadcast_in_dim3A_907, %broadcast_in_dim3A_921, %broadcast_in_dim3A_935, %broadcast_in_dim3A_949, %broadcast_in_dim3A_963, %broadcast_in_dim3A_977, %broadcast_in_dim3A_991, %broadcast_in_dim3A_1005, %broadcast_in_dim3A_1019, %broadcast_in_dim3A_1033, %broadcast_in_dim3A_1047 in 1 : vector<64x1xf32>, vector<64x1xf32>, vector<64x1xf32>, vector<64x1xf32>, vector<64x1xf32>, vector<64x1xf32>, vector<64x1xf32>, vector<64x1xf32>, vector<64x1xf32>, vector<64x1xf32>, vector<64x1xf32>, vector<64x1xf32>, vector<64x1xf32>, vector<64x1xf32>, vector<64x1xf32>, vector<64x1xf32> -> vector<64x16xf32>
      %concatenate3A_1060 = tpu.concatenate %broadcast_in_dim3A_844, %broadcast_in_dim3A_858, %broadcast_in_dim3A_872, %broadcast_in_dim3A_886, %broadcast_in_dim3A_900, %broadcast_in_dim3A_914, %broadcast_in_dim3A_928, %broadcast_in_dim3A_942, %broadcast_in_dim3A_956, %broadcast_in_dim3A_970, %broadcast_in_dim3A_984, %broadcast_in_dim3A_998, %broadcast_in_dim3A_1012, %broadcast_in_dim3A_1026, %broadcast_in_dim3A_1040, %broadcast_in_dim3A_1054 in 1 : vector<64x1xf32>, vector<64x1xf32>, vector<64x1xf32>, vector<64x1xf32>, vector<64x1xf32>, vector<64x1xf32>, vector<64x1xf32>, vector<64x1xf32>, vector<64x1xf32>, vector<64x1xf32>, vector<64x1xf32>, vector<64x1xf32>, vector<64x1xf32>, vector<64x1xf32>, vector<64x1xf32>, vector<64x1xf32> -> vector<64x16xf32>
      %slice3A_1061 = vector.extract_strided_slice %select_n3A_132 {offsets = [256, 0], sizes = [64, 512], strides = [1, 1]} : vector<512x512xf32> to vector<64x512xf32>
      %slice3A_1062 = vector.extract_strided_slice %while3A_101 {offsets = [256, 0], sizes = [64, 16], strides = [1, 1]} : vector<512x16xf32> to vector<64x16xf32>
      %concatenate3A_1063 = tpu.concatenate %slice3A_1061, %slice3A_1062 in 1 : vector<64x512xf32>, vector<64x16xf32> -> vector<64x528xf32>
      %slice3A_1064 = vector.extract_strided_slice %convert_element_type3A_135 {offsets = [256, 0], sizes = [64, 512], strides = [1, 1]} : vector<512x512xf32> to vector<64x512xf32>
      %slice3A_1065 = vector.extract_strided_slice %while3A_102 {offsets = [256, 0], sizes = [64, 16], strides = [1, 1]} : vector<512x16xf32> to vector<64x16xf32>
      %concatenate3A_1066 = tpu.concatenate %slice3A_1064, %slice3A_1065 in 1 : vector<64x512xf32>, vector<64x16xf32> -> vector<64x528xf32>
      %reduce_max3A_1067 = arith.constant dense<0xFF800000> : vector<64xf32>
      %reduce_max3A_1068 = vector.multi_reduction <maximumf>, %concatenate3A_1063, %reduce_max3A_1067 [1] : vector<64x528xf32> to vector<64xf32>
      %broadcast_in_dim3A_1069 = vector.shape_cast %reduce_max3A_1068 : vector<64xf32> to vector<64x1xf32>
      %eq3A_1070 = vector.broadcast %broadcast_in_dim3A_1069 : vector<64x1xf32> to vector<64x528xf32>
      %eq3A_1071 = arith.cmpf oeq, %concatenate3A_1063, %eq3A_1070 : vector<64x528xf32>
      %broadcast_in_dim3A_1072 = vector.broadcast %while3A : f32 to vector<64x528xf32>
      %select_n3A_1073 = arith.select %eq3A_1071, %concatenate3A_1066, %broadcast_in_dim3A_1072 : vector<64x528xi1>, vector<64x528xf32>
      %reduce_min3A_1074 = arith.constant dense<0x7F800000> : vector<64xf32>
      %reduce_min3A_1075 = vector.multi_reduction <minimumf>, %select_n3A_1073, %reduce_min3A_1074 [1] : vector<64x528xf32> to vector<64xf32>
      %broadcast_in_dim3A_1076 = vector.shape_cast %reduce_min3A_1075 : vector<64xf32> to vector<64x1xf32>
      %eq3A_1077 = vector.broadcast %broadcast_in_dim3A_1076 : vector<64x1xf32> to vector<64x528xf32>
      %eq3A_1078 = arith.cmpf oeq, %concatenate3A_1066, %eq3A_1077 : vector<64x528xf32>
      %broadcast_in_dim3A_1079 = vector.broadcast %while3A_85 : f32 to vector<64x528xf32>
      %select_n3A_1080 = arith.select %eq3A_1078, %broadcast_in_dim3A_1079, %concatenate3A_1063 : vector<64x528xi1>, vector<64x528xf32>
      %reduce_max3A_1081 = arith.constant dense<0xFF800000> : vector<64xf32>
      %reduce_max3A_1082 = vector.multi_reduction <maximumf>, %select_n3A_1080, %reduce_max3A_1081 [1] : vector<64x528xf32> to vector<64xf32>
      %broadcast_in_dim3A_1083 = vector.shape_cast %reduce_max3A_1082 : vector<64xf32> to vector<64x1xf32>
      %eq3A_1084 = vector.broadcast %broadcast_in_dim3A_1083 : vector<64x1xf32> to vector<64x528xf32>
      %eq3A_1085 = arith.cmpf oeq, %select_n3A_1080, %eq3A_1084 : vector<64x528xf32>
      %broadcast_in_dim3A_1086 = vector.broadcast %while3A : f32 to vector<64x528xf32>
      %select_n3A_1087 = arith.select %eq3A_1085, %concatenate3A_1066, %broadcast_in_dim3A_1086 : vector<64x528xi1>, vector<64x528xf32>
      %reduce_min3A_1088 = arith.constant dense<0x7F800000> : vector<64xf32>
      %reduce_min3A_1089 = vector.multi_reduction <minimumf>, %select_n3A_1087, %reduce_min3A_1088 [1] : vector<64x528xf32> to vector<64xf32>
      %broadcast_in_dim3A_1090 = vector.shape_cast %reduce_min3A_1089 : vector<64xf32> to vector<64x1xf32>
      %eq3A_1091 = vector.broadcast %broadcast_in_dim3A_1090 : vector<64x1xf32> to vector<64x528xf32>
      %eq3A_1092 = arith.cmpf oeq, %concatenate3A_1066, %eq3A_1091 : vector<64x528xf32>
      %broadcast_in_dim3A_1093 = vector.broadcast %while3A_85 : f32 to vector<64x528xf32>
      %select_n3A_1094 = arith.select %eq3A_1092, %broadcast_in_dim3A_1093, %select_n3A_1080 : vector<64x528xi1>, vector<64x528xf32>
      %reduce_max3A_1095 = arith.constant dense<0xFF800000> : vector<64xf32>
      %reduce_max3A_1096 = vector.multi_reduction <maximumf>, %select_n3A_1094, %reduce_max3A_1095 [1] : vector<64x528xf32> to vector<64xf32>
      %broadcast_in_dim3A_1097 = vector.shape_cast %reduce_max3A_1096 : vector<64xf32> to vector<64x1xf32>
      %eq3A_1098 = vector.broadcast %broadcast_in_dim3A_1097 : vector<64x1xf32> to vector<64x528xf32>
      %eq3A_1099 = arith.cmpf oeq, %select_n3A_1094, %eq3A_1098 : vector<64x528xf32>
      %broadcast_in_dim3A_1100 = vector.broadcast %while3A : f32 to vector<64x528xf32>
      %select_n3A_1101 = arith.select %eq3A_1099, %concatenate3A_1066, %broadcast_in_dim3A_1100 : vector<64x528xi1>, vector<64x528xf32>
      %reduce_min3A_1102 = arith.constant dense<0x7F800000> : vector<64xf32>
      %reduce_min3A_1103 = vector.multi_reduction <minimumf>, %select_n3A_1101, %reduce_min3A_1102 [1] : vector<64x528xf32> to vector<64xf32>
      %broadcast_in_dim3A_1104 = vector.shape_cast %reduce_min3A_1103 : vector<64xf32> to vector<64x1xf32>
      %eq3A_1105 = vector.broadcast %broadcast_in_dim3A_1104 : vector<64x1xf32> to vector<64x528xf32>
      %eq3A_1106 = arith.cmpf oeq, %concatenate3A_1066, %eq3A_1105 : vector<64x528xf32>
      %broadcast_in_dim3A_1107 = vector.broadcast %while3A_85 : f32 to vector<64x528xf32>
      %select_n3A_1108 = arith.select %eq3A_1106, %broadcast_in_dim3A_1107, %select_n3A_1094 : vector<64x528xi1>, vector<64x528xf32>
      %reduce_max3A_1109 = arith.constant dense<0xFF800000> : vector<64xf32>
      %reduce_max3A_1110 = vector.multi_reduction <maximumf>, %select_n3A_1108, %reduce_max3A_1109 [1] : vector<64x528xf32> to vector<64xf32>
      %broadcast_in_dim3A_1111 = vector.shape_cast %reduce_max3A_1110 : vector<64xf32> to vector<64x1xf32>
      %eq3A_1112 = vector.broadcast %broadcast_in_dim3A_1111 : vector<64x1xf32> to vector<64x528xf32>
      %eq3A_1113 = arith.cmpf oeq, %select_n3A_1108, %eq3A_1112 : vector<64x528xf32>
      %broadcast_in_dim3A_1114 = vector.broadcast %while3A : f32 to vector<64x528xf32>
      %select_n3A_1115 = arith.select %eq3A_1113, %concatenate3A_1066, %broadcast_in_dim3A_1114 : vector<64x528xi1>, vector<64x528xf32>
      %reduce_min3A_1116 = arith.constant dense<0x7F800000> : vector<64xf32>
      %reduce_min3A_1117 = vector.multi_reduction <minimumf>, %select_n3A_1115, %reduce_min3A_1116 [1] : vector<64x528xf32> to vector<64xf32>
      %broadcast_in_dim3A_1118 = vector.shape_cast %reduce_min3A_1117 : vector<64xf32> to vector<64x1xf32>
      %eq3A_1119 = vector.broadcast %broadcast_in_dim3A_1118 : vector<64x1xf32> to vector<64x528xf32>
      %eq3A_1120 = arith.cmpf oeq, %concatenate3A_1066, %eq3A_1119 : vector<64x528xf32>
      %broadcast_in_dim3A_1121 = vector.broadcast %while3A_85 : f32 to vector<64x528xf32>
      %select_n3A_1122 = arith.select %eq3A_1120, %broadcast_in_dim3A_1121, %select_n3A_1108 : vector<64x528xi1>, vector<64x528xf32>
      %reduce_max3A_1123 = arith.constant dense<0xFF800000> : vector<64xf32>
      %reduce_max3A_1124 = vector.multi_reduction <maximumf>, %select_n3A_1122, %reduce_max3A_1123 [1] : vector<64x528xf32> to vector<64xf32>
      %broadcast_in_dim3A_1125 = vector.shape_cast %reduce_max3A_1124 : vector<64xf32> to vector<64x1xf32>
      %eq3A_1126 = vector.broadcast %broadcast_in_dim3A_1125 : vector<64x1xf32> to vector<64x528xf32>
      %eq3A_1127 = arith.cmpf oeq, %select_n3A_1122, %eq3A_1126 : vector<64x528xf32>
      %broadcast_in_dim3A_1128 = vector.broadcast %while3A : f32 to vector<64x528xf32>
      %select_n3A_1129 = arith.select %eq3A_1127, %concatenate3A_1066, %broadcast_in_dim3A_1128 : vector<64x528xi1>, vector<64x528xf32>
      %reduce_min3A_1130 = arith.constant dense<0x7F800000> : vector<64xf32>
      %reduce_min3A_1131 = vector.multi_reduction <minimumf>, %select_n3A_1129, %reduce_min3A_1130 [1] : vector<64x528xf32> to vector<64xf32>
      %broadcast_in_dim3A_1132 = vector.shape_cast %reduce_min3A_1131 : vector<64xf32> to vector<64x1xf32>
      %eq3A_1133 = vector.broadcast %broadcast_in_dim3A_1132 : vector<64x1xf32> to vector<64x528xf32>
      %eq3A_1134 = arith.cmpf oeq, %concatenate3A_1066, %eq3A_1133 : vector<64x528xf32>
      %broadcast_in_dim3A_1135 = vector.broadcast %while3A_85 : f32 to vector<64x528xf32>
      %select_n3A_1136 = arith.select %eq3A_1134, %broadcast_in_dim3A_1135, %select_n3A_1122 : vector<64x528xi1>, vector<64x528xf32>
      %reduce_max3A_1137 = arith.constant dense<0xFF800000> : vector<64xf32>
      %reduce_max3A_1138 = vector.multi_reduction <maximumf>, %select_n3A_1136, %reduce_max3A_1137 [1] : vector<64x528xf32> to vector<64xf32>
      %broadcast_in_dim3A_1139 = vector.shape_cast %reduce_max3A_1138 : vector<64xf32> to vector<64x1xf32>
      %eq3A_1140 = vector.broadcast %broadcast_in_dim3A_1139 : vector<64x1xf32> to vector<64x528xf32>
      %eq3A_1141 = arith.cmpf oeq, %select_n3A_1136, %eq3A_1140 : vector<64x528xf32>
      %broadcast_in_dim3A_1142 = vector.broadcast %while3A : f32 to vector<64x528xf32>
      %select_n3A_1143 = arith.select %eq3A_1141, %concatenate3A_1066, %broadcast_in_dim3A_1142 : vector<64x528xi1>, vector<64x528xf32>
      %reduce_min3A_1144 = arith.constant dense<0x7F800000> : vector<64xf32>
      %reduce_min3A_1145 = vector.multi_reduction <minimumf>, %select_n3A_1143, %reduce_min3A_1144 [1] : vector<64x528xf32> to vector<64xf32>
      %broadcast_in_dim3A_1146 = vector.shape_cast %reduce_min3A_1145 : vector<64xf32> to vector<64x1xf32>
      %eq3A_1147 = vector.broadcast %broadcast_in_dim3A_1146 : vector<64x1xf32> to vector<64x528xf32>
      %eq3A_1148 = arith.cmpf oeq, %concatenate3A_1066, %eq3A_1147 : vector<64x528xf32>
      %broadcast_in_dim3A_1149 = vector.broadcast %while3A_85 : f32 to vector<64x528xf32>
      %select_n3A_1150 = arith.select %eq3A_1148, %broadcast_in_dim3A_1149, %select_n3A_1136 : vector<64x528xi1>, vector<64x528xf32>
      %reduce_max3A_1151 = arith.constant dense<0xFF800000> : vector<64xf32>
      %reduce_max3A_1152 = vector.multi_reduction <maximumf>, %select_n3A_1150, %reduce_max3A_1151 [1] : vector<64x528xf32> to vector<64xf32>
      %broadcast_in_dim3A_1153 = vector.shape_cast %reduce_max3A_1152 : vector<64xf32> to vector<64x1xf32>
      %eq3A_1154 = vector.broadcast %broadcast_in_dim3A_1153 : vector<64x1xf32> to vector<64x528xf32>
      %eq3A_1155 = arith.cmpf oeq, %select_n3A_1150, %eq3A_1154 : vector<64x528xf32>
      %broadcast_in_dim3A_1156 = vector.broadcast %while3A : f32 to vector<64x528xf32>
      %select_n3A_1157 = arith.select %eq3A_1155, %concatenate3A_1066, %broadcast_in_dim3A_1156 : vector<64x528xi1>, vector<64x528xf32>
      %reduce_min3A_1158 = arith.constant dense<0x7F800000> : vector<64xf32>
      %reduce_min3A_1159 = vector.multi_reduction <minimumf>, %select_n3A_1157, %reduce_min3A_1158 [1] : vector<64x528xf32> to vector<64xf32>
      %broadcast_in_dim3A_1160 = vector.shape_cast %reduce_min3A_1159 : vector<64xf32> to vector<64x1xf32>
      %eq3A_1161 = vector.broadcast %broadcast_in_dim3A_1160 : vector<64x1xf32> to vector<64x528xf32>
      %eq3A_1162 = arith.cmpf oeq, %concatenate3A_1066, %eq3A_1161 : vector<64x528xf32>
      %broadcast_in_dim3A_1163 = vector.broadcast %while3A_85 : f32 to vector<64x528xf32>
      %select_n3A_1164 = arith.select %eq3A_1162, %broadcast_in_dim3A_1163, %select_n3A_1150 : vector<64x528xi1>, vector<64x528xf32>
      %reduce_max3A_1165 = arith.constant dense<0xFF800000> : vector<64xf32>
      %reduce_max3A_1166 = vector.multi_reduction <maximumf>, %select_n3A_1164, %reduce_max3A_1165 [1] : vector<64x528xf32> to vector<64xf32>
      %broadcast_in_dim3A_1167 = vector.shape_cast %reduce_max3A_1166 : vector<64xf32> to vector<64x1xf32>
      %eq3A_1168 = vector.broadcast %broadcast_in_dim3A_1167 : vector<64x1xf32> to vector<64x528xf32>
      %eq3A_1169 = arith.cmpf oeq, %select_n3A_1164, %eq3A_1168 : vector<64x528xf32>
      %broadcast_in_dim3A_1170 = vector.broadcast %while3A : f32 to vector<64x528xf32>
      %select_n3A_1171 = arith.select %eq3A_1169, %concatenate3A_1066, %broadcast_in_dim3A_1170 : vector<64x528xi1>, vector<64x528xf32>
      %reduce_min3A_1172 = arith.constant dense<0x7F800000> : vector<64xf32>
      %reduce_min3A_1173 = vector.multi_reduction <minimumf>, %select_n3A_1171, %reduce_min3A_1172 [1] : vector<64x528xf32> to vector<64xf32>
      %broadcast_in_dim3A_1174 = vector.shape_cast %reduce_min3A_1173 : vector<64xf32> to vector<64x1xf32>
      %eq3A_1175 = vector.broadcast %broadcast_in_dim3A_1174 : vector<64x1xf32> to vector<64x528xf32>
      %eq3A_1176 = arith.cmpf oeq, %concatenate3A_1066, %eq3A_1175 : vector<64x528xf32>
      %broadcast_in_dim3A_1177 = vector.broadcast %while3A_85 : f32 to vector<64x528xf32>
      %select_n3A_1178 = arith.select %eq3A_1176, %broadcast_in_dim3A_1177, %select_n3A_1164 : vector<64x528xi1>, vector<64x528xf32>
      %reduce_max3A_1179 = arith.constant dense<0xFF800000> : vector<64xf32>
      %reduce_max3A_1180 = vector.multi_reduction <maximumf>, %select_n3A_1178, %reduce_max3A_1179 [1] : vector<64x528xf32> to vector<64xf32>
      %broadcast_in_dim3A_1181 = vector.shape_cast %reduce_max3A_1180 : vector<64xf32> to vector<64x1xf32>
      %eq3A_1182 = vector.broadcast %broadcast_in_dim3A_1181 : vector<64x1xf32> to vector<64x528xf32>
      %eq3A_1183 = arith.cmpf oeq, %select_n3A_1178, %eq3A_1182 : vector<64x528xf32>
      %broadcast_in_dim3A_1184 = vector.broadcast %while3A : f32 to vector<64x528xf32>
      %select_n3A_1185 = arith.select %eq3A_1183, %concatenate3A_1066, %broadcast_in_dim3A_1184 : vector<64x528xi1>, vector<64x528xf32>
      %reduce_min3A_1186 = arith.constant dense<0x7F800000> : vector<64xf32>
      %reduce_min3A_1187 = vector.multi_reduction <minimumf>, %select_n3A_1185, %reduce_min3A_1186 [1] : vector<64x528xf32> to vector<64xf32>
      %broadcast_in_dim3A_1188 = vector.shape_cast %reduce_min3A_1187 : vector<64xf32> to vector<64x1xf32>
      %eq3A_1189 = vector.broadcast %broadcast_in_dim3A_1188 : vector<64x1xf32> to vector<64x528xf32>
      %eq3A_1190 = arith.cmpf oeq, %concatenate3A_1066, %eq3A_1189 : vector<64x528xf32>
      %broadcast_in_dim3A_1191 = vector.broadcast %while3A_85 : f32 to vector<64x528xf32>
      %select_n3A_1192 = arith.select %eq3A_1190, %broadcast_in_dim3A_1191, %select_n3A_1178 : vector<64x528xi1>, vector<64x528xf32>
      %reduce_max3A_1193 = arith.constant dense<0xFF800000> : vector<64xf32>
      %reduce_max3A_1194 = vector.multi_reduction <maximumf>, %select_n3A_1192, %reduce_max3A_1193 [1] : vector<64x528xf32> to vector<64xf32>
      %broadcast_in_dim3A_1195 = vector.shape_cast %reduce_max3A_1194 : vector<64xf32> to vector<64x1xf32>
      %eq3A_1196 = vector.broadcast %broadcast_in_dim3A_1195 : vector<64x1xf32> to vector<64x528xf32>
      %eq3A_1197 = arith.cmpf oeq, %select_n3A_1192, %eq3A_1196 : vector<64x528xf32>
      %broadcast_in_dim3A_1198 = vector.broadcast %while3A : f32 to vector<64x528xf32>
      %select_n3A_1199 = arith.select %eq3A_1197, %concatenate3A_1066, %broadcast_in_dim3A_1198 : vector<64x528xi1>, vector<64x528xf32>
      %reduce_min3A_1200 = arith.constant dense<0x7F800000> : vector<64xf32>
      %reduce_min3A_1201 = vector.multi_reduction <minimumf>, %select_n3A_1199, %reduce_min3A_1200 [1] : vector<64x528xf32> to vector<64xf32>
      %broadcast_in_dim3A_1202 = vector.shape_cast %reduce_min3A_1201 : vector<64xf32> to vector<64x1xf32>
      %eq3A_1203 = vector.broadcast %broadcast_in_dim3A_1202 : vector<64x1xf32> to vector<64x528xf32>
      %eq3A_1204 = arith.cmpf oeq, %concatenate3A_1066, %eq3A_1203 : vector<64x528xf32>
      %broadcast_in_dim3A_1205 = vector.broadcast %while3A_85 : f32 to vector<64x528xf32>
      %select_n3A_1206 = arith.select %eq3A_1204, %broadcast_in_dim3A_1205, %select_n3A_1192 : vector<64x528xi1>, vector<64x528xf32>
      %reduce_max3A_1207 = arith.constant dense<0xFF800000> : vector<64xf32>
      %reduce_max3A_1208 = vector.multi_reduction <maximumf>, %select_n3A_1206, %reduce_max3A_1207 [1] : vector<64x528xf32> to vector<64xf32>
      %broadcast_in_dim3A_1209 = vector.shape_cast %reduce_max3A_1208 : vector<64xf32> to vector<64x1xf32>
      %eq3A_1210 = vector.broadcast %broadcast_in_dim3A_1209 : vector<64x1xf32> to vector<64x528xf32>
      %eq3A_1211 = arith.cmpf oeq, %select_n3A_1206, %eq3A_1210 : vector<64x528xf32>
      %broadcast_in_dim3A_1212 = vector.broadcast %while3A : f32 to vector<64x528xf32>
      %select_n3A_1213 = arith.select %eq3A_1211, %concatenate3A_1066, %broadcast_in_dim3A_1212 : vector<64x528xi1>, vector<64x528xf32>
      %reduce_min3A_1214 = arith.constant dense<0x7F800000> : vector<64xf32>
      %reduce_min3A_1215 = vector.multi_reduction <minimumf>, %select_n3A_1213, %reduce_min3A_1214 [1] : vector<64x528xf32> to vector<64xf32>
      %broadcast_in_dim3A_1216 = vector.shape_cast %reduce_min3A_1215 : vector<64xf32> to vector<64x1xf32>
      %eq3A_1217 = vector.broadcast %broadcast_in_dim3A_1216 : vector<64x1xf32> to vector<64x528xf32>
      %eq3A_1218 = arith.cmpf oeq, %concatenate3A_1066, %eq3A_1217 : vector<64x528xf32>
      %broadcast_in_dim3A_1219 = vector.broadcast %while3A_85 : f32 to vector<64x528xf32>
      %select_n3A_1220 = arith.select %eq3A_1218, %broadcast_in_dim3A_1219, %select_n3A_1206 : vector<64x528xi1>, vector<64x528xf32>
      %reduce_max3A_1221 = arith.constant dense<0xFF800000> : vector<64xf32>
      %reduce_max3A_1222 = vector.multi_reduction <maximumf>, %select_n3A_1220, %reduce_max3A_1221 [1] : vector<64x528xf32> to vector<64xf32>
      %broadcast_in_dim3A_1223 = vector.shape_cast %reduce_max3A_1222 : vector<64xf32> to vector<64x1xf32>
      %eq3A_1224 = vector.broadcast %broadcast_in_dim3A_1223 : vector<64x1xf32> to vector<64x528xf32>
      %eq3A_1225 = arith.cmpf oeq, %select_n3A_1220, %eq3A_1224 : vector<64x528xf32>
      %broadcast_in_dim3A_1226 = vector.broadcast %while3A : f32 to vector<64x528xf32>
      %select_n3A_1227 = arith.select %eq3A_1225, %concatenate3A_1066, %broadcast_in_dim3A_1226 : vector<64x528xi1>, vector<64x528xf32>
      %reduce_min3A_1228 = arith.constant dense<0x7F800000> : vector<64xf32>
      %reduce_min3A_1229 = vector.multi_reduction <minimumf>, %select_n3A_1227, %reduce_min3A_1228 [1] : vector<64x528xf32> to vector<64xf32>
      %broadcast_in_dim3A_1230 = vector.shape_cast %reduce_min3A_1229 : vector<64xf32> to vector<64x1xf32>
      %eq3A_1231 = vector.broadcast %broadcast_in_dim3A_1230 : vector<64x1xf32> to vector<64x528xf32>
      %eq3A_1232 = arith.cmpf oeq, %concatenate3A_1066, %eq3A_1231 : vector<64x528xf32>
      %broadcast_in_dim3A_1233 = vector.broadcast %while3A_85 : f32 to vector<64x528xf32>
      %select_n3A_1234 = arith.select %eq3A_1232, %broadcast_in_dim3A_1233, %select_n3A_1220 : vector<64x528xi1>, vector<64x528xf32>
      %reduce_max3A_1235 = arith.constant dense<0xFF800000> : vector<64xf32>
      %reduce_max3A_1236 = vector.multi_reduction <maximumf>, %select_n3A_1234, %reduce_max3A_1235 [1] : vector<64x528xf32> to vector<64xf32>
      %broadcast_in_dim3A_1237 = vector.shape_cast %reduce_max3A_1236 : vector<64xf32> to vector<64x1xf32>
      %eq3A_1238 = vector.broadcast %broadcast_in_dim3A_1237 : vector<64x1xf32> to vector<64x528xf32>
      %eq3A_1239 = arith.cmpf oeq, %select_n3A_1234, %eq3A_1238 : vector<64x528xf32>
      %broadcast_in_dim3A_1240 = vector.broadcast %while3A : f32 to vector<64x528xf32>
      %select_n3A_1241 = arith.select %eq3A_1239, %concatenate3A_1066, %broadcast_in_dim3A_1240 : vector<64x528xi1>, vector<64x528xf32>
      %reduce_min3A_1242 = arith.constant dense<0x7F800000> : vector<64xf32>
      %reduce_min3A_1243 = vector.multi_reduction <minimumf>, %select_n3A_1241, %reduce_min3A_1242 [1] : vector<64x528xf32> to vector<64xf32>
      %broadcast_in_dim3A_1244 = vector.shape_cast %reduce_min3A_1243 : vector<64xf32> to vector<64x1xf32>
      %eq3A_1245 = vector.broadcast %broadcast_in_dim3A_1244 : vector<64x1xf32> to vector<64x528xf32>
      %eq3A_1246 = arith.cmpf oeq, %concatenate3A_1066, %eq3A_1245 : vector<64x528xf32>
      %broadcast_in_dim3A_1247 = vector.broadcast %while3A_85 : f32 to vector<64x528xf32>
      %select_n3A_1248 = arith.select %eq3A_1246, %broadcast_in_dim3A_1247, %select_n3A_1234 : vector<64x528xi1>, vector<64x528xf32>
      %reduce_max3A_1249 = arith.constant dense<0xFF800000> : vector<64xf32>
      %reduce_max3A_1250 = vector.multi_reduction <maximumf>, %select_n3A_1248, %reduce_max3A_1249 [1] : vector<64x528xf32> to vector<64xf32>
      %broadcast_in_dim3A_1251 = vector.shape_cast %reduce_max3A_1250 : vector<64xf32> to vector<64x1xf32>
      %eq3A_1252 = vector.broadcast %broadcast_in_dim3A_1251 : vector<64x1xf32> to vector<64x528xf32>
      %eq3A_1253 = arith.cmpf oeq, %select_n3A_1248, %eq3A_1252 : vector<64x528xf32>
      %broadcast_in_dim3A_1254 = vector.broadcast %while3A : f32 to vector<64x528xf32>
      %select_n3A_1255 = arith.select %eq3A_1253, %concatenate3A_1066, %broadcast_in_dim3A_1254 : vector<64x528xi1>, vector<64x528xf32>
      %reduce_min3A_1256 = arith.constant dense<0x7F800000> : vector<64xf32>
      %reduce_min3A_1257 = vector.multi_reduction <minimumf>, %select_n3A_1255, %reduce_min3A_1256 [1] : vector<64x528xf32> to vector<64xf32>
      %broadcast_in_dim3A_1258 = vector.shape_cast %reduce_min3A_1257 : vector<64xf32> to vector<64x1xf32>
      %eq3A_1259 = vector.broadcast %broadcast_in_dim3A_1258 : vector<64x1xf32> to vector<64x528xf32>
      %eq3A_1260 = arith.cmpf oeq, %concatenate3A_1066, %eq3A_1259 : vector<64x528xf32>
      %broadcast_in_dim3A_1261 = vector.broadcast %while3A_85 : f32 to vector<64x528xf32>
      %select_n3A_1262 = arith.select %eq3A_1260, %broadcast_in_dim3A_1261, %select_n3A_1248 : vector<64x528xi1>, vector<64x528xf32>
      %reduce_max3A_1263 = arith.constant dense<0xFF800000> : vector<64xf32>
      %reduce_max3A_1264 = vector.multi_reduction <maximumf>, %select_n3A_1262, %reduce_max3A_1263 [1] : vector<64x528xf32> to vector<64xf32>
      %broadcast_in_dim3A_1265 = vector.shape_cast %reduce_max3A_1264 : vector<64xf32> to vector<64x1xf32>
      %eq3A_1266 = vector.broadcast %broadcast_in_dim3A_1265 : vector<64x1xf32> to vector<64x528xf32>
      %eq3A_1267 = arith.cmpf oeq, %select_n3A_1262, %eq3A_1266 : vector<64x528xf32>
      %broadcast_in_dim3A_1268 = vector.broadcast %while3A : f32 to vector<64x528xf32>
      %select_n3A_1269 = arith.select %eq3A_1267, %concatenate3A_1066, %broadcast_in_dim3A_1268 : vector<64x528xi1>, vector<64x528xf32>
      %reduce_min3A_1270 = arith.constant dense<0x7F800000> : vector<64xf32>
      %reduce_min3A_1271 = vector.multi_reduction <minimumf>, %select_n3A_1269, %reduce_min3A_1270 [1] : vector<64x528xf32> to vector<64xf32>
      %broadcast_in_dim3A_1272 = vector.shape_cast %reduce_min3A_1271 : vector<64xf32> to vector<64x1xf32>
      %eq3A_1273 = vector.broadcast %broadcast_in_dim3A_1272 : vector<64x1xf32> to vector<64x528xf32>
      %eq3A_1274 = arith.cmpf oeq, %concatenate3A_1066, %eq3A_1273 : vector<64x528xf32>
      %broadcast_in_dim3A_1275 = vector.broadcast %while3A_85 : f32 to vector<64x528xf32>
      %select_n3A_1276 = arith.select %eq3A_1274, %broadcast_in_dim3A_1275, %select_n3A_1262 : vector<64x528xi1>, vector<64x528xf32>
      %reduce_max3A_1277 = arith.constant dense<0xFF800000> : vector<64xf32>
      %reduce_max3A_1278 = vector.multi_reduction <maximumf>, %select_n3A_1276, %reduce_max3A_1277 [1] : vector<64x528xf32> to vector<64xf32>
      %broadcast_in_dim3A_1279 = vector.shape_cast %reduce_max3A_1278 : vector<64xf32> to vector<64x1xf32>
      %eq3A_1280 = vector.broadcast %broadcast_in_dim3A_1279 : vector<64x1xf32> to vector<64x528xf32>
      %eq3A_1281 = arith.cmpf oeq, %select_n3A_1276, %eq3A_1280 : vector<64x528xf32>
      %broadcast_in_dim3A_1282 = vector.broadcast %while3A : f32 to vector<64x528xf32>
      %select_n3A_1283 = arith.select %eq3A_1281, %concatenate3A_1066, %broadcast_in_dim3A_1282 : vector<64x528xi1>, vector<64x528xf32>
      %reduce_min3A_1284 = arith.constant dense<0x7F800000> : vector<64xf32>
      %reduce_min3A_1285 = vector.multi_reduction <minimumf>, %select_n3A_1283, %reduce_min3A_1284 [1] : vector<64x528xf32> to vector<64xf32>
      %broadcast_in_dim3A_1286 = vector.shape_cast %reduce_min3A_1285 : vector<64xf32> to vector<64x1xf32>
      %eq3A_1287 = vector.broadcast %broadcast_in_dim3A_1286 : vector<64x1xf32> to vector<64x528xf32>
      %eq3A_1288 = arith.cmpf oeq, %concatenate3A_1066, %eq3A_1287 : vector<64x528xf32>
      %broadcast_in_dim3A_1289 = vector.broadcast %while3A_85 : f32 to vector<64x528xf32>
      %select_n3A_1290 = arith.select %eq3A_1288, %broadcast_in_dim3A_1289, %select_n3A_1276 : vector<64x528xi1>, vector<64x528xf32>
      %concatenate3A_1291 = tpu.concatenate %broadcast_in_dim3A_1069, %broadcast_in_dim3A_1083, %broadcast_in_dim3A_1097, %broadcast_in_dim3A_1111, %broadcast_in_dim3A_1125, %broadcast_in_dim3A_1139, %broadcast_in_dim3A_1153, %broadcast_in_dim3A_1167, %broadcast_in_dim3A_1181, %broadcast_in_dim3A_1195, %broadcast_in_dim3A_1209, %broadcast_in_dim3A_1223, %broadcast_in_dim3A_1237, %broadcast_in_dim3A_1251, %broadcast_in_dim3A_1265, %broadcast_in_dim3A_1279 in 1 : vector<64x1xf32>, vector<64x1xf32>, vector<64x1xf32>, vector<64x1xf32>, vector<64x1xf32>, vector<64x1xf32>, vector<64x1xf32>, vector<64x1xf32>, vector<64x1xf32>, vector<64x1xf32>, vector<64x1xf32>, vector<64x1xf32>, vector<64x1xf32>, vector<64x1xf32>, vector<64x1xf32>, vector<64x1xf32> -> vector<64x16xf32>
      %concatenate3A_1292 = tpu.concatenate %broadcast_in_dim3A_1076, %broadcast_in_dim3A_1090, %broadcast_in_dim3A_1104, %broadcast_in_dim3A_1118, %broadcast_in_dim3A_1132, %broadcast_in_dim3A_1146, %broadcast_in_dim3A_1160, %broadcast_in_dim3A_1174, %broadcast_in_dim3A_1188, %broadcast_in_dim3A_1202, %broadcast_in_dim3A_1216, %broadcast_in_dim3A_1230, %broadcast_in_dim3A_1244, %broadcast_in_dim3A_1258, %broadcast_in_dim3A_1272, %broadcast_in_dim3A_1286 in 1 : vector<64x1xf32>, vector<64x1xf32>, vector<64x1xf32>, vector<64x1xf32>, vector<64x1xf32>, vector<64x1xf32>, vector<64x1xf32>, vector<64x1xf32>, vector<64x1xf32>, vector<64x1xf32>, vector<64x1xf32>, vector<64x1xf32>, vector<64x1xf32>, vector<64x1xf32>, vector<64x1xf32>, vector<64x1xf32> -> vector<64x16xf32>
      %slice3A_1293 = vector.extract_strided_slice %select_n3A_132 {offsets = [320, 0], sizes = [64, 512], strides = [1, 1]} : vector<512x512xf32> to vector<64x512xf32>
      %slice3A_1294 = vector.extract_strided_slice %while3A_101 {offsets = [320, 0], sizes = [64, 16], strides = [1, 1]} : vector<512x16xf32> to vector<64x16xf32>
      %concatenate3A_1295 = tpu.concatenate %slice3A_1293, %slice3A_1294 in 1 : vector<64x512xf32>, vector<64x16xf32> -> vector<64x528xf32>
      %slice3A_1296 = vector.extract_strided_slice %convert_element_type3A_135 {offsets = [320, 0], sizes = [64, 512], strides = [1, 1]} : vector<512x512xf32> to vector<64x512xf32>
      %slice3A_1297 = vector.extract_strided_slice %while3A_102 {offsets = [320, 0], sizes = [64, 16], strides = [1, 1]} : vector<512x16xf32> to vector<64x16xf32>
      %concatenate3A_1298 = tpu.concatenate %slice3A_1296, %slice3A_1297 in 1 : vector<64x512xf32>, vector<64x16xf32> -> vector<64x528xf32>
      %reduce_max3A_1299 = arith.constant dense<0xFF800000> : vector<64xf32>
      %reduce_max3A_1300 = vector.multi_reduction <maximumf>, %concatenate3A_1295, %reduce_max3A_1299 [1] : vector<64x528xf32> to vector<64xf32>
      %broadcast_in_dim3A_1301 = vector.shape_cast %reduce_max3A_1300 : vector<64xf32> to vector<64x1xf32>
      %eq3A_1302 = vector.broadcast %broadcast_in_dim3A_1301 : vector<64x1xf32> to vector<64x528xf32>
      %eq3A_1303 = arith.cmpf oeq, %concatenate3A_1295, %eq3A_1302 : vector<64x528xf32>
      %broadcast_in_dim3A_1304 = vector.broadcast %while3A : f32 to vector<64x528xf32>
      %select_n3A_1305 = arith.select %eq3A_1303, %concatenate3A_1298, %broadcast_in_dim3A_1304 : vector<64x528xi1>, vector<64x528xf32>
      %reduce_min3A_1306 = arith.constant dense<0x7F800000> : vector<64xf32>
      %reduce_min3A_1307 = vector.multi_reduction <minimumf>, %select_n3A_1305, %reduce_min3A_1306 [1] : vector<64x528xf32> to vector<64xf32>
      %broadcast_in_dim3A_1308 = vector.shape_cast %reduce_min3A_1307 : vector<64xf32> to vector<64x1xf32>
      %eq3A_1309 = vector.broadcast %broadcast_in_dim3A_1308 : vector<64x1xf32> to vector<64x528xf32>
      %eq3A_1310 = arith.cmpf oeq, %concatenate3A_1298, %eq3A_1309 : vector<64x528xf32>
      %broadcast_in_dim3A_1311 = vector.broadcast %while3A_85 : f32 to vector<64x528xf32>
      %select_n3A_1312 = arith.select %eq3A_1310, %broadcast_in_dim3A_1311, %concatenate3A_1295 : vector<64x528xi1>, vector<64x528xf32>
      %reduce_max3A_1313 = arith.constant dense<0xFF800000> : vector<64xf32>
      %reduce_max3A_1314 = vector.multi_reduction <maximumf>, %select_n3A_1312, %reduce_max3A_1313 [1] : vector<64x528xf32> to vector<64xf32>
      %broadcast_in_dim3A_1315 = vector.shape_cast %reduce_max3A_1314 : vector<64xf32> to vector<64x1xf32>
      %eq3A_1316 = vector.broadcast %broadcast_in_dim3A_1315 : vector<64x1xf32> to vector<64x528xf32>
      %eq3A_1317 = arith.cmpf oeq, %select_n3A_1312, %eq3A_1316 : vector<64x528xf32>
      %broadcast_in_dim3A_1318 = vector.broadcast %while3A : f32 to vector<64x528xf32>
      %select_n3A_1319 = arith.select %eq3A_1317, %concatenate3A_1298, %broadcast_in_dim3A_1318 : vector<64x528xi1>, vector<64x528xf32>
      %reduce_min3A_1320 = arith.constant dense<0x7F800000> : vector<64xf32>
      %reduce_min3A_1321 = vector.multi_reduction <minimumf>, %select_n3A_1319, %reduce_min3A_1320 [1] : vector<64x528xf32> to vector<64xf32>
      %broadcast_in_dim3A_1322 = vector.shape_cast %reduce_min3A_1321 : vector<64xf32> to vector<64x1xf32>
      %eq3A_1323 = vector.broadcast %broadcast_in_dim3A_1322 : vector<64x1xf32> to vector<64x528xf32>
      %eq3A_1324 = arith.cmpf oeq, %concatenate3A_1298, %eq3A_1323 : vector<64x528xf32>
      %broadcast_in_dim3A_1325 = vector.broadcast %while3A_85 : f32 to vector<64x528xf32>
      %select_n3A_1326 = arith.select %eq3A_1324, %broadcast_in_dim3A_1325, %select_n3A_1312 : vector<64x528xi1>, vector<64x528xf32>
      %reduce_max3A_1327 = arith.constant dense<0xFF800000> : vector<64xf32>
      %reduce_max3A_1328 = vector.multi_reduction <maximumf>, %select_n3A_1326, %reduce_max3A_1327 [1] : vector<64x528xf32> to vector<64xf32>
      %broadcast_in_dim3A_1329 = vector.shape_cast %reduce_max3A_1328 : vector<64xf32> to vector<64x1xf32>
      %eq3A_1330 = vector.broadcast %broadcast_in_dim3A_1329 : vector<64x1xf32> to vector<64x528xf32>
      %eq3A_1331 = arith.cmpf oeq, %select_n3A_1326, %eq3A_1330 : vector<64x528xf32>
      %broadcast_in_dim3A_1332 = vector.broadcast %while3A : f32 to vector<64x528xf32>
      %select_n3A_1333 = arith.select %eq3A_1331, %concatenate3A_1298, %broadcast_in_dim3A_1332 : vector<64x528xi1>, vector<64x528xf32>
      %reduce_min3A_1334 = arith.constant dense<0x7F800000> : vector<64xf32>
      %reduce_min3A_1335 = vector.multi_reduction <minimumf>, %select_n3A_1333, %reduce_min3A_1334 [1] : vector<64x528xf32> to vector<64xf32>
      %broadcast_in_dim3A_1336 = vector.shape_cast %reduce_min3A_1335 : vector<64xf32> to vector<64x1xf32>
      %eq3A_1337 = vector.broadcast %broadcast_in_dim3A_1336 : vector<64x1xf32> to vector<64x528xf32>
      %eq3A_1338 = arith.cmpf oeq, %concatenate3A_1298, %eq3A_1337 : vector<64x528xf32>
      %broadcast_in_dim3A_1339 = vector.broadcast %while3A_85 : f32 to vector<64x528xf32>
      %select_n3A_1340 = arith.select %eq3A_1338, %broadcast_in_dim3A_1339, %select_n3A_1326 : vector<64x528xi1>, vector<64x528xf32>
      %reduce_max3A_1341 = arith.constant dense<0xFF800000> : vector<64xf32>
      %reduce_max3A_1342 = vector.multi_reduction <maximumf>, %select_n3A_1340, %reduce_max3A_1341 [1] : vector<64x528xf32> to vector<64xf32>
      %broadcast_in_dim3A_1343 = vector.shape_cast %reduce_max3A_1342 : vector<64xf32> to vector<64x1xf32>
      %eq3A_1344 = vector.broadcast %broadcast_in_dim3A_1343 : vector<64x1xf32> to vector<64x528xf32>
      %eq3A_1345 = arith.cmpf oeq, %select_n3A_1340, %eq3A_1344 : vector<64x528xf32>
      %broadcast_in_dim3A_1346 = vector.broadcast %while3A : f32 to vector<64x528xf32>
      %select_n3A_1347 = arith.select %eq3A_1345, %concatenate3A_1298, %broadcast_in_dim3A_1346 : vector<64x528xi1>, vector<64x528xf32>
      %reduce_min3A_1348 = arith.constant dense<0x7F800000> : vector<64xf32>
      %reduce_min3A_1349 = vector.multi_reduction <minimumf>, %select_n3A_1347, %reduce_min3A_1348 [1] : vector<64x528xf32> to vector<64xf32>
      %broadcast_in_dim3A_1350 = vector.shape_cast %reduce_min3A_1349 : vector<64xf32> to vector<64x1xf32>
      %eq3A_1351 = vector.broadcast %broadcast_in_dim3A_1350 : vector<64x1xf32> to vector<64x528xf32>
      %eq3A_1352 = arith.cmpf oeq, %concatenate3A_1298, %eq3A_1351 : vector<64x528xf32>
      %broadcast_in_dim3A_1353 = vector.broadcast %while3A_85 : f32 to vector<64x528xf32>
      %select_n3A_1354 = arith.select %eq3A_1352, %broadcast_in_dim3A_1353, %select_n3A_1340 : vector<64x528xi1>, vector<64x528xf32>
      %reduce_max3A_1355 = arith.constant dense<0xFF800000> : vector<64xf32>
      %reduce_max3A_1356 = vector.multi_reduction <maximumf>, %select_n3A_1354, %reduce_max3A_1355 [1] : vector<64x528xf32> to vector<64xf32>
      %broadcast_in_dim3A_1357 = vector.shape_cast %reduce_max3A_1356 : vector<64xf32> to vector<64x1xf32>
      %eq3A_1358 = vector.broadcast %broadcast_in_dim3A_1357 : vector<64x1xf32> to vector<64x528xf32>
      %eq3A_1359 = arith.cmpf oeq, %select_n3A_1354, %eq3A_1358 : vector<64x528xf32>
      %broadcast_in_dim3A_1360 = vector.broadcast %while3A : f32 to vector<64x528xf32>
      %select_n3A_1361 = arith.select %eq3A_1359, %concatenate3A_1298, %broadcast_in_dim3A_1360 : vector<64x528xi1>, vector<64x528xf32>
      %reduce_min3A_1362 = arith.constant dense<0x7F800000> : vector<64xf32>
      %reduce_min3A_1363 = vector.multi_reduction <minimumf>, %select_n3A_1361, %reduce_min3A_1362 [1] : vector<64x528xf32> to vector<64xf32>
      %broadcast_in_dim3A_1364 = vector.shape_cast %reduce_min3A_1363 : vector<64xf32> to vector<64x1xf32>
      %eq3A_1365 = vector.broadcast %broadcast_in_dim3A_1364 : vector<64x1xf32> to vector<64x528xf32>
      %eq3A_1366 = arith.cmpf oeq, %concatenate3A_1298, %eq3A_1365 : vector<64x528xf32>
      %broadcast_in_dim3A_1367 = vector.broadcast %while3A_85 : f32 to vector<64x528xf32>
      %select_n3A_1368 = arith.select %eq3A_1366, %broadcast_in_dim3A_1367, %select_n3A_1354 : vector<64x528xi1>, vector<64x528xf32>
      %reduce_max3A_1369 = arith.constant dense<0xFF800000> : vector<64xf32>
      %reduce_max3A_1370 = vector.multi_reduction <maximumf>, %select_n3A_1368, %reduce_max3A_1369 [1] : vector<64x528xf32> to vector<64xf32>
      %broadcast_in_dim3A_1371 = vector.shape_cast %reduce_max3A_1370 : vector<64xf32> to vector<64x1xf32>
      %eq3A_1372 = vector.broadcast %broadcast_in_dim3A_1371 : vector<64x1xf32> to vector<64x528xf32>
      %eq3A_1373 = arith.cmpf oeq, %select_n3A_1368, %eq3A_1372 : vector<64x528xf32>
      %broadcast_in_dim3A_1374 = vector.broadcast %while3A : f32 to vector<64x528xf32>
      %select_n3A_1375 = arith.select %eq3A_1373, %concatenate3A_1298, %broadcast_in_dim3A_1374 : vector<64x528xi1>, vector<64x528xf32>
      %reduce_min3A_1376 = arith.constant dense<0x7F800000> : vector<64xf32>
      %reduce_min3A_1377 = vector.multi_reduction <minimumf>, %select_n3A_1375, %reduce_min3A_1376 [1] : vector<64x528xf32> to vector<64xf32>
      %broadcast_in_dim3A_1378 = vector.shape_cast %reduce_min3A_1377 : vector<64xf32> to vector<64x1xf32>
      %eq3A_1379 = vector.broadcast %broadcast_in_dim3A_1378 : vector<64x1xf32> to vector<64x528xf32>
      %eq3A_1380 = arith.cmpf oeq, %concatenate3A_1298, %eq3A_1379 : vector<64x528xf32>
      %broadcast_in_dim3A_1381 = vector.broadcast %while3A_85 : f32 to vector<64x528xf32>
      %select_n3A_1382 = arith.select %eq3A_1380, %broadcast_in_dim3A_1381, %select_n3A_1368 : vector<64x528xi1>, vector<64x528xf32>
      %reduce_max3A_1383 = arith.constant dense<0xFF800000> : vector<64xf32>
      %reduce_max3A_1384 = vector.multi_reduction <maximumf>, %select_n3A_1382, %reduce_max3A_1383 [1] : vector<64x528xf32> to vector<64xf32>
      %broadcast_in_dim3A_1385 = vector.shape_cast %reduce_max3A_1384 : vector<64xf32> to vector<64x1xf32>
      %eq3A_1386 = vector.broadcast %broadcast_in_dim3A_1385 : vector<64x1xf32> to vector<64x528xf32>
      %eq3A_1387 = arith.cmpf oeq, %select_n3A_1382, %eq3A_1386 : vector<64x528xf32>
      %broadcast_in_dim3A_1388 = vector.broadcast %while3A : f32 to vector<64x528xf32>
      %select_n3A_1389 = arith.select %eq3A_1387, %concatenate3A_1298, %broadcast_in_dim3A_1388 : vector<64x528xi1>, vector<64x528xf32>
      %reduce_min3A_1390 = arith.constant dense<0x7F800000> : vector<64xf32>
      %reduce_min3A_1391 = vector.multi_reduction <minimumf>, %select_n3A_1389, %reduce_min3A_1390 [1] : vector<64x528xf32> to vector<64xf32>
      %broadcast_in_dim3A_1392 = vector.shape_cast %reduce_min3A_1391 : vector<64xf32> to vector<64x1xf32>
      %eq3A_1393 = vector.broadcast %broadcast_in_dim3A_1392 : vector<64x1xf32> to vector<64x528xf32>
      %eq3A_1394 = arith.cmpf oeq, %concatenate3A_1298, %eq3A_1393 : vector<64x528xf32>
      %broadcast_in_dim3A_1395 = vector.broadcast %while3A_85 : f32 to vector<64x528xf32>
      %select_n3A_1396 = arith.select %eq3A_1394, %broadcast_in_dim3A_1395, %select_n3A_1382 : vector<64x528xi1>, vector<64x528xf32>
      %reduce_max3A_1397 = arith.constant dense<0xFF800000> : vector<64xf32>
      %reduce_max3A_1398 = vector.multi_reduction <maximumf>, %select_n3A_1396, %reduce_max3A_1397 [1] : vector<64x528xf32> to vector<64xf32>
      %broadcast_in_dim3A_1399 = vector.shape_cast %reduce_max3A_1398 : vector<64xf32> to vector<64x1xf32>
      %eq3A_1400 = vector.broadcast %broadcast_in_dim3A_1399 : vector<64x1xf32> to vector<64x528xf32>
      %eq3A_1401 = arith.cmpf oeq, %select_n3A_1396, %eq3A_1400 : vector<64x528xf32>
      %broadcast_in_dim3A_1402 = vector.broadcast %while3A : f32 to vector<64x528xf32>
      %select_n3A_1403 = arith.select %eq3A_1401, %concatenate3A_1298, %broadcast_in_dim3A_1402 : vector<64x528xi1>, vector<64x528xf32>
      %reduce_min3A_1404 = arith.constant dense<0x7F800000> : vector<64xf32>
      %reduce_min3A_1405 = vector.multi_reduction <minimumf>, %select_n3A_1403, %reduce_min3A_1404 [1] : vector<64x528xf32> to vector<64xf32>
      %broadcast_in_dim3A_1406 = vector.shape_cast %reduce_min3A_1405 : vector<64xf32> to vector<64x1xf32>
      %eq3A_1407 = vector.broadcast %broadcast_in_dim3A_1406 : vector<64x1xf32> to vector<64x528xf32>
      %eq3A_1408 = arith.cmpf oeq, %concatenate3A_1298, %eq3A_1407 : vector<64x528xf32>
      %broadcast_in_dim3A_1409 = vector.broadcast %while3A_85 : f32 to vector<64x528xf32>
      %select_n3A_1410 = arith.select %eq3A_1408, %broadcast_in_dim3A_1409, %select_n3A_1396 : vector<64x528xi1>, vector<64x528xf32>
      %reduce_max3A_1411 = arith.constant dense<0xFF800000> : vector<64xf32>
      %reduce_max3A_1412 = vector.multi_reduction <maximumf>, %select_n3A_1410, %reduce_max3A_1411 [1] : vector<64x528xf32> to vector<64xf32>
      %broadcast_in_dim3A_1413 = vector.shape_cast %reduce_max3A_1412 : vector<64xf32> to vector<64x1xf32>
      %eq3A_1414 = vector.broadcast %broadcast_in_dim3A_1413 : vector<64x1xf32> to vector<64x528xf32>
      %eq3A_1415 = arith.cmpf oeq, %select_n3A_1410, %eq3A_1414 : vector<64x528xf32>
      %broadcast_in_dim3A_1416 = vector.broadcast %while3A : f32 to vector<64x528xf32>
      %select_n3A_1417 = arith.select %eq3A_1415, %concatenate3A_1298, %broadcast_in_dim3A_1416 : vector<64x528xi1>, vector<64x528xf32>
      %reduce_min3A_1418 = arith.constant dense<0x7F800000> : vector<64xf32>
      %reduce_min3A_1419 = vector.multi_reduction <minimumf>, %select_n3A_1417, %reduce_min3A_1418 [1] : vector<64x528xf32> to vector<64xf32>
      %broadcast_in_dim3A_1420 = vector.shape_cast %reduce_min3A_1419 : vector<64xf32> to vector<64x1xf32>
      %eq3A_1421 = vector.broadcast %broadcast_in_dim3A_1420 : vector<64x1xf32> to vector<64x528xf32>
      %eq3A_1422 = arith.cmpf oeq, %concatenate3A_1298, %eq3A_1421 : vector<64x528xf32>
      %broadcast_in_dim3A_1423 = vector.broadcast %while3A_85 : f32 to vector<64x528xf32>
      %select_n3A_1424 = arith.select %eq3A_1422, %broadcast_in_dim3A_1423, %select_n3A_1410 : vector<64x528xi1>, vector<64x528xf32>
      %reduce_max3A_1425 = arith.constant dense<0xFF800000> : vector<64xf32>
      %reduce_max3A_1426 = vector.multi_reduction <maximumf>, %select_n3A_1424, %reduce_max3A_1425 [1] : vector<64x528xf32> to vector<64xf32>
      %broadcast_in_dim3A_1427 = vector.shape_cast %reduce_max3A_1426 : vector<64xf32> to vector<64x1xf32>
      %eq3A_1428 = vector.broadcast %broadcast_in_dim3A_1427 : vector<64x1xf32> to vector<64x528xf32>
      %eq3A_1429 = arith.cmpf oeq, %select_n3A_1424, %eq3A_1428 : vector<64x528xf32>
      %broadcast_in_dim3A_1430 = vector.broadcast %while3A : f32 to vector<64x528xf32>
      %select_n3A_1431 = arith.select %eq3A_1429, %concatenate3A_1298, %broadcast_in_dim3A_1430 : vector<64x528xi1>, vector<64x528xf32>
      %reduce_min3A_1432 = arith.constant dense<0x7F800000> : vector<64xf32>
      %reduce_min3A_1433 = vector.multi_reduction <minimumf>, %select_n3A_1431, %reduce_min3A_1432 [1] : vector<64x528xf32> to vector<64xf32>
      %broadcast_in_dim3A_1434 = vector.shape_cast %reduce_min3A_1433 : vector<64xf32> to vector<64x1xf32>
      %eq3A_1435 = vector.broadcast %broadcast_in_dim3A_1434 : vector<64x1xf32> to vector<64x528xf32>
      %eq3A_1436 = arith.cmpf oeq, %concatenate3A_1298, %eq3A_1435 : vector<64x528xf32>
      %broadcast_in_dim3A_1437 = vector.broadcast %while3A_85 : f32 to vector<64x528xf32>
      %select_n3A_1438 = arith.select %eq3A_1436, %broadcast_in_dim3A_1437, %select_n3A_1424 : vector<64x528xi1>, vector<64x528xf32>
      %reduce_max3A_1439 = arith.constant dense<0xFF800000> : vector<64xf32>
      %reduce_max3A_1440 = vector.multi_reduction <maximumf>, %select_n3A_1438, %reduce_max3A_1439 [1] : vector<64x528xf32> to vector<64xf32>
      %broadcast_in_dim3A_1441 = vector.shape_cast %reduce_max3A_1440 : vector<64xf32> to vector<64x1xf32>
      %eq3A_1442 = vector.broadcast %broadcast_in_dim3A_1441 : vector<64x1xf32> to vector<64x528xf32>
      %eq3A_1443 = arith.cmpf oeq, %select_n3A_1438, %eq3A_1442 : vector<64x528xf32>
      %broadcast_in_dim3A_1444 = vector.broadcast %while3A : f32 to vector<64x528xf32>
      %select_n3A_1445 = arith.select %eq3A_1443, %concatenate3A_1298, %broadcast_in_dim3A_1444 : vector<64x528xi1>, vector<64x528xf32>
      %reduce_min3A_1446 = arith.constant dense<0x7F800000> : vector<64xf32>
      %reduce_min3A_1447 = vector.multi_reduction <minimumf>, %select_n3A_1445, %reduce_min3A_1446 [1] : vector<64x528xf32> to vector<64xf32>
      %broadcast_in_dim3A_1448 = vector.shape_cast %reduce_min3A_1447 : vector<64xf32> to vector<64x1xf32>
      %eq3A_1449 = vector.broadcast %broadcast_in_dim3A_1448 : vector<64x1xf32> to vector<64x528xf32>
      %eq3A_1450 = arith.cmpf oeq, %concatenate3A_1298, %eq3A_1449 : vector<64x528xf32>
      %broadcast_in_dim3A_1451 = vector.broadcast %while3A_85 : f32 to vector<64x528xf32>
      %select_n3A_1452 = arith.select %eq3A_1450, %broadcast_in_dim3A_1451, %select_n3A_1438 : vector<64x528xi1>, vector<64x528xf32>
      %reduce_max3A_1453 = arith.constant dense<0xFF800000> : vector<64xf32>
      %reduce_max3A_1454 = vector.multi_reduction <maximumf>, %select_n3A_1452, %reduce_max3A_1453 [1] : vector<64x528xf32> to vector<64xf32>
      %broadcast_in_dim3A_1455 = vector.shape_cast %reduce_max3A_1454 : vector<64xf32> to vector<64x1xf32>
      %eq3A_1456 = vector.broadcast %broadcast_in_dim3A_1455 : vector<64x1xf32> to vector<64x528xf32>
      %eq3A_1457 = arith.cmpf oeq, %select_n3A_1452, %eq3A_1456 : vector<64x528xf32>
      %broadcast_in_dim3A_1458 = vector.broadcast %while3A : f32 to vector<64x528xf32>
      %select_n3A_1459 = arith.select %eq3A_1457, %concatenate3A_1298, %broadcast_in_dim3A_1458 : vector<64x528xi1>, vector<64x528xf32>
      %reduce_min3A_1460 = arith.constant dense<0x7F800000> : vector<64xf32>
      %reduce_min3A_1461 = vector.multi_reduction <minimumf>, %select_n3A_1459, %reduce_min3A_1460 [1] : vector<64x528xf32> to vector<64xf32>
      %broadcast_in_dim3A_1462 = vector.shape_cast %reduce_min3A_1461 : vector<64xf32> to vector<64x1xf32>
      %eq3A_1463 = vector.broadcast %broadcast_in_dim3A_1462 : vector<64x1xf32> to vector<64x528xf32>
      %eq3A_1464 = arith.cmpf oeq, %concatenate3A_1298, %eq3A_1463 : vector<64x528xf32>
      %broadcast_in_dim3A_1465 = vector.broadcast %while3A_85 : f32 to vector<64x528xf32>
      %select_n3A_1466 = arith.select %eq3A_1464, %broadcast_in_dim3A_1465, %select_n3A_1452 : vector<64x528xi1>, vector<64x528xf32>
      %reduce_max3A_1467 = arith.constant dense<0xFF800000> : vector<64xf32>
      %reduce_max3A_1468 = vector.multi_reduction <maximumf>, %select_n3A_1466, %reduce_max3A_1467 [1] : vector<64x528xf32> to vector<64xf32>
      %broadcast_in_dim3A_1469 = vector.shape_cast %reduce_max3A_1468 : vector<64xf32> to vector<64x1xf32>
      %eq3A_1470 = vector.broadcast %broadcast_in_dim3A_1469 : vector<64x1xf32> to vector<64x528xf32>
      %eq3A_1471 = arith.cmpf oeq, %select_n3A_1466, %eq3A_1470 : vector<64x528xf32>
      %broadcast_in_dim3A_1472 = vector.broadcast %while3A : f32 to vector<64x528xf32>
      %select_n3A_1473 = arith.select %eq3A_1471, %concatenate3A_1298, %broadcast_in_dim3A_1472 : vector<64x528xi1>, vector<64x528xf32>
      %reduce_min3A_1474 = arith.constant dense<0x7F800000> : vector<64xf32>
      %reduce_min3A_1475 = vector.multi_reduction <minimumf>, %select_n3A_1473, %reduce_min3A_1474 [1] : vector<64x528xf32> to vector<64xf32>
      %broadcast_in_dim3A_1476 = vector.shape_cast %reduce_min3A_1475 : vector<64xf32> to vector<64x1xf32>
      %eq3A_1477 = vector.broadcast %broadcast_in_dim3A_1476 : vector<64x1xf32> to vector<64x528xf32>
      %eq3A_1478 = arith.cmpf oeq, %concatenate3A_1298, %eq3A_1477 : vector<64x528xf32>
      %broadcast_in_dim3A_1479 = vector.broadcast %while3A_85 : f32 to vector<64x528xf32>
      %select_n3A_1480 = arith.select %eq3A_1478, %broadcast_in_dim3A_1479, %select_n3A_1466 : vector<64x528xi1>, vector<64x528xf32>
      %reduce_max3A_1481 = arith.constant dense<0xFF800000> : vector<64xf32>
      %reduce_max3A_1482 = vector.multi_reduction <maximumf>, %select_n3A_1480, %reduce_max3A_1481 [1] : vector<64x528xf32> to vector<64xf32>
      %broadcast_in_dim3A_1483 = vector.shape_cast %reduce_max3A_1482 : vector<64xf32> to vector<64x1xf32>
      %eq3A_1484 = vector.broadcast %broadcast_in_dim3A_1483 : vector<64x1xf32> to vector<64x528xf32>
      %eq3A_1485 = arith.cmpf oeq, %select_n3A_1480, %eq3A_1484 : vector<64x528xf32>
      %broadcast_in_dim3A_1486 = vector.broadcast %while3A : f32 to vector<64x528xf32>
      %select_n3A_1487 = arith.select %eq3A_1485, %concatenate3A_1298, %broadcast_in_dim3A_1486 : vector<64x528xi1>, vector<64x528xf32>
      %reduce_min3A_1488 = arith.constant dense<0x7F800000> : vector<64xf32>
      %reduce_min3A_1489 = vector.multi_reduction <minimumf>, %select_n3A_1487, %reduce_min3A_1488 [1] : vector<64x528xf32> to vector<64xf32>
      %broadcast_in_dim3A_1490 = vector.shape_cast %reduce_min3A_1489 : vector<64xf32> to vector<64x1xf32>
      %eq3A_1491 = vector.broadcast %broadcast_in_dim3A_1490 : vector<64x1xf32> to vector<64x528xf32>
      %eq3A_1492 = arith.cmpf oeq, %concatenate3A_1298, %eq3A_1491 : vector<64x528xf32>
      %broadcast_in_dim3A_1493 = vector.broadcast %while3A_85 : f32 to vector<64x528xf32>
      %select_n3A_1494 = arith.select %eq3A_1492, %broadcast_in_dim3A_1493, %select_n3A_1480 : vector<64x528xi1>, vector<64x528xf32>
      %reduce_max3A_1495 = arith.constant dense<0xFF800000> : vector<64xf32>
      %reduce_max3A_1496 = vector.multi_reduction <maximumf>, %select_n3A_1494, %reduce_max3A_1495 [1] : vector<64x528xf32> to vector<64xf32>
      %broadcast_in_dim3A_1497 = vector.shape_cast %reduce_max3A_1496 : vector<64xf32> to vector<64x1xf32>
      %eq3A_1498 = vector.broadcast %broadcast_in_dim3A_1497 : vector<64x1xf32> to vector<64x528xf32>
      %eq3A_1499 = arith.cmpf oeq, %select_n3A_1494, %eq3A_1498 : vector<64x528xf32>
      %broadcast_in_dim3A_1500 = vector.broadcast %while3A : f32 to vector<64x528xf32>
      %select_n3A_1501 = arith.select %eq3A_1499, %concatenate3A_1298, %broadcast_in_dim3A_1500 : vector<64x528xi1>, vector<64x528xf32>
      %reduce_min3A_1502 = arith.constant dense<0x7F800000> : vector<64xf32>
      %reduce_min3A_1503 = vector.multi_reduction <minimumf>, %select_n3A_1501, %reduce_min3A_1502 [1] : vector<64x528xf32> to vector<64xf32>
      %broadcast_in_dim3A_1504 = vector.shape_cast %reduce_min3A_1503 : vector<64xf32> to vector<64x1xf32>
      %eq3A_1505 = vector.broadcast %broadcast_in_dim3A_1504 : vector<64x1xf32> to vector<64x528xf32>
      %eq3A_1506 = arith.cmpf oeq, %concatenate3A_1298, %eq3A_1505 : vector<64x528xf32>
      %broadcast_in_dim3A_1507 = vector.broadcast %while3A_85 : f32 to vector<64x528xf32>
      %select_n3A_1508 = arith.select %eq3A_1506, %broadcast_in_dim3A_1507, %select_n3A_1494 : vector<64x528xi1>, vector<64x528xf32>
      %reduce_max3A_1509 = arith.constant dense<0xFF800000> : vector<64xf32>
      %reduce_max3A_1510 = vector.multi_reduction <maximumf>, %select_n3A_1508, %reduce_max3A_1509 [1] : vector<64x528xf32> to vector<64xf32>
      %broadcast_in_dim3A_1511 = vector.shape_cast %reduce_max3A_1510 : vector<64xf32> to vector<64x1xf32>
      %eq3A_1512 = vector.broadcast %broadcast_in_dim3A_1511 : vector<64x1xf32> to vector<64x528xf32>
      %eq3A_1513 = arith.cmpf oeq, %select_n3A_1508, %eq3A_1512 : vector<64x528xf32>
      %broadcast_in_dim3A_1514 = vector.broadcast %while3A : f32 to vector<64x528xf32>
      %select_n3A_1515 = arith.select %eq3A_1513, %concatenate3A_1298, %broadcast_in_dim3A_1514 : vector<64x528xi1>, vector<64x528xf32>
      %reduce_min3A_1516 = arith.constant dense<0x7F800000> : vector<64xf32>
      %reduce_min3A_1517 = vector.multi_reduction <minimumf>, %select_n3A_1515, %reduce_min3A_1516 [1] : vector<64x528xf32> to vector<64xf32>
      %broadcast_in_dim3A_1518 = vector.shape_cast %reduce_min3A_1517 : vector<64xf32> to vector<64x1xf32>
      %eq3A_1519 = vector.broadcast %broadcast_in_dim3A_1518 : vector<64x1xf32> to vector<64x528xf32>
      %eq3A_1520 = arith.cmpf oeq, %concatenate3A_1298, %eq3A_1519 : vector<64x528xf32>
      %broadcast_in_dim3A_1521 = vector.broadcast %while3A_85 : f32 to vector<64x528xf32>
      %select_n3A_1522 = arith.select %eq3A_1520, %broadcast_in_dim3A_1521, %select_n3A_1508 : vector<64x528xi1>, vector<64x528xf32>
      %concatenate3A_1523 = tpu.concatenate %broadcast_in_dim3A_1301, %broadcast_in_dim3A_1315, %broadcast_in_dim3A_1329, %broadcast_in_dim3A_1343, %broadcast_in_dim3A_1357, %broadcast_in_dim3A_1371, %broadcast_in_dim3A_1385, %broadcast_in_dim3A_1399, %broadcast_in_dim3A_1413, %broadcast_in_dim3A_1427, %broadcast_in_dim3A_1441, %broadcast_in_dim3A_1455, %broadcast_in_dim3A_1469, %broadcast_in_dim3A_1483, %broadcast_in_dim3A_1497, %broadcast_in_dim3A_1511 in 1 : vector<64x1xf32>, vector<64x1xf32>, vector<64x1xf32>, vector<64x1xf32>, vector<64x1xf32>, vector<64x1xf32>, vector<64x1xf32>, vector<64x1xf32>, vector<64x1xf32>, vector<64x1xf32>, vector<64x1xf32>, vector<64x1xf32>, vector<64x1xf32>, vector<64x1xf32>, vector<64x1xf32>, vector<64x1xf32> -> vector<64x16xf32>
      %concatenate3A_1524 = tpu.concatenate %broadcast_in_dim3A_1308, %broadcast_in_dim3A_1322, %broadcast_in_dim3A_1336, %broadcast_in_dim3A_1350, %broadcast_in_dim3A_1364, %broadcast_in_dim3A_1378, %broadcast_in_dim3A_1392, %broadcast_in_dim3A_1406, %broadcast_in_dim3A_1420, %broadcast_in_dim3A_1434, %broadcast_in_dim3A_1448, %broadcast_in_dim3A_1462, %broadcast_in_dim3A_1476, %broadcast_in_dim3A_1490, %broadcast_in_dim3A_1504, %broadcast_in_dim3A_1518 in 1 : vector<64x1xf32>, vector<64x1xf32>, vector<64x1xf32>, vector<64x1xf32>, vector<64x1xf32>, vector<64x1xf32>, vector<64x1xf32>, vector<64x1xf32>, vector<64x1xf32>, vector<64x1xf32>, vector<64x1xf32>, vector<64x1xf32>, vector<64x1xf32>, vector<64x1xf32>, vector<64x1xf32>, vector<64x1xf32> -> vector<64x16xf32>
      %slice3A_1525 = vector.extract_strided_slice %select_n3A_132 {offsets = [384, 0], sizes = [64, 512], strides = [1, 1]} : vector<512x512xf32> to vector<64x512xf32>
      %slice3A_1526 = vector.extract_strided_slice %while3A_101 {offsets = [384, 0], sizes = [64, 16], strides = [1, 1]} : vector<512x16xf32> to vector<64x16xf32>
      %concatenate3A_1527 = tpu.concatenate %slice3A_1525, %slice3A_1526 in 1 : vector<64x512xf32>, vector<64x16xf32> -> vector<64x528xf32>
      %slice3A_1528 = vector.extract_strided_slice %convert_element_type3A_135 {offsets = [384, 0], sizes = [64, 512], strides = [1, 1]} : vector<512x512xf32> to vector<64x512xf32>
      %slice3A_1529 = vector.extract_strided_slice %while3A_102 {offsets = [384, 0], sizes = [64, 16], strides = [1, 1]} : vector<512x16xf32> to vector<64x16xf32>
      %concatenate3A_1530 = tpu.concatenate %slice3A_1528, %slice3A_1529 in 1 : vector<64x512xf32>, vector<64x16xf32> -> vector<64x528xf32>
      %reduce_max3A_1531 = arith.constant dense<0xFF800000> : vector<64xf32>
      %reduce_max3A_1532 = vector.multi_reduction <maximumf>, %concatenate3A_1527, %reduce_max3A_1531 [1] : vector<64x528xf32> to vector<64xf32>
      %broadcast_in_dim3A_1533 = vector.shape_cast %reduce_max3A_1532 : vector<64xf32> to vector<64x1xf32>
      %eq3A_1534 = vector.broadcast %broadcast_in_dim3A_1533 : vector<64x1xf32> to vector<64x528xf32>
      %eq3A_1535 = arith.cmpf oeq, %concatenate3A_1527, %eq3A_1534 : vector<64x528xf32>
      %broadcast_in_dim3A_1536 = vector.broadcast %while3A : f32 to vector<64x528xf32>
      %select_n3A_1537 = arith.select %eq3A_1535, %concatenate3A_1530, %broadcast_in_dim3A_1536 : vector<64x528xi1>, vector<64x528xf32>
      %reduce_min3A_1538 = arith.constant dense<0x7F800000> : vector<64xf32>
      %reduce_min3A_1539 = vector.multi_reduction <minimumf>, %select_n3A_1537, %reduce_min3A_1538 [1] : vector<64x528xf32> to vector<64xf32>
      %broadcast_in_dim3A_1540 = vector.shape_cast %reduce_min3A_1539 : vector<64xf32> to vector<64x1xf32>
      %eq3A_1541 = vector.broadcast %broadcast_in_dim3A_1540 : vector<64x1xf32> to vector<64x528xf32>
      %eq3A_1542 = arith.cmpf oeq, %concatenate3A_1530, %eq3A_1541 : vector<64x528xf32>
      %broadcast_in_dim3A_1543 = vector.broadcast %while3A_85 : f32 to vector<64x528xf32>
      %select_n3A_1544 = arith.select %eq3A_1542, %broadcast_in_dim3A_1543, %concatenate3A_1527 : vector<64x528xi1>, vector<64x528xf32>
      %reduce_max3A_1545 = arith.constant dense<0xFF800000> : vector<64xf32>
      %reduce_max3A_1546 = vector.multi_reduction <maximumf>, %select_n3A_1544, %reduce_max3A_1545 [1] : vector<64x528xf32> to vector<64xf32>
      %broadcast_in_dim3A_1547 = vector.shape_cast %reduce_max3A_1546 : vector<64xf32> to vector<64x1xf32>
      %eq3A_1548 = vector.broadcast %broadcast_in_dim3A_1547 : vector<64x1xf32> to vector<64x528xf32>
      %eq3A_1549 = arith.cmpf oeq, %select_n3A_1544, %eq3A_1548 : vector<64x528xf32>
      %broadcast_in_dim3A_1550 = vector.broadcast %while3A : f32 to vector<64x528xf32>
      %select_n3A_1551 = arith.select %eq3A_1549, %concatenate3A_1530, %broadcast_in_dim3A_1550 : vector<64x528xi1>, vector<64x528xf32>
      %reduce_min3A_1552 = arith.constant dense<0x7F800000> : vector<64xf32>
      %reduce_min3A_1553 = vector.multi_reduction <minimumf>, %select_n3A_1551, %reduce_min3A_1552 [1] : vector<64x528xf32> to vector<64xf32>
      %broadcast_in_dim3A_1554 = vector.shape_cast %reduce_min3A_1553 : vector<64xf32> to vector<64x1xf32>
      %eq3A_1555 = vector.broadcast %broadcast_in_dim3A_1554 : vector<64x1xf32> to vector<64x528xf32>
      %eq3A_1556 = arith.cmpf oeq, %concatenate3A_1530, %eq3A_1555 : vector<64x528xf32>
      %broadcast_in_dim3A_1557 = vector.broadcast %while3A_85 : f32 to vector<64x528xf32>
      %select_n3A_1558 = arith.select %eq3A_1556, %broadcast_in_dim3A_1557, %select_n3A_1544 : vector<64x528xi1>, vector<64x528xf32>
      %reduce_max3A_1559 = arith.constant dense<0xFF800000> : vector<64xf32>
      %reduce_max3A_1560 = vector.multi_reduction <maximumf>, %select_n3A_1558, %reduce_max3A_1559 [1] : vector<64x528xf32> to vector<64xf32>
      %broadcast_in_dim3A_1561 = vector.shape_cast %reduce_max3A_1560 : vector<64xf32> to vector<64x1xf32>
      %eq3A_1562 = vector.broadcast %broadcast_in_dim3A_1561 : vector<64x1xf32> to vector<64x528xf32>
      %eq3A_1563 = arith.cmpf oeq, %select_n3A_1558, %eq3A_1562 : vector<64x528xf32>
      %broadcast_in_dim3A_1564 = vector.broadcast %while3A : f32 to vector<64x528xf32>
      %select_n3A_1565 = arith.select %eq3A_1563, %concatenate3A_1530, %broadcast_in_dim3A_1564 : vector<64x528xi1>, vector<64x528xf32>
      %reduce_min3A_1566 = arith.constant dense<0x7F800000> : vector<64xf32>
      %reduce_min3A_1567 = vector.multi_reduction <minimumf>, %select_n3A_1565, %reduce_min3A_1566 [1] : vector<64x528xf32> to vector<64xf32>
      %broadcast_in_dim3A_1568 = vector.shape_cast %reduce_min3A_1567 : vector<64xf32> to vector<64x1xf32>
      %eq3A_1569 = vector.broadcast %broadcast_in_dim3A_1568 : vector<64x1xf32> to vector<64x528xf32>
      %eq3A_1570 = arith.cmpf oeq, %concatenate3A_1530, %eq3A_1569 : vector<64x528xf32>
      %broadcast_in_dim3A_1571 = vector.broadcast %while3A_85 : f32 to vector<64x528xf32>
      %select_n3A_1572 = arith.select %eq3A_1570, %broadcast_in_dim3A_1571, %select_n3A_1558 : vector<64x528xi1>, vector<64x528xf32>
      %reduce_max3A_1573 = arith.constant dense<0xFF800000> : vector<64xf32>
      %reduce_max3A_1574 = vector.multi_reduction <maximumf>, %select_n3A_1572, %reduce_max3A_1573 [1] : vector<64x528xf32> to vector<64xf32>
      %broadcast_in_dim3A_1575 = vector.shape_cast %reduce_max3A_1574 : vector<64xf32> to vector<64x1xf32>
      %eq3A_1576 = vector.broadcast %broadcast_in_dim3A_1575 : vector<64x1xf32> to vector<64x528xf32>
      %eq3A_1577 = arith.cmpf oeq, %select_n3A_1572, %eq3A_1576 : vector<64x528xf32>
      %broadcast_in_dim3A_1578 = vector.broadcast %while3A : f32 to vector<64x528xf32>
      %select_n3A_1579 = arith.select %eq3A_1577, %concatenate3A_1530, %broadcast_in_dim3A_1578 : vector<64x528xi1>, vector<64x528xf32>
      %reduce_min3A_1580 = arith.constant dense<0x7F800000> : vector<64xf32>
      %reduce_min3A_1581 = vector.multi_reduction <minimumf>, %select_n3A_1579, %reduce_min3A_1580 [1] : vector<64x528xf32> to vector<64xf32>
      %broadcast_in_dim3A_1582 = vector.shape_cast %reduce_min3A_1581 : vector<64xf32> to vector<64x1xf32>
      %eq3A_1583 = vector.broadcast %broadcast_in_dim3A_1582 : vector<64x1xf32> to vector<64x528xf32>
      %eq3A_1584 = arith.cmpf oeq, %concatenate3A_1530, %eq3A_1583 : vector<64x528xf32>
      %broadcast_in_dim3A_1585 = vector.broadcast %while3A_85 : f32 to vector<64x528xf32>
      %select_n3A_1586 = arith.select %eq3A_1584, %broadcast_in_dim3A_1585, %select_n3A_1572 : vector<64x528xi1>, vector<64x528xf32>
      %reduce_max3A_1587 = arith.constant dense<0xFF800000> : vector<64xf32>
      %reduce_max3A_1588 = vector.multi_reduction <maximumf>, %select_n3A_1586, %reduce_max3A_1587 [1] : vector<64x528xf32> to vector<64xf32>
      %broadcast_in_dim3A_1589 = vector.shape_cast %reduce_max3A_1588 : vector<64xf32> to vector<64x1xf32>
      %eq3A_1590 = vector.broadcast %broadcast_in_dim3A_1589 : vector<64x1xf32> to vector<64x528xf32>
      %eq3A_1591 = arith.cmpf oeq, %select_n3A_1586, %eq3A_1590 : vector<64x528xf32>
      %broadcast_in_dim3A_1592 = vector.broadcast %while3A : f32 to vector<64x528xf32>
      %select_n3A_1593 = arith.select %eq3A_1591, %concatenate3A_1530, %broadcast_in_dim3A_1592 : vector<64x528xi1>, vector<64x528xf32>
      %reduce_min3A_1594 = arith.constant dense<0x7F800000> : vector<64xf32>
      %reduce_min3A_1595 = vector.multi_reduction <minimumf>, %select_n3A_1593, %reduce_min3A_1594 [1] : vector<64x528xf32> to vector<64xf32>
      %broadcast_in_dim3A_1596 = vector.shape_cast %reduce_min3A_1595 : vector<64xf32> to vector<64x1xf32>
      %eq3A_1597 = vector.broadcast %broadcast_in_dim3A_1596 : vector<64x1xf32> to vector<64x528xf32>
      %eq3A_1598 = arith.cmpf oeq, %concatenate3A_1530, %eq3A_1597 : vector<64x528xf32>
      %broadcast_in_dim3A_1599 = vector.broadcast %while3A_85 : f32 to vector<64x528xf32>
      %select_n3A_1600 = arith.select %eq3A_1598, %broadcast_in_dim3A_1599, %select_n3A_1586 : vector<64x528xi1>, vector<64x528xf32>
      %reduce_max3A_1601 = arith.constant dense<0xFF800000> : vector<64xf32>
      %reduce_max3A_1602 = vector.multi_reduction <maximumf>, %select_n3A_1600, %reduce_max3A_1601 [1] : vector<64x528xf32> to vector<64xf32>
      %broadcast_in_dim3A_1603 = vector.shape_cast %reduce_max3A_1602 : vector<64xf32> to vector<64x1xf32>
      %eq3A_1604 = vector.broadcast %broadcast_in_dim3A_1603 : vector<64x1xf32> to vector<64x528xf32>
      %eq3A_1605 = arith.cmpf oeq, %select_n3A_1600, %eq3A_1604 : vector<64x528xf32>
      %broadcast_in_dim3A_1606 = vector.broadcast %while3A : f32 to vector<64x528xf32>
      %select_n3A_1607 = arith.select %eq3A_1605, %concatenate3A_1530, %broadcast_in_dim3A_1606 : vector<64x528xi1>, vector<64x528xf32>
      %reduce_min3A_1608 = arith.constant dense<0x7F800000> : vector<64xf32>
      %reduce_min3A_1609 = vector.multi_reduction <minimumf>, %select_n3A_1607, %reduce_min3A_1608 [1] : vector<64x528xf32> to vector<64xf32>
      %broadcast_in_dim3A_1610 = vector.shape_cast %reduce_min3A_1609 : vector<64xf32> to vector<64x1xf32>
      %eq3A_1611 = vector.broadcast %broadcast_in_dim3A_1610 : vector<64x1xf32> to vector<64x528xf32>
      %eq3A_1612 = arith.cmpf oeq, %concatenate3A_1530, %eq3A_1611 : vector<64x528xf32>
      %broadcast_in_dim3A_1613 = vector.broadcast %while3A_85 : f32 to vector<64x528xf32>
      %select_n3A_1614 = arith.select %eq3A_1612, %broadcast_in_dim3A_1613, %select_n3A_1600 : vector<64x528xi1>, vector<64x528xf32>
      %reduce_max3A_1615 = arith.constant dense<0xFF800000> : vector<64xf32>
      %reduce_max3A_1616 = vector.multi_reduction <maximumf>, %select_n3A_1614, %reduce_max3A_1615 [1] : vector<64x528xf32> to vector<64xf32>
      %broadcast_in_dim3A_1617 = vector.shape_cast %reduce_max3A_1616 : vector<64xf32> to vector<64x1xf32>
      %eq3A_1618 = vector.broadcast %broadcast_in_dim3A_1617 : vector<64x1xf32> to vector<64x528xf32>
      %eq3A_1619 = arith.cmpf oeq, %select_n3A_1614, %eq3A_1618 : vector<64x528xf32>
      %broadcast_in_dim3A_1620 = vector.broadcast %while3A : f32 to vector<64x528xf32>
      %select_n3A_1621 = arith.select %eq3A_1619, %concatenate3A_1530, %broadcast_in_dim3A_1620 : vector<64x528xi1>, vector<64x528xf32>
      %reduce_min3A_1622 = arith.constant dense<0x7F800000> : vector<64xf32>
      %reduce_min3A_1623 = vector.multi_reduction <minimumf>, %select_n3A_1621, %reduce_min3A_1622 [1] : vector<64x528xf32> to vector<64xf32>
      %broadcast_in_dim3A_1624 = vector.shape_cast %reduce_min3A_1623 : vector<64xf32> to vector<64x1xf32>
      %eq3A_1625 = vector.broadcast %broadcast_in_dim3A_1624 : vector<64x1xf32> to vector<64x528xf32>
      %eq3A_1626 = arith.cmpf oeq, %concatenate3A_1530, %eq3A_1625 : vector<64x528xf32>
      %broadcast_in_dim3A_1627 = vector.broadcast %while3A_85 : f32 to vector<64x528xf32>
      %select_n3A_1628 = arith.select %eq3A_1626, %broadcast_in_dim3A_1627, %select_n3A_1614 : vector<64x528xi1>, vector<64x528xf32>
      %reduce_max3A_1629 = arith.constant dense<0xFF800000> : vector<64xf32>
      %reduce_max3A_1630 = vector.multi_reduction <maximumf>, %select_n3A_1628, %reduce_max3A_1629 [1] : vector<64x528xf32> to vector<64xf32>
      %broadcast_in_dim3A_1631 = vector.shape_cast %reduce_max3A_1630 : vector<64xf32> to vector<64x1xf32>
      %eq3A_1632 = vector.broadcast %broadcast_in_dim3A_1631 : vector<64x1xf32> to vector<64x528xf32>
      %eq3A_1633 = arith.cmpf oeq, %select_n3A_1628, %eq3A_1632 : vector<64x528xf32>
      %broadcast_in_dim3A_1634 = vector.broadcast %while3A : f32 to vector<64x528xf32>
      %select_n3A_1635 = arith.select %eq3A_1633, %concatenate3A_1530, %broadcast_in_dim3A_1634 : vector<64x528xi1>, vector<64x528xf32>
      %reduce_min3A_1636 = arith.constant dense<0x7F800000> : vector<64xf32>
      %reduce_min3A_1637 = vector.multi_reduction <minimumf>, %select_n3A_1635, %reduce_min3A_1636 [1] : vector<64x528xf32> to vector<64xf32>
      %broadcast_in_dim3A_1638 = vector.shape_cast %reduce_min3A_1637 : vector<64xf32> to vector<64x1xf32>
      %eq3A_1639 = vector.broadcast %broadcast_in_dim3A_1638 : vector<64x1xf32> to vector<64x528xf32>
      %eq3A_1640 = arith.cmpf oeq, %concatenate3A_1530, %eq3A_1639 : vector<64x528xf32>
      %broadcast_in_dim3A_1641 = vector.broadcast %while3A_85 : f32 to vector<64x528xf32>
      %select_n3A_1642 = arith.select %eq3A_1640, %broadcast_in_dim3A_1641, %select_n3A_1628 : vector<64x528xi1>, vector<64x528xf32>
      %reduce_max3A_1643 = arith.constant dense<0xFF800000> : vector<64xf32>
      %reduce_max3A_1644 = vector.multi_reduction <maximumf>, %select_n3A_1642, %reduce_max3A_1643 [1] : vector<64x528xf32> to vector<64xf32>
      %broadcast_in_dim3A_1645 = vector.shape_cast %reduce_max3A_1644 : vector<64xf32> to vector<64x1xf32>
      %eq3A_1646 = vector.broadcast %broadcast_in_dim3A_1645 : vector<64x1xf32> to vector<64x528xf32>
      %eq3A_1647 = arith.cmpf oeq, %select_n3A_1642, %eq3A_1646 : vector<64x528xf32>
      %broadcast_in_dim3A_1648 = vector.broadcast %while3A : f32 to vector<64x528xf32>
      %select_n3A_1649 = arith.select %eq3A_1647, %concatenate3A_1530, %broadcast_in_dim3A_1648 : vector<64x528xi1>, vector<64x528xf32>
      %reduce_min3A_1650 = arith.constant dense<0x7F800000> : vector<64xf32>
      %reduce_min3A_1651 = vector.multi_reduction <minimumf>, %select_n3A_1649, %reduce_min3A_1650 [1] : vector<64x528xf32> to vector<64xf32>
      %broadcast_in_dim3A_1652 = vector.shape_cast %reduce_min3A_1651 : vector<64xf32> to vector<64x1xf32>
      %eq3A_1653 = vector.broadcast %broadcast_in_dim3A_1652 : vector<64x1xf32> to vector<64x528xf32>
      %eq3A_1654 = arith.cmpf oeq, %concatenate3A_1530, %eq3A_1653 : vector<64x528xf32>
      %broadcast_in_dim3A_1655 = vector.broadcast %while3A_85 : f32 to vector<64x528xf32>
      %select_n3A_1656 = arith.select %eq3A_1654, %broadcast_in_dim3A_1655, %select_n3A_1642 : vector<64x528xi1>, vector<64x528xf32>
      %reduce_max3A_1657 = arith.constant dense<0xFF800000> : vector<64xf32>
      %reduce_max3A_1658 = vector.multi_reduction <maximumf>, %select_n3A_1656, %reduce_max3A_1657 [1] : vector<64x528xf32> to vector<64xf32>
      %broadcast_in_dim3A_1659 = vector.shape_cast %reduce_max3A_1658 : vector<64xf32> to vector<64x1xf32>
      %eq3A_1660 = vector.broadcast %broadcast_in_dim3A_1659 : vector<64x1xf32> to vector<64x528xf32>
      %eq3A_1661 = arith.cmpf oeq, %select_n3A_1656, %eq3A_1660 : vector<64x528xf32>
      %broadcast_in_dim3A_1662 = vector.broadcast %while3A : f32 to vector<64x528xf32>
      %select_n3A_1663 = arith.select %eq3A_1661, %concatenate3A_1530, %broadcast_in_dim3A_1662 : vector<64x528xi1>, vector<64x528xf32>
      %reduce_min3A_1664 = arith.constant dense<0x7F800000> : vector<64xf32>
      %reduce_min3A_1665 = vector.multi_reduction <minimumf>, %select_n3A_1663, %reduce_min3A_1664 [1] : vector<64x528xf32> to vector<64xf32>
      %broadcast_in_dim3A_1666 = vector.shape_cast %reduce_min3A_1665 : vector<64xf32> to vector<64x1xf32>
      %eq3A_1667 = vector.broadcast %broadcast_in_dim3A_1666 : vector<64x1xf32> to vector<64x528xf32>
      %eq3A_1668 = arith.cmpf oeq, %concatenate3A_1530, %eq3A_1667 : vector<64x528xf32>
      %broadcast_in_dim3A_1669 = vector.broadcast %while3A_85 : f32 to vector<64x528xf32>
      %select_n3A_1670 = arith.select %eq3A_1668, %broadcast_in_dim3A_1669, %select_n3A_1656 : vector<64x528xi1>, vector<64x528xf32>
      %reduce_max3A_1671 = arith.constant dense<0xFF800000> : vector<64xf32>
      %reduce_max3A_1672 = vector.multi_reduction <maximumf>, %select_n3A_1670, %reduce_max3A_1671 [1] : vector<64x528xf32> to vector<64xf32>
      %broadcast_in_dim3A_1673 = vector.shape_cast %reduce_max3A_1672 : vector<64xf32> to vector<64x1xf32>
      %eq3A_1674 = vector.broadcast %broadcast_in_dim3A_1673 : vector<64x1xf32> to vector<64x528xf32>
      %eq3A_1675 = arith.cmpf oeq, %select_n3A_1670, %eq3A_1674 : vector<64x528xf32>
      %broadcast_in_dim3A_1676 = vector.broadcast %while3A : f32 to vector<64x528xf32>
      %select_n3A_1677 = arith.select %eq3A_1675, %concatenate3A_1530, %broadcast_in_dim3A_1676 : vector<64x528xi1>, vector<64x528xf32>
      %reduce_min3A_1678 = arith.constant dense<0x7F800000> : vector<64xf32>
      %reduce_min3A_1679 = vector.multi_reduction <minimumf>, %select_n3A_1677, %reduce_min3A_1678 [1] : vector<64x528xf32> to vector<64xf32>
      %broadcast_in_dim3A_1680 = vector.shape_cast %reduce_min3A_1679 : vector<64xf32> to vector<64x1xf32>
      %eq3A_1681 = vector.broadcast %broadcast_in_dim3A_1680 : vector<64x1xf32> to vector<64x528xf32>
      %eq3A_1682 = arith.cmpf oeq, %concatenate3A_1530, %eq3A_1681 : vector<64x528xf32>
      %broadcast_in_dim3A_1683 = vector.broadcast %while3A_85 : f32 to vector<64x528xf32>
      %select_n3A_1684 = arith.select %eq3A_1682, %broadcast_in_dim3A_1683, %select_n3A_1670 : vector<64x528xi1>, vector<64x528xf32>
      %reduce_max3A_1685 = arith.constant dense<0xFF800000> : vector<64xf32>
      %reduce_max3A_1686 = vector.multi_reduction <maximumf>, %select_n3A_1684, %reduce_max3A_1685 [1] : vector<64x528xf32> to vector<64xf32>
      %broadcast_in_dim3A_1687 = vector.shape_cast %reduce_max3A_1686 : vector<64xf32> to vector<64x1xf32>
      %eq3A_1688 = vector.broadcast %broadcast_in_dim3A_1687 : vector<64x1xf32> to vector<64x528xf32>
      %eq3A_1689 = arith.cmpf oeq, %select_n3A_1684, %eq3A_1688 : vector<64x528xf32>
      %broadcast_in_dim3A_1690 = vector.broadcast %while3A : f32 to vector<64x528xf32>
      %select_n3A_1691 = arith.select %eq3A_1689, %concatenate3A_1530, %broadcast_in_dim3A_1690 : vector<64x528xi1>, vector<64x528xf32>
      %reduce_min3A_1692 = arith.constant dense<0x7F800000> : vector<64xf32>
      %reduce_min3A_1693 = vector.multi_reduction <minimumf>, %select_n3A_1691, %reduce_min3A_1692 [1] : vector<64x528xf32> to vector<64xf32>
      %broadcast_in_dim3A_1694 = vector.shape_cast %reduce_min3A_1693 : vector<64xf32> to vector<64x1xf32>
      %eq3A_1695 = vector.broadcast %broadcast_in_dim3A_1694 : vector<64x1xf32> to vector<64x528xf32>
      %eq3A_1696 = arith.cmpf oeq, %concatenate3A_1530, %eq3A_1695 : vector<64x528xf32>
      %broadcast_in_dim3A_1697 = vector.broadcast %while3A_85 : f32 to vector<64x528xf32>
      %select_n3A_1698 = arith.select %eq3A_1696, %broadcast_in_dim3A_1697, %select_n3A_1684 : vector<64x528xi1>, vector<64x528xf32>
      %reduce_max3A_1699 = arith.constant dense<0xFF800000> : vector<64xf32>
      %reduce_max3A_1700 = vector.multi_reduction <maximumf>, %select_n3A_1698, %reduce_max3A_1699 [1] : vector<64x528xf32> to vector<64xf32>
      %broadcast_in_dim3A_1701 = vector.shape_cast %reduce_max3A_1700 : vector<64xf32> to vector<64x1xf32>
      %eq3A_1702 = vector.broadcast %broadcast_in_dim3A_1701 : vector<64x1xf32> to vector<64x528xf32>
      %eq3A_1703 = arith.cmpf oeq, %select_n3A_1698, %eq3A_1702 : vector<64x528xf32>
      %broadcast_in_dim3A_1704 = vector.broadcast %while3A : f32 to vector<64x528xf32>
      %select_n3A_1705 = arith.select %eq3A_1703, %concatenate3A_1530, %broadcast_in_dim3A_1704 : vector<64x528xi1>, vector<64x528xf32>
      %reduce_min3A_1706 = arith.constant dense<0x7F800000> : vector<64xf32>
      %reduce_min3A_1707 = vector.multi_reduction <minimumf>, %select_n3A_1705, %reduce_min3A_1706 [1] : vector<64x528xf32> to vector<64xf32>
      %broadcast_in_dim3A_1708 = vector.shape_cast %reduce_min3A_1707 : vector<64xf32> to vector<64x1xf32>
      %eq3A_1709 = vector.broadcast %broadcast_in_dim3A_1708 : vector<64x1xf32> to vector<64x528xf32>
      %eq3A_1710 = arith.cmpf oeq, %concatenate3A_1530, %eq3A_1709 : vector<64x528xf32>
      %broadcast_in_dim3A_1711 = vector.broadcast %while3A_85 : f32 to vector<64x528xf32>
      %select_n3A_1712 = arith.select %eq3A_1710, %broadcast_in_dim3A_1711, %select_n3A_1698 : vector<64x528xi1>, vector<64x528xf32>
      %reduce_max3A_1713 = arith.constant dense<0xFF800000> : vector<64xf32>
      %reduce_max3A_1714 = vector.multi_reduction <maximumf>, %select_n3A_1712, %reduce_max3A_1713 [1] : vector<64x528xf32> to vector<64xf32>
      %broadcast_in_dim3A_1715 = vector.shape_cast %reduce_max3A_1714 : vector<64xf32> to vector<64x1xf32>
      %eq3A_1716 = vector.broadcast %broadcast_in_dim3A_1715 : vector<64x1xf32> to vector<64x528xf32>
      %eq3A_1717 = arith.cmpf oeq, %select_n3A_1712, %eq3A_1716 : vector<64x528xf32>
      %broadcast_in_dim3A_1718 = vector.broadcast %while3A : f32 to vector<64x528xf32>
      %select_n3A_1719 = arith.select %eq3A_1717, %concatenate3A_1530, %broadcast_in_dim3A_1718 : vector<64x528xi1>, vector<64x528xf32>
      %reduce_min3A_1720 = arith.constant dense<0x7F800000> : vector<64xf32>
      %reduce_min3A_1721 = vector.multi_reduction <minimumf>, %select_n3A_1719, %reduce_min3A_1720 [1] : vector<64x528xf32> to vector<64xf32>
      %broadcast_in_dim3A_1722 = vector.shape_cast %reduce_min3A_1721 : vector<64xf32> to vector<64x1xf32>
      %eq3A_1723 = vector.broadcast %broadcast_in_dim3A_1722 : vector<64x1xf32> to vector<64x528xf32>
      %eq3A_1724 = arith.cmpf oeq, %concatenate3A_1530, %eq3A_1723 : vector<64x528xf32>
      %broadcast_in_dim3A_1725 = vector.broadcast %while3A_85 : f32 to vector<64x528xf32>
      %select_n3A_1726 = arith.select %eq3A_1724, %broadcast_in_dim3A_1725, %select_n3A_1712 : vector<64x528xi1>, vector<64x528xf32>
      %reduce_max3A_1727 = arith.constant dense<0xFF800000> : vector<64xf32>
      %reduce_max3A_1728 = vector.multi_reduction <maximumf>, %select_n3A_1726, %reduce_max3A_1727 [1] : vector<64x528xf32> to vector<64xf32>
      %broadcast_in_dim3A_1729 = vector.shape_cast %reduce_max3A_1728 : vector<64xf32> to vector<64x1xf32>
      %eq3A_1730 = vector.broadcast %broadcast_in_dim3A_1729 : vector<64x1xf32> to vector<64x528xf32>
      %eq3A_1731 = arith.cmpf oeq, %select_n3A_1726, %eq3A_1730 : vector<64x528xf32>
      %broadcast_in_dim3A_1732 = vector.broadcast %while3A : f32 to vector<64x528xf32>
      %select_n3A_1733 = arith.select %eq3A_1731, %concatenate3A_1530, %broadcast_in_dim3A_1732 : vector<64x528xi1>, vector<64x528xf32>
      %reduce_min3A_1734 = arith.constant dense<0x7F800000> : vector<64xf32>
      %reduce_min3A_1735 = vector.multi_reduction <minimumf>, %select_n3A_1733, %reduce_min3A_1734 [1] : vector<64x528xf32> to vector<64xf32>
      %broadcast_in_dim3A_1736 = vector.shape_cast %reduce_min3A_1735 : vector<64xf32> to vector<64x1xf32>
      %eq3A_1737 = vector.broadcast %broadcast_in_dim3A_1736 : vector<64x1xf32> to vector<64x528xf32>
      %eq3A_1738 = arith.cmpf oeq, %concatenate3A_1530, %eq3A_1737 : vector<64x528xf32>
      %broadcast_in_dim3A_1739 = vector.broadcast %while3A_85 : f32 to vector<64x528xf32>
      %select_n3A_1740 = arith.select %eq3A_1738, %broadcast_in_dim3A_1739, %select_n3A_1726 : vector<64x528xi1>, vector<64x528xf32>
      %reduce_max3A_1741 = arith.constant dense<0xFF800000> : vector<64xf32>
      %reduce_max3A_1742 = vector.multi_reduction <maximumf>, %select_n3A_1740, %reduce_max3A_1741 [1] : vector<64x528xf32> to vector<64xf32>
      %broadcast_in_dim3A_1743 = vector.shape_cast %reduce_max3A_1742 : vector<64xf32> to vector<64x1xf32>
      %eq3A_1744 = vector.broadcast %broadcast_in_dim3A_1743 : vector<64x1xf32> to vector<64x528xf32>
      %eq3A_1745 = arith.cmpf oeq, %select_n3A_1740, %eq3A_1744 : vector<64x528xf32>
      %broadcast_in_dim3A_1746 = vector.broadcast %while3A : f32 to vector<64x528xf32>
      %select_n3A_1747 = arith.select %eq3A_1745, %concatenate3A_1530, %broadcast_in_dim3A_1746 : vector<64x528xi1>, vector<64x528xf32>
      %reduce_min3A_1748 = arith.constant dense<0x7F800000> : vector<64xf32>
      %reduce_min3A_1749 = vector.multi_reduction <minimumf>, %select_n3A_1747, %reduce_min3A_1748 [1] : vector<64x528xf32> to vector<64xf32>
      %broadcast_in_dim3A_1750 = vector.shape_cast %reduce_min3A_1749 : vector<64xf32> to vector<64x1xf32>
      %eq3A_1751 = vector.broadcast %broadcast_in_dim3A_1750 : vector<64x1xf32> to vector<64x528xf32>
      %eq3A_1752 = arith.cmpf oeq, %concatenate3A_1530, %eq3A_1751 : vector<64x528xf32>
      %broadcast_in_dim3A_1753 = vector.broadcast %while3A_85 : f32 to vector<64x528xf32>
      %select_n3A_1754 = arith.select %eq3A_1752, %broadcast_in_dim3A_1753, %select_n3A_1740 : vector<64x528xi1>, vector<64x528xf32>
      %concatenate3A_1755 = tpu.concatenate %broadcast_in_dim3A_1533, %broadcast_in_dim3A_1547, %broadcast_in_dim3A_1561, %broadcast_in_dim3A_1575, %broadcast_in_dim3A_1589, %broadcast_in_dim3A_1603, %broadcast_in_dim3A_1617, %broadcast_in_dim3A_1631, %broadcast_in_dim3A_1645, %broadcast_in_dim3A_1659, %broadcast_in_dim3A_1673, %broadcast_in_dim3A_1687, %broadcast_in_dim3A_1701, %broadcast_in_dim3A_1715, %broadcast_in_dim3A_1729, %broadcast_in_dim3A_1743 in 1 : vector<64x1xf32>, vector<64x1xf32>, vector<64x1xf32>, vector<64x1xf32>, vector<64x1xf32>, vector<64x1xf32>, vector<64x1xf32>, vector<64x1xf32>, vector<64x1xf32>, vector<64x1xf32>, vector<64x1xf32>, vector<64x1xf32>, vector<64x1xf32>, vector<64x1xf32>, vector<64x1xf32>, vector<64x1xf32> -> vector<64x16xf32>
      %concatenate3A_1756 = tpu.concatenate %broadcast_in_dim3A_1540, %broadcast_in_dim3A_1554, %broadcast_in_dim3A_1568, %broadcast_in_dim3A_1582, %broadcast_in_dim3A_1596, %broadcast_in_dim3A_1610, %broadcast_in_dim3A_1624, %broadcast_in_dim3A_1638, %broadcast_in_dim3A_1652, %broadcast_in_dim3A_1666, %broadcast_in_dim3A_1680, %broadcast_in_dim3A_1694, %broadcast_in_dim3A_1708, %broadcast_in_dim3A_1722, %broadcast_in_dim3A_1736, %broadcast_in_dim3A_1750 in 1 : vector<64x1xf32>, vector<64x1xf32>, vector<64x1xf32>, vector<64x1xf32>, vector<64x1xf32>, vector<64x1xf32>, vector<64x1xf32>, vector<64x1xf32>, vector<64x1xf32>, vector<64x1xf32>, vector<64x1xf32>, vector<64x1xf32>, vector<64x1xf32>, vector<64x1xf32>, vector<64x1xf32>, vector<64x1xf32> -> vector<64x16xf32>
      %slice3A_1757 = vector.extract_strided_slice %select_n3A_132 {offsets = [448, 0], sizes = [64, 512], strides = [1, 1]} : vector<512x512xf32> to vector<64x512xf32>
      %slice3A_1758 = vector.extract_strided_slice %while3A_101 {offsets = [448, 0], sizes = [64, 16], strides = [1, 1]} : vector<512x16xf32> to vector<64x16xf32>
      %concatenate3A_1759 = tpu.concatenate %slice3A_1757, %slice3A_1758 in 1 : vector<64x512xf32>, vector<64x16xf32> -> vector<64x528xf32>
      %slice3A_1760 = vector.extract_strided_slice %convert_element_type3A_135 {offsets = [448, 0], sizes = [64, 512], strides = [1, 1]} : vector<512x512xf32> to vector<64x512xf32>
      %slice3A_1761 = vector.extract_strided_slice %while3A_102 {offsets = [448, 0], sizes = [64, 16], strides = [1, 1]} : vector<512x16xf32> to vector<64x16xf32>
      %concatenate3A_1762 = tpu.concatenate %slice3A_1760, %slice3A_1761 in 1 : vector<64x512xf32>, vector<64x16xf32> -> vector<64x528xf32>
      %reduce_max3A_1763 = arith.constant dense<0xFF800000> : vector<64xf32>
      %reduce_max3A_1764 = vector.multi_reduction <maximumf>, %concatenate3A_1759, %reduce_max3A_1763 [1] : vector<64x528xf32> to vector<64xf32>
      %broadcast_in_dim3A_1765 = vector.shape_cast %reduce_max3A_1764 : vector<64xf32> to vector<64x1xf32>
      %eq3A_1766 = vector.broadcast %broadcast_in_dim3A_1765 : vector<64x1xf32> to vector<64x528xf32>
      %eq3A_1767 = arith.cmpf oeq, %concatenate3A_1759, %eq3A_1766 : vector<64x528xf32>
      %broadcast_in_dim3A_1768 = vector.broadcast %while3A : f32 to vector<64x528xf32>
      %select_n3A_1769 = arith.select %eq3A_1767, %concatenate3A_1762, %broadcast_in_dim3A_1768 : vector<64x528xi1>, vector<64x528xf32>
      %reduce_min3A_1770 = arith.constant dense<0x7F800000> : vector<64xf32>
      %reduce_min3A_1771 = vector.multi_reduction <minimumf>, %select_n3A_1769, %reduce_min3A_1770 [1] : vector<64x528xf32> to vector<64xf32>
      %broadcast_in_dim3A_1772 = vector.shape_cast %reduce_min3A_1771 : vector<64xf32> to vector<64x1xf32>
      %eq3A_1773 = vector.broadcast %broadcast_in_dim3A_1772 : vector<64x1xf32> to vector<64x528xf32>
      %eq3A_1774 = arith.cmpf oeq, %concatenate3A_1762, %eq3A_1773 : vector<64x528xf32>
      %broadcast_in_dim3A_1775 = vector.broadcast %while3A_85 : f32 to vector<64x528xf32>
      %select_n3A_1776 = arith.select %eq3A_1774, %broadcast_in_dim3A_1775, %concatenate3A_1759 : vector<64x528xi1>, vector<64x528xf32>
      %reduce_max3A_1777 = arith.constant dense<0xFF800000> : vector<64xf32>
      %reduce_max3A_1778 = vector.multi_reduction <maximumf>, %select_n3A_1776, %reduce_max3A_1777 [1] : vector<64x528xf32> to vector<64xf32>
      %broadcast_in_dim3A_1779 = vector.shape_cast %reduce_max3A_1778 : vector<64xf32> to vector<64x1xf32>
      %eq3A_1780 = vector.broadcast %broadcast_in_dim3A_1779 : vector<64x1xf32> to vector<64x528xf32>
      %eq3A_1781 = arith.cmpf oeq, %select_n3A_1776, %eq3A_1780 : vector<64x528xf32>
      %broadcast_in_dim3A_1782 = vector.broadcast %while3A : f32 to vector<64x528xf32>
      %select_n3A_1783 = arith.select %eq3A_1781, %concatenate3A_1762, %broadcast_in_dim3A_1782 : vector<64x528xi1>, vector<64x528xf32>
      %reduce_min3A_1784 = arith.constant dense<0x7F800000> : vector<64xf32>
      %reduce_min3A_1785 = vector.multi_reduction <minimumf>, %select_n3A_1783, %reduce_min3A_1784 [1] : vector<64x528xf32> to vector<64xf32>
      %broadcast_in_dim3A_1786 = vector.shape_cast %reduce_min3A_1785 : vector<64xf32> to vector<64x1xf32>
      %eq3A_1787 = vector.broadcast %broadcast_in_dim3A_1786 : vector<64x1xf32> to vector<64x528xf32>
      %eq3A_1788 = arith.cmpf oeq, %concatenate3A_1762, %eq3A_1787 : vector<64x528xf32>
      %broadcast_in_dim3A_1789 = vector.broadcast %while3A_85 : f32 to vector<64x528xf32>
      %select_n3A_1790 = arith.select %eq3A_1788, %broadcast_in_dim3A_1789, %select_n3A_1776 : vector<64x528xi1>, vector<64x528xf32>
      %reduce_max3A_1791 = arith.constant dense<0xFF800000> : vector<64xf32>
      %reduce_max3A_1792 = vector.multi_reduction <maximumf>, %select_n3A_1790, %reduce_max3A_1791 [1] : vector<64x528xf32> to vector<64xf32>
      %broadcast_in_dim3A_1793 = vector.shape_cast %reduce_max3A_1792 : vector<64xf32> to vector<64x1xf32>
      %eq3A_1794 = vector.broadcast %broadcast_in_dim3A_1793 : vector<64x1xf32> to vector<64x528xf32>
      %eq3A_1795 = arith.cmpf oeq, %select_n3A_1790, %eq3A_1794 : vector<64x528xf32>
      %broadcast_in_dim3A_1796 = vector.broadcast %while3A : f32 to vector<64x528xf32>
      %select_n3A_1797 = arith.select %eq3A_1795, %concatenate3A_1762, %broadcast_in_dim3A_1796 : vector<64x528xi1>, vector<64x528xf32>
      %reduce_min3A_1798 = arith.constant dense<0x7F800000> : vector<64xf32>
      %reduce_min3A_1799 = vector.multi_reduction <minimumf>, %select_n3A_1797, %reduce_min3A_1798 [1] : vector<64x528xf32> to vector<64xf32>
      %broadcast_in_dim3A_1800 = vector.shape_cast %reduce_min3A_1799 : vector<64xf32> to vector<64x1xf32>
      %eq3A_1801 = vector.broadcast %broadcast_in_dim3A_1800 : vector<64x1xf32> to vector<64x528xf32>
      %eq3A_1802 = arith.cmpf oeq, %concatenate3A_1762, %eq3A_1801 : vector<64x528xf32>
      %broadcast_in_dim3A_1803 = vector.broadcast %while3A_85 : f32 to vector<64x528xf32>
      %select_n3A_1804 = arith.select %eq3A_1802, %broadcast_in_dim3A_1803, %select_n3A_1790 : vector<64x528xi1>, vector<64x528xf32>
      %reduce_max3A_1805 = arith.constant dense<0xFF800000> : vector<64xf32>
      %reduce_max3A_1806 = vector.multi_reduction <maximumf>, %select_n3A_1804, %reduce_max3A_1805 [1] : vector<64x528xf32> to vector<64xf32>
      %broadcast_in_dim3A_1807 = vector.shape_cast %reduce_max3A_1806 : vector<64xf32> to vector<64x1xf32>
      %eq3A_1808 = vector.broadcast %broadcast_in_dim3A_1807 : vector<64x1xf32> to vector<64x528xf32>
      %eq3A_1809 = arith.cmpf oeq, %select_n3A_1804, %eq3A_1808 : vector<64x528xf32>
      %broadcast_in_dim3A_1810 = vector.broadcast %while3A : f32 to vector<64x528xf32>
      %select_n3A_1811 = arith.select %eq3A_1809, %concatenate3A_1762, %broadcast_in_dim3A_1810 : vector<64x528xi1>, vector<64x528xf32>
      %reduce_min3A_1812 = arith.constant dense<0x7F800000> : vector<64xf32>
      %reduce_min3A_1813 = vector.multi_reduction <minimumf>, %select_n3A_1811, %reduce_min3A_1812 [1] : vector<64x528xf32> to vector<64xf32>
      %broadcast_in_dim3A_1814 = vector.shape_cast %reduce_min3A_1813 : vector<64xf32> to vector<64x1xf32>
      %eq3A_1815 = vector.broadcast %broadcast_in_dim3A_1814 : vector<64x1xf32> to vector<64x528xf32>
      %eq3A_1816 = arith.cmpf oeq, %concatenate3A_1762, %eq3A_1815 : vector<64x528xf32>
      %broadcast_in_dim3A_1817 = vector.broadcast %while3A_85 : f32 to vector<64x528xf32>
      %select_n3A_1818 = arith.select %eq3A_1816, %broadcast_in_dim3A_1817, %select_n3A_1804 : vector<64x528xi1>, vector<64x528xf32>
      %reduce_max3A_1819 = arith.constant dense<0xFF800000> : vector<64xf32>
      %reduce_max3A_1820 = vector.multi_reduction <maximumf>, %select_n3A_1818, %reduce_max3A_1819 [1] : vector<64x528xf32> to vector<64xf32>
      %broadcast_in_dim3A_1821 = vector.shape_cast %reduce_max3A_1820 : vector<64xf32> to vector<64x1xf32>
      %eq3A_1822 = vector.broadcast %broadcast_in_dim3A_1821 : vector<64x1xf32> to vector<64x528xf32>
      %eq3A_1823 = arith.cmpf oeq, %select_n3A_1818, %eq3A_1822 : vector<64x528xf32>
      %broadcast_in_dim3A_1824 = vector.broadcast %while3A : f32 to vector<64x528xf32>
      %select_n3A_1825 = arith.select %eq3A_1823, %concatenate3A_1762, %broadcast_in_dim3A_1824 : vector<64x528xi1>, vector<64x528xf32>
      %reduce_min3A_1826 = arith.constant dense<0x7F800000> : vector<64xf32>
      %reduce_min3A_1827 = vector.multi_reduction <minimumf>, %select_n3A_1825, %reduce_min3A_1826 [1] : vector<64x528xf32> to vector<64xf32>
      %broadcast_in_dim3A_1828 = vector.shape_cast %reduce_min3A_1827 : vector<64xf32> to vector<64x1xf32>
      %eq3A_1829 = vector.broadcast %broadcast_in_dim3A_1828 : vector<64x1xf32> to vector<64x528xf32>
      %eq3A_1830 = arith.cmpf oeq, %concatenate3A_1762, %eq3A_1829 : vector<64x528xf32>
      %broadcast_in_dim3A_1831 = vector.broadcast %while3A_85 : f32 to vector<64x528xf32>
      %select_n3A_1832 = arith.select %eq3A_1830, %broadcast_in_dim3A_1831, %select_n3A_1818 : vector<64x528xi1>, vector<64x528xf32>
      %reduce_max3A_1833 = arith.constant dense<0xFF800000> : vector<64xf32>
      %reduce_max3A_1834 = vector.multi_reduction <maximumf>, %select_n3A_1832, %reduce_max3A_1833 [1] : vector<64x528xf32> to vector<64xf32>
      %broadcast_in_dim3A_1835 = vector.shape_cast %reduce_max3A_1834 : vector<64xf32> to vector<64x1xf32>
      %eq3A_1836 = vector.broadcast %broadcast_in_dim3A_1835 : vector<64x1xf32> to vector<64x528xf32>
      %eq3A_1837 = arith.cmpf oeq, %select_n3A_1832, %eq3A_1836 : vector<64x528xf32>
      %broadcast_in_dim3A_1838 = vector.broadcast %while3A : f32 to vector<64x528xf32>
      %select_n3A_1839 = arith.select %eq3A_1837, %concatenate3A_1762, %broadcast_in_dim3A_1838 : vector<64x528xi1>, vector<64x528xf32>
      %reduce_min3A_1840 = arith.constant dense<0x7F800000> : vector<64xf32>
      %reduce_min3A_1841 = vector.multi_reduction <minimumf>, %select_n3A_1839, %reduce_min3A_1840 [1] : vector<64x528xf32> to vector<64xf32>
      %broadcast_in_dim3A_1842 = vector.shape_cast %reduce_min3A_1841 : vector<64xf32> to vector<64x1xf32>
      %eq3A_1843 = vector.broadcast %broadcast_in_dim3A_1842 : vector<64x1xf32> to vector<64x528xf32>
      %eq3A_1844 = arith.cmpf oeq, %concatenate3A_1762, %eq3A_1843 : vector<64x528xf32>
      %broadcast_in_dim3A_1845 = vector.broadcast %while3A_85 : f32 to vector<64x528xf32>
      %select_n3A_1846 = arith.select %eq3A_1844, %broadcast_in_dim3A_1845, %select_n3A_1832 : vector<64x528xi1>, vector<64x528xf32>
      %reduce_max3A_1847 = arith.constant dense<0xFF800000> : vector<64xf32>
      %reduce_max3A_1848 = vector.multi_reduction <maximumf>, %select_n3A_1846, %reduce_max3A_1847 [1] : vector<64x528xf32> to vector<64xf32>
      %broadcast_in_dim3A_1849 = vector.shape_cast %reduce_max3A_1848 : vector<64xf32> to vector<64x1xf32>
      %eq3A_1850 = vector.broadcast %broadcast_in_dim3A_1849 : vector<64x1xf32> to vector<64x528xf32>
      %eq3A_1851 = arith.cmpf oeq, %select_n3A_1846, %eq3A_1850 : vector<64x528xf32>
      %broadcast_in_dim3A_1852 = vector.broadcast %while3A : f32 to vector<64x528xf32>
      %select_n3A_1853 = arith.select %eq3A_1851, %concatenate3A_1762, %broadcast_in_dim3A_1852 : vector<64x528xi1>, vector<64x528xf32>
      %reduce_min3A_1854 = arith.constant dense<0x7F800000> : vector<64xf32>
      %reduce_min3A_1855 = vector.multi_reduction <minimumf>, %select_n3A_1853, %reduce_min3A_1854 [1] : vector<64x528xf32> to vector<64xf32>
      %broadcast_in_dim3A_1856 = vector.shape_cast %reduce_min3A_1855 : vector<64xf32> to vector<64x1xf32>
      %eq3A_1857 = vector.broadcast %broadcast_in_dim3A_1856 : vector<64x1xf32> to vector<64x528xf32>
      %eq3A_1858 = arith.cmpf oeq, %concatenate3A_1762, %eq3A_1857 : vector<64x528xf32>
      %broadcast_in_dim3A_1859 = vector.broadcast %while3A_85 : f32 to vector<64x528xf32>
      %select_n3A_1860 = arith.select %eq3A_1858, %broadcast_in_dim3A_1859, %select_n3A_1846 : vector<64x528xi1>, vector<64x528xf32>
      %reduce_max3A_1861 = arith.constant dense<0xFF800000> : vector<64xf32>
      %reduce_max3A_1862 = vector.multi_reduction <maximumf>, %select_n3A_1860, %reduce_max3A_1861 [1] : vector<64x528xf32> to vector<64xf32>
      %broadcast_in_dim3A_1863 = vector.shape_cast %reduce_max3A_1862 : vector<64xf32> to vector<64x1xf32>
      %eq3A_1864 = vector.broadcast %broadcast_in_dim3A_1863 : vector<64x1xf32> to vector<64x528xf32>
      %eq3A_1865 = arith.cmpf oeq, %select_n3A_1860, %eq3A_1864 : vector<64x528xf32>
      %broadcast_in_dim3A_1866 = vector.broadcast %while3A : f32 to vector<64x528xf32>
      %select_n3A_1867 = arith.select %eq3A_1865, %concatenate3A_1762, %broadcast_in_dim3A_1866 : vector<64x528xi1>, vector<64x528xf32>
      %reduce_min3A_1868 = arith.constant dense<0x7F800000> : vector<64xf32>
      %reduce_min3A_1869 = vector.multi_reduction <minimumf>, %select_n3A_1867, %reduce_min3A_1868 [1] : vector<64x528xf32> to vector<64xf32>
      %broadcast_in_dim3A_1870 = vector.shape_cast %reduce_min3A_1869 : vector<64xf32> to vector<64x1xf32>
      %eq3A_1871 = vector.broadcast %broadcast_in_dim3A_1870 : vector<64x1xf32> to vector<64x528xf32>
      %eq3A_1872 = arith.cmpf oeq, %concatenate3A_1762, %eq3A_1871 : vector<64x528xf32>
      %broadcast_in_dim3A_1873 = vector.broadcast %while3A_85 : f32 to vector<64x528xf32>
      %select_n3A_1874 = arith.select %eq3A_1872, %broadcast_in_dim3A_1873, %select_n3A_1860 : vector<64x528xi1>, vector<64x528xf32>
      %reduce_max3A_1875 = arith.constant dense<0xFF800000> : vector<64xf32>
      %reduce_max3A_1876 = vector.multi_reduction <maximumf>, %select_n3A_1874, %reduce_max3A_1875 [1] : vector<64x528xf32> to vector<64xf32>
      %broadcast_in_dim3A_1877 = vector.shape_cast %reduce_max3A_1876 : vector<64xf32> to vector<64x1xf32>
      %eq3A_1878 = vector.broadcast %broadcast_in_dim3A_1877 : vector<64x1xf32> to vector<64x528xf32>
      %eq3A_1879 = arith.cmpf oeq, %select_n3A_1874, %eq3A_1878 : vector<64x528xf32>
      %broadcast_in_dim3A_1880 = vector.broadcast %while3A : f32 to vector<64x528xf32>
      %select_n3A_1881 = arith.select %eq3A_1879, %concatenate3A_1762, %broadcast_in_dim3A_1880 : vector<64x528xi1>, vector<64x528xf32>
      %reduce_min3A_1882 = arith.constant dense<0x7F800000> : vector<64xf32>
      %reduce_min3A_1883 = vector.multi_reduction <minimumf>, %select_n3A_1881, %reduce_min3A_1882 [1] : vector<64x528xf32> to vector<64xf32>
      %broadcast_in_dim3A_1884 = vector.shape_cast %reduce_min3A_1883 : vector<64xf32> to vector<64x1xf32>
      %eq3A_1885 = vector.broadcast %broadcast_in_dim3A_1884 : vector<64x1xf32> to vector<64x528xf32>
      %eq3A_1886 = arith.cmpf oeq, %concatenate3A_1762, %eq3A_1885 : vector<64x528xf32>
      %broadcast_in_dim3A_1887 = vector.broadcast %while3A_85 : f32 to vector<64x528xf32>
      %select_n3A_1888 = arith.select %eq3A_1886, %broadcast_in_dim3A_1887, %select_n3A_1874 : vector<64x528xi1>, vector<64x528xf32>
      %reduce_max3A_1889 = arith.constant dense<0xFF800000> : vector<64xf32>
      %reduce_max3A_1890 = vector.multi_reduction <maximumf>, %select_n3A_1888, %reduce_max3A_1889 [1] : vector<64x528xf32> to vector<64xf32>
      %broadcast_in_dim3A_1891 = vector.shape_cast %reduce_max3A_1890 : vector<64xf32> to vector<64x1xf32>
      %eq3A_1892 = vector.broadcast %broadcast_in_dim3A_1891 : vector<64x1xf32> to vector<64x528xf32>
      %eq3A_1893 = arith.cmpf oeq, %select_n3A_1888, %eq3A_1892 : vector<64x528xf32>
      %broadcast_in_dim3A_1894 = vector.broadcast %while3A : f32 to vector<64x528xf32>
      %select_n3A_1895 = arith.select %eq3A_1893, %concatenate3A_1762, %broadcast_in_dim3A_1894 : vector<64x528xi1>, vector<64x528xf32>
      %reduce_min3A_1896 = arith.constant dense<0x7F800000> : vector<64xf32>
      %reduce_min3A_1897 = vector.multi_reduction <minimumf>, %select_n3A_1895, %reduce_min3A_1896 [1] : vector<64x528xf32> to vector<64xf32>
      %broadcast_in_dim3A_1898 = vector.shape_cast %reduce_min3A_1897 : vector<64xf32> to vector<64x1xf32>
      %eq3A_1899 = vector.broadcast %broadcast_in_dim3A_1898 : vector<64x1xf32> to vector<64x528xf32>
      %eq3A_1900 = arith.cmpf oeq, %concatenate3A_1762, %eq3A_1899 : vector<64x528xf32>
      %broadcast_in_dim3A_1901 = vector.broadcast %while3A_85 : f32 to vector<64x528xf32>
      %select_n3A_1902 = arith.select %eq3A_1900, %broadcast_in_dim3A_1901, %select_n3A_1888 : vector<64x528xi1>, vector<64x528xf32>
      %reduce_max3A_1903 = arith.constant dense<0xFF800000> : vector<64xf32>
      %reduce_max3A_1904 = vector.multi_reduction <maximumf>, %select_n3A_1902, %reduce_max3A_1903 [1] : vector<64x528xf32> to vector<64xf32>
      %broadcast_in_dim3A_1905 = vector.shape_cast %reduce_max3A_1904 : vector<64xf32> to vector<64x1xf32>
      %eq3A_1906 = vector.broadcast %broadcast_in_dim3A_1905 : vector<64x1xf32> to vector<64x528xf32>
      %eq3A_1907 = arith.cmpf oeq, %select_n3A_1902, %eq3A_1906 : vector<64x528xf32>
      %broadcast_in_dim3A_1908 = vector.broadcast %while3A : f32 to vector<64x528xf32>
      %select_n3A_1909 = arith.select %eq3A_1907, %concatenate3A_1762, %broadcast_in_dim3A_1908 : vector<64x528xi1>, vector<64x528xf32>
      %reduce_min3A_1910 = arith.constant dense<0x7F800000> : vector<64xf32>
      %reduce_min3A_1911 = vector.multi_reduction <minimumf>, %select_n3A_1909, %reduce_min3A_1910 [1] : vector<64x528xf32> to vector<64xf32>
      %broadcast_in_dim3A_1912 = vector.shape_cast %reduce_min3A_1911 : vector<64xf32> to vector<64x1xf32>
      %eq3A_1913 = vector.broadcast %broadcast_in_dim3A_1912 : vector<64x1xf32> to vector<64x528xf32>
      %eq3A_1914 = arith.cmpf oeq, %concatenate3A_1762, %eq3A_1913 : vector<64x528xf32>
      %broadcast_in_dim3A_1915 = vector.broadcast %while3A_85 : f32 to vector<64x528xf32>
      %select_n3A_1916 = arith.select %eq3A_1914, %broadcast_in_dim3A_1915, %select_n3A_1902 : vector<64x528xi1>, vector<64x528xf32>
      %reduce_max3A_1917 = arith.constant dense<0xFF800000> : vector<64xf32>
      %reduce_max3A_1918 = vector.multi_reduction <maximumf>, %select_n3A_1916, %reduce_max3A_1917 [1] : vector<64x528xf32> to vector<64xf32>
      %broadcast_in_dim3A_1919 = vector.shape_cast %reduce_max3A_1918 : vector<64xf32> to vector<64x1xf32>
      %eq3A_1920 = vector.broadcast %broadcast_in_dim3A_1919 : vector<64x1xf32> to vector<64x528xf32>
      %eq3A_1921 = arith.cmpf oeq, %select_n3A_1916, %eq3A_1920 : vector<64x528xf32>
      %broadcast_in_dim3A_1922 = vector.broadcast %while3A : f32 to vector<64x528xf32>
      %select_n3A_1923 = arith.select %eq3A_1921, %concatenate3A_1762, %broadcast_in_dim3A_1922 : vector<64x528xi1>, vector<64x528xf32>
      %reduce_min3A_1924 = arith.constant dense<0x7F800000> : vector<64xf32>
      %reduce_min3A_1925 = vector.multi_reduction <minimumf>, %select_n3A_1923, %reduce_min3A_1924 [1] : vector<64x528xf32> to vector<64xf32>
      %broadcast_in_dim3A_1926 = vector.shape_cast %reduce_min3A_1925 : vector<64xf32> to vector<64x1xf32>
      %eq3A_1927 = vector.broadcast %broadcast_in_dim3A_1926 : vector<64x1xf32> to vector<64x528xf32>
      %eq3A_1928 = arith.cmpf oeq, %concatenate3A_1762, %eq3A_1927 : vector<64x528xf32>
      %broadcast_in_dim3A_1929 = vector.broadcast %while3A_85 : f32 to vector<64x528xf32>
      %select_n3A_1930 = arith.select %eq3A_1928, %broadcast_in_dim3A_1929, %select_n3A_1916 : vector<64x528xi1>, vector<64x528xf32>
      %reduce_max3A_1931 = arith.constant dense<0xFF800000> : vector<64xf32>
      %reduce_max3A_1932 = vector.multi_reduction <maximumf>, %select_n3A_1930, %reduce_max3A_1931 [1] : vector<64x528xf32> to vector<64xf32>
      %broadcast_in_dim3A_1933 = vector.shape_cast %reduce_max3A_1932 : vector<64xf32> to vector<64x1xf32>
      %eq3A_1934 = vector.broadcast %broadcast_in_dim3A_1933 : vector<64x1xf32> to vector<64x528xf32>
      %eq3A_1935 = arith.cmpf oeq, %select_n3A_1930, %eq3A_1934 : vector<64x528xf32>
      %broadcast_in_dim3A_1936 = vector.broadcast %while3A : f32 to vector<64x528xf32>
      %select_n3A_1937 = arith.select %eq3A_1935, %concatenate3A_1762, %broadcast_in_dim3A_1936 : vector<64x528xi1>, vector<64x528xf32>
      %reduce_min3A_1938 = arith.constant dense<0x7F800000> : vector<64xf32>
      %reduce_min3A_1939 = vector.multi_reduction <minimumf>, %select_n3A_1937, %reduce_min3A_1938 [1] : vector<64x528xf32> to vector<64xf32>
      %broadcast_in_dim3A_1940 = vector.shape_cast %reduce_min3A_1939 : vector<64xf32> to vector<64x1xf32>
      %eq3A_1941 = vector.broadcast %broadcast_in_dim3A_1940 : vector<64x1xf32> to vector<64x528xf32>
      %eq3A_1942 = arith.cmpf oeq, %concatenate3A_1762, %eq3A_1941 : vector<64x528xf32>
      %broadcast_in_dim3A_1943 = vector.broadcast %while3A_85 : f32 to vector<64x528xf32>
      %select_n3A_1944 = arith.select %eq3A_1942, %broadcast_in_dim3A_1943, %select_n3A_1930 : vector<64x528xi1>, vector<64x528xf32>
      %reduce_max3A_1945 = arith.constant dense<0xFF800000> : vector<64xf32>
      %reduce_max3A_1946 = vector.multi_reduction <maximumf>, %select_n3A_1944, %reduce_max3A_1945 [1] : vector<64x528xf32> to vector<64xf32>
      %broadcast_in_dim3A_1947 = vector.shape_cast %reduce_max3A_1946 : vector<64xf32> to vector<64x1xf32>
      %eq3A_1948 = vector.broadcast %broadcast_in_dim3A_1947 : vector<64x1xf32> to vector<64x528xf32>
      %eq3A_1949 = arith.cmpf oeq, %select_n3A_1944, %eq3A_1948 : vector<64x528xf32>
      %broadcast_in_dim3A_1950 = vector.broadcast %while3A : f32 to vector<64x528xf32>
      %select_n3A_1951 = arith.select %eq3A_1949, %concatenate3A_1762, %broadcast_in_dim3A_1950 : vector<64x528xi1>, vector<64x528xf32>
      %reduce_min3A_1952 = arith.constant dense<0x7F800000> : vector<64xf32>
      %reduce_min3A_1953 = vector.multi_reduction <minimumf>, %select_n3A_1951, %reduce_min3A_1952 [1] : vector<64x528xf32> to vector<64xf32>
      %broadcast_in_dim3A_1954 = vector.shape_cast %reduce_min3A_1953 : vector<64xf32> to vector<64x1xf32>
      %eq3A_1955 = vector.broadcast %broadcast_in_dim3A_1954 : vector<64x1xf32> to vector<64x528xf32>
      %eq3A_1956 = arith.cmpf oeq, %concatenate3A_1762, %eq3A_1955 : vector<64x528xf32>
      %broadcast_in_dim3A_1957 = vector.broadcast %while3A_85 : f32 to vector<64x528xf32>
      %select_n3A_1958 = arith.select %eq3A_1956, %broadcast_in_dim3A_1957, %select_n3A_1944 : vector<64x528xi1>, vector<64x528xf32>
      %reduce_max3A_1959 = arith.constant dense<0xFF800000> : vector<64xf32>
      %reduce_max3A_1960 = vector.multi_reduction <maximumf>, %select_n3A_1958, %reduce_max3A_1959 [1] : vector<64x528xf32> to vector<64xf32>
      %broadcast_in_dim3A_1961 = vector.shape_cast %reduce_max3A_1960 : vector<64xf32> to vector<64x1xf32>
      %eq3A_1962 = vector.broadcast %broadcast_in_dim3A_1961 : vector<64x1xf32> to vector<64x528xf32>
      %eq3A_1963 = arith.cmpf oeq, %select_n3A_1958, %eq3A_1962 : vector<64x528xf32>
      %broadcast_in_dim3A_1964 = vector.broadcast %while3A : f32 to vector<64x528xf32>
      %select_n3A_1965 = arith.select %eq3A_1963, %concatenate3A_1762, %broadcast_in_dim3A_1964 : vector<64x528xi1>, vector<64x528xf32>
      %reduce_min3A_1966 = arith.constant dense<0x7F800000> : vector<64xf32>
      %reduce_min3A_1967 = vector.multi_reduction <minimumf>, %select_n3A_1965, %reduce_min3A_1966 [1] : vector<64x528xf32> to vector<64xf32>
      %broadcast_in_dim3A_1968 = vector.shape_cast %reduce_min3A_1967 : vector<64xf32> to vector<64x1xf32>
      %eq3A_1969 = vector.broadcast %broadcast_in_dim3A_1968 : vector<64x1xf32> to vector<64x528xf32>
      %eq3A_1970 = arith.cmpf oeq, %concatenate3A_1762, %eq3A_1969 : vector<64x528xf32>
      %broadcast_in_dim3A_1971 = vector.broadcast %while3A_85 : f32 to vector<64x528xf32>
      %select_n3A_1972 = arith.select %eq3A_1970, %broadcast_in_dim3A_1971, %select_n3A_1958 : vector<64x528xi1>, vector<64x528xf32>
      %reduce_max3A_1973 = arith.constant dense<0xFF800000> : vector<64xf32>
      %reduce_max3A_1974 = vector.multi_reduction <maximumf>, %select_n3A_1972, %reduce_max3A_1973 [1] : vector<64x528xf32> to vector<64xf32>
      %broadcast_in_dim3A_1975 = vector.shape_cast %reduce_max3A_1974 : vector<64xf32> to vector<64x1xf32>
      %eq3A_1976 = vector.broadcast %broadcast_in_dim3A_1975 : vector<64x1xf32> to vector<64x528xf32>
      %eq3A_1977 = arith.cmpf oeq, %select_n3A_1972, %eq3A_1976 : vector<64x528xf32>
      %broadcast_in_dim3A_1978 = vector.broadcast %while3A : f32 to vector<64x528xf32>
      %select_n3A_1979 = arith.select %eq3A_1977, %concatenate3A_1762, %broadcast_in_dim3A_1978 : vector<64x528xi1>, vector<64x528xf32>
      %reduce_min3A_1980 = arith.constant dense<0x7F800000> : vector<64xf32>
      %reduce_min3A_1981 = vector.multi_reduction <minimumf>, %select_n3A_1979, %reduce_min3A_1980 [1] : vector<64x528xf32> to vector<64xf32>
      %broadcast_in_dim3A_1982 = vector.shape_cast %reduce_min3A_1981 : vector<64xf32> to vector<64x1xf32>
      %eq3A_1983 = vector.broadcast %broadcast_in_dim3A_1982 : vector<64x1xf32> to vector<64x528xf32>
      %eq3A_1984 = arith.cmpf oeq, %concatenate3A_1762, %eq3A_1983 : vector<64x528xf32>
      %broadcast_in_dim3A_1985 = vector.broadcast %while3A_85 : f32 to vector<64x528xf32>
      %select_n3A_1986 = arith.select %eq3A_1984, %broadcast_in_dim3A_1985, %select_n3A_1972 : vector<64x528xi1>, vector<64x528xf32>
      %concatenate3A_1987 = tpu.concatenate %broadcast_in_dim3A_1765, %broadcast_in_dim3A_1779, %broadcast_in_dim3A_1793, %broadcast_in_dim3A_1807, %broadcast_in_dim3A_1821, %broadcast_in_dim3A_1835, %broadcast_in_dim3A_1849, %broadcast_in_dim3A_1863, %broadcast_in_dim3A_1877, %broadcast_in_dim3A_1891, %broadcast_in_dim3A_1905, %broadcast_in_dim3A_1919, %broadcast_in_dim3A_1933, %broadcast_in_dim3A_1947, %broadcast_in_dim3A_1961, %broadcast_in_dim3A_1975 in 1 : vector<64x1xf32>, vector<64x1xf32>, vector<64x1xf32>, vector<64x1xf32>, vector<64x1xf32>, vector<64x1xf32>, vector<64x1xf32>, vector<64x1xf32>, vector<64x1xf32>, vector<64x1xf32>, vector<64x1xf32>, vector<64x1xf32>, vector<64x1xf32>, vector<64x1xf32>, vector<64x1xf32>, vector<64x1xf32> -> vector<64x16xf32>
      %concatenate3A_1988 = tpu.concatenate %broadcast_in_dim3A_1772, %broadcast_in_dim3A_1786, %broadcast_in_dim3A_1800, %broadcast_in_dim3A_1814, %broadcast_in_dim3A_1828, %broadcast_in_dim3A_1842, %broadcast_in_dim3A_1856, %broadcast_in_dim3A_1870, %broadcast_in_dim3A_1884, %broadcast_in_dim3A_1898, %broadcast_in_dim3A_1912, %broadcast_in_dim3A_1926, %broadcast_in_dim3A_1940, %broadcast_in_dim3A_1954, %broadcast_in_dim3A_1968, %broadcast_in_dim3A_1982 in 1 : vector<64x1xf32>, vector<64x1xf32>, vector<64x1xf32>, vector<64x1xf32>, vector<64x1xf32>, vector<64x1xf32>, vector<64x1xf32>, vector<64x1xf32>, vector<64x1xf32>, vector<64x1xf32>, vector<64x1xf32>, vector<64x1xf32>, vector<64x1xf32>, vector<64x1xf32>, vector<64x1xf32>, vector<64x1xf32> -> vector<64x16xf32>
      %concatenate3A_1989 = tpu.concatenate %concatenate3A_363, %concatenate3A_595, %concatenate3A_827, %concatenate3A_1059, %concatenate3A_1291, %concatenate3A_1523, %concatenate3A_1755, %concatenate3A_1987 in 0 : vector<64x16xf32>, vector<64x16xf32>, vector<64x16xf32>, vector<64x16xf32>, vector<64x16xf32>, vector<64x16xf32>, vector<64x16xf32>, vector<64x16xf32> -> vector<512x16xf32>
      %concatenate3A_1990 = tpu.concatenate %concatenate3A_364, %concatenate3A_596, %concatenate3A_828, %concatenate3A_1060, %concatenate3A_1292, %concatenate3A_1524, %concatenate3A_1756, %concatenate3A_1988 in 0 : vector<64x16xf32>, vector<64x16xf32>, vector<64x16xf32>, vector<64x16xf32>, vector<64x16xf32>, vector<64x16xf32>, vector<64x16xf32>, vector<64x16xf32> -> vector<512x16xf32>
      scf.yield %concatenate3A_1989, %concatenate3A_1990 : vector<512x16xf32>, vector<512x16xf32>
    }
    %convert_element_type3A = arith.fptosi %while3A_96#1 : vector<512x16xf32> to vector<512x16xi32>
    %swap3A_97 = arith.constant 0 : index
    %swap3A_98 = arith.constant 0 : index
    %swap3A_99 = vector.load %arg12[%swap3A_97, %swap3A_98] : memref<512x16xi32, #tpu.memory_space<vmem>>, vector<512x16xi32>
    tpu.vector_store %arg12[%swap3A_97, %swap3A_98], %convert_element_type3A {strides = array<i32>} : memref<512x16xi32, #tpu.memory_space<vmem>>, vector<512x16xi32>,
    return
  }
  func.func @transform_0(%arg0: i32) -> i32 {
    %c0_i32 = arith.constant 0 : i32
    %c0_i32_0 = arith.constant 0 : i32
    return %c0_i32 : i32
  }
  func.func @transform_1(%arg0: i32) -> i32 {
    %c0_i32 = arith.constant 0 : i32
    %c0_i32_0 = arith.constant 0 : i32
    return %c0_i32 : i32
  }
  func.func @transform_2(%arg0: i32) -> (i32, i32) {
    %c0_i32 = arith.constant 0 : i32
    %c0_i32_0 = arith.constant 0 : i32
    %c0_i32_1 = arith.constant 0 : i32
    return %c0_i32, %c0_i32_0 : i32, i32
  }
  func.func @transform_3(%arg0: i32) -> (i32, i32) {
    %c0_i32 = arith.constant 0 : i32
    %c0_i32_0 = arith.constant 0 : i32
    %c0_i32_1 = arith.constant 0 : i32
    return %c0_i32, %c0_i32_0 : i32, i32
  }
  func.func @transform_4(%arg0: i32) -> (i32, i32) {
    %c0_i32 = arith.constant 0 : i32
    %c0_i32_0 = arith.constant 0 : i32
    return %arg0, %c0_i32 : i32, i32
  }
  func.func @transform_5(%arg0: i32) -> (i32, i32) {
    %c0_i32 = arith.constant 0 : i32
    %c0_i32_0 = arith.constant 0 : i32
    return %arg0, %c0_i32 : i32, i32
  }
  func.func @transform_6(%arg0: i32) -> (i32, i32) {
    %c0_i32 = arith.constant 0 : i32
    %c0_i32_0 = arith.constant 0 : i32
    %c0_i32_1 = arith.constant 0 : i32
    return %c0_i32, %c0_i32_0 : i32, i32
  }
  func.func @transform_7(%arg0: i32) -> (i32, i32) {
    %c0_i32 = arith.constant 0 : i32
    %c0_i32_0 = arith.constant 0 : i32
    return %arg0, %c0_i32 : i32, i32
  }
  func.func @transform_8(%arg0: i32) -> (i32, i32) {
    %c0_i32 = arith.constant 0 : i32
    %c0_i32_0 = arith.constant 0 : i32
    %c0_i32_1 = arith.constant 0 : i32
    return %c0_i32, %c0_i32_0 : i32, i32
  }
  func.func @transform_9(%arg0: i32) -> (i32, i32) {
    %c0_i32 = arith.constant 0 : i32
    %c0_i32_0 = arith.constant 0 : i32
    %c0_i32_1 = arith.constant 0 : i32
    return %c0_i32, %c0_i32_0 : i32, i32
  }
  func.func @transform_10(%arg0: i32) -> (i32, i32) {
    %c0_i32 = arith.constant 0 : i32
    %c0_i32_0 = arith.constant 0 : i32
    %c0_i32_1 = arith.constant 0 : i32
    return %c0_i32, %c0_i32_0 : i32, i32
  }
  func.func @transform_11(%arg0: i32) -> (i32, i32) {
    %c0_i32 = arith.constant 0 : i32
    %c0_i32_0 = arith.constant 0 : i32
    return %arg0, %c0_i32 : i32, i32
  }
  func.func @transform_12(%arg0: i32) -> (i32, i32) {
    %c0_i32 = arith.constant 0 : i32
    %c0_i32_0 = arith.constant 0 : i32
    return %arg0, %c0_i32 : i32, i32
  }
  func.func @transform_13(%arg0: i32) -> (i32, i32) {
    %c0_i32 = arith.constant 0 : i32
    %c0_i32_0 = arith.constant 0 : i32
    return %arg0, %c0_i32 : i32, i32
  }
}

module attributes {stable_mosaic.version = 14 : i64} {
  func.func @_pool_body(%arg0: i32, %arg1: memref<512x64xf32, #tpu.memory_space<vmem>>, %arg2: memref<512x64xf32, #tpu.memory_space<vmem>>, %arg3: memref<512x64xf32, #tpu.memory_space<vmem>>, %arg4: memref<512x128xf32, #tpu.memory_space<vmem>>, %arg5: memref<512x1xi32, #tpu.memory_space<vmem>>, %arg6: memref<1x64xf32, #tpu.memory_space<vmem>>, %arg7: memref<1x64xf32, #tpu.memory_space<vmem>>, %arg8: memref<8x64xf32, #tpu.memory_space<vmem>>, %arg9: memref<8x128xf32, #tpu.memory_space<vmem>>) attributes {dimension_semantics = [#tpu.dimension_semantics<arbitrary>], iteration_bounds = array<i64: 20>, scalar_prefetch = 0 : i64, scratch_operands = 0 : i64, tpu.core_type = #tpu.core_type<tc>, window_params = [{transform_indices = @transform_0, window_bounds = array<i64: 512, 64>}, {transform_indices = @transform_1, window_bounds = array<i64: 512, 64>}, {transform_indices = @transform_2, window_bounds = array<i64: 512, 64>}, {transform_indices = @transform_3, window_bounds = array<i64: 512, 128>}, {transform_indices = @transform_4, window_bounds = array<i64: 512, 1>}, {pipeline_mode = #tpu.pipeline_mode<synchronous>, transform_indices = @transform_5, window_bounds = array<i64: 1, 64>}, {pipeline_mode = #tpu.pipeline_mode<synchronous>, transform_indices = @transform_6, window_bounds = array<i64: 1, 64>}, {pipeline_mode = #tpu.pipeline_mode<synchronous>, transform_indices = @transform_7, window_bounds = array<i64: 8, 64>}, {pipeline_mode = #tpu.pipeline_mode<synchronous>, transform_indices = @transform_8, window_bounds = array<i64: 8, 128>}]} {
    %get3A = arith.constant 0 : index
    %get3A_0 = arith.constant 0 : index
    %get3A_1 = vector.load %arg6[%get3A, %get3A_0] : memref<1x64xf32, #tpu.memory_space<vmem>>, vector<1x64xf32>
    %get3A_2 = arith.constant 0 : index
    %get3A_3 = arith.constant 0 : index
    %get3A_4 = vector.load %arg1[%get3A_2, %get3A_3] : memref<512x64xf32, #tpu.memory_space<vmem>>, vector<512x64xf32>
    %ge3A = arith.constant 0.000000e+00 : f32
    %ge3A_5 = vector.broadcast %ge3A : f32 to vector<1x64xf32>
    %ge3A_6 = arith.cmpf oge, %get3A_1, %ge3A_5 : vector<1x64xf32>
    %get3A_7 = arith.constant 0 : index
    %get3A_8 = arith.constant 0 : index
    %get3A_9 = vector.load %arg2[%get3A_7, %get3A_8] : memref<512x64xf32, #tpu.memory_space<vmem>>, vector<512x64xf32>
    %get3A_10 = arith.constant 0 : index
    %get3A_11 = arith.constant 0 : index
    %get3A_12 = vector.load %arg3[%get3A_10, %get3A_11] : memref<512x64xf32, #tpu.memory_space<vmem>>, vector<512x64xf32>
    %broadcast_in_dim3A = vector.shape_cast %ge3A_6 : vector<1x64xi1> to vector<1x64xi1>
    %broadcast_in_dim3A_13 = vector.broadcast %broadcast_in_dim3A : vector<1x64xi1> to vector<512x64xi1>
    %select_n3A = arith.select %broadcast_in_dim3A_13, %get3A_9, %get3A_12 : vector<512x64xi1>, vector<512x64xf32>
    %add3A = arith.addf %get3A_4, %select_n3A : vector<512x64xf32>
    %max3A = arith.constant 0.000000e+00 : f32
    %max3A_14 = vector.broadcast %max3A : f32 to vector<512x64xf32>
    %max3A_15 = arith.maximumf %add3A, %max3A_14 : vector<512x64xf32>
    %mul3A = vector.broadcast %get3A_1 : vector<1x64xf32> to vector<512x64xf32>
    %mul3A_16 = arith.mulf %max3A_15, %mul3A : vector<512x64xf32>
    %get3A_17 = arith.constant 0 : index
    %get3A_18 = arith.constant 0 : index
    %get3A_19 = vector.load %arg7[%get3A_17, %get3A_18] : memref<1x64xf32, #tpu.memory_space<vmem>>, vector<1x64xf32>
    %add3A_20 = vector.broadcast %get3A_19 : vector<1x64xf32> to vector<512x64xf32>
    %add3A_21 = arith.addf %mul3A_16, %add3A_20 : vector<512x64xf32>
    %get3A_22 = arith.constant 0 : index
    %get3A_23 = arith.constant 0 : index
    %get3A_24 = vector.load %arg4[%get3A_22, %get3A_23] : memref<512x128xf32, #tpu.memory_space<vmem>>, vector<512x128xf32>
    %get3A_25 = arith.constant 0 : index
    %get3A_26 = arith.constant 0 : index
    %get3A_27 = vector.load %arg5[%get3A_25, %get3A_26] : memref<512x1xi32, #tpu.memory_space<vmem>>, vector<512x1xi32>
    %eq3A = arith.constant 0 : i32
    %eq3A_28 = arith.cmpi eq, %arg0, %eq3A : i32
    %convert_element_type3A = arith.extui %eq3A_28 : i1 to i32
    %cond3A = arith.constant 0xFF800000 : f32
    %cond3A_29 = arith.constant 0 : i32
    %cond3A_30 = arith.cmpi ne, %convert_element_type3A, %cond3A_29 : i32
    scf.if %cond3A_30 {
      %broadcast_in_dim3A_292 = vector.broadcast %cond3A : f32 to vector<8x64xf32>
      %swap3A_293 = arith.constant 0 : index
      %swap3A_294 = arith.constant 0 : index
      %swap3A_295 = vector.load %arg8[%swap3A_293, %swap3A_294] : memref<8x64xf32, #tpu.memory_space<vmem>>, vector<8x64xf32>
      tpu.vector_store %arg8[%swap3A_293, %swap3A_294], %broadcast_in_dim3A_292 {strides = array<i32>} : memref<8x64xf32, #tpu.memory_space<vmem>>, vector<8x64xf32>,
      %broadcast_in_dim3A_296 = vector.broadcast %cond3A : f32 to vector<8x128xf32>
      %swap3A_297 = arith.constant 0 : index
      %swap3A_298 = arith.constant 0 : index
      %swap3A_299 = vector.load %arg9[%swap3A_297, %swap3A_298] : memref<8x128xf32, #tpu.memory_space<vmem>>, vector<8x128xf32>
      tpu.vector_store %arg9[%swap3A_297, %swap3A_298], %broadcast_in_dim3A_296 {strides = array<i32>} : memref<8x128xf32, #tpu.memory_space<vmem>>, vector<8x128xf32>,
    } else {
    }
    %eq3A_31 = arith.constant 0 : i32
    %eq3A_32 = vector.broadcast %eq3A_31 : i32 to vector<512x1xi32>
    %eq3A_33 = arith.cmpi eq, %get3A_27, %eq3A_32 : vector<512x1xi32>
    %jit3A = arith.constant 0xFF800000 : f32
    %broadcast_in_dim3A_34 = vector.shape_cast %eq3A_33 : vector<512x1xi1> to vector<512x1xi1>
    %broadcast_in_dim3A_35 = vector.broadcast %broadcast_in_dim3A_34 : vector<512x1xi1> to vector<512x64xi1>
    %broadcast_in_dim3A_36 = vector.broadcast %jit3A : f32 to vector<512x64xf32>
    %select_n3A_37 = arith.select %broadcast_in_dim3A_35, %add3A_21, %broadcast_in_dim3A_36 : vector<512x64xi1>, vector<512x64xf32>
    %reduce_max3A = arith.constant dense<0xFF800000> : vector<64xf32>
    %reduce_max3A_38 = vector.multi_reduction <maximumf>, %select_n3A_37, %reduce_max3A [0] : vector<512x64xf32> to vector<64xf32>
    %broadcast_in_dim3A_39 = vector.shape_cast %reduce_max3A_38 : vector<64xf32> to vector<1x64xf32>
    %jit3A_40 = arith.constant 0xFF800000 : f32
    %broadcast_in_dim3A_41 = vector.shape_cast %eq3A_33 : vector<512x1xi1> to vector<512x1xi1>
    %broadcast_in_dim3A_42 = vector.broadcast %broadcast_in_dim3A_41 : vector<512x1xi1> to vector<512x128xi1>
    %broadcast_in_dim3A_43 = vector.broadcast %jit3A_40 : f32 to vector<512x128xf32>
    %select_n3A_44 = arith.select %broadcast_in_dim3A_42, %get3A_24, %broadcast_in_dim3A_43 : vector<512x128xi1>, vector<512x128xf32>
    %reduce_max3A_45 = arith.constant dense<0xFF800000> : vector<128xf32>
    %reduce_max3A_46 = vector.multi_reduction <maximumf>, %select_n3A_44, %reduce_max3A_45 [0] : vector<512x128xf32> to vector<128xf32>
    %broadcast_in_dim3A_47 = vector.shape_cast %reduce_max3A_46 : vector<128xf32> to vector<1x128xf32>
    %get3A_48 = arith.constant 0 : index
    %get3A_49 = arith.constant 0 : index
    %get3A_50 = vector.load %arg8[%get3A_48, %get3A_49] : memref<8x64xf32, #tpu.memory_space<vmem>>, vector<1x64xf32>
    %max3A_51 = arith.maximumf %get3A_50, %broadcast_in_dim3A_39 : vector<1x64xf32>
    %swap3A = arith.constant 0 : index
    %swap3A_52 = arith.constant 0 : index
    %swap3A_53 = vector.load %arg8[%swap3A, %swap3A_52] : memref<8x64xf32, #tpu.memory_space<vmem>>, vector<1x64xf32>
    tpu.vector_store %arg8[%swap3A, %swap3A_52], %max3A_51 {strides = array<i32>} : memref<8x64xf32, #tpu.memory_space<vmem>>, vector<1x64xf32>,
    %get3A_54 = arith.constant 0 : index
    %get3A_55 = arith.constant 0 : index
    %get3A_56 = vector.load %arg9[%get3A_54, %get3A_55] : memref<8x128xf32, #tpu.memory_space<vmem>>, vector<1x128xf32>
    %max3A_57 = arith.maximumf %get3A_56, %broadcast_in_dim3A_47 : vector<1x128xf32>
    %swap3A_58 = arith.constant 0 : index
    %swap3A_59 = arith.constant 0 : index
    %swap3A_60 = vector.load %arg9[%swap3A_58, %swap3A_59] : memref<8x128xf32, #tpu.memory_space<vmem>>, vector<1x128xf32>
    tpu.vector_store %arg9[%swap3A_58, %swap3A_59], %max3A_57 {strides = array<i32>} : memref<8x128xf32, #tpu.memory_space<vmem>>, vector<1x128xf32>,
    %eq3A_61 = arith.constant 1 : i32
    %eq3A_62 = vector.broadcast %eq3A_61 : i32 to vector<512x1xi32>
    %eq3A_63 = arith.cmpi eq, %get3A_27, %eq3A_62 : vector<512x1xi32>
    %jit3A_64 = arith.constant 0xFF800000 : f32
    %broadcast_in_dim3A_65 = vector.shape_cast %eq3A_63 : vector<512x1xi1> to vector<512x1xi1>
    %broadcast_in_dim3A_66 = vector.broadcast %broadcast_in_dim3A_65 : vector<512x1xi1> to vector<512x64xi1>
    %broadcast_in_dim3A_67 = vector.broadcast %jit3A_64 : f32 to vector<512x64xf32>
    %select_n3A_68 = arith.select %broadcast_in_dim3A_66, %add3A_21, %broadcast_in_dim3A_67 : vector<512x64xi1>, vector<512x64xf32>
    %reduce_max3A_69 = arith.constant dense<0xFF800000> : vector<64xf32>
    %reduce_max3A_70 = vector.multi_reduction <maximumf>, %select_n3A_68, %reduce_max3A_69 [0] : vector<512x64xf32> to vector<64xf32>
    %broadcast_in_dim3A_71 = vector.shape_cast %reduce_max3A_70 : vector<64xf32> to vector<1x64xf32>
    %jit3A_72 = arith.constant 0xFF800000 : f32
    %broadcast_in_dim3A_73 = vector.shape_cast %eq3A_63 : vector<512x1xi1> to vector<512x1xi1>
    %broadcast_in_dim3A_74 = vector.broadcast %broadcast_in_dim3A_73 : vector<512x1xi1> to vector<512x128xi1>
    %broadcast_in_dim3A_75 = vector.broadcast %jit3A_72 : f32 to vector<512x128xf32>
    %select_n3A_76 = arith.select %broadcast_in_dim3A_74, %get3A_24, %broadcast_in_dim3A_75 : vector<512x128xi1>, vector<512x128xf32>
    %reduce_max3A_77 = arith.constant dense<0xFF800000> : vector<128xf32>
    %reduce_max3A_78 = vector.multi_reduction <maximumf>, %select_n3A_76, %reduce_max3A_77 [0] : vector<512x128xf32> to vector<128xf32>
    %broadcast_in_dim3A_79 = vector.shape_cast %reduce_max3A_78 : vector<128xf32> to vector<1x128xf32>
    %get3A_80 = arith.constant 1 : index
    %get3A_81 = arith.constant 0 : index
    %get3A_82 = vector.load %arg8[%get3A_80, %get3A_81] : memref<8x64xf32, #tpu.memory_space<vmem>>, vector<1x64xf32>
    %max3A_83 = arith.maximumf %get3A_82, %broadcast_in_dim3A_71 : vector<1x64xf32>
    %swap3A_84 = arith.constant 1 : index
    %swap3A_85 = arith.constant 0 : index
    %swap3A_86 = vector.load %arg8[%swap3A_84, %swap3A_85] : memref<8x64xf32, #tpu.memory_space<vmem>>, vector<1x64xf32>
    tpu.vector_store %arg8[%swap3A_84, %swap3A_85], %max3A_83 {strides = array<i32>} : memref<8x64xf32, #tpu.memory_space<vmem>>, vector<1x64xf32>,
    %get3A_87 = arith.constant 1 : index
    %get3A_88 = arith.constant 0 : index
    %get3A_89 = vector.load %arg9[%get3A_87, %get3A_88] : memref<8x128xf32, #tpu.memory_space<vmem>>, vector<1x128xf32>
    %max3A_90 = arith.maximumf %get3A_89, %broadcast_in_dim3A_79 : vector<1x128xf32>
    %swap3A_91 = arith.constant 1 : index
    %swap3A_92 = arith.constant 0 : index
    %swap3A_93 = vector.load %arg9[%swap3A_91, %swap3A_92] : memref<8x128xf32, #tpu.memory_space<vmem>>, vector<1x128xf32>
    tpu.vector_store %arg9[%swap3A_91, %swap3A_92], %max3A_90 {strides = array<i32>} : memref<8x128xf32, #tpu.memory_space<vmem>>, vector<1x128xf32>,
    %eq3A_94 = arith.constant 2 : i32
    %eq3A_95 = vector.broadcast %eq3A_94 : i32 to vector<512x1xi32>
    %eq3A_96 = arith.cmpi eq, %get3A_27, %eq3A_95 : vector<512x1xi32>
    %jit3A_97 = arith.constant 0xFF800000 : f32
    %broadcast_in_dim3A_98 = vector.shape_cast %eq3A_96 : vector<512x1xi1> to vector<512x1xi1>
    %broadcast_in_dim3A_99 = vector.broadcast %broadcast_in_dim3A_98 : vector<512x1xi1> to vector<512x64xi1>
    %broadcast_in_dim3A_100 = vector.broadcast %jit3A_97 : f32 to vector<512x64xf32>
    %select_n3A_101 = arith.select %broadcast_in_dim3A_99, %add3A_21, %broadcast_in_dim3A_100 : vector<512x64xi1>, vector<512x64xf32>
    %reduce_max3A_102 = arith.constant dense<0xFF800000> : vector<64xf32>
    %reduce_max3A_103 = vector.multi_reduction <maximumf>, %select_n3A_101, %reduce_max3A_102 [0] : vector<512x64xf32> to vector<64xf32>
    %broadcast_in_dim3A_104 = vector.shape_cast %reduce_max3A_103 : vector<64xf32> to vector<1x64xf32>
    %jit3A_105 = arith.constant 0xFF800000 : f32
    %broadcast_in_dim3A_106 = vector.shape_cast %eq3A_96 : vector<512x1xi1> to vector<512x1xi1>
    %broadcast_in_dim3A_107 = vector.broadcast %broadcast_in_dim3A_106 : vector<512x1xi1> to vector<512x128xi1>
    %broadcast_in_dim3A_108 = vector.broadcast %jit3A_105 : f32 to vector<512x128xf32>
    %select_n3A_109 = arith.select %broadcast_in_dim3A_107, %get3A_24, %broadcast_in_dim3A_108 : vector<512x128xi1>, vector<512x128xf32>
    %reduce_max3A_110 = arith.constant dense<0xFF800000> : vector<128xf32>
    %reduce_max3A_111 = vector.multi_reduction <maximumf>, %select_n3A_109, %reduce_max3A_110 [0] : vector<512x128xf32> to vector<128xf32>
    %broadcast_in_dim3A_112 = vector.shape_cast %reduce_max3A_111 : vector<128xf32> to vector<1x128xf32>
    %get3A_113 = arith.constant 2 : index
    %get3A_114 = arith.constant 0 : index
    %get3A_115 = vector.load %arg8[%get3A_113, %get3A_114] : memref<8x64xf32, #tpu.memory_space<vmem>>, vector<1x64xf32>
    %max3A_116 = arith.maximumf %get3A_115, %broadcast_in_dim3A_104 : vector<1x64xf32>
    %swap3A_117 = arith.constant 2 : index
    %swap3A_118 = arith.constant 0 : index
    %swap3A_119 = vector.load %arg8[%swap3A_117, %swap3A_118] : memref<8x64xf32, #tpu.memory_space<vmem>>, vector<1x64xf32>
    tpu.vector_store %arg8[%swap3A_117, %swap3A_118], %max3A_116 {strides = array<i32>} : memref<8x64xf32, #tpu.memory_space<vmem>>, vector<1x64xf32>,
    %get3A_120 = arith.constant 2 : index
    %get3A_121 = arith.constant 0 : index
    %get3A_122 = vector.load %arg9[%get3A_120, %get3A_121] : memref<8x128xf32, #tpu.memory_space<vmem>>, vector<1x128xf32>
    %max3A_123 = arith.maximumf %get3A_122, %broadcast_in_dim3A_112 : vector<1x128xf32>
    %swap3A_124 = arith.constant 2 : index
    %swap3A_125 = arith.constant 0 : index
    %swap3A_126 = vector.load %arg9[%swap3A_124, %swap3A_125] : memref<8x128xf32, #tpu.memory_space<vmem>>, vector<1x128xf32>
    tpu.vector_store %arg9[%swap3A_124, %swap3A_125], %max3A_123 {strides = array<i32>} : memref<8x128xf32, #tpu.memory_space<vmem>>, vector<1x128xf32>,
    %eq3A_127 = arith.constant 3 : i32
    %eq3A_128 = vector.broadcast %eq3A_127 : i32 to vector<512x1xi32>
    %eq3A_129 = arith.cmpi eq, %get3A_27, %eq3A_128 : vector<512x1xi32>
    %jit3A_130 = arith.constant 0xFF800000 : f32
    %broadcast_in_dim3A_131 = vector.shape_cast %eq3A_129 : vector<512x1xi1> to vector<512x1xi1>
    %broadcast_in_dim3A_132 = vector.broadcast %broadcast_in_dim3A_131 : vector<512x1xi1> to vector<512x64xi1>
    %broadcast_in_dim3A_133 = vector.broadcast %jit3A_130 : f32 to vector<512x64xf32>
    %select_n3A_134 = arith.select %broadcast_in_dim3A_132, %add3A_21, %broadcast_in_dim3A_133 : vector<512x64xi1>, vector<512x64xf32>
    %reduce_max3A_135 = arith.constant dense<0xFF800000> : vector<64xf32>
    %reduce_max3A_136 = vector.multi_reduction <maximumf>, %select_n3A_134, %reduce_max3A_135 [0] : vector<512x64xf32> to vector<64xf32>
    %broadcast_in_dim3A_137 = vector.shape_cast %reduce_max3A_136 : vector<64xf32> to vector<1x64xf32>
    %jit3A_138 = arith.constant 0xFF800000 : f32
    %broadcast_in_dim3A_139 = vector.shape_cast %eq3A_129 : vector<512x1xi1> to vector<512x1xi1>
    %broadcast_in_dim3A_140 = vector.broadcast %broadcast_in_dim3A_139 : vector<512x1xi1> to vector<512x128xi1>
    %broadcast_in_dim3A_141 = vector.broadcast %jit3A_138 : f32 to vector<512x128xf32>
    %select_n3A_142 = arith.select %broadcast_in_dim3A_140, %get3A_24, %broadcast_in_dim3A_141 : vector<512x128xi1>, vector<512x128xf32>
    %reduce_max3A_143 = arith.constant dense<0xFF800000> : vector<128xf32>
    %reduce_max3A_144 = vector.multi_reduction <maximumf>, %select_n3A_142, %reduce_max3A_143 [0] : vector<512x128xf32> to vector<128xf32>
    %broadcast_in_dim3A_145 = vector.shape_cast %reduce_max3A_144 : vector<128xf32> to vector<1x128xf32>
    %get3A_146 = arith.constant 3 : index
    %get3A_147 = arith.constant 0 : index
    %get3A_148 = vector.load %arg8[%get3A_146, %get3A_147] : memref<8x64xf32, #tpu.memory_space<vmem>>, vector<1x64xf32>
    %max3A_149 = arith.maximumf %get3A_148, %broadcast_in_dim3A_137 : vector<1x64xf32>
    %swap3A_150 = arith.constant 3 : index
    %swap3A_151 = arith.constant 0 : index
    %swap3A_152 = vector.load %arg8[%swap3A_150, %swap3A_151] : memref<8x64xf32, #tpu.memory_space<vmem>>, vector<1x64xf32>
    tpu.vector_store %arg8[%swap3A_150, %swap3A_151], %max3A_149 {strides = array<i32>} : memref<8x64xf32, #tpu.memory_space<vmem>>, vector<1x64xf32>,
    %get3A_153 = arith.constant 3 : index
    %get3A_154 = arith.constant 0 : index
    %get3A_155 = vector.load %arg9[%get3A_153, %get3A_154] : memref<8x128xf32, #tpu.memory_space<vmem>>, vector<1x128xf32>
    %max3A_156 = arith.maximumf %get3A_155, %broadcast_in_dim3A_145 : vector<1x128xf32>
    %swap3A_157 = arith.constant 3 : index
    %swap3A_158 = arith.constant 0 : index
    %swap3A_159 = vector.load %arg9[%swap3A_157, %swap3A_158] : memref<8x128xf32, #tpu.memory_space<vmem>>, vector<1x128xf32>
    tpu.vector_store %arg9[%swap3A_157, %swap3A_158], %max3A_156 {strides = array<i32>} : memref<8x128xf32, #tpu.memory_space<vmem>>, vector<1x128xf32>,
    %eq3A_160 = arith.constant 4 : i32
    %eq3A_161 = vector.broadcast %eq3A_160 : i32 to vector<512x1xi32>
    %eq3A_162 = arith.cmpi eq, %get3A_27, %eq3A_161 : vector<512x1xi32>
    %jit3A_163 = arith.constant 0xFF800000 : f32
    %broadcast_in_dim3A_164 = vector.shape_cast %eq3A_162 : vector<512x1xi1> to vector<512x1xi1>
    %broadcast_in_dim3A_165 = vector.broadcast %broadcast_in_dim3A_164 : vector<512x1xi1> to vector<512x64xi1>
    %broadcast_in_dim3A_166 = vector.broadcast %jit3A_163 : f32 to vector<512x64xf32>
    %select_n3A_167 = arith.select %broadcast_in_dim3A_165, %add3A_21, %broadcast_in_dim3A_166 : vector<512x64xi1>, vector<512x64xf32>
    %reduce_max3A_168 = arith.constant dense<0xFF800000> : vector<64xf32>
    %reduce_max3A_169 = vector.multi_reduction <maximumf>, %select_n3A_167, %reduce_max3A_168 [0] : vector<512x64xf32> to vector<64xf32>
    %broadcast_in_dim3A_170 = vector.shape_cast %reduce_max3A_169 : vector<64xf32> to vector<1x64xf32>
    %jit3A_171 = arith.constant 0xFF800000 : f32
    %broadcast_in_dim3A_172 = vector.shape_cast %eq3A_162 : vector<512x1xi1> to vector<512x1xi1>
    %broadcast_in_dim3A_173 = vector.broadcast %broadcast_in_dim3A_172 : vector<512x1xi1> to vector<512x128xi1>
    %broadcast_in_dim3A_174 = vector.broadcast %jit3A_171 : f32 to vector<512x128xf32>
    %select_n3A_175 = arith.select %broadcast_in_dim3A_173, %get3A_24, %broadcast_in_dim3A_174 : vector<512x128xi1>, vector<512x128xf32>
    %reduce_max3A_176 = arith.constant dense<0xFF800000> : vector<128xf32>
    %reduce_max3A_177 = vector.multi_reduction <maximumf>, %select_n3A_175, %reduce_max3A_176 [0] : vector<512x128xf32> to vector<128xf32>
    %broadcast_in_dim3A_178 = vector.shape_cast %reduce_max3A_177 : vector<128xf32> to vector<1x128xf32>
    %get3A_179 = arith.constant 4 : index
    %get3A_180 = arith.constant 0 : index
    %get3A_181 = vector.load %arg8[%get3A_179, %get3A_180] : memref<8x64xf32, #tpu.memory_space<vmem>>, vector<1x64xf32>
    %max3A_182 = arith.maximumf %get3A_181, %broadcast_in_dim3A_170 : vector<1x64xf32>
    %swap3A_183 = arith.constant 4 : index
    %swap3A_184 = arith.constant 0 : index
    %swap3A_185 = vector.load %arg8[%swap3A_183, %swap3A_184] : memref<8x64xf32, #tpu.memory_space<vmem>>, vector<1x64xf32>
    tpu.vector_store %arg8[%swap3A_183, %swap3A_184], %max3A_182 {strides = array<i32>} : memref<8x64xf32, #tpu.memory_space<vmem>>, vector<1x64xf32>,
    %get3A_186 = arith.constant 4 : index
    %get3A_187 = arith.constant 0 : index
    %get3A_188 = vector.load %arg9[%get3A_186, %get3A_187] : memref<8x128xf32, #tpu.memory_space<vmem>>, vector<1x128xf32>
    %max3A_189 = arith.maximumf %get3A_188, %broadcast_in_dim3A_178 : vector<1x128xf32>
    %swap3A_190 = arith.constant 4 : index
    %swap3A_191 = arith.constant 0 : index
    %swap3A_192 = vector.load %arg9[%swap3A_190, %swap3A_191] : memref<8x128xf32, #tpu.memory_space<vmem>>, vector<1x128xf32>
    tpu.vector_store %arg9[%swap3A_190, %swap3A_191], %max3A_189 {strides = array<i32>} : memref<8x128xf32, #tpu.memory_space<vmem>>, vector<1x128xf32>,
    %eq3A_193 = arith.constant 5 : i32
    %eq3A_194 = vector.broadcast %eq3A_193 : i32 to vector<512x1xi32>
    %eq3A_195 = arith.cmpi eq, %get3A_27, %eq3A_194 : vector<512x1xi32>
    %jit3A_196 = arith.constant 0xFF800000 : f32
    %broadcast_in_dim3A_197 = vector.shape_cast %eq3A_195 : vector<512x1xi1> to vector<512x1xi1>
    %broadcast_in_dim3A_198 = vector.broadcast %broadcast_in_dim3A_197 : vector<512x1xi1> to vector<512x64xi1>
    %broadcast_in_dim3A_199 = vector.broadcast %jit3A_196 : f32 to vector<512x64xf32>
    %select_n3A_200 = arith.select %broadcast_in_dim3A_198, %add3A_21, %broadcast_in_dim3A_199 : vector<512x64xi1>, vector<512x64xf32>
    %reduce_max3A_201 = arith.constant dense<0xFF800000> : vector<64xf32>
    %reduce_max3A_202 = vector.multi_reduction <maximumf>, %select_n3A_200, %reduce_max3A_201 [0] : vector<512x64xf32> to vector<64xf32>
    %broadcast_in_dim3A_203 = vector.shape_cast %reduce_max3A_202 : vector<64xf32> to vector<1x64xf32>
    %jit3A_204 = arith.constant 0xFF800000 : f32
    %broadcast_in_dim3A_205 = vector.shape_cast %eq3A_195 : vector<512x1xi1> to vector<512x1xi1>
    %broadcast_in_dim3A_206 = vector.broadcast %broadcast_in_dim3A_205 : vector<512x1xi1> to vector<512x128xi1>
    %broadcast_in_dim3A_207 = vector.broadcast %jit3A_204 : f32 to vector<512x128xf32>
    %select_n3A_208 = arith.select %broadcast_in_dim3A_206, %get3A_24, %broadcast_in_dim3A_207 : vector<512x128xi1>, vector<512x128xf32>
    %reduce_max3A_209 = arith.constant dense<0xFF800000> : vector<128xf32>
    %reduce_max3A_210 = vector.multi_reduction <maximumf>, %select_n3A_208, %reduce_max3A_209 [0] : vector<512x128xf32> to vector<128xf32>
    %broadcast_in_dim3A_211 = vector.shape_cast %reduce_max3A_210 : vector<128xf32> to vector<1x128xf32>
    %get3A_212 = arith.constant 5 : index
    %get3A_213 = arith.constant 0 : index
    %get3A_214 = vector.load %arg8[%get3A_212, %get3A_213] : memref<8x64xf32, #tpu.memory_space<vmem>>, vector<1x64xf32>
    %max3A_215 = arith.maximumf %get3A_214, %broadcast_in_dim3A_203 : vector<1x64xf32>
    %swap3A_216 = arith.constant 5 : index
    %swap3A_217 = arith.constant 0 : index
    %swap3A_218 = vector.load %arg8[%swap3A_216, %swap3A_217] : memref<8x64xf32, #tpu.memory_space<vmem>>, vector<1x64xf32>
    tpu.vector_store %arg8[%swap3A_216, %swap3A_217], %max3A_215 {strides = array<i32>} : memref<8x64xf32, #tpu.memory_space<vmem>>, vector<1x64xf32>,
    %get3A_219 = arith.constant 5 : index
    %get3A_220 = arith.constant 0 : index
    %get3A_221 = vector.load %arg9[%get3A_219, %get3A_220] : memref<8x128xf32, #tpu.memory_space<vmem>>, vector<1x128xf32>
    %max3A_222 = arith.maximumf %get3A_221, %broadcast_in_dim3A_211 : vector<1x128xf32>
    %swap3A_223 = arith.constant 5 : index
    %swap3A_224 = arith.constant 0 : index
    %swap3A_225 = vector.load %arg9[%swap3A_223, %swap3A_224] : memref<8x128xf32, #tpu.memory_space<vmem>>, vector<1x128xf32>
    tpu.vector_store %arg9[%swap3A_223, %swap3A_224], %max3A_222 {strides = array<i32>} : memref<8x128xf32, #tpu.memory_space<vmem>>, vector<1x128xf32>,
    %eq3A_226 = arith.constant 6 : i32
    %eq3A_227 = vector.broadcast %eq3A_226 : i32 to vector<512x1xi32>
    %eq3A_228 = arith.cmpi eq, %get3A_27, %eq3A_227 : vector<512x1xi32>
    %jit3A_229 = arith.constant 0xFF800000 : f32
    %broadcast_in_dim3A_230 = vector.shape_cast %eq3A_228 : vector<512x1xi1> to vector<512x1xi1>
    %broadcast_in_dim3A_231 = vector.broadcast %broadcast_in_dim3A_230 : vector<512x1xi1> to vector<512x64xi1>
    %broadcast_in_dim3A_232 = vector.broadcast %jit3A_229 : f32 to vector<512x64xf32>
    %select_n3A_233 = arith.select %broadcast_in_dim3A_231, %add3A_21, %broadcast_in_dim3A_232 : vector<512x64xi1>, vector<512x64xf32>
    %reduce_max3A_234 = arith.constant dense<0xFF800000> : vector<64xf32>
    %reduce_max3A_235 = vector.multi_reduction <maximumf>, %select_n3A_233, %reduce_max3A_234 [0] : vector<512x64xf32> to vector<64xf32>
    %broadcast_in_dim3A_236 = vector.shape_cast %reduce_max3A_235 : vector<64xf32> to vector<1x64xf32>
    %jit3A_237 = arith.constant 0xFF800000 : f32
    %broadcast_in_dim3A_238 = vector.shape_cast %eq3A_228 : vector<512x1xi1> to vector<512x1xi1>
    %broadcast_in_dim3A_239 = vector.broadcast %broadcast_in_dim3A_238 : vector<512x1xi1> to vector<512x128xi1>
    %broadcast_in_dim3A_240 = vector.broadcast %jit3A_237 : f32 to vector<512x128xf32>
    %select_n3A_241 = arith.select %broadcast_in_dim3A_239, %get3A_24, %broadcast_in_dim3A_240 : vector<512x128xi1>, vector<512x128xf32>
    %reduce_max3A_242 = arith.constant dense<0xFF800000> : vector<128xf32>
    %reduce_max3A_243 = vector.multi_reduction <maximumf>, %select_n3A_241, %reduce_max3A_242 [0] : vector<512x128xf32> to vector<128xf32>
    %broadcast_in_dim3A_244 = vector.shape_cast %reduce_max3A_243 : vector<128xf32> to vector<1x128xf32>
    %get3A_245 = arith.constant 6 : index
    %get3A_246 = arith.constant 0 : index
    %get3A_247 = vector.load %arg8[%get3A_245, %get3A_246] : memref<8x64xf32, #tpu.memory_space<vmem>>, vector<1x64xf32>
    %max3A_248 = arith.maximumf %get3A_247, %broadcast_in_dim3A_236 : vector<1x64xf32>
    %swap3A_249 = arith.constant 6 : index
    %swap3A_250 = arith.constant 0 : index
    %swap3A_251 = vector.load %arg8[%swap3A_249, %swap3A_250] : memref<8x64xf32, #tpu.memory_space<vmem>>, vector<1x64xf32>
    tpu.vector_store %arg8[%swap3A_249, %swap3A_250], %max3A_248 {strides = array<i32>} : memref<8x64xf32, #tpu.memory_space<vmem>>, vector<1x64xf32>,
    %get3A_252 = arith.constant 6 : index
    %get3A_253 = arith.constant 0 : index
    %get3A_254 = vector.load %arg9[%get3A_252, %get3A_253] : memref<8x128xf32, #tpu.memory_space<vmem>>, vector<1x128xf32>
    %max3A_255 = arith.maximumf %get3A_254, %broadcast_in_dim3A_244 : vector<1x128xf32>
    %swap3A_256 = arith.constant 6 : index
    %swap3A_257 = arith.constant 0 : index
    %swap3A_258 = vector.load %arg9[%swap3A_256, %swap3A_257] : memref<8x128xf32, #tpu.memory_space<vmem>>, vector<1x128xf32>
    tpu.vector_store %arg9[%swap3A_256, %swap3A_257], %max3A_255 {strides = array<i32>} : memref<8x128xf32, #tpu.memory_space<vmem>>, vector<1x128xf32>,
    %eq3A_259 = arith.constant 7 : i32
    %eq3A_260 = vector.broadcast %eq3A_259 : i32 to vector<512x1xi32>
    %eq3A_261 = arith.cmpi eq, %get3A_27, %eq3A_260 : vector<512x1xi32>
    %jit3A_262 = arith.constant 0xFF800000 : f32
    %broadcast_in_dim3A_263 = vector.shape_cast %eq3A_261 : vector<512x1xi1> to vector<512x1xi1>
    %broadcast_in_dim3A_264 = vector.broadcast %broadcast_in_dim3A_263 : vector<512x1xi1> to vector<512x64xi1>
    %broadcast_in_dim3A_265 = vector.broadcast %jit3A_262 : f32 to vector<512x64xf32>
    %select_n3A_266 = arith.select %broadcast_in_dim3A_264, %add3A_21, %broadcast_in_dim3A_265 : vector<512x64xi1>, vector<512x64xf32>
    %reduce_max3A_267 = arith.constant dense<0xFF800000> : vector<64xf32>
    %reduce_max3A_268 = vector.multi_reduction <maximumf>, %select_n3A_266, %reduce_max3A_267 [0] : vector<512x64xf32> to vector<64xf32>
    %broadcast_in_dim3A_269 = vector.shape_cast %reduce_max3A_268 : vector<64xf32> to vector<1x64xf32>
    %jit3A_270 = arith.constant 0xFF800000 : f32
    %broadcast_in_dim3A_271 = vector.shape_cast %eq3A_261 : vector<512x1xi1> to vector<512x1xi1>
    %broadcast_in_dim3A_272 = vector.broadcast %broadcast_in_dim3A_271 : vector<512x1xi1> to vector<512x128xi1>
    %broadcast_in_dim3A_273 = vector.broadcast %jit3A_270 : f32 to vector<512x128xf32>
    %select_n3A_274 = arith.select %broadcast_in_dim3A_272, %get3A_24, %broadcast_in_dim3A_273 : vector<512x128xi1>, vector<512x128xf32>
    %reduce_max3A_275 = arith.constant dense<0xFF800000> : vector<128xf32>
    %reduce_max3A_276 = vector.multi_reduction <maximumf>, %select_n3A_274, %reduce_max3A_275 [0] : vector<512x128xf32> to vector<128xf32>
    %broadcast_in_dim3A_277 = vector.shape_cast %reduce_max3A_276 : vector<128xf32> to vector<1x128xf32>
    %get3A_278 = arith.constant 7 : index
    %get3A_279 = arith.constant 0 : index
    %get3A_280 = vector.load %arg8[%get3A_278, %get3A_279] : memref<8x64xf32, #tpu.memory_space<vmem>>, vector<1x64xf32>
    %max3A_281 = arith.maximumf %get3A_280, %broadcast_in_dim3A_269 : vector<1x64xf32>
    %swap3A_282 = arith.constant 7 : index
    %swap3A_283 = arith.constant 0 : index
    %swap3A_284 = vector.load %arg8[%swap3A_282, %swap3A_283] : memref<8x64xf32, #tpu.memory_space<vmem>>, vector<1x64xf32>
    tpu.vector_store %arg8[%swap3A_282, %swap3A_283], %max3A_281 {strides = array<i32>} : memref<8x64xf32, #tpu.memory_space<vmem>>, vector<1x64xf32>,
    %get3A_285 = arith.constant 7 : index
    %get3A_286 = arith.constant 0 : index
    %get3A_287 = vector.load %arg9[%get3A_285, %get3A_286] : memref<8x128xf32, #tpu.memory_space<vmem>>, vector<1x128xf32>
    %max3A_288 = arith.maximumf %get3A_287, %broadcast_in_dim3A_277 : vector<1x128xf32>
    %swap3A_289 = arith.constant 7 : index
    %swap3A_290 = arith.constant 0 : index
    %swap3A_291 = vector.load %arg9[%swap3A_289, %swap3A_290] : memref<8x128xf32, #tpu.memory_space<vmem>>, vector<1x128xf32>
    tpu.vector_store %arg9[%swap3A_289, %swap3A_290], %max3A_288 {strides = array<i32>} : memref<8x128xf32, #tpu.memory_space<vmem>>, vector<1x128xf32>,
    return
  }
  func.func @transform_0(%arg0: i32) -> (i32, i32) {
    %c0_i32 = arith.constant 0 : i32
    %c0_i32_0 = arith.constant 0 : i32
    return %arg0, %c0_i32 : i32, i32
  }
  func.func @transform_1(%arg0: i32) -> (i32, i32) {
    %c0_i32 = arith.constant 0 : i32
    %c0_i32_0 = arith.constant 0 : i32
    return %arg0, %c0_i32 : i32, i32
  }
  func.func @transform_2(%arg0: i32) -> (i32, i32) {
    %c0_i32 = arith.constant 0 : i32
    %c0_i32_0 = arith.constant 0 : i32
    return %arg0, %c0_i32 : i32, i32
  }
  func.func @transform_3(%arg0: i32) -> (i32, i32) {
    %c0_i32 = arith.constant 0 : i32
    %c0_i32_0 = arith.constant 0 : i32
    return %arg0, %c0_i32 : i32, i32
  }
  func.func @transform_4(%arg0: i32) -> (i32, i32) {
    %c0_i32 = arith.constant 0 : i32
    %c0_i32_0 = arith.constant 0 : i32
    return %arg0, %c0_i32 : i32, i32
  }
  func.func @transform_5(%arg0: i32) -> (i32, i32) {
    %c0_i32 = arith.constant 0 : i32
    %c0_i32_0 = arith.constant 0 : i32
    %c0_i32_1 = arith.constant 0 : i32
    return %c0_i32, %c0_i32_0 : i32, i32
  }
  func.func @transform_6(%arg0: i32) -> (i32, i32) {
    %c0_i32 = arith.constant 0 : i32
    %c0_i32_0 = arith.constant 0 : i32
    %c0_i32_1 = arith.constant 0 : i32
    return %c0_i32, %c0_i32_0 : i32, i32
  }
  func.func @transform_7(%arg0: i32) -> (i32, i32) {
    %c0_i32 = arith.constant 0 : i32
    %c0_i32_0 = arith.constant 0 : i32
    %c0_i32_1 = arith.constant 0 : i32
    return %c0_i32, %c0_i32_0 : i32, i32
  }
  func.func @transform_8(%arg0: i32) -> (i32, i32) {
    %c0_i32 = arith.constant 0 : i32
    %c0_i32_0 = arith.constant 0 : i32
    %c0_i32_1 = arith.constant 0 : i32
    return %c0_i32, %c0_i32_0 : i32, i32
  }
}

</mosaic_0001>

<sc_bundles>
// kernel: kernel.5.cloned.1.call-start
scs
__scs_entry_jumppad:
0x0: {  	(pc) =	sbr.rel $0x88, $3  }
0x1: {  	(tag) =	ssettag $0x0;
	lr =	simm.s32 $0x1  }
0x2: {  	[smem:$0x3F99] =	sst lr;
	_ =	strace $0xD0000000  }
0x3: {  	_ = 	snop  }
0x4: {  	_ = 	snop  }
0x5: {  	_ = 	snop  }
0x6: {  	_ = 	snop  }
0x7: {  	_ = 	snop  }
__scs_overlays_trampoline_lowered:
0x8: {  	[smem:$0x3FA8] =	sst s0  }
0x9: {  	[smem:$0x3FA9] =	sst s1  }
0xa: {  	[smem:$0x3FAA] =	sst s2  }
0xb: {  	[smem:$0x3FAB] =	sst s3  }
0xc: {  	[smem:$0x3FAC] =	sst s4  }
0xd: {  	[smem:$0x3FAD] =	sst s5  }
0xe: {  	[smem:$0x3FAE] =	sst s6  }
0xf: {  	[smem:$0x3FAF] =	sst s7  }
0x10: {  	[smem:$0x3FB0] =	sst s8  }
0x11: {  	[smem:$0x3FB1] =	sst s9;
	s0 =	simm.s32 @!p0 $0x0  }
0x12: {  	s1 =	sld [smem:$0x3F97];
	s0 =	simm.s32 @p0 $0x1  }
0x13: {  	[smem:$0x3FB2] =	sst s0;
	s0 =	simm.s32 @!p1 $0x0  }
0x14: {  	s2 =	sld [smem:$0x3F96];
	s0 =	simm.s32 @p1 $0x1  }
0x15: {  	[smem:$0x3FB3] =	sst s0;
	s0 =	simm.s32 @!p2 $0x0  }
0x16: {  	s3 =	sld [smem:$0x3FDB];
	s0 =	simm.s32 @p2 $0x1  }
0x17: {  	s4 =	simm.s32 $0x1BF5;
	[smem:$0x3FB5] =	sst s0  }
0x18: {  	s0 =	sld [smem:$0x3F98];
	_ =	swait.ge [sflag:s4], $0x0  }
0x19: {  	s7 =	sld [smem:$0x3F99]  }
0x1a: {  	s8 =	sadd.s32 $0xFFFFE003, lr  }
0x1b: {  	s9 =	sadd.s32 $0xFFFFFEF7, lr;
	s5 =	simm.s32 $0xFFFFFFFF;
	p2 =	slt.u32 s8, $0xFFFFF086  }
0x1c: {  	p1 =	slt.u32 s9, $0xF7A;
	s5 =	simm.s32 @!p2 $0x0  }
0x1d: {  	s5 =	simm.s32 @p1 $0x1;
	p0 =	seq.s32 s7, s2  }
0x1e: {  	s7 =	smul.u32 @!p0 $0xF7A, s2;
	p2 =	seq.s32 @!p0 s5, $0x0  }
0x1f: {  	s9 =	smul.u32 $0xF7A, s1;
	s8 =	simm.s32 @!p0 $0x1BF5;
	p2 =	por !p2, p0  }
0x20: {  	[sflag:s8] =	ssyncset.s32 @!p0 $0xFFFFF086;
	s6 =	sadd.s32 @!p0 s3, s7;
	s7 =	simm.s32 @!p0 $0x108  }
0x21: {  	s3 =	sadd.s32 s3, s9;
	s6 =	sadd.s32 @!p0 $0x88, s6;
	s7 =	simm.s32 @p2 $0x1082  }
0x22: {  	[simem:s7], [sflag:s8] =	dma.local @!p0 [hbm:s6], $0xF7A  }
0x23: {  	s9 =	sor.u32 $0xD0000000, s2;
	s6 =	simm.s32 $0x108;
	_ =	swait.ge @!p0 [sflag:s8], $0x0  }
0x24: {  	s3 =	sadd.s32 $0x88, s3;
	s6 =	simm.s32 @!p1 $0x1082;
	[sflag:s4] =	ssyncset.s32 $0xFFFFF086  }
0x25: {  	[simem:s6], [sflag:s4] =	dma.local [hbm:s3], $0xF7A  }
0x26: {  	[smem:$0x3F99] =	sst s1;
	(tag) =	ssettag s2;
	_ =	strace s9  }
0x27: {  	s1 =	sld [smem:$0x3FA9]  }
0x28: {  	s2 =	sld [smem:$0x3FAA]  }
0x29: {  	s4 =	sld [smem:$0x3FAC]  }
0x2a: {  	p0 =	seq.s32 s5, $0x0;
	s5 =	sld [smem:$0x3FAD]  }
0x2b: {  	s6 =	sld [smem:$0x3FAE]  }
0x2c: {  	s7 =	sld [smem:$0x3FAF]  }
0x2d: {  	s3 =	simm.s32 $0x108;
	s8 =	sld [smem:$0x3FB0]  }
0x2e: {  	s3 =	simm.s32 @!p0 $0x1082;
	s9 =	sld [smem:$0x3FB1]  }
0x2f: {  	lr =	sadd.s32 s0, s3;
	s0 =	sld [smem:$0x3FA8]  }
0x30: {  	s3 =	sld [smem:$0x3FAB]  }
0x31: {  	[smem:$0x3FB4] =	sst s10  }
0x32: {  	s10 =	sld [smem:$0x3FB2];
	_ =	sdelay $0x3  }
0x33: {  	p0 =	seq.s32 s10, $0x1;
	s10 =	sld [smem:$0x3FB4];
	_ =	sdelay $0x3  }
0x34: {  	[smem:$0x3FB4] =	sst s10  }
0x35: {  	s10 =	sld [smem:$0x3FB3];
	_ =	sdelay $0x3  }
0x36: {  	p1 =	seq.s32 s10, $0x1;
	s10 =	sld [smem:$0x3FB4];
	_ =	sdelay $0x3  }
0x37: {  	[smem:$0x3FB4] =	sst s10  }
0x38: {  	s10 =	sld [smem:$0x3FB5]  }
0x39: {  	_ = 	snop;
	(pc) =	sbr.ind lr, $3  }
0x3a: {  	_ = 	snop  }
0x3b: {  	_ = 	snop  }
0x3c: {  	p2 =	seq.s32 s10, $0x1;
	s10 =	sld [smem:$0x3FB4]  }
0x3d: {  	_ =	shalt  }
0x3e: {  	_ =	shalt  }
0x3f: {  	_ =	shalt  }
0x40: {  	_ =	shalt  }
0x41: {  	_ =	shalt  }
0x42: {  	_ =	shalt  }
0x43: {  	_ =	shalt  }
0x44: {  	_ =	shalt  }
0x45: {  	_ =	shalt  }
0x46: {  	_ =	shalt  }
0x47: {  	_ =	shalt  }
0x48: {  	_ =	shalt  }
0x49: {  	_ =	shalt  }
0x4a: {  	_ =	shalt  }
0x4b: {  	_ =	shalt  }
0x4c: {  	_ =	shalt  }
0x4d: {  	_ =	shalt  }
0x4e: {  	_ =	shalt  }
0x4f: {  	_ =	shalt  }
0x50: {  	_ =	shalt  }
0x51: {  	_ =	shalt  }
0x52: {  	_ =	shalt  }
0x53: {  	_ =	shalt  }
0x54: {  	_ =	shalt  }
0x55: {  	_ =	shalt  }
0x56: {  	_ =	shalt  }
0x57: {  	_ =	shalt  }
0x58: {  	_ =	shalt  }
0x59: {  	_ =	shalt  }
0x5a: {  	_ =	shalt  }
0x5b: {  	_ =	shalt  }
0x5c: {  	_ =	shalt  }
0x5d: {  	_ =	shalt  }
0x5e: {  	_ =	shalt  }
0x5f: {  	_ =	shalt  }
0x60: {  	_ =	shalt  }
0x61: {  	_ =	shalt  }
0x62: {  	_ =	shalt  }
0x63: {  	_ =	shalt  }
0x64: {  	_ =	shalt  }
0x65: {  	_ =	shalt  }
0x66: {  	_ =	shalt  }
0x67: {  	_ =	shalt  }
0x68: {  	_ =	shalt  }
0x69: {  	_ =	shalt  }
0x6a: {  	_ =	shalt  }
0x6b: {  	_ =	shalt  }
0x6c: {  	_ =	shalt  }
0x6d: {  	_ =	shalt  }
0x6e: {  	_ =	shalt  }
0x6f: {  	_ =	shalt  }
0x70: {  	_ =	shalt  }
0x71: {  	_ =	shalt  }
0x72: {  	_ =	shalt  }
0x73: {  	_ =	shalt  }
0x74: {  	_ =	shalt  }
0x75: {  	_ =	shalt  }
0x76: {  	_ =	shalt  }
0x77: {  	_ =	shalt  }
0x78: {  	_ =	shalt  }
0x79: {  	_ =	shalt  }
0x7a: {  	_ =	shalt  }
0x7b: {  	_ =	shalt  }
0x7c: {  	_ =	shalt  }
0x7d: {  	_ =	shalt  }
0x7e: {  	_ =	shalt  }
0x7f: {  	_ =	shalt  }
0x80: {  	_ =	shalt  }
0x81: {  	_ =	shalt  }
0x82: {  	_ =	shalt  }
0x83: {  	_ =	shalt  }
0x84: {  	_ =	shalt  }
0x85: {  	_ =	shalt  }
0x86: {  	_ =	shalt  }
0x87: {  	_ =	shalt  }
.Lfunc_end0:
.L_simem_size_0:
called_computation_lowered:
.L_overlay_start_0:
0x88: {  	s2 =	sld [smem:$0x3FD9]  }
0x89: {  	s3 =	sld [smem:$0x3FFE];
	_ =	sdelay $0x1  }
0x8a: {  	s1 =	srdreg.scid  }
0x8b: {  	s0 =	sand.u32 $0x1, s1  }
0x8c: {  	s16 =	sshll.u32 s0, $0xA;
	s2 =	sadd.s32 s3, s2  }
0x8d: {  	s2 =	sadd.s32 s2, s16  }
0x8e: {  	[smem:$0x3FC0] =	sst s2  }
0x8f: {  	_ = 	snop  }
0x90: {  	(tm) =	ssettm $0x1  }
0x91: {  	s17 =	sld [smem:$0x3FFB];
	_ =	sdelay $0x3  }
0x92: {  	_ =	strace s17  }
0x93: {  	s2 =	sld [smem:$0x3FFC];
	_ =	sdelay $0x3  }
0x94: {  	_ =	strace s2  }
0x95: {  	s2 =	sld [smem:$0x3FFD];
	_ =	sdelay $0x3  }
0x96: {  	_ =	strace s2  }
0x97: {  	_ =	strace $0x8FFFFFFF  }
0x98: {  	s18 =	sld [smem:$0x3FDB];
	_ =	sdelay $0x1  }
0x99: {  	s19 =	simm.s32 $_scs_section_size  }
0x9a: {  	s4 =	simm.s32 $_size__tile_overlayer_lowered;
	s5 =	simm.s32 $_tile_overlayer_lowered  }
0x9b: {  	s22 =	simm.s32 $0x1BFF;
	s21 =	sshll.u32 s5, $0x1;
	s2 =	sadd.s32 s19, s18  }
0x9c: {  	s6 =	simm.s32 $0x0;
	s20 =	sshll.u32 s4, $0x1;
	s4 =	sadd.s32 s21, s2  }
0x9d: {  	[timem:s6], [sflag:s22] =	dma.local [hbm:s4], s20  }
0x9e: {  	_ =	swait.ge [sflag:s22], s20  }
0x9f: {  	s3 =	ssub.s32 $0x0, s20;
	[sflag:s22] =	ssyncset.done $0x0  }
0xa0: {  	[sflag:s22] =	ssyncadd.s32 s3;
	_ =	sdelay $0x1  }
0xa1: {  	s23 =	simm.s32 $0x1B8B  }
0xa2: {  	_ =	swait.ge [sflag:s23], $0x1  }
0xa3: {  	[sflag:s23] =	ssyncset.done $0x0  }
0xa4: {  	s25 =	simm.s32 $0x1B8E;
	s24 =	sld [smem:$0x3FFE];
	[sflag:s23] =	ssyncadd.s32 $0xFFFFFFFF  }
0xa5: {  	s26 =	simm.s32 $execute0_lowered;
	[smem:$0x3FD2] =	sst s25  }
0xa6: {  	s4 =	sshll.u32 s26, $0x1;
	_ =	strace $0x80000046;
	[dreg:$0x1] =	wrdreg $0xFFFFFFFF  }
0xa7: {  	s28 =	simm.s32 $_size_execute0_lowered;
	s2 =	sadd.s32 s2, s4;
	[dreg:$0x0] =	wrdreg $0x0  }
0xa8: {  	s4 =	sshll.u32 s28, $0x1;
	[dreg:$0x2] =	wrdreg s2  }
0xa9: {  	[dreg:$0x3] =	wrdreg s4  }
0xaa: {  	[dreg:$0x4] =	wrdreg $0xC0  }
0xab: {  	_ =	task [dreg:s6], $0x5FFFF  }
0xac: {  	[dreg:$0x1] =	wrdreg $0xFFFFFFFF  }
0xad: {  	[dreg:$0x0] =	wrdreg $0x60  }
0xae: {  	[dreg:$0x2] =	wrdreg s24  }
0xaf: {  	[dreg:$0x3] =	wrdreg $0x9  }
0xb0: {  	_ =	task.clear_ibuf [dreg:s6], $0x4FFFF;
	_ =	strace $0x90000046  }
0xb1: {  	s29 =	simm.s32 $0x9;
	_ =	strace $0x80000048  }
0xb2: {  	_ =	swait.ge [sflag:s29], $0x1  }
0xb3: {  	[sflag:s29] =	ssyncadd.s32 $0xFFFFFFFF  }
0xb4: {  	_ =	strace $0x90000048  }
0xb5: {  	_ =	sfence  }
0xb6: {  	s30 =	sld [smem:$0x0];
	_ =	sdelay $0x2  }
0xb7: {  	s31 =	sshll.u32 s1, $0xD;
	s1 =	sshrl.u32 s1, $0x2  }
0xb8: {  	s3 =	sand.u32 $0x4000, s31;
	s1 =	sadd.s32 s1, s30  }
0xb9: {  	s0 =	sor.u32 s3, s0;
	s1 =	sshll.u32 s1, $0x11  }
0xba: {  	s0 =	sor.u32 s1, s0  }
0xbb: {  	s0 =	sadd.s32 $0x8F2B, s0  }
0xbc: {  	[sflag:s0] =	ssyncadd.remote.s32 $0x1  }
0xbd: {  	_ =	sfence.sel $0xFFFF  }
0xbe: {  	[dreg:$0x0] =	wrdreg $0xFFFFFFFF;
	(pc) =	sbr.abs _section_cstart, $3  }
0xbf: {  	[dreg:$0x1] =	wrdreg $0xFFFFFFFF  }
0xc0: {  	_ =	task.clear_ibuf [dreg:s6], $0x2FFFF;
	_ =	strace $0x9FFFFFFF  }
0xc1: {  	(tm) =	ssettm $0x7FFFFFFF  }
tec
execute0_lowered:
.L_overlay_start_1:
0x0: {  	(tag) =	ssettag $0x1  }
0x1: {  	s6 =	rddreg [dreg:$0x0]  }
0x2: {  	s0 =	rddreg [dreg:$0x1];
	s1 =	simm.s32 $0x0;
	s2 =	srdreg.scid  }
0x3: {  	s11 =	simm.s32 $0x1;
	s12 =	simm.s32 $0x4080;
	s13 =	simm.s32 $0x4480  }
0x4: {  	s14 =	simm.s32 $0x0;
	[smem:$0x7FF] =	sst s1;
	s7 =	sand.u32 $0x1, s2  }
0x5: {  	s3 =	sadd.s32 $0x53200, s6;
	s2 =	stileid.u32;
	s4 =	sadd.s32 $0x7B200, s6  }
0x6: {  	s5 =	sadd.s32 $0x80200, s6;
	s6 =	sadd.s32 $0xA8200, s6;
	s8 =	ssub.s32 $0x2, s7  }
0x7: {  	_ =	strace $0x80000047;
	s10 =	sshll.u32 s2, $0x1;
	s9 =	sshrl.u32 s8, $0x1  }
0x8: {  	s7 =	sor.u32 s7, s10;
	s10 =	simm.s32 $0x80;
	s8 =	ssub.s32 s8, s9  }
0x9: {  	s7 =	smul.u32 $0x140, s7;
	s9 =	simm.s32 $0x2;
	s8 =	smax.u32 s8, $0x1  }
.LBB2_1:
0xa: {  	s15 =	simm.s32 $0x0  }
.LBB2_2:
0xb: {  	s16 =	sshll.u32 s15, $0x3  }
0xc: {  	s16 =	sadd.s32 s7, s16  }
0xd: {  	s17 =	sshll.u32 s16, $0x1  }
0xe: {  	s18 =	simm.s32 $0x0;
	s17 =	sadd.s32 s4, s17  }
0xf: {  	[tilespmem:s18], [sflag:$0x2] =	stream.linear.gather [hbm4b:s17+s18], $0x80, $0x38;
	[tilespmem:$0x4880] =	vst v63  }
0x10: {  	_ =	swait.ge [sflag:s9], $0x80  }
0x11: {  	[sflag:s9] =	ssyncset.done $0x0  }
0x12: {  	[sflag:s9] =	ssyncadd.s32 $0xFFFFFF80  }
0x13: {  	[tilespmem:s10], [sflag:$0x1] =	stream.indirect.gather [hbm4b:s3+s10], $0x80, s18, s10, $0xb8;
	[tilespmem:$0x4880] =	vst v63  }
0x14: {  	_ =	swait.ge [sflag:s11], $0x4000  }
0x15: {  	[sflag:s11] =	ssyncset.done $0x0  }
0x16: {  	s17 =	simm.s32 $0x480;
	[sflag:s11] =	ssyncadd.s32 $0xFFFFC000  }
0x17: {  	v0 =	vld [tilespmem:s17+$0xFFFFFC80]  }
0x18: {  	v1 =	vld [tilespmem:s17+$0xFFFFFC00]  }
0x19: {  	v2 =	vld [tilespmem:s17+$0xFFFFFD00]  }
0x1a: {  	v3 =	vld [tilespmem:s17+$0xFFFFFD80]  }
0x1b: {  	v4 =	vld [tilespmem:s17+$0xFFFFFE00]  }
0x1c: {  	v5 =	vld [tilespmem:s17+$0xFFFFFE80]  }
0x1d: {  	v7 =	vld [tilespmem:s17+$0xFFFFFF00];
	v6 =	vmax.f32 v1, v0  }
0x1e: {  	v41 =	vld [tilespmem:s17+$0xFFFFFF80];
	v0 =	vmin.f32 v1, v0;
	v1 =	vmax.f32 v6, v2  }
0x1f: {  	v0 =	vmin.f32 v0, v2;
	v2 =	vld [tilespmem:s17+$0x0];
	v1 =	vmax.f32 v1, v3  }
0x20: {  	v0 =	vmin.f32 v0, v3;
	v3 =	vld [tilespmem:s17+$0x80];
	v1 =	vmax.f32 v1, v4  }
0x21: {  	v42 =	vld [tilespmem:s17+$0x100];
	v0 =	vmin.f32 v0, v4;
	v1 =	vmax.f32 v1, v5  }
0x22: {  	v43 =	vld [tilespmem:s17+$0x180];
	v0 =	vmin.f32 v0, v5;
	v1 =	vmax.f32 v1, v7  }
0x23: {  	v44 =	vld [tilespmem:s17+$0x200];
	v0 =	vmin.f32 v0, v7;
	v1 =	vmax.f32 v1, v41  }
0x24: {  	v45 =	vld [tilespmem:s17+$0x280];
	v0 =	vmin.f32 v0, v41;
	v1 =	vmax.f32 v1, v2  }
0x25: {  	v0 =	vmin.f32 v0, v2;
	v2 =	vld [tilespmem:s17+$0x300];
	v1 =	vmax.f32 v1, v3  }
0x26: {  	v0 =	vmin.f32 v0, v3;
	v3 =	vld [tilespmem:s17+$0x380];
	v1 =	vmax.f32 v1, v42  }
0x27: {  	v0 =	vmin.f32 v0, v42;
	v1 =	vmax.f32 v1, v43  }
0x28: {  	v0 =	vmin.f32 v0, v43;
	v1 =	vmax.f32 v1, v44  }
0x29: {  	v0 =	vmin.f32 v0, v44;
	v1 =	vmax.f32 v1, v45  }
0x2a: {  	v0 =	vmin.f32 v0, v45;
	v1 =	vmax.f32 v1, v2  }
0x2b: {  	s18 =	simm.s32 $0x0;
	v0 =	vmin.f32 v0, v2;
	v1 =	vmax.f32 v1, v3  }
0x2c: {  	v0 =	vmin.f32 v0, v3;
	[tilespmem:s18+$0x4080] =	vst v1  }
0x2d: {  	[tilespmem:s18+$0x4480] =	vst v0  }
0x2e: {  	v0 =	vld [tilespmem:s17+$0xFFFFFC10]  }
0x2f: {  	v1 =	vld [tilespmem:s17+$0xFFFFFC90]  }
0x30: {  	v2 =	vld [tilespmem:s17+$0xFFFFFD10]  }
0x31: {  	v3 =	vld [tilespmem:s17+$0xFFFFFD90]  }
0x32: {  	v46 =	vld [tilespmem:s17+$0xFFFFFE10]  }
0x33: {  	v47 =	vld [tilespmem:s17+$0xFFFFFE90]  }
0x34: {  	v49 =	vld [tilespmem:s17+$0xFFFFFF10];
	v48 =	vmax.f32 v0, v1  }
0x35: {  	v50 =	vld [tilespmem:s17+$0xFFFFFF90];
	v0 =	vmin.f32 v0, v1;
	v1 =	vmax.f32 v48, v2  }
0x36: {  	v0 =	vmin.f32 v0, v2;
	v2 =	vld [tilespmem:s17+$0x10];
	v1 =	vmax.f32 v1, v3  }
0x37: {  	v0 =	vmin.f32 v0, v3;
	v3 =	vld [tilespmem:s17+$0x90];
	v1 =	vmax.f32 v1, v46  }
0x38: {  	v51 =	vld [tilespmem:s17+$0x110];
	v0 =	vmin.f32 v0, v46;
	v1 =	vmax.f32 v1, v47  }
0x39: {  	v52 =	vld [tilespmem:s17+$0x190];
	v0 =	vmin.f32 v0, v47;
	v1 =	vmax.f32 v1, v49  }
0x3a: {  	v53 =	vld [tilespmem:s17+$0x210];
	v0 =	vmin.f32 v0, v49;
	v1 =	vmax.f32 v1, v50  }
0x3b: {  	v54 =	vld [tilespmem:s17+$0x290];
	v0 =	vmin.f32 v0, v50;
	v1 =	vmax.f32 v1, v2  }
0x3c: {  	v0 =	vmin.f32 v0, v2;
	v2 =	vld [tilespmem:s17+$0x310];
	v1 =	vmax.f32 v1, v3  }
0x3d: {  	v0 =	vmin.f32 v0, v3;
	v3 =	vld [tilespmem:s17+$0x390];
	v1 =	vmax.f32 v1, v51  }
0x3e: {  	v0 =	vmin.f32 v0, v51;
	v1 =	vmax.f32 v1, v52  }
0x3f: {  	v0 =	vmin.f32 v0, v52;
	v1 =	vmax.f32 v1, v53  }
0x40: {  	v0 =	vmin.f32 v0, v53;
	v1 =	vmax.f32 v1, v54  }
0x41: {  	v0 =	vmin.f32 v0, v54;
	v1 =	vmax.f32 v1, v2  }
0x42: {  	v0 =	vmin.f32 v0, v2;
	v1 =	vmax.f32 v1, v3  }
0x43: {  	v0 =	vmin.f32 v0, v3;
	[tilespmem:s18+$0x4090] =	vst v1  }
0x44: {  	[tilespmem:s18+$0x4490] =	vst v0  }
0x45: {  	v0 =	vld [tilespmem:s17+$0xFFFFFC20]  }
0x46: {  	v1 =	vld [tilespmem:s17+$0xFFFFFCA0]  }
0x47: {  	v2 =	vld [tilespmem:s17+$0xFFFFFD20]  }
0x48: {  	v3 =	vld [tilespmem:s17+$0xFFFFFDA0]  }
0x49: {  	v55 =	vld [tilespmem:s17+$0xFFFFFE20]  }
0x4a: {  	v56 =	vld [tilespmem:s17+$0xFFFFFEA0]  }
0x4b: {  	v58 =	vld [tilespmem:s17+$0xFFFFFF20];
	v57 =	vmax.f32 v0, v1  }
0x4c: {  	v59 =	vld [tilespmem:s17+$0xFFFFFFA0];
	v0 =	vmin.f32 v0, v1;
	v1 =	vmax.f32 v57, v2  }
0x4d: {  	v0 =	vmin.f32 v0, v2;
	v2 =	vld [tilespmem:s17+$0x20];
	v1 =	vmax.f32 v1, v3  }
0x4e: {  	v0 =	vmin.f32 v0, v3;
	v3 =	vld [tilespmem:s17+$0xA0];
	v1 =	vmax.f32 v1, v55  }
0x4f: {  	v60 =	vld [tilespmem:s17+$0x120];
	v0 =	vmin.f32 v0, v55;
	v1 =	vmax.f32 v1, v56  }
0x50: {  	v61 =	vld [tilespmem:s17+$0x1A0];
	v0 =	vmin.f32 v0, v56;
	v1 =	vmax.f32 v1, v58  }
0x51: {  	v62 =	vld [tilespmem:s17+$0x220];
	v0 =	vmin.f32 v0, v58;
	v1 =	vmax.f32 v1, v59  }
0x52: {  	v63 =	vld [tilespmem:s17+$0x2A0];
	v0 =	vmin.f32 v0, v59;
	v1 =	vmax.f32 v1, v2  }
0x53: {  	v0 =	vmin.f32 v0, v2;
	v2 =	vld [tilespmem:s17+$0x320];
	v1 =	vmax.f32 v1, v3  }
0x54: {  	v0 =	vmin.f32 v0, v3;
	v3 =	vld [tilespmem:s17+$0x3A0];
	v1 =	vmax.f32 v1, v60  }
0x55: {  	v0 =	vmin.f32 v0, v60;
	v1 =	vmax.f32 v1, v61  }
0x56: {  	v0 =	vmin.f32 v0, v61;
	v1 =	vmax.f32 v1, v62  }
0x57: {  	v0 =	vmin.f32 v0, v62;
	v1 =	vmax.f32 v1, v63  }
0x58: {  	v0 =	vmin.f32 v0, v63;
	v1 =	vmax.f32 v1, v2  }
0x59: {  	v0 =	vmin.f32 v0, v2;
	v1 =	vmax.f32 v1, v3  }
0x5a: {  	s20 =	simm.s32 $0x200;
	s19 =	simm.s32 $0x480;
	v0 =	vmin.f32 v0, v3;
	[tilespmem:s18+$0x40A0] =	vst v1  }
.LBB2_3:
0x5b: {  	p0 =	sne.s32 s20, $0xE00  }
0x5c: {  	[tilespmem:s18+$0x44A0] =	vst v0;
	s17 =	sadd.s32 $0x800, s17;
	s21 =	smov.u32 s20;
	s20 =	sadd.s32 $0x200, s20  }
0x5d: {  	v0 =	vld [tilespmem:s19+$0xFFFFFC30]  }
0x5e: {  	v1 =	vld [tilespmem:s19+$0xFFFFFCB0]  }
0x5f: {  	v2 =	vld [tilespmem:s19+$0xFFFFFD30]  }
0x60: {  	v3 =	vld [tilespmem:s19+$0xFFFFFDB0]  }
0x61: {  	v4 =	vld [tilespmem:s19+$0xFFFFFE30]  }
0x62: {  	v5 =	vld [tilespmem:s19+$0xFFFFFEB0]  }
0x63: {  	v6 =	vmax.f32 v0, v1;
	v0 =	vmin.f32 v0, v1;
	v1 =	vld [tilespmem:s19+$0xFFFFFF30]  }
0x64: {  	v6 =	vmax.f32 v6, v2;
	v0 =	vmin.f32 v0, v2;
	v2 =	vld [tilespmem:s19+$0xFFFFFFB0]  }
0x65: {  	v6 =	vmax.f32 v6, v3;
	v0 =	vmin.f32 v0, v3;
	v3 =	vld [tilespmem:s19+$0x30]  }
0x66: {  	v6 =	vmax.f32 v6, v4;
	v0 =	vmin.f32 v0, v4;
	v4 =	vld [tilespmem:s19+$0xB0]  }
0x67: {  	v6 =	vmax.f32 v6, v5;
	v0 =	vmin.f32 v0, v5;
	v5 =	vld [tilespmem:s19+$0x130]  }
0x68: {  	v6 =	vmax.f32 v6, v1;
	v0 =	vmin.f32 v0, v1;
	v1 =	vld [tilespmem:s19+$0x1B0]  }
0x69: {  	v6 =	vmax.f32 v6, v2;
	v0 =	vmin.f32 v0, v2;
	v2 =	vld [tilespmem:s19+$0x230]  }
0x6a: {  	v6 =	vmax.f32 v6, v3;
	v0 =	vmin.f32 v0, v3;
	v3 =	vld [tilespmem:s19+$0x2B0]  }
0x6b: {  	v6 =	vmax.f32 v6, v4;
	v0 =	vmin.f32 v0, v4;
	v4 =	vld [tilespmem:s19+$0x330]  }
0x6c: {  	v6 =	vmax.f32 v6, v5;
	v0 =	vmin.f32 v0, v5;
	v5 =	vld [tilespmem:s19+$0x3B0];
	s19 =	smov.u32 s17  }
0x6d: {  	v6 =	vmax.f32 v6, v1;
	v0 =	vmin.f32 v0, v1  }
0x6e: {  	v1 =	vmax.f32 v6, v2;
	v0 =	vmin.f32 v0, v2  }
0x6f: {  	v1 =	vmax.f32 v1, v3;
	v0 =	vmin.f32 v0, v3  }
0x70: {  	v1 =	vmax.f32 v1, v4;
	v0 =	vmin.f32 v0, v4  }
0x71: {  	v1 =	vmax.f32 v1, v5;
	v0 =	vmin.f32 v0, v5  }
0x72: {  	[tilespmem:s18+$0x40B0] =	vst v1  }
0x73: {  	[tilespmem:s18+$0x44B0] =	vst v0  }
0x74: {  	v0 =	vld [tilespmem:s17+$0xFFFFFC80]  }
0x75: {  	v1 =	vld [tilespmem:s17+$0xFFFFFC00]  }
0x76: {  	v2 =	vld [tilespmem:s17+$0xFFFFFD00]  }
0x77: {  	v3 =	vld [tilespmem:s17+$0xFFFFFD80]  }
0x78: {  	v4 =	vld [tilespmem:s17+$0xFFFFFE00]  }
0x79: {  	v5 =	vld [tilespmem:s17+$0xFFFFFE80]  }
0x7a: {  	v6 =	vmax.f32 v1, v0;
	v0 =	vmin.f32 v1, v0;
	v1 =	vld [tilespmem:s17+$0xFFFFFF00]  }
0x7b: {  	v6 =	vmax.f32 v6, v2;
	v0 =	vmin.f32 v0, v2;
	v2 =	vld [tilespmem:s17+$0xFFFFFF80]  }
0x7c: {  	v6 =	vmax.f32 v6, v3;
	v0 =	vmin.f32 v0, v3;
	v3 =	vld [tilespmem:s17+$0x0]  }
0x7d: {  	v6 =	vmax.f32 v6, v4;
	v0 =	vmin.f32 v0, v4;
	v4 =	vld [tilespmem:s17+$0x80]  }
0x7e: {  	v6 =	vmax.f32 v6, v5;
	v0 =	vmin.f32 v0, v5;
	v5 =	vld [tilespmem:s17+$0x100]  }
0x7f: {  	v6 =	vmax.f32 v6, v1;
	v0 =	vmin.f32 v0, v1;
	v1 =	vld [tilespmem:s17+$0x180]  }
0x80: {  	v6 =	vmax.f32 v6, v2;
	v0 =	vmin.f32 v0, v2;
	v2 =	vld [tilespmem:s17+$0x200]  }
0x81: {  	v6 =	vmax.f32 v6, v3;
	v0 =	vmin.f32 v0, v3;
	v3 =	vld [tilespmem:s17+$0x280]  }
0x82: {  	v6 =	vmax.f32 v6, v4;
	v0 =	vmin.f32 v0, v4;
	v4 =	vld [tilespmem:s17+$0x300]  }
0x83: {  	v6 =	vmax.f32 v6, v5;
	v0 =	vmin.f32 v0, v5;
	v5 =	vld [tilespmem:s17+$0x380]  }
0x84: {  	v6 =	vmax.f32 v6, v1;
	v0 =	vmin.f32 v0, v1  }
0x85: {  	v1 =	vmax.f32 v6, v2;
	v0 =	vmin.f32 v0, v2  }
0x86: {  	v1 =	vmax.f32 v1, v3;
	v0 =	vmin.f32 v0, v3  }
0x87: {  	v1 =	vmax.f32 v1, v4;
	v0 =	vmin.f32 v0, v4  }
0x88: {  	s18 =	sshra.s32 s21, $0x2;
	v1 =	vmax.f32 v1, v5;
	v0 =	vmin.f32 v0, v5  }
0x89: {  	[tilespmem:s18+$0x4080] =	vst v1  }
0x8a: {  	[tilespmem:s18+$0x4480] =	vst v0  }
0x8b: {  	v0 =	vld [tilespmem:s17+$0xFFFFFC10]  }
0x8c: {  	v1 =	vld [tilespmem:s17+$0xFFFFFC90]  }
0x8d: {  	v2 =	vld [tilespmem:s17+$0xFFFFFD10]  }
0x8e: {  	v3 =	vld [tilespmem:s17+$0xFFFFFD90]  }
0x8f: {  	v4 =	vld [tilespmem:s17+$0xFFFFFE10]  }
0x90: {  	v5 =	vld [tilespmem:s17+$0xFFFFFE90]  }
0x91: {  	v6 =	vmax.f32 v0, v1;
	v0 =	vmin.f32 v0, v1;
	v1 =	vld [tilespmem:s17+$0xFFFFFF10]  }
0x92: {  	v6 =	vmax.f32 v6, v2;
	v0 =	vmin.f32 v0, v2;
	v2 =	vld [tilespmem:s17+$0xFFFFFF90]  }
0x93: {  	v6 =	vmax.f32 v6, v3;
	v0 =	vmin.f32 v0, v3;
	v3 =	vld [tilespmem:s17+$0x10]  }
0x94: {  	v6 =	vmax.f32 v6, v4;
	v0 =	vmin.f32 v0, v4;
	v4 =	vld [tilespmem:s17+$0x90]  }
0x95: {  	v6 =	vmax.f32 v6, v5;
	v0 =	vmin.f32 v0, v5;
	v5 =	vld [tilespmem:s17+$0x110]  }
0x96: {  	v6 =	vmax.f32 v6, v1;
	v0 =	vmin.f32 v0, v1;
	v1 =	vld [tilespmem:s17+$0x190]  }
0x97: {  	v6 =	vmax.f32 v6, v2;
	v0 =	vmin.f32 v0, v2;
	v2 =	vld [tilespmem:s17+$0x210]  }
0x98: {  	v6 =	vmax.f32 v6, v3;
	v0 =	vmin.f32 v0, v3;
	v3 =	vld [tilespmem:s17+$0x290]  }
0x99: {  	v6 =	vmax.f32 v6, v4;
	v0 =	vmin.f32 v0, v4;
	v4 =	vld [tilespmem:s17+$0x310]  }
0x9a: {  	v6 =	vmax.f32 v6, v5;
	v0 =	vmin.f32 v0, v5;
	v5 =	vld [tilespmem:s17+$0x390]  }
0x9b: {  	v6 =	vmax.f32 v6, v1;
	v0 =	vmin.f32 v0, v1  }
0x9c: {  	v1 =	vmax.f32 v6, v2;
	v0 =	vmin.f32 v0, v2  }
0x9d: {  	v1 =	vmax.f32 v1, v3;
	v0 =	vmin.f32 v0, v3  }
0x9e: {  	v1 =	vmax.f32 v1, v4;
	v0 =	vmin.f32 v0, v4  }
0x9f: {  	v1 =	vmax.f32 v1, v5;
	v0 =	vmin.f32 v0, v5  }
0xa0: {  	[tilespmem:s18+$0x4090] =	vst v1  }
0xa1: {  	[tilespmem:s18+$0x4490] =	vst v0  }
0xa2: {  	v0 =	vld [tilespmem:s17+$0xFFFFFC20]  }
0xa3: {  	v1 =	vld [tilespmem:s17+$0xFFFFFCA0]  }
0xa4: {  	v2 =	vld [tilespmem:s17+$0xFFFFFD20]  }
0xa5: {  	v3 =	vld [tilespmem:s17+$0xFFFFFDA0]  }
0xa6: {  	v4 =	vld [tilespmem:s17+$0xFFFFFE20]  }
0xa7: {  	v5 =	vld [tilespmem:s17+$0xFFFFFEA0]  }
0xa8: {  	v6 =	vmax.f32 v0, v1;
	v0 =	vmin.f32 v0, v1;
	v1 =	vld [tilespmem:s17+$0xFFFFFF20]  }
0xa9: {  	v6 =	vmax.f32 v6, v2;
	v0 =	vmin.f32 v0, v2;
	v2 =	vld [tilespmem:s17+$0xFFFFFFA0]  }
0xaa: {  	v6 =	vmax.f32 v6, v3;
	v0 =	vmin.f32 v0, v3;
	v3 =	vld [tilespmem:s17+$0x20]  }
0xab: {  	v6 =	vmax.f32 v6, v4;
	v0 =	vmin.f32 v0, v4;
	v4 =	vld [tilespmem:s17+$0xA0]  }
0xac: {  	v6 =	vmax.f32 v6, v5;
	v0 =	vmin.f32 v0, v5;
	v5 =	vld [tilespmem:s17+$0x120]  }
0xad: {  	v6 =	vmax.f32 v6, v1;
	v0 =	vmin.f32 v0, v1;
	v1 =	vld [tilespmem:s17+$0x1A0]  }
0xae: {  	v6 =	vmax.f32 v6, v2;
	v0 =	vmin.f32 v0, v2;
	v2 =	vld [tilespmem:s17+$0x220]  }
0xaf: {  	v6 =	vmax.f32 v6, v3;
	v0 =	vmin.f32 v0, v3;
	v3 =	vld [tilespmem:s17+$0x2A0]  }
0xb0: {  	v6 =	vmax.f32 v6, v4;
	v0 =	vmin.f32 v0, v4;
	v4 =	vld [tilespmem:s17+$0x320]  }
0xb1: {  	v6 =	vmax.f32 v6, v5;
	v0 =	vmin.f32 v0, v5;
	v5 =	vld [tilespmem:s17+$0x3A0]  }
0xb2: {  	v6 =	vmax.f32 v6, v1;
	v0 =	vmin.f32 v0, v1  }
.Ltmp0:
0xb3: {  	v1 =	vmax.f32 v6, v2;
	v0 =	vmin.f32 v0, v2;
	(pc) =	sbr.rel @p0 .LBB2_3-.Ltmp0, $4  }
0xb4: {  	v1 =	vmax.f32 v1, v3;
	v0 =	vmin.f32 v0, v3  }
0xb5: {  	v1 =	vmax.f32 v1, v4;
	v0 =	vmin.f32 v0, v4  }
0xb6: {  	v1 =	vmax.f32 v1, v5;
	v0 =	vmin.f32 v0, v5  }
0xb7: {  	[tilespmem:s18+$0x40A0] =	vst v1  }
0xb8: {  	[tilespmem:s18+$0x44A0] =	vst v0  }
0xb9: {  	v0 =	vld [tilespmem:s19+$0xFFFFFC30]  }
0xba: {  	v1 =	vld [tilespmem:s19+$0xFFFFFCB0]  }
0xbb: {  	v2 =	vld [tilespmem:s19+$0xFFFFFD30]  }
0xbc: {  	v3 =	vld [tilespmem:s19+$0xFFFFFDB0]  }
0xbd: {  	v4 =	vld [tilespmem:s19+$0xFFFFFE30]  }
0xbe: {  	v5 =	vld [tilespmem:s19+$0xFFFFFEB0]  }
0xbf: {  	v7 =	vld [tilespmem:s19+$0xFFFFFF30];
	v6 =	vmax.f32 v0, v1  }
0xc0: {  	v55 =	vld [tilespmem:s19+$0xFFFFFFB0];
	v0 =	vmin.f32 v0, v1;
	v54 =	vmax.f32 v6, v2  }
0xc1: {  	v56 =	vld [tilespmem:s19+$0x30];
	v0 =	vmin.f32 v0, v2;
	v1 =	vmax.f32 v54, v3  }
0xc2: {  	v57 =	vld [tilespmem:s19+$0xB0];
	v0 =	vmin.f32 v0, v3;
	v1 =	vmax.f32 v1, v4  }
0xc3: {  	v58 =	vld [tilespmem:s19+$0x130];
	v0 =	vmin.f32 v0, v4;
	v1 =	vmax.f32 v1, v5  }
0xc4: {  	v59 =	vld [tilespmem:s19+$0x1B0];
	v0 =	vmin.f32 v0, v5;
	v1 =	vmax.f32 v1, v7  }
0xc5: {  	v60 =	vld [tilespmem:s19+$0x230];
	v0 =	vmin.f32 v0, v7;
	v1 =	vmax.f32 v1, v55  }
0xc6: {  	v61 =	vld [tilespmem:s19+$0x2B0];
	v0 =	vmin.f32 v0, v55;
	v1 =	vmax.f32 v1, v56  }
0xc7: {  	v62 =	vld [tilespmem:s19+$0x330];
	v0 =	vmin.f32 v0, v56;
	v1 =	vmax.f32 v1, v57  }
0xc8: {  	v63 =	vld [tilespmem:s19+$0x3B0];
	v0 =	vmin.f32 v0, v57;
	v1 =	vmax.f32 v1, v58  }
0xc9: {  	v0 =	vmin.f32 v0, v58;
	v1 =	vmax.f32 v1, v59  }
0xca: {  	v0 =	vmin.f32 v0, v59;
	v1 =	vmax.f32 v1, v60  }
0xcb: {  	v0 =	vmin.f32 v0, v60;
	v1 =	vmax.f32 v1, v61  }
0xcc: {  	v0 =	vmin.f32 v0, v61;
	v1 =	vmax.f32 v1, v62  }
0xcd: {  	v0 =	vmin.f32 v0, v62;
	v1 =	vmax.f32 v1, v63  }
0xce: {  	s16 =	sshll.u32 s16, $0x4;
	v0 =	vmin.f32 v0, v63;
	[tilespmem:s18+$0x40B0] =	vst v1  }
0xcf: {  	s17 =	sadd.s32 s5, s16;
	[tilespmem:s18+$0x44B0] =	vst v0  }
0xd0: {  	[hbm4b:s17+s1] =	stream.linear.scatter [tilespmem:s12], [sflag:$0x2], $0x400, $0x38;
	[tilespmem:$0x4880] =	vst v63  }
0xd1: {  	s15 =	sadd.s32 $0x1, s15;
	_ =	swait.ge [sflag:s9], $0x400  }
0xd2: {  	p0 =	sne.s32 s15, $0x28;
	[sflag:s9] =	ssyncset.done $0x0  }
.Ltmp1:
0xd3: {  	s16 =	sadd.s32 s6, s16;
	[sflag:s9] =	ssyncadd.s32 $0xFFFFFC00;
	(pc) =	sbr.rel @p0 .LBB2_2-.Ltmp1, $4  }
0xd4: {  	[hbm4b:s16+s1] =	stream.linear.scatter [tilespmem:s13], [sflag:$0x2], $0x400, $0x38;
	[tilespmem:$0x4880] =	vst v63  }
0xd5: {  	_ =	swait.ge [sflag:s9], $0x400  }
0xd6: {  	[sflag:s9] =	ssyncset.done $0x0  }
0xd7: {  	[sflag:s9] =	ssyncadd.s32 $0xFFFFFC00  }
0xd8: {  	s14 =	sadd.s32 $0x1, s14  }
0xd9: {  	p0 =	sne.s32 s14, s8  }
.Ltmp2:
0xda: {  	_ = 	snop;
	(pc) =	sbr.rel @p0 .LBB2_1-.Ltmp2, $1  }
0xdb: {  	_ =	sdelay $0x3  }
0xdc: {  	_ =	sfence.sel $0x180000  }
0xdd: {  	[bflag:$0x0] =	sbarrier.arrive $0xFFFF  }
0xde: {  	p0 =	sne.s32 s2, $0x0;
	_ =	strace $0x90000047  }
0xdf: {  	s0 =	sadd.s32 @!p0 $0x100000, s0;
	[bflag:$0x2] =	sbarrier.arrive $0xFFFF  }
0xe0: {  	[sflag:s0] =	ssyncadd.tile.s32 @!p0 $0x1;
	_ =	shalt  }
.Lfunc_end2:
_tile_overlayer_lowered:
.L_overlay_start_2:
0xe1: {  	(tag) =	ssettag $0x2  }
0xe2: {  	s0 =	rddreg [dreg:$0x0];
	s2 =	stileid.u32  }
0xe3: {  	s1 =	rddreg [dreg:$0x1];
	p0 =	sne.s32 s2, $0x0  }
0xe4: {  	s3 =	rddreg [dreg:$0x2];
	[bflag:$0x3] =	sbarrier.arrive $0xFFFF;
	s2 =	simm.s32 @!p0 $0x1C02  }
0xe5: {  	[timem:s3], [sflag:s2] =	dma.local @!p0 [hbm:s0], s1  }
0xe6: {  	s0 =	simm.s32 @!p0 $0x2  }
0xe7: {  	_ =	swait.ge @!p0 [sflag:s0], s1  }
0xe8: {  	s1 =	ssub.s32 @!p0 $0x0, s1;
	[sflag:s0] =	ssyncset.done @!p0 $0x0  }
0xe9: {  	[sflag:s0] =	ssyncadd.s32 @!p0 s1  }
0xea: {  	[bflag:$0x3] =	sbarrier.arrive $0xFFFF  }
0xeb: {  	_ =	shalt  }

</sc_bundles>
